<compile_context>
chip_gen: v7x
topology: tpu7x:2x2x1
jax: 0.10.2.dev20260603
libtpu: 0.0.44.dev20260713+nightly
codegen_flags: <defaults>
</compile_context>

<pallas_src>
import jax
import jax.numpy as jnp
from jax import lax
from jax.experimental import pallas as pl
from jax.experimental.pallas import tpu as pltpu
from jax.experimental.pallas import tpu_sc as plsc

N = 4096
BATCH = 16384
WEIGHT = 0.999

NC = 2
NS = 16
NW = NC * NS

ROWS_PER_W = BATCH // NW
HIST_W = 4608
DUMP_BIN = N

BR = 512
GRID = BATCH // BR


def _mesh():
    return plsc.VectorSubcoreMesh(
        core_axis_name="c", subcore_axis_name="s",
        num_cores=NC, num_subcores=NS)


def _rowsum_body(mask_ref, out_ref):
    w = pltpu.bitcast(mask_ref[...], jnp.int32)
    a = jnp.sum(w, axis=1)
    lens = jnp.concatenate([a & 0xFFFF, a >> 16], axis=0)
    out_ref[...] = lens.reshape(1, 1, BR)


def _hist_body(len_hbm, hist_hbm, lv, hist, sem):
    wid = lax.axis_index("s") * NC + lax.axis_index("c")

    cp = pltpu.make_async_copy(
        len_hbm.at[pl.ds(wid * ROWS_PER_W, ROWS_PER_W)], lv, sem)
    cp.start()

    def zero_body(i, _):
        hist[pl.ds(i * 16, 16)] = jnp.zeros((16,), jnp.int32)
        return 0

    lax.fori_loop(0, HIST_W // 16, zero_body, 0)
    cp.wait()

    def group_body(g, _):
        lens = lv[pl.ds(g * 16, 16)]
        bins = jnp.where(lens == 0, DUMP_BIN, lens - 1)
        cnt, last = plsc.scan_count(bins)
        plsc.addupdate_scatter(hist, [bins], cnt, mask=last)
        return 0

    lax.fori_loop(0, ROWS_PER_W // 16, group_body, 0)

    pltpu.sync_copy(hist, hist_hbm.at[wid])


def _combine_body(hist_hbm, prob_hbm, out_hbm, hb, pb, ob, sem):
    wid = lax.axis_index("s") * NC + lax.axis_index("c")
    col0 = wid * (N // NW)

    for r in range(NW):
        pltpu.make_async_copy(
            hist_hbm.at[r, pl.ds(col0, N // NW)], hb.at[r], sem).start()
    pltpu.sync_copy(prob_hbm.at[pl.ds(col0, N // NW)], pb)
    for r in range(NW):
        pltpu.make_async_copy(
            hist_hbm.at[r, pl.ds(col0, N // NW)], hb.at[r], sem).wait()

    w = jnp.float32(WEIGHT)
    one_minus_w = jnp.float32(1.0 - WEIGHT)
    inv_batch = jnp.float32(1.0 / BATCH)
    for jj in range(N // NW // 16):
        c = jnp.zeros((16,), jnp.int32)
        for r in range(NW):
            c = c + hb[r, pl.ds(jj * 16, 16)]
        batch_prob = c.astype(jnp.float32) * inv_batch
        ob[pl.ds(jj * 16, 16)] = (
            w * pb[pl.ds(jj * 16, 16)] + one_minus_w * batch_prob)
    pltpu.sync_copy(ob, out_hbm.at[pl.ds(col0, N // NW)])


def kernel(n_elements_prob, mask):
    assert mask.shape == (BATCH, N) and mask.dtype == jnp.bool_

    lengths = pl.pallas_call(
        _rowsum_body,
        grid=(GRID,),
        in_specs=[pl.BlockSpec((BR, N), lambda i: (i, 0))],
        out_specs=pl.BlockSpec((1, 1, BR), lambda i: (i, 0, 0)),
        out_shape=jax.ShapeDtypeStruct((GRID, 1, BR), jnp.int32),
        compiler_params=pltpu.CompilerParams(allow_input_fusion=[True]),
    )(mask.astype(jnp.int16))
    lengths = lengths.reshape(BATCH)

    hist_all = pl.kernel(
        _hist_body,
        out_type=jax.ShapeDtypeStruct((NW, HIST_W), jnp.int32),
        mesh=_mesh(),
        compiler_params=pltpu.CompilerParams(needs_layout_passes=False),
        scratch_types=[
            pltpu.VMEM((ROWS_PER_W,), jnp.int32),
            pltpu.VMEM((HIST_W,), jnp.int32),
            pltpu.SemaphoreType.DMA,
        ],
    )(lengths)

    new_prob = pl.kernel(
        _combine_body,
        out_type=jax.ShapeDtypeStruct((N,), jnp.float32),
        mesh=_mesh(),
        scratch_types=[
            pltpu.VMEM((NW, N // NW), jnp.int32),
            pltpu.VMEM((N // NW,), jnp.float32),
            pltpu.VMEM((N // NW,), jnp.float32),
            pltpu.SemaphoreType.DMA,
        ],
    )(hist_all, n_elements_prob)

    return new_prob

# --- scband reference (transcript-rebuilt; emitter-appended) ---
"""Pipeline reference for scband-seq-length-distribution-48868137894088 (READ-ONLY COPY).

The authoritative reference and input builder live on the scoring server;
editing this copy changes nothing except your own understanding.
"""

import jax, jax.numpy as jnp
import numpy as np

MAX_SEQ_LENGTH = 4096
WEIGHT = 0.999
BATCH = 16384


def setup_inputs(seed: int = 0) -> dict:
    key = jax.random.key(seed)
    k_mask, = jax.random.split(key, 1)
    mask = jax.random.randint(k_mask, (BATCH, MAX_SEQ_LENGTH), 0, 2).astype(jnp.bool_)
    n_elements_prob = jnp.full((MAX_SEQ_LENGTH,), 1.0 / MAX_SEQ_LENGTH, dtype=jnp.float32)
    return {"n_elements_prob": n_elements_prob, "mask": mask}


def reference(n_elements_prob, mask):
    # Faithful translation of SeqLengthDistribution.update(mask)
    N = MAX_SEQ_LENGTH
    assert mask.ndim == 2
    lengths = mask.sum(axis=1)  # int row sums, values in [0, N]
    counts = jnp.bincount(lengths, length=N + 1)[1:]
    batch_prob = counts.astype(n_elements_prob.dtype) / mask.shape[0]
    new_prob = WEIGHT * n_elements_prob + (1.0 - WEIGHT) * batch_prob
    return new_prob

if __name__ == "__main__":
    import jax
    _d = setup_inputs()
    print(jax.jit(kernel)(*tuple(_d.values())))

</pallas_src>

<mosaic_0001>
#map = affine_map<(d0, d1) -> (0)>
#map1 = affine_map<(d0, d1) -> (0, 0)>
module attributes {stable_mosaic.version = 14 : i64} {
  func.func @_hist_body(%arg0: i32, %arg1: i32, %arg2: memref<16384xi32, #tpu.memory_space<hbm>>, %arg3: memref<32x4608xi32, #tpu.memory_space<hbm>>, %arg4: memref<512xi32, #tpu.memory_space<vmem>>, %arg5: memref<4608xi32, #tpu.memory_space<vmem>>, %arg6: memref<!tpu.dma_semaphore, #tpu.memory_space<semaphore_mem>>) attributes {dimension_semantics = [#tpu.dimension_semantics<core_parallel>, #tpu.dimension_semantics<subcore_parallel>], iteration_bounds = array<i64: 2, 16>, scalar_prefetch = 0 : i64, scratch_operands = 3 : i64, tpu.core_type = #tpu.core_type<sc_vector_subcore>, window_params = [{transform_indices = #map}, {transform_indices = #map1}]} {
    %mul3A = arith.constant 2 : i32
    %mul3A_0 = arith.muli %arg1, %mul3A : i32
    %add3A = arith.addi %mul3A_0, %arg0 : i32
    %mul3A_1 = arith.constant 512 : i32
    %mul3A_2 = arith.muli %add3A, %mul3A_1 : i32
    %dma_start3A = tpu.memref_slice %arg2[%mul3A_2] : memref<16384xi32, #tpu.memory_space<hbm>> -> memref<512xi32, #tpu.memory_space<hbm>>
    %dma_start3A_3 = tpu.memref_slice %arg2[%mul3A_2] : memref<16384xi32, #tpu.memory_space<hbm>> -> memref<512xi32, #tpu.memory_space<hbm>>
    tpu.enqueue_dma source(%dma_start3A_3 : memref<512xi32, #tpu.memory_space<hbm>>) target(%arg4 : memref<512xi32, #tpu.memory_space<vmem>>) target_semaphore(%arg6 : memref<!tpu.dma_semaphore, #tpu.memory_space<semaphore_mem>>)
    %scan3A = arith.constant 0 : i32
    %scan3A_4 = arith.constant 0 : i32
    %scan3A_5 = arith.constant 288 : i32
    %scan3A_6 = arith.addi %scan3A_4, %scan3A_5 : i32
    %scan3A_7 = arith.constant 1 : i32
    %scan3A_8 = scf.for %scan3A_18 = %scan3A_4 to %scan3A_6 step %scan3A_7 iter_args(%scan3A_19 = %scan3A) -> (i32)  : i32 {
      %broadcast_in_dim3A = arith.constant 0 : i32
      %broadcast_in_dim3A_20 = vector.broadcast %broadcast_in_dim3A : i32 to vector<16xi32>
      %mul3A_21 = arith.constant 16 : i32
      %mul3A_22 = arith.muli %scan3A_18, %mul3A_21 : i32
      %swap3A = arith.index_cast %mul3A_22 : i32 to index
      %swap3A_23 = tpu.vector_load %arg5[%swap3A] {strides = array<i32>} : memref<4608xi32, #tpu.memory_space<vmem>>, vector<16xi32>,
      tpu.vector_store %arg5[%swap3A], %broadcast_in_dim3A_20 {strides = array<i32>} : memref<4608xi32, #tpu.memory_space<vmem>>, vector<16xi32>,
      %scan3A_24 = arith.constant 0 : i32
      scf.yield %scan3A_24 : i32
    }
    %scan3A_9 = arith.constant 288 : i32
    %dma_wait3A = tpu.memref_slice %arg2[%mul3A_2] : memref<16384xi32, #tpu.memory_space<hbm>> -> memref<512xi32, #tpu.memory_space<hbm>>
    %dma_wait3A_10 = tpu.memref_slice %arg2[%mul3A_2] : memref<16384xi32, #tpu.memory_space<hbm>> -> memref<512xi32, #tpu.memory_space<hbm>>
    tpu.wait_dma2 semaphore(%arg6 : memref<!tpu.dma_semaphore, #tpu.memory_space<semaphore_mem>>) src(%dma_wait3A_10 : memref<512xi32, #tpu.memory_space<hbm>>) dst(%arg4 : memref<512xi32, #tpu.memory_space<vmem>>)
    %scan3A_11 = arith.constant 0 : i32
    %scan3A_12 = arith.constant 0 : i32
    %scan3A_13 = arith.constant 32 : i32
    %scan3A_14 = arith.addi %scan3A_12, %scan3A_13 : i32
    %scan3A_15 = arith.constant 1 : i32
    %scan3A_16 = scf.for %scan3A_18 = %scan3A_12 to %scan3A_14 step %scan3A_15 iter_args(%scan3A_19 = %scan3A_11) -> (i32)  : i32 {
      %mul3A_20 = arith.constant 16 : i32
      %mul3A_21 = arith.muli %scan3A_18, %mul3A_20 : i32
      %get3A = arith.index_cast %mul3A_21 : i32 to index
      %get3A_22 = tpu.vector_load %arg4[%get3A] {strides = array<i32>} : memref<512xi32, #tpu.memory_space<vmem>>, vector<16xi32>,
      %eq3A = arith.constant 0 : i32
      %eq3A_23 = vector.broadcast %eq3A : i32 to vector<16xi32>
      %eq3A_24 = arith.cmpi eq, %get3A_22, %eq3A_23 : vector<16xi32>
      %sub3A = arith.constant 1 : i32
      %sub3A_25 = vector.broadcast %sub3A : i32 to vector<16xi32>
      %sub3A_26 = arith.subi %get3A_22, %sub3A_25 : vector<16xi32>
      %jit3A = arith.constant 4096 : i32
      %broadcast_in_dim3A = vector.broadcast %jit3A : i32 to vector<16xi32>
      %select_n3A = arith.select %eq3A_24, %broadcast_in_dim3A, %sub3A_26 : vector<16xi1>, vector<16xi32>
      %broadcast_in_dim3A_27 = arith.constant true
      %broadcast_in_dim3A_28 = vector.broadcast %broadcast_in_dim3A_27 : i1 to vector<16xi1>
      %unique3A, %unique3A_29 = tpu.scan_count mask(%broadcast_in_dim3A_28 : vector<16xi1>) value(%select_n3A : vector<16xi32>) : vector<16xi1>, vector<16xi32>
      tpu.vector_store_idx %arg5[%select_n3A], %unique3A_29 masked %unique3A {add = true} : memref<4608xi32, #tpu.memory_space<vmem>>[vector<16xi32>], vector<16xi32>, vector<16xi1>
      %scan3A_30 = arith.constant 0 : i32
      scf.yield %scan3A_30 : i32
    }
    %scan3A_17 = arith.constant 32 : i32
    "tpu.region"() ({
      %run_scoped3A = tpu.sem_alloc : memref<!tpu.dma_semaphore, #tpu.memory_space<semaphore_mem>>
      %dma_start3A_18 = arith.constant 0 : i32
      %dma_start3A_19 = tpu.memref_slice %arg3[%add3A, %dma_start3A_18] : memref<32x4608xi32, #tpu.memory_space<hbm>> -> memref<1x4608xi32, #tpu.memory_space<hbm>>
      %dma_start3A_20 = tpu.memref_squeeze %dma_start3A_19 : memref<1x4608xi32, #tpu.memory_space<hbm>> -> memref<4608xi32, #tpu.memory_space<hbm>>
      %dma_start3A_21 = arith.constant 0 : i32
      %dma_start3A_22 = tpu.memref_slice %arg3[%add3A, %dma_start3A_21] : memref<32x4608xi32, #tpu.memory_space<hbm>> -> memref<1x4608xi32, #tpu.memory_space<hbm>>
      %dma_start3A_23 = tpu.memref_squeeze %dma_start3A_22 : memref<1x4608xi32, #tpu.memory_space<hbm>> -> memref<4608xi32, #tpu.memory_space<hbm>>
      tpu.enqueue_dma source(%arg5 : memref<4608xi32, #tpu.memory_space<vmem>>) target(%dma_start3A_23 : memref<4608xi32, #tpu.memory_space<hbm>>) target_semaphore(%run_scoped3A : memref<!tpu.dma_semaphore, #tpu.memory_space<semaphore_mem>>)
      %dma_wait3A_24 = arith.constant 0 : i32
      %dma_wait3A_25 = tpu.memref_slice %arg3[%add3A, %dma_wait3A_24] : memref<32x4608xi32, #tpu.memory_space<hbm>> -> memref<1x4608xi32, #tpu.memory_space<hbm>>
      %dma_wait3A_26 = tpu.memref_squeeze %dma_wait3A_25 : memref<1x4608xi32, #tpu.memory_space<hbm>> -> memref<4608xi32, #tpu.memory_space<hbm>>
      %dma_wait3A_27 = arith.constant 0 : i32
      %dma_wait3A_28 = tpu.memref_slice %arg3[%add3A, %dma_wait3A_27] : memref<32x4608xi32, #tpu.memory_space<hbm>> -> memref<1x4608xi32, #tpu.memory_space<hbm>>
      %dma_wait3A_29 = tpu.memref_squeeze %dma_wait3A_28 : memref<1x4608xi32, #tpu.memory_space<hbm>> -> memref<4608xi32, #tpu.memory_space<hbm>>
      tpu.wait_dma2 semaphore(%run_scoped3A : memref<!tpu.dma_semaphore, #tpu.memory_space<semaphore_mem>>) src(%arg5 : memref<4608xi32, #tpu.memory_space<vmem>>) dst(%dma_wait3A_29 : memref<4608xi32, #tpu.memory_space<hbm>>)
      tpu.yield
    }) : () -> ()
    return
  }
}

#map = affine_map<(d0, d1) -> (0, 0)>
#map1 = affine_map<(d0, d1) -> (0)>
module attributes {stable_mosaic.version = 14 : i64} {
  func.func @_combine_body(%arg0: i32, %arg1: i32, %arg2: memref<32x4608xi32, #tpu.memory_space<hbm>>, %arg3: memref<4096xf32, #tpu.memory_space<hbm>>, %arg4: memref<4096xf32, #tpu.memory_space<hbm>>, %arg5: memref<32x128xi32, #tpu.memory_space<vmem>>, %arg6: memref<128xf32, #tpu.memory_space<vmem>>, %arg7: memref<128xf32, #tpu.memory_space<vmem>>, %arg8: memref<!tpu.dma_semaphore, #tpu.memory_space<semaphore_mem>>) attributes {dimension_semantics = [#tpu.dimension_semantics<core_parallel>, #tpu.dimension_semantics<subcore_parallel>], iteration_bounds = array<i64: 2, 16>, scalar_prefetch = 0 : i64, scratch_operands = 4 : i64, tpu.core_type = #tpu.core_type<sc_vector_subcore>, window_params = [{transform_indices = #map}, {transform_indices = #map1}, {transform_indices = #map1}]} {
    %mul3A = arith.constant 2 : i32
    %mul3A_0 = arith.muli %arg1, %mul3A : i32
    %add3A = arith.addi %mul3A_0, %arg0 : i32
    %mul3A_1 = arith.constant 128 : i32
    %mul3A_2 = arith.muli %add3A, %mul3A_1 : i32
    %dma_start3A = arith.constant 0 : i32
    %dma_start3A_3 = arith.constant 0 : i32
    %dma_start3A_4 = arith.constant 0 : i32
    %dma_start3A_5 = tpu.memref_slice %arg5[%dma_start3A_3, %dma_start3A_4] : memref<32x128xi32, #tpu.memory_space<vmem>> -> memref<1x128xi32, #tpu.memory_space<vmem>>
    %dma_start3A_6 = tpu.memref_squeeze %dma_start3A_5 : memref<1x128xi32, #tpu.memory_space<vmem>> -> memref<128xi32, #tpu.memory_space<vmem>>
    %dma_start3A_7 = tpu.memref_slice %arg2[%dma_start3A, %mul3A_2] : memref<32x4608xi32, #tpu.memory_space<hbm>> -> memref<1x128xi32, #tpu.memory_space<hbm>>
    %dma_start3A_8 = tpu.memref_squeeze %dma_start3A_7 : memref<1x128xi32, #tpu.memory_space<hbm>> -> memref<128xi32, #tpu.memory_space<hbm>>
    %dma_start3A_9 = arith.constant 0 : i32
    %dma_start3A_10 = tpu.memref_slice %arg5[%dma_start3A_3, %dma_start3A_9] : memref<32x128xi32, #tpu.memory_space<vmem>> -> memref<1x128xi32, #tpu.memory_space<vmem>>
    %dma_start3A_11 = tpu.memref_squeeze %dma_start3A_10 : memref<1x128xi32, #tpu.memory_space<vmem>> -> memref<128xi32, #tpu.memory_space<vmem>>
    %dma_start3A_12 = tpu.memref_slice %arg2[%dma_start3A, %mul3A_2] : memref<32x4608xi32, #tpu.memory_space<hbm>> -> memref<1x128xi32, #tpu.memory_space<hbm>>
    %dma_start3A_13 = tpu.memref_squeeze %dma_start3A_12 : memref<1x128xi32, #tpu.memory_space<hbm>> -> memref<128xi32, #tpu.memory_space<hbm>>
    tpu.enqueue_dma source(%dma_start3A_13 : memref<128xi32, #tpu.memory_space<hbm>>) target(%dma_start3A_11 : memref<128xi32, #tpu.memory_space<vmem>>) target_semaphore(%arg8 : memref<!tpu.dma_semaphore, #tpu.memory_space<semaphore_mem>>)
    %dma_start3A_14 = arith.constant 1 : i32
    %dma_start3A_15 = arith.constant 1 : i32
    %dma_start3A_16 = arith.constant 0 : i32
    %dma_start3A_17 = tpu.memref_slice %arg5[%dma_start3A_15, %dma_start3A_16] : memref<32x128xi32, #tpu.memory_space<vmem>> -> memref<1x128xi32, #tpu.memory_space<vmem>>
    %dma_start3A_18 = tpu.memref_squeeze %dma_start3A_17 : memref<1x128xi32, #tpu.memory_space<vmem>> -> memref<128xi32, #tpu.memory_space<vmem>>
    %dma_start3A_19 = tpu.memref_slice %arg2[%dma_start3A_14, %mul3A_2] : memref<32x4608xi32, #tpu.memory_space<hbm>> -> memref<1x128xi32, #tpu.memory_space<hbm>>
    %dma_start3A_20 = tpu.memref_squeeze %dma_start3A_19 : memref<1x128xi32, #tpu.memory_space<hbm>> -> memref<128xi32, #tpu.memory_space<hbm>>
    %dma_start3A_21 = arith.constant 0 : i32
    %dma_start3A_22 = tpu.memref_slice %arg5[%dma_start3A_15, %dma_start3A_21] : memref<32x128xi32, #tpu.memory_space<vmem>> -> memref<1x128xi32, #tpu.memory_space<vmem>>
    %dma_start3A_23 = tpu.memref_squeeze %dma_start3A_22 : memref<1x128xi32, #tpu.memory_space<vmem>> -> memref<128xi32, #tpu.memory_space<vmem>>
    %dma_start3A_24 = tpu.memref_slice %arg2[%dma_start3A_14, %mul3A_2] : memref<32x4608xi32, #tpu.memory_space<hbm>> -> memref<1x128xi32, #tpu.memory_space<hbm>>
    %dma_start3A_25 = tpu.memref_squeeze %dma_start3A_24 : memref<1x128xi32, #tpu.memory_space<hbm>> -> memref<128xi32, #tpu.memory_space<hbm>>
    tpu.enqueue_dma source(%dma_start3A_25 : memref<128xi32, #tpu.memory_space<hbm>>) target(%dma_start3A_23 : memref<128xi32, #tpu.memory_space<vmem>>) target_semaphore(%arg8 : memref<!tpu.dma_semaphore, #tpu.memory_space<semaphore_mem>>)
    %dma_start3A_26 = arith.constant 2 : i32
    %dma_start3A_27 = arith.constant 2 : i32
    %dma_start3A_28 = arith.constant 0 : i32
    %dma_start3A_29 = tpu.memref_slice %arg5[%dma_start3A_27, %dma_start3A_28] : memref<32x128xi32, #tpu.memory_space<vmem>> -> memref<1x128xi32, #tpu.memory_space<vmem>>
    %dma_start3A_30 = tpu.memref_squeeze %dma_start3A_29 : memref<1x128xi32, #tpu.memory_space<vmem>> -> memref<128xi32, #tpu.memory_space<vmem>>
    %dma_start3A_31 = tpu.memref_slice %arg2[%dma_start3A_26, %mul3A_2] : memref<32x4608xi32, #tpu.memory_space<hbm>> -> memref<1x128xi32, #tpu.memory_space<hbm>>
    %dma_start3A_32 = tpu.memref_squeeze %dma_start3A_31 : memref<1x128xi32, #tpu.memory_space<hbm>> -> memref<128xi32, #tpu.memory_space<hbm>>
    %dma_start3A_33 = arith.constant 0 : i32
    %dma_start3A_34 = tpu.memref_slice %arg5[%dma_start3A_27, %dma_start3A_33] : memref<32x128xi32, #tpu.memory_space<vmem>> -> memref<1x128xi32, #tpu.memory_space<vmem>>
    %dma_start3A_35 = tpu.memref_squeeze %dma_start3A_34 : memref<1x128xi32, #tpu.memory_space<vmem>> -> memref<128xi32, #tpu.memory_space<vmem>>
    %dma_start3A_36 = tpu.memref_slice %arg2[%dma_start3A_26, %mul3A_2] : memref<32x4608xi32, #tpu.memory_space<hbm>> -> memref<1x128xi32, #tpu.memory_space<hbm>>
    %dma_start3A_37 = tpu.memref_squeeze %dma_start3A_36 : memref<1x128xi32, #tpu.memory_space<hbm>> -> memref<128xi32, #tpu.memory_space<hbm>>
    tpu.enqueue_dma source(%dma_start3A_37 : memref<128xi32, #tpu.memory_space<hbm>>) target(%dma_start3A_35 : memref<128xi32, #tpu.memory_space<vmem>>) target_semaphore(%arg8 : memref<!tpu.dma_semaphore, #tpu.memory_space<semaphore_mem>>)
    %dma_start3A_38 = arith.constant 3 : i32
    %dma_start3A_39 = arith.constant 3 : i32
    %dma_start3A_40 = arith.constant 0 : i32
    %dma_start3A_41 = tpu.memref_slice %arg5[%dma_start3A_39, %dma_start3A_40] : memref<32x128xi32, #tpu.memory_space<vmem>> -> memref<1x128xi32, #tpu.memory_space<vmem>>
    %dma_start3A_42 = tpu.memref_squeeze %dma_start3A_41 : memref<1x128xi32, #tpu.memory_space<vmem>> -> memref<128xi32, #tpu.memory_space<vmem>>
    %dma_start3A_43 = tpu.memref_slice %arg2[%dma_start3A_38, %mul3A_2] : memref<32x4608xi32, #tpu.memory_space<hbm>> -> memref<1x128xi32, #tpu.memory_space<hbm>>
    %dma_start3A_44 = tpu.memref_squeeze %dma_start3A_43 : memref<1x128xi32, #tpu.memory_space<hbm>> -> memref<128xi32, #tpu.memory_space<hbm>>
    %dma_start3A_45 = arith.constant 0 : i32
    %dma_start3A_46 = tpu.memref_slice %arg5[%dma_start3A_39, %dma_start3A_45] : memref<32x128xi32, #tpu.memory_space<vmem>> -> memref<1x128xi32, #tpu.memory_space<vmem>>
    %dma_start3A_47 = tpu.memref_squeeze %dma_start3A_46 : memref<1x128xi32, #tpu.memory_space<vmem>> -> memref<128xi32, #tpu.memory_space<vmem>>
    %dma_start3A_48 = tpu.memref_slice %arg2[%dma_start3A_38, %mul3A_2] : memref<32x4608xi32, #tpu.memory_space<hbm>> -> memref<1x128xi32, #tpu.memory_space<hbm>>
    %dma_start3A_49 = tpu.memref_squeeze %dma_start3A_48 : memref<1x128xi32, #tpu.memory_space<hbm>> -> memref<128xi32, #tpu.memory_space<hbm>>
    tpu.enqueue_dma source(%dma_start3A_49 : memref<128xi32, #tpu.memory_space<hbm>>) target(%dma_start3A_47 : memref<128xi32, #tpu.memory_space<vmem>>) target_semaphore(%arg8 : memref<!tpu.dma_semaphore, #tpu.memory_space<semaphore_mem>>)
    %dma_start3A_50 = arith.constant 4 : i32
    %dma_start3A_51 = arith.constant 4 : i32
    %dma_start3A_52 = arith.constant 0 : i32
    %dma_start3A_53 = tpu.memref_slice %arg5[%dma_start3A_51, %dma_start3A_52] : memref<32x128xi32, #tpu.memory_space<vmem>> -> memref<1x128xi32, #tpu.memory_space<vmem>>
    %dma_start3A_54 = tpu.memref_squeeze %dma_start3A_53 : memref<1x128xi32, #tpu.memory_space<vmem>> -> memref<128xi32, #tpu.memory_space<vmem>>
    %dma_start3A_55 = tpu.memref_slice %arg2[%dma_start3A_50, %mul3A_2] : memref<32x4608xi32, #tpu.memory_space<hbm>> -> memref<1x128xi32, #tpu.memory_space<hbm>>
    %dma_start3A_56 = tpu.memref_squeeze %dma_start3A_55 : memref<1x128xi32, #tpu.memory_space<hbm>> -> memref<128xi32, #tpu.memory_space<hbm>>
    %dma_start3A_57 = arith.constant 0 : i32
    %dma_start3A_58 = tpu.memref_slice %arg5[%dma_start3A_51, %dma_start3A_57] : memref<32x128xi32, #tpu.memory_space<vmem>> -> memref<1x128xi32, #tpu.memory_space<vmem>>
    %dma_start3A_59 = tpu.memref_squeeze %dma_start3A_58 : memref<1x128xi32, #tpu.memory_space<vmem>> -> memref<128xi32, #tpu.memory_space<vmem>>
    %dma_start3A_60 = tpu.memref_slice %arg2[%dma_start3A_50, %mul3A_2] : memref<32x4608xi32, #tpu.memory_space<hbm>> -> memref<1x128xi32, #tpu.memory_space<hbm>>
    %dma_start3A_61 = tpu.memref_squeeze %dma_start3A_60 : memref<1x128xi32, #tpu.memory_space<hbm>> -> memref<128xi32, #tpu.memory_space<hbm>>
    tpu.enqueue_dma source(%dma_start3A_61 : memref<128xi32, #tpu.memory_space<hbm>>) target(%dma_start3A_59 : memref<128xi32, #tpu.memory_space<vmem>>) target_semaphore(%arg8 : memref<!tpu.dma_semaphore, #tpu.memory_space<semaphore_mem>>)
    %dma_start3A_62 = arith.constant 5 : i32
    %dma_start3A_63 = arith.constant 5 : i32
    %dma_start3A_64 = arith.constant 0 : i32
    %dma_start3A_65 = tpu.memref_slice %arg5[%dma_start3A_63, %dma_start3A_64] : memref<32x128xi32, #tpu.memory_space<vmem>> -> memref<1x128xi32, #tpu.memory_space<vmem>>
    %dma_start3A_66 = tpu.memref_squeeze %dma_start3A_65 : memref<1x128xi32, #tpu.memory_space<vmem>> -> memref<128xi32, #tpu.memory_space<vmem>>
    %dma_start3A_67 = tpu.memref_slice %arg2[%dma_start3A_62, %mul3A_2] : memref<32x4608xi32, #tpu.memory_space<hbm>> -> memref<1x128xi32, #tpu.memory_space<hbm>>
    %dma_start3A_68 = tpu.memref_squeeze %dma_start3A_67 : memref<1x128xi32, #tpu.memory_space<hbm>> -> memref<128xi32, #tpu.memory_space<hbm>>
    %dma_start3A_69 = arith.constant 0 : i32
    %dma_start3A_70 = tpu.memref_slice %arg5[%dma_start3A_63, %dma_start3A_69] : memref<32x128xi32, #tpu.memory_space<vmem>> -> memref<1x128xi32, #tpu.memory_space<vmem>>
    %dma_start3A_71 = tpu.memref_squeeze %dma_start3A_70 : memref<1x128xi32, #tpu.memory_space<vmem>> -> memref<128xi32, #tpu.memory_space<vmem>>
    %dma_start3A_72 = tpu.memref_slice %arg2[%dma_start3A_62, %mul3A_2] : memref<32x4608xi32, #tpu.memory_space<hbm>> -> memref<1x128xi32, #tpu.memory_space<hbm>>
    %dma_start3A_73 = tpu.memref_squeeze %dma_start3A_72 : memref<1x128xi32, #tpu.memory_space<hbm>> -> memref<128xi32, #tpu.memory_space<hbm>>
    tpu.enqueue_dma source(%dma_start3A_73 : memref<128xi32, #tpu.memory_space<hbm>>) target(%dma_start3A_71 : memref<128xi32, #tpu.memory_space<vmem>>) target_semaphore(%arg8 : memref<!tpu.dma_semaphore, #tpu.memory_space<semaphore_mem>>)
    %dma_start3A_74 = arith.constant 6 : i32
    %dma_start3A_75 = arith.constant 6 : i32
    %dma_start3A_76 = arith.constant 0 : i32
    %dma_start3A_77 = tpu.memref_slice %arg5[%dma_start3A_75, %dma_start3A_76] : memref<32x128xi32, #tpu.memory_space<vmem>> -> memref<1x128xi32, #tpu.memory_space<vmem>>
    %dma_start3A_78 = tpu.memref_squeeze %dma_start3A_77 : memref<1x128xi32, #tpu.memory_space<vmem>> -> memref<128xi32, #tpu.memory_space<vmem>>
    %dma_start3A_79 = tpu.memref_slice %arg2[%dma_start3A_74, %mul3A_2] : memref<32x4608xi32, #tpu.memory_space<hbm>> -> memref<1x128xi32, #tpu.memory_space<hbm>>
    %dma_start3A_80 = tpu.memref_squeeze %dma_start3A_79 : memref<1x128xi32, #tpu.memory_space<hbm>> -> memref<128xi32, #tpu.memory_space<hbm>>
    %dma_start3A_81 = arith.constant 0 : i32
    %dma_start3A_82 = tpu.memref_slice %arg5[%dma_start3A_75, %dma_start3A_81] : memref<32x128xi32, #tpu.memory_space<vmem>> -> memref<1x128xi32, #tpu.memory_space<vmem>>
    %dma_start3A_83 = tpu.memref_squeeze %dma_start3A_82 : memref<1x128xi32, #tpu.memory_space<vmem>> -> memref<128xi32, #tpu.memory_space<vmem>>
    %dma_start3A_84 = tpu.memref_slice %arg2[%dma_start3A_74, %mul3A_2] : memref<32x4608xi32, #tpu.memory_space<hbm>> -> memref<1x128xi32, #tpu.memory_space<hbm>>
    %dma_start3A_85 = tpu.memref_squeeze %dma_start3A_84 : memref<1x128xi32, #tpu.memory_space<hbm>> -> memref<128xi32, #tpu.memory_space<hbm>>
    tpu.enqueue_dma source(%dma_start3A_85 : memref<128xi32, #tpu.memory_space<hbm>>) target(%dma_start3A_83 : memref<128xi32, #tpu.memory_space<vmem>>) target_semaphore(%arg8 : memref<!tpu.dma_semaphore, #tpu.memory_space<semaphore_mem>>)
    %dma_start3A_86 = arith.constant 7 : i32
    %dma_start3A_87 = arith.constant 7 : i32
    %dma_start3A_88 = arith.constant 0 : i32
    %dma_start3A_89 = tpu.memref_slice %arg5[%dma_start3A_87, %dma_start3A_88] : memref<32x128xi32, #tpu.memory_space<vmem>> -> memref<1x128xi32, #tpu.memory_space<vmem>>
    %dma_start3A_90 = tpu.memref_squeeze %dma_start3A_89 : memref<1x128xi32, #tpu.memory_space<vmem>> -> memref<128xi32, #tpu.memory_space<vmem>>
    %dma_start3A_91 = tpu.memref_slice %arg2[%dma_start3A_86, %mul3A_2] : memref<32x4608xi32, #tpu.memory_space<hbm>> -> memref<1x128xi32, #tpu.memory_space<hbm>>
    %dma_start3A_92 = tpu.memref_squeeze %dma_start3A_91 : memref<1x128xi32, #tpu.memory_space<hbm>> -> memref<128xi32, #tpu.memory_space<hbm>>
    %dma_start3A_93 = arith.constant 0 : i32
    %dma_start3A_94 = tpu.memref_slice %arg5[%dma_start3A_87, %dma_start3A_93] : memref<32x128xi32, #tpu.memory_space<vmem>> -> memref<1x128xi32, #tpu.memory_space<vmem>>
    %dma_start3A_95 = tpu.memref_squeeze %dma_start3A_94 : memref<1x128xi32, #tpu.memory_space<vmem>> -> memref<128xi32, #tpu.memory_space<vmem>>
    %dma_start3A_96 = tpu.memref_slice %arg2[%dma_start3A_86, %mul3A_2] : memref<32x4608xi32, #tpu.memory_space<hbm>> -> memref<1x128xi32, #tpu.memory_space<hbm>>
    %dma_start3A_97 = tpu.memref_squeeze %dma_start3A_96 : memref<1x128xi32, #tpu.memory_space<hbm>> -> memref<128xi32, #tpu.memory_space<hbm>>
    tpu.enqueue_dma source(%dma_start3A_97 : memref<128xi32, #tpu.memory_space<hbm>>) target(%dma_start3A_95 : memref<128xi32, #tpu.memory_space<vmem>>) target_semaphore(%arg8 : memref<!tpu.dma_semaphore, #tpu.memory_space<semaphore_mem>>)
    %dma_start3A_98 = arith.constant 8 : i32
    %dma_start3A_99 = arith.constant 8 : i32
    %dma_start3A_100 = arith.constant 0 : i32
    %dma_start3A_101 = tpu.memref_slice %arg5[%dma_start3A_99, %dma_start3A_100] : memref<32x128xi32, #tpu.memory_space<vmem>> -> memref<1x128xi32, #tpu.memory_space<vmem>>
    %dma_start3A_102 = tpu.memref_squeeze %dma_start3A_101 : memref<1x128xi32, #tpu.memory_space<vmem>> -> memref<128xi32, #tpu.memory_space<vmem>>
    %dma_start3A_103 = tpu.memref_slice %arg2[%dma_start3A_98, %mul3A_2] : memref<32x4608xi32, #tpu.memory_space<hbm>> -> memref<1x128xi32, #tpu.memory_space<hbm>>
    %dma_start3A_104 = tpu.memref_squeeze %dma_start3A_103 : memref<1x128xi32, #tpu.memory_space<hbm>> -> memref<128xi32, #tpu.memory_space<hbm>>
    %dma_start3A_105 = arith.constant 0 : i32
    %dma_start3A_106 = tpu.memref_slice %arg5[%dma_start3A_99, %dma_start3A_105] : memref<32x128xi32, #tpu.memory_space<vmem>> -> memref<1x128xi32, #tpu.memory_space<vmem>>
    %dma_start3A_107 = tpu.memref_squeeze %dma_start3A_106 : memref<1x128xi32, #tpu.memory_space<vmem>> -> memref<128xi32, #tpu.memory_space<vmem>>
    %dma_start3A_108 = tpu.memref_slice %arg2[%dma_start3A_98, %mul3A_2] : memref<32x4608xi32, #tpu.memory_space<hbm>> -> memref<1x128xi32, #tpu.memory_space<hbm>>
    %dma_start3A_109 = tpu.memref_squeeze %dma_start3A_108 : memref<1x128xi32, #tpu.memory_space<hbm>> -> memref<128xi32, #tpu.memory_space<hbm>>
    tpu.enqueue_dma source(%dma_start3A_109 : memref<128xi32, #tpu.memory_space<hbm>>) target(%dma_start3A_107 : memref<128xi32, #tpu.memory_space<vmem>>) target_semaphore(%arg8 : memref<!tpu.dma_semaphore, #tpu.memory_space<semaphore_mem>>)
    %dma_start3A_110 = arith.constant 9 : i32
    %dma_start3A_111 = arith.constant 9 : i32
    %dma_start3A_112 = arith.constant 0 : i32
    %dma_start3A_113 = tpu.memref_slice %arg5[%dma_start3A_111, %dma_start3A_112] : memref<32x128xi32, #tpu.memory_space<vmem>> -> memref<1x128xi32, #tpu.memory_space<vmem>>
    %dma_start3A_114 = tpu.memref_squeeze %dma_start3A_113 : memref<1x128xi32, #tpu.memory_space<vmem>> -> memref<128xi32, #tpu.memory_space<vmem>>
    %dma_start3A_115 = tpu.memref_slice %arg2[%dma_start3A_110, %mul3A_2] : memref<32x4608xi32, #tpu.memory_space<hbm>> -> memref<1x128xi32, #tpu.memory_space<hbm>>
    %dma_start3A_116 = tpu.memref_squeeze %dma_start3A_115 : memref<1x128xi32, #tpu.memory_space<hbm>> -> memref<128xi32, #tpu.memory_space<hbm>>
    %dma_start3A_117 = arith.constant 0 : i32
    %dma_start3A_118 = tpu.memref_slice %arg5[%dma_start3A_111, %dma_start3A_117] : memref<32x128xi32, #tpu.memory_space<vmem>> -> memref<1x128xi32, #tpu.memory_space<vmem>>
    %dma_start3A_119 = tpu.memref_squeeze %dma_start3A_118 : memref<1x128xi32, #tpu.memory_space<vmem>> -> memref<128xi32, #tpu.memory_space<vmem>>
    %dma_start3A_120 = tpu.memref_slice %arg2[%dma_start3A_110, %mul3A_2] : memref<32x4608xi32, #tpu.memory_space<hbm>> -> memref<1x128xi32, #tpu.memory_space<hbm>>
    %dma_start3A_121 = tpu.memref_squeeze %dma_start3A_120 : memref<1x128xi32, #tpu.memory_space<hbm>> -> memref<128xi32, #tpu.memory_space<hbm>>
    tpu.enqueue_dma source(%dma_start3A_121 : memref<128xi32, #tpu.memory_space<hbm>>) target(%dma_start3A_119 : memref<128xi32, #tpu.memory_space<vmem>>) target_semaphore(%arg8 : memref<!tpu.dma_semaphore, #tpu.memory_space<semaphore_mem>>)
    %dma_start3A_122 = arith.constant 10 : i32
    %dma_start3A_123 = arith.constant 10 : i32
    %dma_start3A_124 = arith.constant 0 : i32
    %dma_start3A_125 = tpu.memref_slice %arg5[%dma_start3A_123, %dma_start3A_124] : memref<32x128xi32, #tpu.memory_space<vmem>> -> memref<1x128xi32, #tpu.memory_space<vmem>>
    %dma_start3A_126 = tpu.memref_squeeze %dma_start3A_125 : memref<1x128xi32, #tpu.memory_space<vmem>> -> memref<128xi32, #tpu.memory_space<vmem>>
    %dma_start3A_127 = tpu.memref_slice %arg2[%dma_start3A_122, %mul3A_2] : memref<32x4608xi32, #tpu.memory_space<hbm>> -> memref<1x128xi32, #tpu.memory_space<hbm>>
    %dma_start3A_128 = tpu.memref_squeeze %dma_start3A_127 : memref<1x128xi32, #tpu.memory_space<hbm>> -> memref<128xi32, #tpu.memory_space<hbm>>
    %dma_start3A_129 = arith.constant 0 : i32
    %dma_start3A_130 = tpu.memref_slice %arg5[%dma_start3A_123, %dma_start3A_129] : memref<32x128xi32, #tpu.memory_space<vmem>> -> memref<1x128xi32, #tpu.memory_space<vmem>>
    %dma_start3A_131 = tpu.memref_squeeze %dma_start3A_130 : memref<1x128xi32, #tpu.memory_space<vmem>> -> memref<128xi32, #tpu.memory_space<vmem>>
    %dma_start3A_132 = tpu.memref_slice %arg2[%dma_start3A_122, %mul3A_2] : memref<32x4608xi32, #tpu.memory_space<hbm>> -> memref<1x128xi32, #tpu.memory_space<hbm>>
    %dma_start3A_133 = tpu.memref_squeeze %dma_start3A_132 : memref<1x128xi32, #tpu.memory_space<hbm>> -> memref<128xi32, #tpu.memory_space<hbm>>
    tpu.enqueue_dma source(%dma_start3A_133 : memref<128xi32, #tpu.memory_space<hbm>>) target(%dma_start3A_131 : memref<128xi32, #tpu.memory_space<vmem>>) target_semaphore(%arg8 : memref<!tpu.dma_semaphore, #tpu.memory_space<semaphore_mem>>)
    %dma_start3A_134 = arith.constant 11 : i32
    %dma_start3A_135 = arith.constant 11 : i32
    %dma_start3A_136 = arith.constant 0 : i32
    %dma_start3A_137 = tpu.memref_slice %arg5[%dma_start3A_135, %dma_start3A_136] : memref<32x128xi32, #tpu.memory_space<vmem>> -> memref<1x128xi32, #tpu.memory_space<vmem>>
    %dma_start3A_138 = tpu.memref_squeeze %dma_start3A_137 : memref<1x128xi32, #tpu.memory_space<vmem>> -> memref<128xi32, #tpu.memory_space<vmem>>
    %dma_start3A_139 = tpu.memref_slice %arg2[%dma_start3A_134, %mul3A_2] : memref<32x4608xi32, #tpu.memory_space<hbm>> -> memref<1x128xi32, #tpu.memory_space<hbm>>
    %dma_start3A_140 = tpu.memref_squeeze %dma_start3A_139 : memref<1x128xi32, #tpu.memory_space<hbm>> -> memref<128xi32, #tpu.memory_space<hbm>>
    %dma_start3A_141 = arith.constant 0 : i32
    %dma_start3A_142 = tpu.memref_slice %arg5[%dma_start3A_135, %dma_start3A_141] : memref<32x128xi32, #tpu.memory_space<vmem>> -> memref<1x128xi32, #tpu.memory_space<vmem>>
    %dma_start3A_143 = tpu.memref_squeeze %dma_start3A_142 : memref<1x128xi32, #tpu.memory_space<vmem>> -> memref<128xi32, #tpu.memory_space<vmem>>
    %dma_start3A_144 = tpu.memref_slice %arg2[%dma_start3A_134, %mul3A_2] : memref<32x4608xi32, #tpu.memory_space<hbm>> -> memref<1x128xi32, #tpu.memory_space<hbm>>
    %dma_start3A_145 = tpu.memref_squeeze %dma_start3A_144 : memref<1x128xi32, #tpu.memory_space<hbm>> -> memref<128xi32, #tpu.memory_space<hbm>>
    tpu.enqueue_dma source(%dma_start3A_145 : memref<128xi32, #tpu.memory_space<hbm>>) target(%dma_start3A_143 : memref<128xi32, #tpu.memory_space<vmem>>) target_semaphore(%arg8 : memref<!tpu.dma_semaphore, #tpu.memory_space<semaphore_mem>>)
    %dma_start3A_146 = arith.constant 12 : i32
    %dma_start3A_147 = arith.constant 12 : i32
    %dma_start3A_148 = arith.constant 0 : i32
    %dma_start3A_149 = tpu.memref_slice %arg5[%dma_start3A_147, %dma_start3A_148] : memref<32x128xi32, #tpu.memory_space<vmem>> -> memref<1x128xi32, #tpu.memory_space<vmem>>
    %dma_start3A_150 = tpu.memref_squeeze %dma_start3A_149 : memref<1x128xi32, #tpu.memory_space<vmem>> -> memref<128xi32, #tpu.memory_space<vmem>>
    %dma_start3A_151 = tpu.memref_slice %arg2[%dma_start3A_146, %mul3A_2] : memref<32x4608xi32, #tpu.memory_space<hbm>> -> memref<1x128xi32, #tpu.memory_space<hbm>>
    %dma_start3A_152 = tpu.memref_squeeze %dma_start3A_151 : memref<1x128xi32, #tpu.memory_space<hbm>> -> memref<128xi32, #tpu.memory_space<hbm>>
    %dma_start3A_153 = arith.constant 0 : i32
    %dma_start3A_154 = tpu.memref_slice %arg5[%dma_start3A_147, %dma_start3A_153] : memref<32x128xi32, #tpu.memory_space<vmem>> -> memref<1x128xi32, #tpu.memory_space<vmem>>
    %dma_start3A_155 = tpu.memref_squeeze %dma_start3A_154 : memref<1x128xi32, #tpu.memory_space<vmem>> -> memref<128xi32, #tpu.memory_space<vmem>>
    %dma_start3A_156 = tpu.memref_slice %arg2[%dma_start3A_146, %mul3A_2] : memref<32x4608xi32, #tpu.memory_space<hbm>> -> memref<1x128xi32, #tpu.memory_space<hbm>>
    %dma_start3A_157 = tpu.memref_squeeze %dma_start3A_156 : memref<1x128xi32, #tpu.memory_space<hbm>> -> memref<128xi32, #tpu.memory_space<hbm>>
    tpu.enqueue_dma source(%dma_start3A_157 : memref<128xi32, #tpu.memory_space<hbm>>) target(%dma_start3A_155 : memref<128xi32, #tpu.memory_space<vmem>>) target_semaphore(%arg8 : memref<!tpu.dma_semaphore, #tpu.memory_space<semaphore_mem>>)
    %dma_start3A_158 = arith.constant 13 : i32
    %dma_start3A_159 = arith.constant 13 : i32
    %dma_start3A_160 = arith.constant 0 : i32
    %dma_start3A_161 = tpu.memref_slice %arg5[%dma_start3A_159, %dma_start3A_160] : memref<32x128xi32, #tpu.memory_space<vmem>> -> memref<1x128xi32, #tpu.memory_space<vmem>>
    %dma_start3A_162 = tpu.memref_squeeze %dma_start3A_161 : memref<1x128xi32, #tpu.memory_space<vmem>> -> memref<128xi32, #tpu.memory_space<vmem>>
    %dma_start3A_163 = tpu.memref_slice %arg2[%dma_start3A_158, %mul3A_2] : memref<32x4608xi32, #tpu.memory_space<hbm>> -> memref<1x128xi32, #tpu.memory_space<hbm>>
    %dma_start3A_164 = tpu.memref_squeeze %dma_start3A_163 : memref<1x128xi32, #tpu.memory_space<hbm>> -> memref<128xi32, #tpu.memory_space<hbm>>
    %dma_start3A_165 = arith.constant 0 : i32
    %dma_start3A_166 = tpu.memref_slice %arg5[%dma_start3A_159, %dma_start3A_165] : memref<32x128xi32, #tpu.memory_space<vmem>> -> memref<1x128xi32, #tpu.memory_space<vmem>>
    %dma_start3A_167 = tpu.memref_squeeze %dma_start3A_166 : memref<1x128xi32, #tpu.memory_space<vmem>> -> memref<128xi32, #tpu.memory_space<vmem>>
    %dma_start3A_168 = tpu.memref_slice %arg2[%dma_start3A_158, %mul3A_2] : memref<32x4608xi32, #tpu.memory_space<hbm>> -> memref<1x128xi32, #tpu.memory_space<hbm>>
    %dma_start3A_169 = tpu.memref_squeeze %dma_start3A_168 : memref<1x128xi32, #tpu.memory_space<hbm>> -> memref<128xi32, #tpu.memory_space<hbm>>
    tpu.enqueue_dma source(%dma_start3A_169 : memref<128xi32, #tpu.memory_space<hbm>>) target(%dma_start3A_167 : memref<128xi32, #tpu.memory_space<vmem>>) target_semaphore(%arg8 : memref<!tpu.dma_semaphore, #tpu.memory_space<semaphore_mem>>)
    %dma_start3A_170 = arith.constant 14 : i32
    %dma_start3A_171 = arith.constant 14 : i32
    %dma_start3A_172 = arith.constant 0 : i32
    %dma_start3A_173 = tpu.memref_slice %arg5[%dma_start3A_171, %dma_start3A_172] : memref<32x128xi32, #tpu.memory_space<vmem>> -> memref<1x128xi32, #tpu.memory_space<vmem>>
    %dma_start3A_174 = tpu.memref_squeeze %dma_start3A_173 : memref<1x128xi32, #tpu.memory_space<vmem>> -> memref<128xi32, #tpu.memory_space<vmem>>
    %dma_start3A_175 = tpu.memref_slice %arg2[%dma_start3A_170, %mul3A_2] : memref<32x4608xi32, #tpu.memory_space<hbm>> -> memref<1x128xi32, #tpu.memory_space<hbm>>
    %dma_start3A_176 = tpu.memref_squeeze %dma_start3A_175 : memref<1x128xi32, #tpu.memory_space<hbm>> -> memref<128xi32, #tpu.memory_space<hbm>>
    %dma_start3A_177 = arith.constant 0 : i32
    %dma_start3A_178 = tpu.memref_slice %arg5[%dma_start3A_171, %dma_start3A_177] : memref<32x128xi32, #tpu.memory_space<vmem>> -> memref<1x128xi32, #tpu.memory_space<vmem>>
    %dma_start3A_179 = tpu.memref_squeeze %dma_start3A_178 : memref<1x128xi32, #tpu.memory_space<vmem>> -> memref<128xi32, #tpu.memory_space<vmem>>
    %dma_start3A_180 = tpu.memref_slice %arg2[%dma_start3A_170, %mul3A_2] : memref<32x4608xi32, #tpu.memory_space<hbm>> -> memref<1x128xi32, #tpu.memory_space<hbm>>
    %dma_start3A_181 = tpu.memref_squeeze %dma_start3A_180 : memref<1x128xi32, #tpu.memory_space<hbm>> -> memref<128xi32, #tpu.memory_space<hbm>>
    tpu.enqueue_dma source(%dma_start3A_181 : memref<128xi32, #tpu.memory_space<hbm>>) target(%dma_start3A_179 : memref<128xi32, #tpu.memory_space<vmem>>) target_semaphore(%arg8 : memref<!tpu.dma_semaphore, #tpu.memory_space<semaphore_mem>>)
    %dma_start3A_182 = arith.constant 15 : i32
    %dma_start3A_183 = arith.constant 15 : i32
    %dma_start3A_184 = arith.constant 0 : i32
    %dma_start3A_185 = tpu.memref_slice %arg5[%dma_start3A_183, %dma_start3A_184] : memref<32x128xi32, #tpu.memory_space<vmem>> -> memref<1x128xi32, #tpu.memory_space<vmem>>
    %dma_start3A_186 = tpu.memref_squeeze %dma_start3A_185 : memref<1x128xi32, #tpu.memory_space<vmem>> -> memref<128xi32, #tpu.memory_space<vmem>>
    %dma_start3A_187 = tpu.memref_slice %arg2[%dma_start3A_182, %mul3A_2] : memref<32x4608xi32, #tpu.memory_space<hbm>> -> memref<1x128xi32, #tpu.memory_space<hbm>>
    %dma_start3A_188 = tpu.memref_squeeze %dma_start3A_187 : memref<1x128xi32, #tpu.memory_space<hbm>> -> memref<128xi32, #tpu.memory_space<hbm>>
    %dma_start3A_189 = arith.constant 0 : i32
    %dma_start3A_190 = tpu.memref_slice %arg5[%dma_start3A_183, %dma_start3A_189] : memref<32x128xi32, #tpu.memory_space<vmem>> -> memref<1x128xi32, #tpu.memory_space<vmem>>
    %dma_start3A_191 = tpu.memref_squeeze %dma_start3A_190 : memref<1x128xi32, #tpu.memory_space<vmem>> -> memref<128xi32, #tpu.memory_space<vmem>>
    %dma_start3A_192 = tpu.memref_slice %arg2[%dma_start3A_182, %mul3A_2] : memref<32x4608xi32, #tpu.memory_space<hbm>> -> memref<1x128xi32, #tpu.memory_space<hbm>>
    %dma_start3A_193 = tpu.memref_squeeze %dma_start3A_192 : memref<1x128xi32, #tpu.memory_space<hbm>> -> memref<128xi32, #tpu.memory_space<hbm>>
    tpu.enqueue_dma source(%dma_start3A_193 : memref<128xi32, #tpu.memory_space<hbm>>) target(%dma_start3A_191 : memref<128xi32, #tpu.memory_space<vmem>>) target_semaphore(%arg8 : memref<!tpu.dma_semaphore, #tpu.memory_space<semaphore_mem>>)
    %dma_start3A_194 = arith.constant 16 : i32
    %dma_start3A_195 = arith.constant 16 : i32
    %dma_start3A_196 = arith.constant 0 : i32
    %dma_start3A_197 = tpu.memref_slice %arg5[%dma_start3A_195, %dma_start3A_196] : memref<32x128xi32, #tpu.memory_space<vmem>> -> memref<1x128xi32, #tpu.memory_space<vmem>>
    %dma_start3A_198 = tpu.memref_squeeze %dma_start3A_197 : memref<1x128xi32, #tpu.memory_space<vmem>> -> memref<128xi32, #tpu.memory_space<vmem>>
    %dma_start3A_199 = tpu.memref_slice %arg2[%dma_start3A_194, %mul3A_2] : memref<32x4608xi32, #tpu.memory_space<hbm>> -> memref<1x128xi32, #tpu.memory_space<hbm>>
    %dma_start3A_200 = tpu.memref_squeeze %dma_start3A_199 : memref<1x128xi32, #tpu.memory_space<hbm>> -> memref<128xi32, #tpu.memory_space<hbm>>
    %dma_start3A_201 = arith.constant 0 : i32
    %dma_start3A_202 = tpu.memref_slice %arg5[%dma_start3A_195, %dma_start3A_201] : memref<32x128xi32, #tpu.memory_space<vmem>> -> memref<1x128xi32, #tpu.memory_space<vmem>>
    %dma_start3A_203 = tpu.memref_squeeze %dma_start3A_202 : memref<1x128xi32, #tpu.memory_space<vmem>> -> memref<128xi32, #tpu.memory_space<vmem>>
    %dma_start3A_204 = tpu.memref_slice %arg2[%dma_start3A_194, %mul3A_2] : memref<32x4608xi32, #tpu.memory_space<hbm>> -> memref<1x128xi32, #tpu.memory_space<hbm>>
    %dma_start3A_205 = tpu.memref_squeeze %dma_start3A_204 : memref<1x128xi32, #tpu.memory_space<hbm>> -> memref<128xi32, #tpu.memory_space<hbm>>
    tpu.enqueue_dma source(%dma_start3A_205 : memref<128xi32, #tpu.memory_space<hbm>>) target(%dma_start3A_203 : memref<128xi32, #tpu.memory_space<vmem>>) target_semaphore(%arg8 : memref<!tpu.dma_semaphore, #tpu.memory_space<semaphore_mem>>)
    %dma_start3A_206 = arith.constant 17 : i32
    %dma_start3A_207 = arith.constant 17 : i32
    %dma_start3A_208 = arith.constant 0 : i32
    %dma_start3A_209 = tpu.memref_slice %arg5[%dma_start3A_207, %dma_start3A_208] : memref<32x128xi32, #tpu.memory_space<vmem>> -> memref<1x128xi32, #tpu.memory_space<vmem>>
    %dma_start3A_210 = tpu.memref_squeeze %dma_start3A_209 : memref<1x128xi32, #tpu.memory_space<vmem>> -> memref<128xi32, #tpu.memory_space<vmem>>
    %dma_start3A_211 = tpu.memref_slice %arg2[%dma_start3A_206, %mul3A_2] : memref<32x4608xi32, #tpu.memory_space<hbm>> -> memref<1x128xi32, #tpu.memory_space<hbm>>
    %dma_start3A_212 = tpu.memref_squeeze %dma_start3A_211 : memref<1x128xi32, #tpu.memory_space<hbm>> -> memref<128xi32, #tpu.memory_space<hbm>>
    %dma_start3A_213 = arith.constant 0 : i32
    %dma_start3A_214 = tpu.memref_slice %arg5[%dma_start3A_207, %dma_start3A_213] : memref<32x128xi32, #tpu.memory_space<vmem>> -> memref<1x128xi32, #tpu.memory_space<vmem>>
    %dma_start3A_215 = tpu.memref_squeeze %dma_start3A_214 : memref<1x128xi32, #tpu.memory_space<vmem>> -> memref<128xi32, #tpu.memory_space<vmem>>
    %dma_start3A_216 = tpu.memref_slice %arg2[%dma_start3A_206, %mul3A_2] : memref<32x4608xi32, #tpu.memory_space<hbm>> -> memref<1x128xi32, #tpu.memory_space<hbm>>
    %dma_start3A_217 = tpu.memref_squeeze %dma_start3A_216 : memref<1x128xi32, #tpu.memory_space<hbm>> -> memref<128xi32, #tpu.memory_space<hbm>>
    tpu.enqueue_dma source(%dma_start3A_217 : memref<128xi32, #tpu.memory_space<hbm>>) target(%dma_start3A_215 : memref<128xi32, #tpu.memory_space<vmem>>) target_semaphore(%arg8 : memref<!tpu.dma_semaphore, #tpu.memory_space<semaphore_mem>>)
    %dma_start3A_218 = arith.constant 18 : i32
    %dma_start3A_219 = arith.constant 18 : i32
    %dma_start3A_220 = arith.constant 0 : i32
    %dma_start3A_221 = tpu.memref_slice %arg5[%dma_start3A_219, %dma_start3A_220] : memref<32x128xi32, #tpu.memory_space<vmem>> -> memref<1x128xi32, #tpu.memory_space<vmem>>
    %dma_start3A_222 = tpu.memref_squeeze %dma_start3A_221 : memref<1x128xi32, #tpu.memory_space<vmem>> -> memref<128xi32, #tpu.memory_space<vmem>>
    %dma_start3A_223 = tpu.memref_slice %arg2[%dma_start3A_218, %mul3A_2] : memref<32x4608xi32, #tpu.memory_space<hbm>> -> memref<1x128xi32, #tpu.memory_space<hbm>>
    %dma_start3A_224 = tpu.memref_squeeze %dma_start3A_223 : memref<1x128xi32, #tpu.memory_space<hbm>> -> memref<128xi32, #tpu.memory_space<hbm>>
    %dma_start3A_225 = arith.constant 0 : i32
    %dma_start3A_226 = tpu.memref_slice %arg5[%dma_start3A_219, %dma_start3A_225] : memref<32x128xi32, #tpu.memory_space<vmem>> -> memref<1x128xi32, #tpu.memory_space<vmem>>
    %dma_start3A_227 = tpu.memref_squeeze %dma_start3A_226 : memref<1x128xi32, #tpu.memory_space<vmem>> -> memref<128xi32, #tpu.memory_space<vmem>>
    %dma_start3A_228 = tpu.memref_slice %arg2[%dma_start3A_218, %mul3A_2] : memref<32x4608xi32, #tpu.memory_space<hbm>> -> memref<1x128xi32, #tpu.memory_space<hbm>>
    %dma_start3A_229 = tpu.memref_squeeze %dma_start3A_228 : memref<1x128xi32, #tpu.memory_space<hbm>> -> memref<128xi32, #tpu.memory_space<hbm>>
    tpu.enqueue_dma source(%dma_start3A_229 : memref<128xi32, #tpu.memory_space<hbm>>) target(%dma_start3A_227 : memref<128xi32, #tpu.memory_space<vmem>>) target_semaphore(%arg8 : memref<!tpu.dma_semaphore, #tpu.memory_space<semaphore_mem>>)
    %dma_start3A_230 = arith.constant 19 : i32
    %dma_start3A_231 = arith.constant 19 : i32
    %dma_start3A_232 = arith.constant 0 : i32
    %dma_start3A_233 = tpu.memref_slice %arg5[%dma_start3A_231, %dma_start3A_232] : memref<32x128xi32, #tpu.memory_space<vmem>> -> memref<1x128xi32, #tpu.memory_space<vmem>>
    %dma_start3A_234 = tpu.memref_squeeze %dma_start3A_233 : memref<1x128xi32, #tpu.memory_space<vmem>> -> memref<128xi32, #tpu.memory_space<vmem>>
    %dma_start3A_235 = tpu.memref_slice %arg2[%dma_start3A_230, %mul3A_2] : memref<32x4608xi32, #tpu.memory_space<hbm>> -> memref<1x128xi32, #tpu.memory_space<hbm>>
    %dma_start3A_236 = tpu.memref_squeeze %dma_start3A_235 : memref<1x128xi32, #tpu.memory_space<hbm>> -> memref<128xi32, #tpu.memory_space<hbm>>
    %dma_start3A_237 = arith.constant 0 : i32
    %dma_start3A_238 = tpu.memref_slice %arg5[%dma_start3A_231, %dma_start3A_237] : memref<32x128xi32, #tpu.memory_space<vmem>> -> memref<1x128xi32, #tpu.memory_space<vmem>>
    %dma_start3A_239 = tpu.memref_squeeze %dma_start3A_238 : memref<1x128xi32, #tpu.memory_space<vmem>> -> memref<128xi32, #tpu.memory_space<vmem>>
    %dma_start3A_240 = tpu.memref_slice %arg2[%dma_start3A_230, %mul3A_2] : memref<32x4608xi32, #tpu.memory_space<hbm>> -> memref<1x128xi32, #tpu.memory_space<hbm>>
    %dma_start3A_241 = tpu.memref_squeeze %dma_start3A_240 : memref<1x128xi32, #tpu.memory_space<hbm>> -> memref<128xi32, #tpu.memory_space<hbm>>
    tpu.enqueue_dma source(%dma_start3A_241 : memref<128xi32, #tpu.memory_space<hbm>>) target(%dma_start3A_239 : memref<128xi32, #tpu.memory_space<vmem>>) target_semaphore(%arg8 : memref<!tpu.dma_semaphore, #tpu.memory_space<semaphore_mem>>)
    %dma_start3A_242 = arith.constant 20 : i32
    %dma_start3A_243 = arith.constant 20 : i32
    %dma_start3A_244 = arith.constant 0 : i32
    %dma_start3A_245 = tpu.memref_slice %arg5[%dma_start3A_243, %dma_start3A_244] : memref<32x128xi32, #tpu.memory_space<vmem>> -> memref<1x128xi32, #tpu.memory_space<vmem>>
    %dma_start3A_246 = tpu.memref_squeeze %dma_start3A_245 : memref<1x128xi32, #tpu.memory_space<vmem>> -> memref<128xi32, #tpu.memory_space<vmem>>
    %dma_start3A_247 = tpu.memref_slice %arg2[%dma_start3A_242, %mul3A_2] : memref<32x4608xi32, #tpu.memory_space<hbm>> -> memref<1x128xi32, #tpu.memory_space<hbm>>
    %dma_start3A_248 = tpu.memref_squeeze %dma_start3A_247 : memref<1x128xi32, #tpu.memory_space<hbm>> -> memref<128xi32, #tpu.memory_space<hbm>>
    %dma_start3A_249 = arith.constant 0 : i32
    %dma_start3A_250 = tpu.memref_slice %arg5[%dma_start3A_243, %dma_start3A_249] : memref<32x128xi32, #tpu.memory_space<vmem>> -> memref<1x128xi32, #tpu.memory_space<vmem>>
    %dma_start3A_251 = tpu.memref_squeeze %dma_start3A_250 : memref<1x128xi32, #tpu.memory_space<vmem>> -> memref<128xi32, #tpu.memory_space<vmem>>
    %dma_start3A_252 = tpu.memref_slice %arg2[%dma_start3A_242, %mul3A_2] : memref<32x4608xi32, #tpu.memory_space<hbm>> -> memref<1x128xi32, #tpu.memory_space<hbm>>
    %dma_start3A_253 = tpu.memref_squeeze %dma_start3A_252 : memref<1x128xi32, #tpu.memory_space<hbm>> -> memref<128xi32, #tpu.memory_space<hbm>>
    tpu.enqueue_dma source(%dma_start3A_253 : memref<128xi32, #tpu.memory_space<hbm>>) target(%dma_start3A_251 : memref<128xi32, #tpu.memory_space<vmem>>) target_semaphore(%arg8 : memref<!tpu.dma_semaphore, #tpu.memory_space<semaphore_mem>>)
    %dma_start3A_254 = arith.constant 21 : i32
    %dma_start3A_255 = arith.constant 21 : i32
    %dma_start3A_256 = arith.constant 0 : i32
    %dma_start3A_257 = tpu.memref_slice %arg5[%dma_start3A_255, %dma_start3A_256] : memref<32x128xi32, #tpu.memory_space<vmem>> -> memref<1x128xi32, #tpu.memory_space<vmem>>
    %dma_start3A_258 = tpu.memref_squeeze %dma_start3A_257 : memref<1x128xi32, #tpu.memory_space<vmem>> -> memref<128xi32, #tpu.memory_space<vmem>>
    %dma_start3A_259 = tpu.memref_slice %arg2[%dma_start3A_254, %mul3A_2] : memref<32x4608xi32, #tpu.memory_space<hbm>> -> memref<1x128xi32, #tpu.memory_space<hbm>>
    %dma_start3A_260 = tpu.memref_squeeze %dma_start3A_259 : memref<1x128xi32, #tpu.memory_space<hbm>> -> memref<128xi32, #tpu.memory_space<hbm>>
    %dma_start3A_261 = arith.constant 0 : i32
    %dma_start3A_262 = tpu.memref_slice %arg5[%dma_start3A_255, %dma_start3A_261] : memref<32x128xi32, #tpu.memory_space<vmem>> -> memref<1x128xi32, #tpu.memory_space<vmem>>
    %dma_start3A_263 = tpu.memref_squeeze %dma_start3A_262 : memref<1x128xi32, #tpu.memory_space<vmem>> -> memref<128xi32, #tpu.memory_space<vmem>>
    %dma_start3A_264 = tpu.memref_slice %arg2[%dma_start3A_254, %mul3A_2] : memref<32x4608xi32, #tpu.memory_space<hbm>> -> memref<1x128xi32, #tpu.memory_space<hbm>>
    %dma_start3A_265 = tpu.memref_squeeze %dma_start3A_264 : memref<1x128xi32, #tpu.memory_space<hbm>> -> memref<128xi32, #tpu.memory_space<hbm>>
    tpu.enqueue_dma source(%dma_start3A_265 : memref<128xi32, #tpu.memory_space<hbm>>) target(%dma_start3A_263 : memref<128xi32, #tpu.memory_space<vmem>>) target_semaphore(%arg8 : memref<!tpu.dma_semaphore, #tpu.memory_space<semaphore_mem>>)
    %dma_start3A_266 = arith.constant 22 : i32
    %dma_start3A_267 = arith.constant 22 : i32
    %dma_start3A_268 = arith.constant 0 : i32
    %dma_start3A_269 = tpu.memref_slice %arg5[%dma_start3A_267, %dma_start3A_268] : memref<32x128xi32, #tpu.memory_space<vmem>> -> memref<1x128xi32, #tpu.memory_space<vmem>>
    %dma_start3A_270 = tpu.memref_squeeze %dma_start3A_269 : memref<1x128xi32, #tpu.memory_space<vmem>> -> memref<128xi32, #tpu.memory_space<vmem>>
    %dma_start3A_271 = tpu.memref_slice %arg2[%dma_start3A_266, %mul3A_2] : memref<32x4608xi32, #tpu.memory_space<hbm>> -> memref<1x128xi32, #tpu.memory_space<hbm>>
    %dma_start3A_272 = tpu.memref_squeeze %dma_start3A_271 : memref<1x128xi32, #tpu.memory_space<hbm>> -> memref<128xi32, #tpu.memory_space<hbm>>
    %dma_start3A_273 = arith.constant 0 : i32
    %dma_start3A_274 = tpu.memref_slice %arg5[%dma_start3A_267, %dma_start3A_273] : memref<32x128xi32, #tpu.memory_space<vmem>> -> memref<1x128xi32, #tpu.memory_space<vmem>>
    %dma_start3A_275 = tpu.memref_squeeze %dma_start3A_274 : memref<1x128xi32, #tpu.memory_space<vmem>> -> memref<128xi32, #tpu.memory_space<vmem>>
    %dma_start3A_276 = tpu.memref_slice %arg2[%dma_start3A_266, %mul3A_2] : memref<32x4608xi32, #tpu.memory_space<hbm>> -> memref<1x128xi32, #tpu.memory_space<hbm>>
    %dma_start3A_277 = tpu.memref_squeeze %dma_start3A_276 : memref<1x128xi32, #tpu.memory_space<hbm>> -> memref<128xi32, #tpu.memory_space<hbm>>
    tpu.enqueue_dma source(%dma_start3A_277 : memref<128xi32, #tpu.memory_space<hbm>>) target(%dma_start3A_275 : memref<128xi32, #tpu.memory_space<vmem>>) target_semaphore(%arg8 : memref<!tpu.dma_semaphore, #tpu.memory_space<semaphore_mem>>)
    %dma_start3A_278 = arith.constant 23 : i32
    %dma_start3A_279 = arith.constant 23 : i32
    %dma_start3A_280 = arith.constant 0 : i32
    %dma_start3A_281 = tpu.memref_slice %arg5[%dma_start3A_279, %dma_start3A_280] : memref<32x128xi32, #tpu.memory_space<vmem>> -> memref<1x128xi32, #tpu.memory_space<vmem>>
    %dma_start3A_282 = tpu.memref_squeeze %dma_start3A_281 : memref<1x128xi32, #tpu.memory_space<vmem>> -> memref<128xi32, #tpu.memory_space<vmem>>
    %dma_start3A_283 = tpu.memref_slice %arg2[%dma_start3A_278, %mul3A_2] : memref<32x4608xi32, #tpu.memory_space<hbm>> -> memref<1x128xi32, #tpu.memory_space<hbm>>
    %dma_start3A_284 = tpu.memref_squeeze %dma_start3A_283 : memref<1x128xi32, #tpu.memory_space<hbm>> -> memref<128xi32, #tpu.memory_space<hbm>>
    %dma_start3A_285 = arith.constant 0 : i32
    %dma_start3A_286 = tpu.memref_slice %arg5[%dma_start3A_279, %dma_start3A_285] : memref<32x128xi32, #tpu.memory_space<vmem>> -> memref<1x128xi32, #tpu.memory_space<vmem>>
    %dma_start3A_287 = tpu.memref_squeeze %dma_start3A_286 : memref<1x128xi32, #tpu.memory_space<vmem>> -> memref<128xi32, #tpu.memory_space<vmem>>
    %dma_start3A_288 = tpu.memref_slice %arg2[%dma_start3A_278, %mul3A_2] : memref<32x4608xi32, #tpu.memory_space<hbm>> -> memref<1x128xi32, #tpu.memory_space<hbm>>
    %dma_start3A_289 = tpu.memref_squeeze %dma_start3A_288 : memref<1x128xi32, #tpu.memory_space<hbm>> -> memref<128xi32, #tpu.memory_space<hbm>>
    tpu.enqueue_dma source(%dma_start3A_289 : memref<128xi32, #tpu.memory_space<hbm>>) target(%dma_start3A_287 : memref<128xi32, #tpu.memory_space<vmem>>) target_semaphore(%arg8 : memref<!tpu.dma_semaphore, #tpu.memory_space<semaphore_mem>>)
    %dma_start3A_290 = arith.constant 24 : i32
    %dma_start3A_291 = arith.constant 24 : i32
    %dma_start3A_292 = arith.constant 0 : i32
    %dma_start3A_293 = tpu.memref_slice %arg5[%dma_start3A_291, %dma_start3A_292] : memref<32x128xi32, #tpu.memory_space<vmem>> -> memref<1x128xi32, #tpu.memory_space<vmem>>
    %dma_start3A_294 = tpu.memref_squeeze %dma_start3A_293 : memref<1x128xi32, #tpu.memory_space<vmem>> -> memref<128xi32, #tpu.memory_space<vmem>>
    %dma_start3A_295 = tpu.memref_slice %arg2[%dma_start3A_290, %mul3A_2] : memref<32x4608xi32, #tpu.memory_space<hbm>> -> memref<1x128xi32, #tpu.memory_space<hbm>>
    %dma_start3A_296 = tpu.memref_squeeze %dma_start3A_295 : memref<1x128xi32, #tpu.memory_space<hbm>> -> memref<128xi32, #tpu.memory_space<hbm>>
    %dma_start3A_297 = arith.constant 0 : i32
    %dma_start3A_298 = tpu.memref_slice %arg5[%dma_start3A_291, %dma_start3A_297] : memref<32x128xi32, #tpu.memory_space<vmem>> -> memref<1x128xi32, #tpu.memory_space<vmem>>
    %dma_start3A_299 = tpu.memref_squeeze %dma_start3A_298 : memref<1x128xi32, #tpu.memory_space<vmem>> -> memref<128xi32, #tpu.memory_space<vmem>>
    %dma_start3A_300 = tpu.memref_slice %arg2[%dma_start3A_290, %mul3A_2] : memref<32x4608xi32, #tpu.memory_space<hbm>> -> memref<1x128xi32, #tpu.memory_space<hbm>>
    %dma_start3A_301 = tpu.memref_squeeze %dma_start3A_300 : memref<1x128xi32, #tpu.memory_space<hbm>> -> memref<128xi32, #tpu.memory_space<hbm>>
    tpu.enqueue_dma source(%dma_start3A_301 : memref<128xi32, #tpu.memory_space<hbm>>) target(%dma_start3A_299 : memref<128xi32, #tpu.memory_space<vmem>>) target_semaphore(%arg8 : memref<!tpu.dma_semaphore, #tpu.memory_space<semaphore_mem>>)
    %dma_start3A_302 = arith.constant 25 : i32
    %dma_start3A_303 = arith.constant 25 : i32
    %dma_start3A_304 = arith.constant 0 : i32
    %dma_start3A_305 = tpu.memref_slice %arg5[%dma_start3A_303, %dma_start3A_304] : memref<32x128xi32, #tpu.memory_space<vmem>> -> memref<1x128xi32, #tpu.memory_space<vmem>>
    %dma_start3A_306 = tpu.memref_squeeze %dma_start3A_305 : memref<1x128xi32, #tpu.memory_space<vmem>> -> memref<128xi32, #tpu.memory_space<vmem>>
    %dma_start3A_307 = tpu.memref_slice %arg2[%dma_start3A_302, %mul3A_2] : memref<32x4608xi32, #tpu.memory_space<hbm>> -> memref<1x128xi32, #tpu.memory_space<hbm>>
    %dma_start3A_308 = tpu.memref_squeeze %dma_start3A_307 : memref<1x128xi32, #tpu.memory_space<hbm>> -> memref<128xi32, #tpu.memory_space<hbm>>
    %dma_start3A_309 = arith.constant 0 : i32
    %dma_start3A_310 = tpu.memref_slice %arg5[%dma_start3A_303, %dma_start3A_309] : memref<32x128xi32, #tpu.memory_space<vmem>> -> memref<1x128xi32, #tpu.memory_space<vmem>>
    %dma_start3A_311 = tpu.memref_squeeze %dma_start3A_310 : memref<1x128xi32, #tpu.memory_space<vmem>> -> memref<128xi32, #tpu.memory_space<vmem>>
    %dma_start3A_312 = tpu.memref_slice %arg2[%dma_start3A_302, %mul3A_2] : memref<32x4608xi32, #tpu.memory_space<hbm>> -> memref<1x128xi32, #tpu.memory_space<hbm>>
    %dma_start3A_313 = tpu.memref_squeeze %dma_start3A_312 : memref<1x128xi32, #tpu.memory_space<hbm>> -> memref<128xi32, #tpu.memory_space<hbm>>
    tpu.enqueue_dma source(%dma_start3A_313 : memref<128xi32, #tpu.memory_space<hbm>>) target(%dma_start3A_311 : memref<128xi32, #tpu.memory_space<vmem>>) target_semaphore(%arg8 : memref<!tpu.dma_semaphore, #tpu.memory_space<semaphore_mem>>)
    %dma_start3A_314 = arith.constant 26 : i32
    %dma_start3A_315 = arith.constant 26 : i32
    %dma_start3A_316 = arith.constant 0 : i32
    %dma_start3A_317 = tpu.memref_slice %arg5[%dma_start3A_315, %dma_start3A_316] : memref<32x128xi32, #tpu.memory_space<vmem>> -> memref<1x128xi32, #tpu.memory_space<vmem>>
    %dma_start3A_318 = tpu.memref_squeeze %dma_start3A_317 : memref<1x128xi32, #tpu.memory_space<vmem>> -> memref<128xi32, #tpu.memory_space<vmem>>
    %dma_start3A_319 = tpu.memref_slice %arg2[%dma_start3A_314, %mul3A_2] : memref<32x4608xi32, #tpu.memory_space<hbm>> -> memref<1x128xi32, #tpu.memory_space<hbm>>
    %dma_start3A_320 = tpu.memref_squeeze %dma_start3A_319 : memref<1x128xi32, #tpu.memory_space<hbm>> -> memref<128xi32, #tpu.memory_space<hbm>>
    %dma_start3A_321 = arith.constant 0 : i32
    %dma_start3A_322 = tpu.memref_slice %arg5[%dma_start3A_315, %dma_start3A_321] : memref<32x128xi32, #tpu.memory_space<vmem>> -> memref<1x128xi32, #tpu.memory_space<vmem>>
    %dma_start3A_323 = tpu.memref_squeeze %dma_start3A_322 : memref<1x128xi32, #tpu.memory_space<vmem>> -> memref<128xi32, #tpu.memory_space<vmem>>
    %dma_start3A_324 = tpu.memref_slice %arg2[%dma_start3A_314, %mul3A_2] : memref<32x4608xi32, #tpu.memory_space<hbm>> -> memref<1x128xi32, #tpu.memory_space<hbm>>
    %dma_start3A_325 = tpu.memref_squeeze %dma_start3A_324 : memref<1x128xi32, #tpu.memory_space<hbm>> -> memref<128xi32, #tpu.memory_space<hbm>>
    tpu.enqueue_dma source(%dma_start3A_325 : memref<128xi32, #tpu.memory_space<hbm>>) target(%dma_start3A_323 : memref<128xi32, #tpu.memory_space<vmem>>) target_semaphore(%arg8 : memref<!tpu.dma_semaphore, #tpu.memory_space<semaphore_mem>>)
    %dma_start3A_326 = arith.constant 27 : i32
    %dma_start3A_327 = arith.constant 27 : i32
    %dma_start3A_328 = arith.constant 0 : i32
    %dma_start3A_329 = tpu.memref_slice %arg5[%dma_start3A_327, %dma_start3A_328] : memref<32x128xi32, #tpu.memory_space<vmem>> -> memref<1x128xi32, #tpu.memory_space<vmem>>
    %dma_start3A_330 = tpu.memref_squeeze %dma_start3A_329 : memref<1x128xi32, #tpu.memory_space<vmem>> -> memref<128xi32, #tpu.memory_space<vmem>>
    %dma_start3A_331 = tpu.memref_slice %arg2[%dma_start3A_326, %mul3A_2] : memref<32x4608xi32, #tpu.memory_space<hbm>> -> memref<1x128xi32, #tpu.memory_space<hbm>>
    %dma_start3A_332 = tpu.memref_squeeze %dma_start3A_331 : memref<1x128xi32, #tpu.memory_space<hbm>> -> memref<128xi32, #tpu.memory_space<hbm>>
    %dma_start3A_333 = arith.constant 0 : i32
    %dma_start3A_334 = tpu.memref_slice %arg5[%dma_start3A_327, %dma_start3A_333] : memref<32x128xi32, #tpu.memory_space<vmem>> -> memref<1x128xi32, #tpu.memory_space<vmem>>
    %dma_start3A_335 = tpu.memref_squeeze %dma_start3A_334 : memref<1x128xi32, #tpu.memory_space<vmem>> -> memref<128xi32, #tpu.memory_space<vmem>>
    %dma_start3A_336 = tpu.memref_slice %arg2[%dma_start3A_326, %mul3A_2] : memref<32x4608xi32, #tpu.memory_space<hbm>> -> memref<1x128xi32, #tpu.memory_space<hbm>>
    %dma_start3A_337 = tpu.memref_squeeze %dma_start3A_336 : memref<1x128xi32, #tpu.memory_space<hbm>> -> memref<128xi32, #tpu.memory_space<hbm>>
    tpu.enqueue_dma source(%dma_start3A_337 : memref<128xi32, #tpu.memory_space<hbm>>) target(%dma_start3A_335 : memref<128xi32, #tpu.memory_space<vmem>>) target_semaphore(%arg8 : memref<!tpu.dma_semaphore, #tpu.memory_space<semaphore_mem>>)
    %dma_start3A_338 = arith.constant 28 : i32
    %dma_start3A_339 = arith.constant 28 : i32
    %dma_start3A_340 = arith.constant 0 : i32
    %dma_start3A_341 = tpu.memref_slice %arg5[%dma_start3A_339, %dma_start3A_340] : memref<32x128xi32, #tpu.memory_space<vmem>> -> memref<1x128xi32, #tpu.memory_space<vmem>>
    %dma_start3A_342 = tpu.memref_squeeze %dma_start3A_341 : memref<1x128xi32, #tpu.memory_space<vmem>> -> memref<128xi32, #tpu.memory_space<vmem>>
    %dma_start3A_343 = tpu.memref_slice %arg2[%dma_start3A_338, %mul3A_2] : memref<32x4608xi32, #tpu.memory_space<hbm>> -> memref<1x128xi32, #tpu.memory_space<hbm>>
    %dma_start3A_344 = tpu.memref_squeeze %dma_start3A_343 : memref<1x128xi32, #tpu.memory_space<hbm>> -> memref<128xi32, #tpu.memory_space<hbm>>
    %dma_start3A_345 = arith.constant 0 : i32
    %dma_start3A_346 = tpu.memref_slice %arg5[%dma_start3A_339, %dma_start3A_345] : memref<32x128xi32, #tpu.memory_space<vmem>> -> memref<1x128xi32, #tpu.memory_space<vmem>>
    %dma_start3A_347 = tpu.memref_squeeze %dma_start3A_346 : memref<1x128xi32, #tpu.memory_space<vmem>> -> memref<128xi32, #tpu.memory_space<vmem>>
    %dma_start3A_348 = tpu.memref_slice %arg2[%dma_start3A_338, %mul3A_2] : memref<32x4608xi32, #tpu.memory_space<hbm>> -> memref<1x128xi32, #tpu.memory_space<hbm>>
    %dma_start3A_349 = tpu.memref_squeeze %dma_start3A_348 : memref<1x128xi32, #tpu.memory_space<hbm>> -> memref<128xi32, #tpu.memory_space<hbm>>
    tpu.enqueue_dma source(%dma_start3A_349 : memref<128xi32, #tpu.memory_space<hbm>>) target(%dma_start3A_347 : memref<128xi32, #tpu.memory_space<vmem>>) target_semaphore(%arg8 : memref<!tpu.dma_semaphore, #tpu.memory_space<semaphore_mem>>)
    %dma_start3A_350 = arith.constant 29 : i32
    %dma_start3A_351 = arith.constant 29 : i32
    %dma_start3A_352 = arith.constant 0 : i32
    %dma_start3A_353 = tpu.memref_slice %arg5[%dma_start3A_351, %dma_start3A_352] : memref<32x128xi32, #tpu.memory_space<vmem>> -> memref<1x128xi32, #tpu.memory_space<vmem>>
    %dma_start3A_354 = tpu.memref_squeeze %dma_start3A_353 : memref<1x128xi32, #tpu.memory_space<vmem>> -> memref<128xi32, #tpu.memory_space<vmem>>
    %dma_start3A_355 = tpu.memref_slice %arg2[%dma_start3A_350, %mul3A_2] : memref<32x4608xi32, #tpu.memory_space<hbm>> -> memref<1x128xi32, #tpu.memory_space<hbm>>
    %dma_start3A_356 = tpu.memref_squeeze %dma_start3A_355 : memref<1x128xi32, #tpu.memory_space<hbm>> -> memref<128xi32, #tpu.memory_space<hbm>>
    %dma_start3A_357 = arith.constant 0 : i32
    %dma_start3A_358 = tpu.memref_slice %arg5[%dma_start3A_351, %dma_start3A_357] : memref<32x128xi32, #tpu.memory_space<vmem>> -> memref<1x128xi32, #tpu.memory_space<vmem>>
    %dma_start3A_359 = tpu.memref_squeeze %dma_start3A_358 : memref<1x128xi32, #tpu.memory_space<vmem>> -> memref<128xi32, #tpu.memory_space<vmem>>
    %dma_start3A_360 = tpu.memref_slice %arg2[%dma_start3A_350, %mul3A_2] : memref<32x4608xi32, #tpu.memory_space<hbm>> -> memref<1x128xi32, #tpu.memory_space<hbm>>
    %dma_start3A_361 = tpu.memref_squeeze %dma_start3A_360 : memref<1x128xi32, #tpu.memory_space<hbm>> -> memref<128xi32, #tpu.memory_space<hbm>>
    tpu.enqueue_dma source(%dma_start3A_361 : memref<128xi32, #tpu.memory_space<hbm>>) target(%dma_start3A_359 : memref<128xi32, #tpu.memory_space<vmem>>) target_semaphore(%arg8 : memref<!tpu.dma_semaphore, #tpu.memory_space<semaphore_mem>>)
    %dma_start3A_362 = arith.constant 30 : i32
    %dma_start3A_363 = arith.constant 30 : i32
    %dma_start3A_364 = arith.constant 0 : i32
    %dma_start3A_365 = tpu.memref_slice %arg5[%dma_start3A_363, %dma_start3A_364] : memref<32x128xi32, #tpu.memory_space<vmem>> -> memref<1x128xi32, #tpu.memory_space<vmem>>
    %dma_start3A_366 = tpu.memref_squeeze %dma_start3A_365 : memref<1x128xi32, #tpu.memory_space<vmem>> -> memref<128xi32, #tpu.memory_space<vmem>>
    %dma_start3A_367 = tpu.memref_slice %arg2[%dma_start3A_362, %mul3A_2] : memref<32x4608xi32, #tpu.memory_space<hbm>> -> memref<1x128xi32, #tpu.memory_space<hbm>>
    %dma_start3A_368 = tpu.memref_squeeze %dma_start3A_367 : memref<1x128xi32, #tpu.memory_space<hbm>> -> memref<128xi32, #tpu.memory_space<hbm>>
    %dma_start3A_369 = arith.constant 0 : i32
    %dma_start3A_370 = tpu.memref_slice %arg5[%dma_start3A_363, %dma_start3A_369] : memref<32x128xi32, #tpu.memory_space<vmem>> -> memref<1x128xi32, #tpu.memory_space<vmem>>
    %dma_start3A_371 = tpu.memref_squeeze %dma_start3A_370 : memref<1x128xi32, #tpu.memory_space<vmem>> -> memref<128xi32, #tpu.memory_space<vmem>>
    %dma_start3A_372 = tpu.memref_slice %arg2[%dma_start3A_362, %mul3A_2] : memref<32x4608xi32, #tpu.memory_space<hbm>> -> memref<1x128xi32, #tpu.memory_space<hbm>>
    %dma_start3A_373 = tpu.memref_squeeze %dma_start3A_372 : memref<1x128xi32, #tpu.memory_space<hbm>> -> memref<128xi32, #tpu.memory_space<hbm>>
    tpu.enqueue_dma source(%dma_start3A_373 : memref<128xi32, #tpu.memory_space<hbm>>) target(%dma_start3A_371 : memref<128xi32, #tpu.memory_space<vmem>>) target_semaphore(%arg8 : memref<!tpu.dma_semaphore, #tpu.memory_space<semaphore_mem>>)
    %dma_start3A_374 = arith.constant 31 : i32
    %dma_start3A_375 = arith.constant 31 : i32
    %dma_start3A_376 = arith.constant 0 : i32
    %dma_start3A_377 = tpu.memref_slice %arg5[%dma_start3A_375, %dma_start3A_376] : memref<32x128xi32, #tpu.memory_space<vmem>> -> memref<1x128xi32, #tpu.memory_space<vmem>>
    %dma_start3A_378 = tpu.memref_squeeze %dma_start3A_377 : memref<1x128xi32, #tpu.memory_space<vmem>> -> memref<128xi32, #tpu.memory_space<vmem>>
    %dma_start3A_379 = tpu.memref_slice %arg2[%dma_start3A_374, %mul3A_2] : memref<32x4608xi32, #tpu.memory_space<hbm>> -> memref<1x128xi32, #tpu.memory_space<hbm>>
    %dma_start3A_380 = tpu.memref_squeeze %dma_start3A_379 : memref<1x128xi32, #tpu.memory_space<hbm>> -> memref<128xi32, #tpu.memory_space<hbm>>
    %dma_start3A_381 = arith.constant 0 : i32
    %dma_start3A_382 = tpu.memref_slice %arg5[%dma_start3A_375, %dma_start3A_381] : memref<32x128xi32, #tpu.memory_space<vmem>> -> memref<1x128xi32, #tpu.memory_space<vmem>>
    %dma_start3A_383 = tpu.memref_squeeze %dma_start3A_382 : memref<1x128xi32, #tpu.memory_space<vmem>> -> memref<128xi32, #tpu.memory_space<vmem>>
    %dma_start3A_384 = tpu.memref_slice %arg2[%dma_start3A_374, %mul3A_2] : memref<32x4608xi32, #tpu.memory_space<hbm>> -> memref<1x128xi32, #tpu.memory_space<hbm>>
    %dma_start3A_385 = tpu.memref_squeeze %dma_start3A_384 : memref<1x128xi32, #tpu.memory_space<hbm>> -> memref<128xi32, #tpu.memory_space<hbm>>
    tpu.enqueue_dma source(%dma_start3A_385 : memref<128xi32, #tpu.memory_space<hbm>>) target(%dma_start3A_383 : memref<128xi32, #tpu.memory_space<vmem>>) target_semaphore(%arg8 : memref<!tpu.dma_semaphore, #tpu.memory_space<semaphore_mem>>)
    "tpu.region"() ({
      %run_scoped3A = tpu.sem_alloc : memref<!tpu.dma_semaphore, #tpu.memory_space<semaphore_mem>>
      %dma_start3A_2461 = tpu.memref_slice %arg3[%mul3A_2] : memref<4096xf32, #tpu.memory_space<hbm>> -> memref<128xf32, #tpu.memory_space<hbm>>
      %dma_start3A_2462 = tpu.memref_slice %arg3[%mul3A_2] : memref<4096xf32, #tpu.memory_space<hbm>> -> memref<128xf32, #tpu.memory_space<hbm>>
      tpu.enqueue_dma source(%dma_start3A_2462 : memref<128xf32, #tpu.memory_space<hbm>>) target(%arg6 : memref<128xf32, #tpu.memory_space<vmem>>) target_semaphore(%run_scoped3A : memref<!tpu.dma_semaphore, #tpu.memory_space<semaphore_mem>>)
      %dma_wait3A_2463 = tpu.memref_slice %arg3[%mul3A_2] : memref<4096xf32, #tpu.memory_space<hbm>> -> memref<128xf32, #tpu.memory_space<hbm>>
      %dma_wait3A_2464 = tpu.memref_slice %arg3[%mul3A_2] : memref<4096xf32, #tpu.memory_space<hbm>> -> memref<128xf32, #tpu.memory_space<hbm>>
      tpu.wait_dma2 semaphore(%run_scoped3A : memref<!tpu.dma_semaphore, #tpu.memory_space<semaphore_mem>>) src(%dma_wait3A_2464 : memref<128xf32, #tpu.memory_space<hbm>>) dst(%arg6 : memref<128xf32, #tpu.memory_space<vmem>>)
      tpu.yield
    }) : () -> ()
    %dma_wait3A = arith.constant 0 : i32
    %dma_wait3A_386 = arith.constant 0 : i32
    %dma_wait3A_387 = arith.constant 0 : i32
    %dma_wait3A_388 = tpu.memref_slice %arg5[%dma_wait3A_386, %dma_wait3A_387] : memref<32x128xi32, #tpu.memory_space<vmem>> -> memref<1x128xi32, #tpu.memory_space<vmem>>
    %dma_wait3A_389 = tpu.memref_squeeze %dma_wait3A_388 : memref<1x128xi32, #tpu.memory_space<vmem>> -> memref<128xi32, #tpu.memory_space<vmem>>
    %dma_wait3A_390 = tpu.memref_slice %arg2[%dma_wait3A, %mul3A_2] : memref<32x4608xi32, #tpu.memory_space<hbm>> -> memref<1x128xi32, #tpu.memory_space<hbm>>
    %dma_wait3A_391 = tpu.memref_squeeze %dma_wait3A_390 : memref<1x128xi32, #tpu.memory_space<hbm>> -> memref<128xi32, #tpu.memory_space<hbm>>
    %dma_wait3A_392 = arith.constant 0 : i32
    %dma_wait3A_393 = tpu.memref_slice %arg5[%dma_wait3A_386, %dma_wait3A_392] : memref<32x128xi32, #tpu.memory_space<vmem>> -> memref<1x128xi32, #tpu.memory_space<vmem>>
    %dma_wait3A_394 = tpu.memref_squeeze %dma_wait3A_393 : memref<1x128xi32, #tpu.memory_space<vmem>> -> memref<128xi32, #tpu.memory_space<vmem>>
    %dma_wait3A_395 = tpu.memref_slice %arg2[%dma_wait3A, %mul3A_2] : memref<32x4608xi32, #tpu.memory_space<hbm>> -> memref<1x128xi32, #tpu.memory_space<hbm>>
    %dma_wait3A_396 = tpu.memref_squeeze %dma_wait3A_395 : memref<1x128xi32, #tpu.memory_space<hbm>> -> memref<128xi32, #tpu.memory_space<hbm>>
    tpu.wait_dma2 semaphore(%arg8 : memref<!tpu.dma_semaphore, #tpu.memory_space<semaphore_mem>>) src(%dma_wait3A_396 : memref<128xi32, #tpu.memory_space<hbm>>) dst(%dma_wait3A_394 : memref<128xi32, #tpu.memory_space<vmem>>)
    %dma_wait3A_397 = arith.constant 1 : i32
    %dma_wait3A_398 = arith.constant 1 : i32
    %dma_wait3A_399 = arith.constant 0 : i32
    %dma_wait3A_400 = tpu.memref_slice %arg5[%dma_wait3A_398, %dma_wait3A_399] : memref<32x128xi32, #tpu.memory_space<vmem>> -> memref<1x128xi32, #tpu.memory_space<vmem>>
    %dma_wait3A_401 = tpu.memref_squeeze %dma_wait3A_400 : memref<1x128xi32, #tpu.memory_space<vmem>> -> memref<128xi32, #tpu.memory_space<vmem>>
    %dma_wait3A_402 = tpu.memref_slice %arg2[%dma_wait3A_397, %mul3A_2] : memref<32x4608xi32, #tpu.memory_space<hbm>> -> memref<1x128xi32, #tpu.memory_space<hbm>>
    %dma_wait3A_403 = tpu.memref_squeeze %dma_wait3A_402 : memref<1x128xi32, #tpu.memory_space<hbm>> -> memref<128xi32, #tpu.memory_space<hbm>>
    %dma_wait3A_404 = arith.constant 0 : i32
    %dma_wait3A_405 = tpu.memref_slice %arg5[%dma_wait3A_398, %dma_wait3A_404] : memref<32x128xi32, #tpu.memory_space<vmem>> -> memref<1x128xi32, #tpu.memory_space<vmem>>
    %dma_wait3A_406 = tpu.memref_squeeze %dma_wait3A_405 : memref<1x128xi32, #tpu.memory_space<vmem>> -> memref<128xi32, #tpu.memory_space<vmem>>
    %dma_wait3A_407 = tpu.memref_slice %arg2[%dma_wait3A_397, %mul3A_2] : memref<32x4608xi32, #tpu.memory_space<hbm>> -> memref<1x128xi32, #tpu.memory_space<hbm>>
    %dma_wait3A_408 = tpu.memref_squeeze %dma_wait3A_407 : memref<1x128xi32, #tpu.memory_space<hbm>> -> memref<128xi32, #tpu.memory_space<hbm>>
    tpu.wait_dma2 semaphore(%arg8 : memref<!tpu.dma_semaphore, #tpu.memory_space<semaphore_mem>>) src(%dma_wait3A_408 : memref<128xi32, #tpu.memory_space<hbm>>) dst(%dma_wait3A_406 : memref<128xi32, #tpu.memory_space<vmem>>)
    %dma_wait3A_409 = arith.constant 2 : i32
    %dma_wait3A_410 = arith.constant 2 : i32
    %dma_wait3A_411 = arith.constant 0 : i32
    %dma_wait3A_412 = tpu.memref_slice %arg5[%dma_wait3A_410, %dma_wait3A_411] : memref<32x128xi32, #tpu.memory_space<vmem>> -> memref<1x128xi32, #tpu.memory_space<vmem>>
    %dma_wait3A_413 = tpu.memref_squeeze %dma_wait3A_412 : memref<1x128xi32, #tpu.memory_space<vmem>> -> memref<128xi32, #tpu.memory_space<vmem>>
    %dma_wait3A_414 = tpu.memref_slice %arg2[%dma_wait3A_409, %mul3A_2] : memref<32x4608xi32, #tpu.memory_space<hbm>> -> memref<1x128xi32, #tpu.memory_space<hbm>>
    %dma_wait3A_415 = tpu.memref_squeeze %dma_wait3A_414 : memref<1x128xi32, #tpu.memory_space<hbm>> -> memref<128xi32, #tpu.memory_space<hbm>>
    %dma_wait3A_416 = arith.constant 0 : i32
    %dma_wait3A_417 = tpu.memref_slice %arg5[%dma_wait3A_410, %dma_wait3A_416] : memref<32x128xi32, #tpu.memory_space<vmem>> -> memref<1x128xi32, #tpu.memory_space<vmem>>
    %dma_wait3A_418 = tpu.memref_squeeze %dma_wait3A_417 : memref<1x128xi32, #tpu.memory_space<vmem>> -> memref<128xi32, #tpu.memory_space<vmem>>
    %dma_wait3A_419 = tpu.memref_slice %arg2[%dma_wait3A_409, %mul3A_2] : memref<32x4608xi32, #tpu.memory_space<hbm>> -> memref<1x128xi32, #tpu.memory_space<hbm>>
    %dma_wait3A_420 = tpu.memref_squeeze %dma_wait3A_419 : memref<1x128xi32, #tpu.memory_space<hbm>> -> memref<128xi32, #tpu.memory_space<hbm>>
    tpu.wait_dma2 semaphore(%arg8 : memref<!tpu.dma_semaphore, #tpu.memory_space<semaphore_mem>>) src(%dma_wait3A_420 : memref<128xi32, #tpu.memory_space<hbm>>) dst(%dma_wait3A_418 : memref<128xi32, #tpu.memory_space<vmem>>)
    %dma_wait3A_421 = arith.constant 3 : i32
    %dma_wait3A_422 = arith.constant 3 : i32
    %dma_wait3A_423 = arith.constant 0 : i32
    %dma_wait3A_424 = tpu.memref_slice %arg5[%dma_wait3A_422, %dma_wait3A_423] : memref<32x128xi32, #tpu.memory_space<vmem>> -> memref<1x128xi32, #tpu.memory_space<vmem>>
    %dma_wait3A_425 = tpu.memref_squeeze %dma_wait3A_424 : memref<1x128xi32, #tpu.memory_space<vmem>> -> memref<128xi32, #tpu.memory_space<vmem>>
    %dma_wait3A_426 = tpu.memref_slice %arg2[%dma_wait3A_421, %mul3A_2] : memref<32x4608xi32, #tpu.memory_space<hbm>> -> memref<1x128xi32, #tpu.memory_space<hbm>>
    %dma_wait3A_427 = tpu.memref_squeeze %dma_wait3A_426 : memref<1x128xi32, #tpu.memory_space<hbm>> -> memref<128xi32, #tpu.memory_space<hbm>>
    %dma_wait3A_428 = arith.constant 0 : i32
    %dma_wait3A_429 = tpu.memref_slice %arg5[%dma_wait3A_422, %dma_wait3A_428] : memref<32x128xi32, #tpu.memory_space<vmem>> -> memref<1x128xi32, #tpu.memory_space<vmem>>
    %dma_wait3A_430 = tpu.memref_squeeze %dma_wait3A_429 : memref<1x128xi32, #tpu.memory_space<vmem>> -> memref<128xi32, #tpu.memory_space<vmem>>
    %dma_wait3A_431 = tpu.memref_slice %arg2[%dma_wait3A_421, %mul3A_2] : memref<32x4608xi32, #tpu.memory_space<hbm>> -> memref<1x128xi32, #tpu.memory_space<hbm>>
    %dma_wait3A_432 = tpu.memref_squeeze %dma_wait3A_431 : memref<1x128xi32, #tpu.memory_space<hbm>> -> memref<128xi32, #tpu.memory_space<hbm>>
    tpu.wait_dma2 semaphore(%arg8 : memref<!tpu.dma_semaphore, #tpu.memory_space<semaphore_mem>>) src(%dma_wait3A_432 : memref<128xi32, #tpu.memory_space<hbm>>) dst(%dma_wait3A_430 : memref<128xi32, #tpu.memory_space<vmem>>)
    %dma_wait3A_433 = arith.constant 4 : i32
    %dma_wait3A_434 = arith.constant 4 : i32
    %dma_wait3A_435 = arith.constant 0 : i32
    %dma_wait3A_436 = tpu.memref_slice %arg5[%dma_wait3A_434, %dma_wait3A_435] : memref<32x128xi32, #tpu.memory_space<vmem>> -> memref<1x128xi32, #tpu.memory_space<vmem>>
    %dma_wait3A_437 = tpu.memref_squeeze %dma_wait3A_436 : memref<1x128xi32, #tpu.memory_space<vmem>> -> memref<128xi32, #tpu.memory_space<vmem>>
    %dma_wait3A_438 = tpu.memref_slice %arg2[%dma_wait3A_433, %mul3A_2] : memref<32x4608xi32, #tpu.memory_space<hbm>> -> memref<1x128xi32, #tpu.memory_space<hbm>>
    %dma_wait3A_439 = tpu.memref_squeeze %dma_wait3A_438 : memref<1x128xi32, #tpu.memory_space<hbm>> -> memref<128xi32, #tpu.memory_space<hbm>>
    %dma_wait3A_440 = arith.constant 0 : i32
    %dma_wait3A_441 = tpu.memref_slice %arg5[%dma_wait3A_434, %dma_wait3A_440] : memref<32x128xi32, #tpu.memory_space<vmem>> -> memref<1x128xi32, #tpu.memory_space<vmem>>
    %dma_wait3A_442 = tpu.memref_squeeze %dma_wait3A_441 : memref<1x128xi32, #tpu.memory_space<vmem>> -> memref<128xi32, #tpu.memory_space<vmem>>
    %dma_wait3A_443 = tpu.memref_slice %arg2[%dma_wait3A_433, %mul3A_2] : memref<32x4608xi32, #tpu.memory_space<hbm>> -> memref<1x128xi32, #tpu.memory_space<hbm>>
    %dma_wait3A_444 = tpu.memref_squeeze %dma_wait3A_443 : memref<1x128xi32, #tpu.memory_space<hbm>> -> memref<128xi32, #tpu.memory_space<hbm>>
    tpu.wait_dma2 semaphore(%arg8 : memref<!tpu.dma_semaphore, #tpu.memory_space<semaphore_mem>>) src(%dma_wait3A_444 : memref<128xi32, #tpu.memory_space<hbm>>) dst(%dma_wait3A_442 : memref<128xi32, #tpu.memory_space<vmem>>)
    %dma_wait3A_445 = arith.constant 5 : i32
    %dma_wait3A_446 = arith.constant 5 : i32
    %dma_wait3A_447 = arith.constant 0 : i32
    %dma_wait3A_448 = tpu.memref_slice %arg5[%dma_wait3A_446, %dma_wait3A_447] : memref<32x128xi32, #tpu.memory_space<vmem>> -> memref<1x128xi32, #tpu.memory_space<vmem>>
    %dma_wait3A_449 = tpu.memref_squeeze %dma_wait3A_448 : memref<1x128xi32, #tpu.memory_space<vmem>> -> memref<128xi32, #tpu.memory_space<vmem>>
    %dma_wait3A_450 = tpu.memref_slice %arg2[%dma_wait3A_445, %mul3A_2] : memref<32x4608xi32, #tpu.memory_space<hbm>> -> memref<1x128xi32, #tpu.memory_space<hbm>>
    %dma_wait3A_451 = tpu.memref_squeeze %dma_wait3A_450 : memref<1x128xi32, #tpu.memory_space<hbm>> -> memref<128xi32, #tpu.memory_space<hbm>>
    %dma_wait3A_452 = arith.constant 0 : i32
    %dma_wait3A_453 = tpu.memref_slice %arg5[%dma_wait3A_446, %dma_wait3A_452] : memref<32x128xi32, #tpu.memory_space<vmem>> -> memref<1x128xi32, #tpu.memory_space<vmem>>
    %dma_wait3A_454 = tpu.memref_squeeze %dma_wait3A_453 : memref<1x128xi32, #tpu.memory_space<vmem>> -> memref<128xi32, #tpu.memory_space<vmem>>
    %dma_wait3A_455 = tpu.memref_slice %arg2[%dma_wait3A_445, %mul3A_2] : memref<32x4608xi32, #tpu.memory_space<hbm>> -> memref<1x128xi32, #tpu.memory_space<hbm>>
    %dma_wait3A_456 = tpu.memref_squeeze %dma_wait3A_455 : memref<1x128xi32, #tpu.memory_space<hbm>> -> memref<128xi32, #tpu.memory_space<hbm>>
    tpu.wait_dma2 semaphore(%arg8 : memref<!tpu.dma_semaphore, #tpu.memory_space<semaphore_mem>>) src(%dma_wait3A_456 : memref<128xi32, #tpu.memory_space<hbm>>) dst(%dma_wait3A_454 : memref<128xi32, #tpu.memory_space<vmem>>)
    %dma_wait3A_457 = arith.constant 6 : i32
    %dma_wait3A_458 = arith.constant 6 : i32
    %dma_wait3A_459 = arith.constant 0 : i32
    %dma_wait3A_460 = tpu.memref_slice %arg5[%dma_wait3A_458, %dma_wait3A_459] : memref<32x128xi32, #tpu.memory_space<vmem>> -> memref<1x128xi32, #tpu.memory_space<vmem>>
    %dma_wait3A_461 = tpu.memref_squeeze %dma_wait3A_460 : memref<1x128xi32, #tpu.memory_space<vmem>> -> memref<128xi32, #tpu.memory_space<vmem>>
    %dma_wait3A_462 = tpu.memref_slice %arg2[%dma_wait3A_457, %mul3A_2] : memref<32x4608xi32, #tpu.memory_space<hbm>> -> memref<1x128xi32, #tpu.memory_space<hbm>>
    %dma_wait3A_463 = tpu.memref_squeeze %dma_wait3A_462 : memref<1x128xi32, #tpu.memory_space<hbm>> -> memref<128xi32, #tpu.memory_space<hbm>>
    %dma_wait3A_464 = arith.constant 0 : i32
    %dma_wait3A_465 = tpu.memref_slice %arg5[%dma_wait3A_458, %dma_wait3A_464] : memref<32x128xi32, #tpu.memory_space<vmem>> -> memref<1x128xi32, #tpu.memory_space<vmem>>
    %dma_wait3A_466 = tpu.memref_squeeze %dma_wait3A_465 : memref<1x128xi32, #tpu.memory_space<vmem>> -> memref<128xi32, #tpu.memory_space<vmem>>
    %dma_wait3A_467 = tpu.memref_slice %arg2[%dma_wait3A_457, %mul3A_2] : memref<32x4608xi32, #tpu.memory_space<hbm>> -> memref<1x128xi32, #tpu.memory_space<hbm>>
    %dma_wait3A_468 = tpu.memref_squeeze %dma_wait3A_467 : memref<1x128xi32, #tpu.memory_space<hbm>> -> memref<128xi32, #tpu.memory_space<hbm>>
    tpu.wait_dma2 semaphore(%arg8 : memref<!tpu.dma_semaphore, #tpu.memory_space<semaphore_mem>>) src(%dma_wait3A_468 : memref<128xi32, #tpu.memory_space<hbm>>) dst(%dma_wait3A_466 : memref<128xi32, #tpu.memory_space<vmem>>)
    %dma_wait3A_469 = arith.constant 7 : i32
    %dma_wait3A_470 = arith.constant 7 : i32
    %dma_wait3A_471 = arith.constant 0 : i32
    %dma_wait3A_472 = tpu.memref_slice %arg5[%dma_wait3A_470, %dma_wait3A_471] : memref<32x128xi32, #tpu.memory_space<vmem>> -> memref<1x128xi32, #tpu.memory_space<vmem>>
    %dma_wait3A_473 = tpu.memref_squeeze %dma_wait3A_472 : memref<1x128xi32, #tpu.memory_space<vmem>> -> memref<128xi32, #tpu.memory_space<vmem>>
    %dma_wait3A_474 = tpu.memref_slice %arg2[%dma_wait3A_469, %mul3A_2] : memref<32x4608xi32, #tpu.memory_space<hbm>> -> memref<1x128xi32, #tpu.memory_space<hbm>>
    %dma_wait3A_475 = tpu.memref_squeeze %dma_wait3A_474 : memref<1x128xi32, #tpu.memory_space<hbm>> -> memref<128xi32, #tpu.memory_space<hbm>>
    %dma_wait3A_476 = arith.constant 0 : i32
    %dma_wait3A_477 = tpu.memref_slice %arg5[%dma_wait3A_470, %dma_wait3A_476] : memref<32x128xi32, #tpu.memory_space<vmem>> -> memref<1x128xi32, #tpu.memory_space<vmem>>
    %dma_wait3A_478 = tpu.memref_squeeze %dma_wait3A_477 : memref<1x128xi32, #tpu.memory_space<vmem>> -> memref<128xi32, #tpu.memory_space<vmem>>
    %dma_wait3A_479 = tpu.memref_slice %arg2[%dma_wait3A_469, %mul3A_2] : memref<32x4608xi32, #tpu.memory_space<hbm>> -> memref<1x128xi32, #tpu.memory_space<hbm>>
    %dma_wait3A_480 = tpu.memref_squeeze %dma_wait3A_479 : memref<1x128xi32, #tpu.memory_space<hbm>> -> memref<128xi32, #tpu.memory_space<hbm>>
    tpu.wait_dma2 semaphore(%arg8 : memref<!tpu.dma_semaphore, #tpu.memory_space<semaphore_mem>>) src(%dma_wait3A_480 : memref<128xi32, #tpu.memory_space<hbm>>) dst(%dma_wait3A_478 : memref<128xi32, #tpu.memory_space<vmem>>)
    %dma_wait3A_481 = arith.constant 8 : i32
    %dma_wait3A_482 = arith.constant 8 : i32
    %dma_wait3A_483 = arith.constant 0 : i32
    %dma_wait3A_484 = tpu.memref_slice %arg5[%dma_wait3A_482, %dma_wait3A_483] : memref<32x128xi32, #tpu.memory_space<vmem>> -> memref<1x128xi32, #tpu.memory_space<vmem>>
    %dma_wait3A_485 = tpu.memref_squeeze %dma_wait3A_484 : memref<1x128xi32, #tpu.memory_space<vmem>> -> memref<128xi32, #tpu.memory_space<vmem>>
    %dma_wait3A_486 = tpu.memref_slice %arg2[%dma_wait3A_481, %mul3A_2] : memref<32x4608xi32, #tpu.memory_space<hbm>> -> memref<1x128xi32, #tpu.memory_space<hbm>>
    %dma_wait3A_487 = tpu.memref_squeeze %dma_wait3A_486 : memref<1x128xi32, #tpu.memory_space<hbm>> -> memref<128xi32, #tpu.memory_space<hbm>>
    %dma_wait3A_488 = arith.constant 0 : i32
    %dma_wait3A_489 = tpu.memref_slice %arg5[%dma_wait3A_482, %dma_wait3A_488] : memref<32x128xi32, #tpu.memory_space<vmem>> -> memref<1x128xi32, #tpu.memory_space<vmem>>
    %dma_wait3A_490 = tpu.memref_squeeze %dma_wait3A_489 : memref<1x128xi32, #tpu.memory_space<vmem>> -> memref<128xi32, #tpu.memory_space<vmem>>
    %dma_wait3A_491 = tpu.memref_slice %arg2[%dma_wait3A_481, %mul3A_2] : memref<32x4608xi32, #tpu.memory_space<hbm>> -> memref<1x128xi32, #tpu.memory_space<hbm>>
    %dma_wait3A_492 = tpu.memref_squeeze %dma_wait3A_491 : memref<1x128xi32, #tpu.memory_space<hbm>> -> memref<128xi32, #tpu.memory_space<hbm>>
    tpu.wait_dma2 semaphore(%arg8 : memref<!tpu.dma_semaphore, #tpu.memory_space<semaphore_mem>>) src(%dma_wait3A_492 : memref<128xi32, #tpu.memory_space<hbm>>) dst(%dma_wait3A_490 : memref<128xi32, #tpu.memory_space<vmem>>)
    %dma_wait3A_493 = arith.constant 9 : i32
    %dma_wait3A_494 = arith.constant 9 : i32
    %dma_wait3A_495 = arith.constant 0 : i32
    %dma_wait3A_496 = tpu.memref_slice %arg5[%dma_wait3A_494, %dma_wait3A_495] : memref<32x128xi32, #tpu.memory_space<vmem>> -> memref<1x128xi32, #tpu.memory_space<vmem>>
    %dma_wait3A_497 = tpu.memref_squeeze %dma_wait3A_496 : memref<1x128xi32, #tpu.memory_space<vmem>> -> memref<128xi32, #tpu.memory_space<vmem>>
    %dma_wait3A_498 = tpu.memref_slice %arg2[%dma_wait3A_493, %mul3A_2] : memref<32x4608xi32, #tpu.memory_space<hbm>> -> memref<1x128xi32, #tpu.memory_space<hbm>>
    %dma_wait3A_499 = tpu.memref_squeeze %dma_wait3A_498 : memref<1x128xi32, #tpu.memory_space<hbm>> -> memref<128xi32, #tpu.memory_space<hbm>>
    %dma_wait3A_500 = arith.constant 0 : i32
    %dma_wait3A_501 = tpu.memref_slice %arg5[%dma_wait3A_494, %dma_wait3A_500] : memref<32x128xi32, #tpu.memory_space<vmem>> -> memref<1x128xi32, #tpu.memory_space<vmem>>
    %dma_wait3A_502 = tpu.memref_squeeze %dma_wait3A_501 : memref<1x128xi32, #tpu.memory_space<vmem>> -> memref<128xi32, #tpu.memory_space<vmem>>
    %dma_wait3A_503 = tpu.memref_slice %arg2[%dma_wait3A_493, %mul3A_2] : memref<32x4608xi32, #tpu.memory_space<hbm>> -> memref<1x128xi32, #tpu.memory_space<hbm>>
    %dma_wait3A_504 = tpu.memref_squeeze %dma_wait3A_503 : memref<1x128xi32, #tpu.memory_space<hbm>> -> memref<128xi32, #tpu.memory_space<hbm>>
    tpu.wait_dma2 semaphore(%arg8 : memref<!tpu.dma_semaphore, #tpu.memory_space<semaphore_mem>>) src(%dma_wait3A_504 : memref<128xi32, #tpu.memory_space<hbm>>) dst(%dma_wait3A_502 : memref<128xi32, #tpu.memory_space<vmem>>)
    %dma_wait3A_505 = arith.constant 10 : i32
    %dma_wait3A_506 = arith.constant 10 : i32
    %dma_wait3A_507 = arith.constant 0 : i32
    %dma_wait3A_508 = tpu.memref_slice %arg5[%dma_wait3A_506, %dma_wait3A_507] : memref<32x128xi32, #tpu.memory_space<vmem>> -> memref<1x128xi32, #tpu.memory_space<vmem>>
    %dma_wait3A_509 = tpu.memref_squeeze %dma_wait3A_508 : memref<1x128xi32, #tpu.memory_space<vmem>> -> memref<128xi32, #tpu.memory_space<vmem>>
    %dma_wait3A_510 = tpu.memref_slice %arg2[%dma_wait3A_505, %mul3A_2] : memref<32x4608xi32, #tpu.memory_space<hbm>> -> memref<1x128xi32, #tpu.memory_space<hbm>>
    %dma_wait3A_511 = tpu.memref_squeeze %dma_wait3A_510 : memref<1x128xi32, #tpu.memory_space<hbm>> -> memref<128xi32, #tpu.memory_space<hbm>>
    %dma_wait3A_512 = arith.constant 0 : i32
    %dma_wait3A_513 = tpu.memref_slice %arg5[%dma_wait3A_506, %dma_wait3A_512] : memref<32x128xi32, #tpu.memory_space<vmem>> -> memref<1x128xi32, #tpu.memory_space<vmem>>
    %dma_wait3A_514 = tpu.memref_squeeze %dma_wait3A_513 : memref<1x128xi32, #tpu.memory_space<vmem>> -> memref<128xi32, #tpu.memory_space<vmem>>
    %dma_wait3A_515 = tpu.memref_slice %arg2[%dma_wait3A_505, %mul3A_2] : memref<32x4608xi32, #tpu.memory_space<hbm>> -> memref<1x128xi32, #tpu.memory_space<hbm>>
    %dma_wait3A_516 = tpu.memref_squeeze %dma_wait3A_515 : memref<1x128xi32, #tpu.memory_space<hbm>> -> memref<128xi32, #tpu.memory_space<hbm>>
    tpu.wait_dma2 semaphore(%arg8 : memref<!tpu.dma_semaphore, #tpu.memory_space<semaphore_mem>>) src(%dma_wait3A_516 : memref<128xi32, #tpu.memory_space<hbm>>) dst(%dma_wait3A_514 : memref<128xi32, #tpu.memory_space<vmem>>)
    %dma_wait3A_517 = arith.constant 11 : i32
    %dma_wait3A_518 = arith.constant 11 : i32
    %dma_wait3A_519 = arith.constant 0 : i32
    %dma_wait3A_520 = tpu.memref_slice %arg5[%dma_wait3A_518, %dma_wait3A_519] : memref<32x128xi32, #tpu.memory_space<vmem>> -> memref<1x128xi32, #tpu.memory_space<vmem>>
    %dma_wait3A_521 = tpu.memref_squeeze %dma_wait3A_520 : memref<1x128xi32, #tpu.memory_space<vmem>> -> memref<128xi32, #tpu.memory_space<vmem>>
    %dma_wait3A_522 = tpu.memref_slice %arg2[%dma_wait3A_517, %mul3A_2] : memref<32x4608xi32, #tpu.memory_space<hbm>> -> memref<1x128xi32, #tpu.memory_space<hbm>>
    %dma_wait3A_523 = tpu.memref_squeeze %dma_wait3A_522 : memref<1x128xi32, #tpu.memory_space<hbm>> -> memref<128xi32, #tpu.memory_space<hbm>>
    %dma_wait3A_524 = arith.constant 0 : i32
    %dma_wait3A_525 = tpu.memref_slice %arg5[%dma_wait3A_518, %dma_wait3A_524] : memref<32x128xi32, #tpu.memory_space<vmem>> -> memref<1x128xi32, #tpu.memory_space<vmem>>
    %dma_wait3A_526 = tpu.memref_squeeze %dma_wait3A_525 : memref<1x128xi32, #tpu.memory_space<vmem>> -> memref<128xi32, #tpu.memory_space<vmem>>
    %dma_wait3A_527 = tpu.memref_slice %arg2[%dma_wait3A_517, %mul3A_2] : memref<32x4608xi32, #tpu.memory_space<hbm>> -> memref<1x128xi32, #tpu.memory_space<hbm>>
    %dma_wait3A_528 = tpu.memref_squeeze %dma_wait3A_527 : memref<1x128xi32, #tpu.memory_space<hbm>> -> memref<128xi32, #tpu.memory_space<hbm>>
    tpu.wait_dma2 semaphore(%arg8 : memref<!tpu.dma_semaphore, #tpu.memory_space<semaphore_mem>>) src(%dma_wait3A_528 : memref<128xi32, #tpu.memory_space<hbm>>) dst(%dma_wait3A_526 : memref<128xi32, #tpu.memory_space<vmem>>)
    %dma_wait3A_529 = arith.constant 12 : i32
    %dma_wait3A_530 = arith.constant 12 : i32
    %dma_wait3A_531 = arith.constant 0 : i32
    %dma_wait3A_532 = tpu.memref_slice %arg5[%dma_wait3A_530, %dma_wait3A_531] : memref<32x128xi32, #tpu.memory_space<vmem>> -> memref<1x128xi32, #tpu.memory_space<vmem>>
    %dma_wait3A_533 = tpu.memref_squeeze %dma_wait3A_532 : memref<1x128xi32, #tpu.memory_space<vmem>> -> memref<128xi32, #tpu.memory_space<vmem>>
    %dma_wait3A_534 = tpu.memref_slice %arg2[%dma_wait3A_529, %mul3A_2] : memref<32x4608xi32, #tpu.memory_space<hbm>> -> memref<1x128xi32, #tpu.memory_space<hbm>>
    %dma_wait3A_535 = tpu.memref_squeeze %dma_wait3A_534 : memref<1x128xi32, #tpu.memory_space<hbm>> -> memref<128xi32, #tpu.memory_space<hbm>>
    %dma_wait3A_536 = arith.constant 0 : i32
    %dma_wait3A_537 = tpu.memref_slice %arg5[%dma_wait3A_530, %dma_wait3A_536] : memref<32x128xi32, #tpu.memory_space<vmem>> -> memref<1x128xi32, #tpu.memory_space<vmem>>
    %dma_wait3A_538 = tpu.memref_squeeze %dma_wait3A_537 : memref<1x128xi32, #tpu.memory_space<vmem>> -> memref<128xi32, #tpu.memory_space<vmem>>
    %dma_wait3A_539 = tpu.memref_slice %arg2[%dma_wait3A_529, %mul3A_2] : memref<32x4608xi32, #tpu.memory_space<hbm>> -> memref<1x128xi32, #tpu.memory_space<hbm>>
    %dma_wait3A_540 = tpu.memref_squeeze %dma_wait3A_539 : memref<1x128xi32, #tpu.memory_space<hbm>> -> memref<128xi32, #tpu.memory_space<hbm>>
    tpu.wait_dma2 semaphore(%arg8 : memref<!tpu.dma_semaphore, #tpu.memory_space<semaphore_mem>>) src(%dma_wait3A_540 : memref<128xi32, #tpu.memory_space<hbm>>) dst(%dma_wait3A_538 : memref<128xi32, #tpu.memory_space<vmem>>)
    %dma_wait3A_541 = arith.constant 13 : i32
    %dma_wait3A_542 = arith.constant 13 : i32
    %dma_wait3A_543 = arith.constant 0 : i32
    %dma_wait3A_544 = tpu.memref_slice %arg5[%dma_wait3A_542, %dma_wait3A_543] : memref<32x128xi32, #tpu.memory_space<vmem>> -> memref<1x128xi32, #tpu.memory_space<vmem>>
    %dma_wait3A_545 = tpu.memref_squeeze %dma_wait3A_544 : memref<1x128xi32, #tpu.memory_space<vmem>> -> memref<128xi32, #tpu.memory_space<vmem>>
    %dma_wait3A_546 = tpu.memref_slice %arg2[%dma_wait3A_541, %mul3A_2] : memref<32x4608xi32, #tpu.memory_space<hbm>> -> memref<1x128xi32, #tpu.memory_space<hbm>>
    %dma_wait3A_547 = tpu.memref_squeeze %dma_wait3A_546 : memref<1x128xi32, #tpu.memory_space<hbm>> -> memref<128xi32, #tpu.memory_space<hbm>>
    %dma_wait3A_548 = arith.constant 0 : i32
    %dma_wait3A_549 = tpu.memref_slice %arg5[%dma_wait3A_542, %dma_wait3A_548] : memref<32x128xi32, #tpu.memory_space<vmem>> -> memref<1x128xi32, #tpu.memory_space<vmem>>
    %dma_wait3A_550 = tpu.memref_squeeze %dma_wait3A_549 : memref<1x128xi32, #tpu.memory_space<vmem>> -> memref<128xi32, #tpu.memory_space<vmem>>
    %dma_wait3A_551 = tpu.memref_slice %arg2[%dma_wait3A_541, %mul3A_2] : memref<32x4608xi32, #tpu.memory_space<hbm>> -> memref<1x128xi32, #tpu.memory_space<hbm>>
    %dma_wait3A_552 = tpu.memref_squeeze %dma_wait3A_551 : memref<1x128xi32, #tpu.memory_space<hbm>> -> memref<128xi32, #tpu.memory_space<hbm>>
    tpu.wait_dma2 semaphore(%arg8 : memref<!tpu.dma_semaphore, #tpu.memory_space<semaphore_mem>>) src(%dma_wait3A_552 : memref<128xi32, #tpu.memory_space<hbm>>) dst(%dma_wait3A_550 : memref<128xi32, #tpu.memory_space<vmem>>)
    %dma_wait3A_553 = arith.constant 14 : i32
    %dma_wait3A_554 = arith.constant 14 : i32
    %dma_wait3A_555 = arith.constant 0 : i32
    %dma_wait3A_556 = tpu.memref_slice %arg5[%dma_wait3A_554, %dma_wait3A_555] : memref<32x128xi32, #tpu.memory_space<vmem>> -> memref<1x128xi32, #tpu.memory_space<vmem>>
    %dma_wait3A_557 = tpu.memref_squeeze %dma_wait3A_556 : memref<1x128xi32, #tpu.memory_space<vmem>> -> memref<128xi32, #tpu.memory_space<vmem>>
    %dma_wait3A_558 = tpu.memref_slice %arg2[%dma_wait3A_553, %mul3A_2] : memref<32x4608xi32, #tpu.memory_space<hbm>> -> memref<1x128xi32, #tpu.memory_space<hbm>>
    %dma_wait3A_559 = tpu.memref_squeeze %dma_wait3A_558 : memref<1x128xi32, #tpu.memory_space<hbm>> -> memref<128xi32, #tpu.memory_space<hbm>>
    %dma_wait3A_560 = arith.constant 0 : i32
    %dma_wait3A_561 = tpu.memref_slice %arg5[%dma_wait3A_554, %dma_wait3A_560] : memref<32x128xi32, #tpu.memory_space<vmem>> -> memref<1x128xi32, #tpu.memory_space<vmem>>
    %dma_wait3A_562 = tpu.memref_squeeze %dma_wait3A_561 : memref<1x128xi32, #tpu.memory_space<vmem>> -> memref<128xi32, #tpu.memory_space<vmem>>
    %dma_wait3A_563 = tpu.memref_slice %arg2[%dma_wait3A_553, %mul3A_2] : memref<32x4608xi32, #tpu.memory_space<hbm>> -> memref<1x128xi32, #tpu.memory_space<hbm>>
    %dma_wait3A_564 = tpu.memref_squeeze %dma_wait3A_563 : memref<1x128xi32, #tpu.memory_space<hbm>> -> memref<128xi32, #tpu.memory_space<hbm>>
    tpu.wait_dma2 semaphore(%arg8 : memref<!tpu.dma_semaphore, #tpu.memory_space<semaphore_mem>>) src(%dma_wait3A_564 : memref<128xi32, #tpu.memory_space<hbm>>) dst(%dma_wait3A_562 : memref<128xi32, #tpu.memory_space<vmem>>)
    %dma_wait3A_565 = arith.constant 15 : i32
    %dma_wait3A_566 = arith.constant 15 : i32
    %dma_wait3A_567 = arith.constant 0 : i32
    %dma_wait3A_568 = tpu.memref_slice %arg5[%dma_wait3A_566, %dma_wait3A_567] : memref<32x128xi32, #tpu.memory_space<vmem>> -> memref<1x128xi32, #tpu.memory_space<vmem>>
    %dma_wait3A_569 = tpu.memref_squeeze %dma_wait3A_568 : memref<1x128xi32, #tpu.memory_space<vmem>> -> memref<128xi32, #tpu.memory_space<vmem>>
    %dma_wait3A_570 = tpu.memref_slice %arg2[%dma_wait3A_565, %mul3A_2] : memref<32x4608xi32, #tpu.memory_space<hbm>> -> memref<1x128xi32, #tpu.memory_space<hbm>>
    %dma_wait3A_571 = tpu.memref_squeeze %dma_wait3A_570 : memref<1x128xi32, #tpu.memory_space<hbm>> -> memref<128xi32, #tpu.memory_space<hbm>>
    %dma_wait3A_572 = arith.constant 0 : i32
    %dma_wait3A_573 = tpu.memref_slice %arg5[%dma_wait3A_566, %dma_wait3A_572] : memref<32x128xi32, #tpu.memory_space<vmem>> -> memref<1x128xi32, #tpu.memory_space<vmem>>
    %dma_wait3A_574 = tpu.memref_squeeze %dma_wait3A_573 : memref<1x128xi32, #tpu.memory_space<vmem>> -> memref<128xi32, #tpu.memory_space<vmem>>
    %dma_wait3A_575 = tpu.memref_slice %arg2[%dma_wait3A_565, %mul3A_2] : memref<32x4608xi32, #tpu.memory_space<hbm>> -> memref<1x128xi32, #tpu.memory_space<hbm>>
    %dma_wait3A_576 = tpu.memref_squeeze %dma_wait3A_575 : memref<1x128xi32, #tpu.memory_space<hbm>> -> memref<128xi32, #tpu.memory_space<hbm>>
    tpu.wait_dma2 semaphore(%arg8 : memref<!tpu.dma_semaphore, #tpu.memory_space<semaphore_mem>>) src(%dma_wait3A_576 : memref<128xi32, #tpu.memory_space<hbm>>) dst(%dma_wait3A_574 : memref<128xi32, #tpu.memory_space<vmem>>)
    %dma_wait3A_577 = arith.constant 16 : i32
    %dma_wait3A_578 = arith.constant 16 : i32
    %dma_wait3A_579 = arith.constant 0 : i32
    %dma_wait3A_580 = tpu.memref_slice %arg5[%dma_wait3A_578, %dma_wait3A_579] : memref<32x128xi32, #tpu.memory_space<vmem>> -> memref<1x128xi32, #tpu.memory_space<vmem>>
    %dma_wait3A_581 = tpu.memref_squeeze %dma_wait3A_580 : memref<1x128xi32, #tpu.memory_space<vmem>> -> memref<128xi32, #tpu.memory_space<vmem>>
    %dma_wait3A_582 = tpu.memref_slice %arg2[%dma_wait3A_577, %mul3A_2] : memref<32x4608xi32, #tpu.memory_space<hbm>> -> memref<1x128xi32, #tpu.memory_space<hbm>>
    %dma_wait3A_583 = tpu.memref_squeeze %dma_wait3A_582 : memref<1x128xi32, #tpu.memory_space<hbm>> -> memref<128xi32, #tpu.memory_space<hbm>>
    %dma_wait3A_584 = arith.constant 0 : i32
    %dma_wait3A_585 = tpu.memref_slice %arg5[%dma_wait3A_578, %dma_wait3A_584] : memref<32x128xi32, #tpu.memory_space<vmem>> -> memref<1x128xi32, #tpu.memory_space<vmem>>
    %dma_wait3A_586 = tpu.memref_squeeze %dma_wait3A_585 : memref<1x128xi32, #tpu.memory_space<vmem>> -> memref<128xi32, #tpu.memory_space<vmem>>
    %dma_wait3A_587 = tpu.memref_slice %arg2[%dma_wait3A_577, %mul3A_2] : memref<32x4608xi32, #tpu.memory_space<hbm>> -> memref<1x128xi32, #tpu.memory_space<hbm>>
    %dma_wait3A_588 = tpu.memref_squeeze %dma_wait3A_587 : memref<1x128xi32, #tpu.memory_space<hbm>> -> memref<128xi32, #tpu.memory_space<hbm>>
    tpu.wait_dma2 semaphore(%arg8 : memref<!tpu.dma_semaphore, #tpu.memory_space<semaphore_mem>>) src(%dma_wait3A_588 : memref<128xi32, #tpu.memory_space<hbm>>) dst(%dma_wait3A_586 : memref<128xi32, #tpu.memory_space<vmem>>)
    %dma_wait3A_589 = arith.constant 17 : i32
    %dma_wait3A_590 = arith.constant 17 : i32
    %dma_wait3A_591 = arith.constant 0 : i32
    %dma_wait3A_592 = tpu.memref_slice %arg5[%dma_wait3A_590, %dma_wait3A_591] : memref<32x128xi32, #tpu.memory_space<vmem>> -> memref<1x128xi32, #tpu.memory_space<vmem>>
    %dma_wait3A_593 = tpu.memref_squeeze %dma_wait3A_592 : memref<1x128xi32, #tpu.memory_space<vmem>> -> memref<128xi32, #tpu.memory_space<vmem>>
    %dma_wait3A_594 = tpu.memref_slice %arg2[%dma_wait3A_589, %mul3A_2] : memref<32x4608xi32, #tpu.memory_space<hbm>> -> memref<1x128xi32, #tpu.memory_space<hbm>>
    %dma_wait3A_595 = tpu.memref_squeeze %dma_wait3A_594 : memref<1x128xi32, #tpu.memory_space<hbm>> -> memref<128xi32, #tpu.memory_space<hbm>>
    %dma_wait3A_596 = arith.constant 0 : i32
    %dma_wait3A_597 = tpu.memref_slice %arg5[%dma_wait3A_590, %dma_wait3A_596] : memref<32x128xi32, #tpu.memory_space<vmem>> -> memref<1x128xi32, #tpu.memory_space<vmem>>
    %dma_wait3A_598 = tpu.memref_squeeze %dma_wait3A_597 : memref<1x128xi32, #tpu.memory_space<vmem>> -> memref<128xi32, #tpu.memory_space<vmem>>
    %dma_wait3A_599 = tpu.memref_slice %arg2[%dma_wait3A_589, %mul3A_2] : memref<32x4608xi32, #tpu.memory_space<hbm>> -> memref<1x128xi32, #tpu.memory_space<hbm>>
    %dma_wait3A_600 = tpu.memref_squeeze %dma_wait3A_599 : memref<1x128xi32, #tpu.memory_space<hbm>> -> memref<128xi32, #tpu.memory_space<hbm>>
    tpu.wait_dma2 semaphore(%arg8 : memref<!tpu.dma_semaphore, #tpu.memory_space<semaphore_mem>>) src(%dma_wait3A_600 : memref<128xi32, #tpu.memory_space<hbm>>) dst(%dma_wait3A_598 : memref<128xi32, #tpu.memory_space<vmem>>)
    %dma_wait3A_601 = arith.constant 18 : i32
    %dma_wait3A_602 = arith.constant 18 : i32
    %dma_wait3A_603 = arith.constant 0 : i32
    %dma_wait3A_604 = tpu.memref_slice %arg5[%dma_wait3A_602, %dma_wait3A_603] : memref<32x128xi32, #tpu.memory_space<vmem>> -> memref<1x128xi32, #tpu.memory_space<vmem>>
    %dma_wait3A_605 = tpu.memref_squeeze %dma_wait3A_604 : memref<1x128xi32, #tpu.memory_space<vmem>> -> memref<128xi32, #tpu.memory_space<vmem>>
    %dma_wait3A_606 = tpu.memref_slice %arg2[%dma_wait3A_601, %mul3A_2] : memref<32x4608xi32, #tpu.memory_space<hbm>> -> memref<1x128xi32, #tpu.memory_space<hbm>>
    %dma_wait3A_607 = tpu.memref_squeeze %dma_wait3A_606 : memref<1x128xi32, #tpu.memory_space<hbm>> -> memref<128xi32, #tpu.memory_space<hbm>>
    %dma_wait3A_608 = arith.constant 0 : i32
    %dma_wait3A_609 = tpu.memref_slice %arg5[%dma_wait3A_602, %dma_wait3A_608] : memref<32x128xi32, #tpu.memory_space<vmem>> -> memref<1x128xi32, #tpu.memory_space<vmem>>
    %dma_wait3A_610 = tpu.memref_squeeze %dma_wait3A_609 : memref<1x128xi32, #tpu.memory_space<vmem>> -> memref<128xi32, #tpu.memory_space<vmem>>
    %dma_wait3A_611 = tpu.memref_slice %arg2[%dma_wait3A_601, %mul3A_2] : memref<32x4608xi32, #tpu.memory_space<hbm>> -> memref<1x128xi32, #tpu.memory_space<hbm>>
    %dma_wait3A_612 = tpu.memref_squeeze %dma_wait3A_611 : memref<1x128xi32, #tpu.memory_space<hbm>> -> memref<128xi32, #tpu.memory_space<hbm>>
    tpu.wait_dma2 semaphore(%arg8 : memref<!tpu.dma_semaphore, #tpu.memory_space<semaphore_mem>>) src(%dma_wait3A_612 : memref<128xi32, #tpu.memory_space<hbm>>) dst(%dma_wait3A_610 : memref<128xi32, #tpu.memory_space<vmem>>)
    %dma_wait3A_613 = arith.constant 19 : i32
    %dma_wait3A_614 = arith.constant 19 : i32
    %dma_wait3A_615 = arith.constant 0 : i32
    %dma_wait3A_616 = tpu.memref_slice %arg5[%dma_wait3A_614, %dma_wait3A_615] : memref<32x128xi32, #tpu.memory_space<vmem>> -> memref<1x128xi32, #tpu.memory_space<vmem>>
    %dma_wait3A_617 = tpu.memref_squeeze %dma_wait3A_616 : memref<1x128xi32, #tpu.memory_space<vmem>> -> memref<128xi32, #tpu.memory_space<vmem>>
    %dma_wait3A_618 = tpu.memref_slice %arg2[%dma_wait3A_613, %mul3A_2] : memref<32x4608xi32, #tpu.memory_space<hbm>> -> memref<1x128xi32, #tpu.memory_space<hbm>>
    %dma_wait3A_619 = tpu.memref_squeeze %dma_wait3A_618 : memref<1x128xi32, #tpu.memory_space<hbm>> -> memref<128xi32, #tpu.memory_space<hbm>>
    %dma_wait3A_620 = arith.constant 0 : i32
    %dma_wait3A_621 = tpu.memref_slice %arg5[%dma_wait3A_614, %dma_wait3A_620] : memref<32x128xi32, #tpu.memory_space<vmem>> -> memref<1x128xi32, #tpu.memory_space<vmem>>
    %dma_wait3A_622 = tpu.memref_squeeze %dma_wait3A_621 : memref<1x128xi32, #tpu.memory_space<vmem>> -> memref<128xi32, #tpu.memory_space<vmem>>
    %dma_wait3A_623 = tpu.memref_slice %arg2[%dma_wait3A_613, %mul3A_2] : memref<32x4608xi32, #tpu.memory_space<hbm>> -> memref<1x128xi32, #tpu.memory_space<hbm>>
    %dma_wait3A_624 = tpu.memref_squeeze %dma_wait3A_623 : memref<1x128xi32, #tpu.memory_space<hbm>> -> memref<128xi32, #tpu.memory_space<hbm>>
    tpu.wait_dma2 semaphore(%arg8 : memref<!tpu.dma_semaphore, #tpu.memory_space<semaphore_mem>>) src(%dma_wait3A_624 : memref<128xi32, #tpu.memory_space<hbm>>) dst(%dma_wait3A_622 : memref<128xi32, #tpu.memory_space<vmem>>)
    %dma_wait3A_625 = arith.constant 20 : i32
    %dma_wait3A_626 = arith.constant 20 : i32
    %dma_wait3A_627 = arith.constant 0 : i32
    %dma_wait3A_628 = tpu.memref_slice %arg5[%dma_wait3A_626, %dma_wait3A_627] : memref<32x128xi32, #tpu.memory_space<vmem>> -> memref<1x128xi32, #tpu.memory_space<vmem>>
    %dma_wait3A_629 = tpu.memref_squeeze %dma_wait3A_628 : memref<1x128xi32, #tpu.memory_space<vmem>> -> memref<128xi32, #tpu.memory_space<vmem>>
    %dma_wait3A_630 = tpu.memref_slice %arg2[%dma_wait3A_625, %mul3A_2] : memref<32x4608xi32, #tpu.memory_space<hbm>> -> memref<1x128xi32, #tpu.memory_space<hbm>>
    %dma_wait3A_631 = tpu.memref_squeeze %dma_wait3A_630 : memref<1x128xi32, #tpu.memory_space<hbm>> -> memref<128xi32, #tpu.memory_space<hbm>>
    %dma_wait3A_632 = arith.constant 0 : i32
    %dma_wait3A_633 = tpu.memref_slice %arg5[%dma_wait3A_626, %dma_wait3A_632] : memref<32x128xi32, #tpu.memory_space<vmem>> -> memref<1x128xi32, #tpu.memory_space<vmem>>
    %dma_wait3A_634 = tpu.memref_squeeze %dma_wait3A_633 : memref<1x128xi32, #tpu.memory_space<vmem>> -> memref<128xi32, #tpu.memory_space<vmem>>
    %dma_wait3A_635 = tpu.memref_slice %arg2[%dma_wait3A_625, %mul3A_2] : memref<32x4608xi32, #tpu.memory_space<hbm>> -> memref<1x128xi32, #tpu.memory_space<hbm>>
    %dma_wait3A_636 = tpu.memref_squeeze %dma_wait3A_635 : memref<1x128xi32, #tpu.memory_space<hbm>> -> memref<128xi32, #tpu.memory_space<hbm>>
    tpu.wait_dma2 semaphore(%arg8 : memref<!tpu.dma_semaphore, #tpu.memory_space<semaphore_mem>>) src(%dma_wait3A_636 : memref<128xi32, #tpu.memory_space<hbm>>) dst(%dma_wait3A_634 : memref<128xi32, #tpu.memory_space<vmem>>)
    %dma_wait3A_637 = arith.constant 21 : i32
    %dma_wait3A_638 = arith.constant 21 : i32
    %dma_wait3A_639 = arith.constant 0 : i32
    %dma_wait3A_640 = tpu.memref_slice %arg5[%dma_wait3A_638, %dma_wait3A_639] : memref<32x128xi32, #tpu.memory_space<vmem>> -> memref<1x128xi32, #tpu.memory_space<vmem>>
    %dma_wait3A_641 = tpu.memref_squeeze %dma_wait3A_640 : memref<1x128xi32, #tpu.memory_space<vmem>> -> memref<128xi32, #tpu.memory_space<vmem>>
    %dma_wait3A_642 = tpu.memref_slice %arg2[%dma_wait3A_637, %mul3A_2] : memref<32x4608xi32, #tpu.memory_space<hbm>> -> memref<1x128xi32, #tpu.memory_space<hbm>>
    %dma_wait3A_643 = tpu.memref_squeeze %dma_wait3A_642 : memref<1x128xi32, #tpu.memory_space<hbm>> -> memref<128xi32, #tpu.memory_space<hbm>>
    %dma_wait3A_644 = arith.constant 0 : i32
    %dma_wait3A_645 = tpu.memref_slice %arg5[%dma_wait3A_638, %dma_wait3A_644] : memref<32x128xi32, #tpu.memory_space<vmem>> -> memref<1x128xi32, #tpu.memory_space<vmem>>
    %dma_wait3A_646 = tpu.memref_squeeze %dma_wait3A_645 : memref<1x128xi32, #tpu.memory_space<vmem>> -> memref<128xi32, #tpu.memory_space<vmem>>
    %dma_wait3A_647 = tpu.memref_slice %arg2[%dma_wait3A_637, %mul3A_2] : memref<32x4608xi32, #tpu.memory_space<hbm>> -> memref<1x128xi32, #tpu.memory_space<hbm>>
    %dma_wait3A_648 = tpu.memref_squeeze %dma_wait3A_647 : memref<1x128xi32, #tpu.memory_space<hbm>> -> memref<128xi32, #tpu.memory_space<hbm>>
    tpu.wait_dma2 semaphore(%arg8 : memref<!tpu.dma_semaphore, #tpu.memory_space<semaphore_mem>>) src(%dma_wait3A_648 : memref<128xi32, #tpu.memory_space<hbm>>) dst(%dma_wait3A_646 : memref<128xi32, #tpu.memory_space<vmem>>)
    %dma_wait3A_649 = arith.constant 22 : i32
    %dma_wait3A_650 = arith.constant 22 : i32
    %dma_wait3A_651 = arith.constant 0 : i32
    %dma_wait3A_652 = tpu.memref_slice %arg5[%dma_wait3A_650, %dma_wait3A_651] : memref<32x128xi32, #tpu.memory_space<vmem>> -> memref<1x128xi32, #tpu.memory_space<vmem>>
    %dma_wait3A_653 = tpu.memref_squeeze %dma_wait3A_652 : memref<1x128xi32, #tpu.memory_space<vmem>> -> memref<128xi32, #tpu.memory_space<vmem>>
    %dma_wait3A_654 = tpu.memref_slice %arg2[%dma_wait3A_649, %mul3A_2] : memref<32x4608xi32, #tpu.memory_space<hbm>> -> memref<1x128xi32, #tpu.memory_space<hbm>>
    %dma_wait3A_655 = tpu.memref_squeeze %dma_wait3A_654 : memref<1x128xi32, #tpu.memory_space<hbm>> -> memref<128xi32, #tpu.memory_space<hbm>>
    %dma_wait3A_656 = arith.constant 0 : i32
    %dma_wait3A_657 = tpu.memref_slice %arg5[%dma_wait3A_650, %dma_wait3A_656] : memref<32x128xi32, #tpu.memory_space<vmem>> -> memref<1x128xi32, #tpu.memory_space<vmem>>
    %dma_wait3A_658 = tpu.memref_squeeze %dma_wait3A_657 : memref<1x128xi32, #tpu.memory_space<vmem>> -> memref<128xi32, #tpu.memory_space<vmem>>
    %dma_wait3A_659 = tpu.memref_slice %arg2[%dma_wait3A_649, %mul3A_2] : memref<32x4608xi32, #tpu.memory_space<hbm>> -> memref<1x128xi32, #tpu.memory_space<hbm>>
    %dma_wait3A_660 = tpu.memref_squeeze %dma_wait3A_659 : memref<1x128xi32, #tpu.memory_space<hbm>> -> memref<128xi32, #tpu.memory_space<hbm>>
    tpu.wait_dma2 semaphore(%arg8 : memref<!tpu.dma_semaphore, #tpu.memory_space<semaphore_mem>>) src(%dma_wait3A_660 : memref<128xi32, #tpu.memory_space<hbm>>) dst(%dma_wait3A_658 : memref<128xi32, #tpu.memory_space<vmem>>)
    %dma_wait3A_661 = arith.constant 23 : i32
    %dma_wait3A_662 = arith.constant 23 : i32
    %dma_wait3A_663 = arith.constant 0 : i32
    %dma_wait3A_664 = tpu.memref_slice %arg5[%dma_wait3A_662, %dma_wait3A_663] : memref<32x128xi32, #tpu.memory_space<vmem>> -> memref<1x128xi32, #tpu.memory_space<vmem>>
    %dma_wait3A_665 = tpu.memref_squeeze %dma_wait3A_664 : memref<1x128xi32, #tpu.memory_space<vmem>> -> memref<128xi32, #tpu.memory_space<vmem>>
    %dma_wait3A_666 = tpu.memref_slice %arg2[%dma_wait3A_661, %mul3A_2] : memref<32x4608xi32, #tpu.memory_space<hbm>> -> memref<1x128xi32, #tpu.memory_space<hbm>>
    %dma_wait3A_667 = tpu.memref_squeeze %dma_wait3A_666 : memref<1x128xi32, #tpu.memory_space<hbm>> -> memref<128xi32, #tpu.memory_space<hbm>>
    %dma_wait3A_668 = arith.constant 0 : i32
    %dma_wait3A_669 = tpu.memref_slice %arg5[%dma_wait3A_662, %dma_wait3A_668] : memref<32x128xi32, #tpu.memory_space<vmem>> -> memref<1x128xi32, #tpu.memory_space<vmem>>
    %dma_wait3A_670 = tpu.memref_squeeze %dma_wait3A_669 : memref<1x128xi32, #tpu.memory_space<vmem>> -> memref<128xi32, #tpu.memory_space<vmem>>
    %dma_wait3A_671 = tpu.memref_slice %arg2[%dma_wait3A_661, %mul3A_2] : memref<32x4608xi32, #tpu.memory_space<hbm>> -> memref<1x128xi32, #tpu.memory_space<hbm>>
    %dma_wait3A_672 = tpu.memref_squeeze %dma_wait3A_671 : memref<1x128xi32, #tpu.memory_space<hbm>> -> memref<128xi32, #tpu.memory_space<hbm>>
    tpu.wait_dma2 semaphore(%arg8 : memref<!tpu.dma_semaphore, #tpu.memory_space<semaphore_mem>>) src(%dma_wait3A_672 : memref<128xi32, #tpu.memory_space<hbm>>) dst(%dma_wait3A_670 : memref<128xi32, #tpu.memory_space<vmem>>)
    %dma_wait3A_673 = arith.constant 24 : i32
    %dma_wait3A_674 = arith.constant 24 : i32
    %dma_wait3A_675 = arith.constant 0 : i32
    %dma_wait3A_676 = tpu.memref_slice %arg5[%dma_wait3A_674, %dma_wait3A_675] : memref<32x128xi32, #tpu.memory_space<vmem>> -> memref<1x128xi32, #tpu.memory_space<vmem>>
    %dma_wait3A_677 = tpu.memref_squeeze %dma_wait3A_676 : memref<1x128xi32, #tpu.memory_space<vmem>> -> memref<128xi32, #tpu.memory_space<vmem>>
    %dma_wait3A_678 = tpu.memref_slice %arg2[%dma_wait3A_673, %mul3A_2] : memref<32x4608xi32, #tpu.memory_space<hbm>> -> memref<1x128xi32, #tpu.memory_space<hbm>>
    %dma_wait3A_679 = tpu.memref_squeeze %dma_wait3A_678 : memref<1x128xi32, #tpu.memory_space<hbm>> -> memref<128xi32, #tpu.memory_space<hbm>>
    %dma_wait3A_680 = arith.constant 0 : i32
    %dma_wait3A_681 = tpu.memref_slice %arg5[%dma_wait3A_674, %dma_wait3A_680] : memref<32x128xi32, #tpu.memory_space<vmem>> -> memref<1x128xi32, #tpu.memory_space<vmem>>
    %dma_wait3A_682 = tpu.memref_squeeze %dma_wait3A_681 : memref<1x128xi32, #tpu.memory_space<vmem>> -> memref<128xi32, #tpu.memory_space<vmem>>
    %dma_wait3A_683 = tpu.memref_slice %arg2[%dma_wait3A_673, %mul3A_2] : memref<32x4608xi32, #tpu.memory_space<hbm>> -> memref<1x128xi32, #tpu.memory_space<hbm>>
    %dma_wait3A_684 = tpu.memref_squeeze %dma_wait3A_683 : memref<1x128xi32, #tpu.memory_space<hbm>> -> memref<128xi32, #tpu.memory_space<hbm>>
    tpu.wait_dma2 semaphore(%arg8 : memref<!tpu.dma_semaphore, #tpu.memory_space<semaphore_mem>>) src(%dma_wait3A_684 : memref<128xi32, #tpu.memory_space<hbm>>) dst(%dma_wait3A_682 : memref<128xi32, #tpu.memory_space<vmem>>)
    %dma_wait3A_685 = arith.constant 25 : i32
    %dma_wait3A_686 = arith.constant 25 : i32
    %dma_wait3A_687 = arith.constant 0 : i32
    %dma_wait3A_688 = tpu.memref_slice %arg5[%dma_wait3A_686, %dma_wait3A_687] : memref<32x128xi32, #tpu.memory_space<vmem>> -> memref<1x128xi32, #tpu.memory_space<vmem>>
    %dma_wait3A_689 = tpu.memref_squeeze %dma_wait3A_688 : memref<1x128xi32, #tpu.memory_space<vmem>> -> memref<128xi32, #tpu.memory_space<vmem>>
    %dma_wait3A_690 = tpu.memref_slice %arg2[%dma_wait3A_685, %mul3A_2] : memref<32x4608xi32, #tpu.memory_space<hbm>> -> memref<1x128xi32, #tpu.memory_space<hbm>>
    %dma_wait3A_691 = tpu.memref_squeeze %dma_wait3A_690 : memref<1x128xi32, #tpu.memory_space<hbm>> -> memref<128xi32, #tpu.memory_space<hbm>>
    %dma_wait3A_692 = arith.constant 0 : i32
    %dma_wait3A_693 = tpu.memref_slice %arg5[%dma_wait3A_686, %dma_wait3A_692] : memref<32x128xi32, #tpu.memory_space<vmem>> -> memref<1x128xi32, #tpu.memory_space<vmem>>
    %dma_wait3A_694 = tpu.memref_squeeze %dma_wait3A_693 : memref<1x128xi32, #tpu.memory_space<vmem>> -> memref<128xi32, #tpu.memory_space<vmem>>
    %dma_wait3A_695 = tpu.memref_slice %arg2[%dma_wait3A_685, %mul3A_2] : memref<32x4608xi32, #tpu.memory_space<hbm>> -> memref<1x128xi32, #tpu.memory_space<hbm>>
    %dma_wait3A_696 = tpu.memref_squeeze %dma_wait3A_695 : memref<1x128xi32, #tpu.memory_space<hbm>> -> memref<128xi32, #tpu.memory_space<hbm>>
    tpu.wait_dma2 semaphore(%arg8 : memref<!tpu.dma_semaphore, #tpu.memory_space<semaphore_mem>>) src(%dma_wait3A_696 : memref<128xi32, #tpu.memory_space<hbm>>) dst(%dma_wait3A_694 : memref<128xi32, #tpu.memory_space<vmem>>)
    %dma_wait3A_697 = arith.constant 26 : i32
    %dma_wait3A_698 = arith.constant 26 : i32
    %dma_wait3A_699 = arith.constant 0 : i32
    %dma_wait3A_700 = tpu.memref_slice %arg5[%dma_wait3A_698, %dma_wait3A_699] : memref<32x128xi32, #tpu.memory_space<vmem>> -> memref<1x128xi32, #tpu.memory_space<vmem>>
    %dma_wait3A_701 = tpu.memref_squeeze %dma_wait3A_700 : memref<1x128xi32, #tpu.memory_space<vmem>> -> memref<128xi32, #tpu.memory_space<vmem>>
    %dma_wait3A_702 = tpu.memref_slice %arg2[%dma_wait3A_697, %mul3A_2] : memref<32x4608xi32, #tpu.memory_space<hbm>> -> memref<1x128xi32, #tpu.memory_space<hbm>>
    %dma_wait3A_703 = tpu.memref_squeeze %dma_wait3A_702 : memref<1x128xi32, #tpu.memory_space<hbm>> -> memref<128xi32, #tpu.memory_space<hbm>>
    %dma_wait3A_704 = arith.constant 0 : i32
    %dma_wait3A_705 = tpu.memref_slice %arg5[%dma_wait3A_698, %dma_wait3A_704] : memref<32x128xi32, #tpu.memory_space<vmem>> -> memref<1x128xi32, #tpu.memory_space<vmem>>
    %dma_wait3A_706 = tpu.memref_squeeze %dma_wait3A_705 : memref<1x128xi32, #tpu.memory_space<vmem>> -> memref<128xi32, #tpu.memory_space<vmem>>
    %dma_wait3A_707 = tpu.memref_slice %arg2[%dma_wait3A_697, %mul3A_2] : memref<32x4608xi32, #tpu.memory_space<hbm>> -> memref<1x128xi32, #tpu.memory_space<hbm>>
    %dma_wait3A_708 = tpu.memref_squeeze %dma_wait3A_707 : memref<1x128xi32, #tpu.memory_space<hbm>> -> memref<128xi32, #tpu.memory_space<hbm>>
    tpu.wait_dma2 semaphore(%arg8 : memref<!tpu.dma_semaphore, #tpu.memory_space<semaphore_mem>>) src(%dma_wait3A_708 : memref<128xi32, #tpu.memory_space<hbm>>) dst(%dma_wait3A_706 : memref<128xi32, #tpu.memory_space<vmem>>)
    %dma_wait3A_709 = arith.constant 27 : i32
    %dma_wait3A_710 = arith.constant 27 : i32
    %dma_wait3A_711 = arith.constant 0 : i32
    %dma_wait3A_712 = tpu.memref_slice %arg5[%dma_wait3A_710, %dma_wait3A_711] : memref<32x128xi32, #tpu.memory_space<vmem>> -> memref<1x128xi32, #tpu.memory_space<vmem>>
    %dma_wait3A_713 = tpu.memref_squeeze %dma_wait3A_712 : memref<1x128xi32, #tpu.memory_space<vmem>> -> memref<128xi32, #tpu.memory_space<vmem>>
    %dma_wait3A_714 = tpu.memref_slice %arg2[%dma_wait3A_709, %mul3A_2] : memref<32x4608xi32, #tpu.memory_space<hbm>> -> memref<1x128xi32, #tpu.memory_space<hbm>>
    %dma_wait3A_715 = tpu.memref_squeeze %dma_wait3A_714 : memref<1x128xi32, #tpu.memory_space<hbm>> -> memref<128xi32, #tpu.memory_space<hbm>>
    %dma_wait3A_716 = arith.constant 0 : i32
    %dma_wait3A_717 = tpu.memref_slice %arg5[%dma_wait3A_710, %dma_wait3A_716] : memref<32x128xi32, #tpu.memory_space<vmem>> -> memref<1x128xi32, #tpu.memory_space<vmem>>
    %dma_wait3A_718 = tpu.memref_squeeze %dma_wait3A_717 : memref<1x128xi32, #tpu.memory_space<vmem>> -> memref<128xi32, #tpu.memory_space<vmem>>
    %dma_wait3A_719 = tpu.memref_slice %arg2[%dma_wait3A_709, %mul3A_2] : memref<32x4608xi32, #tpu.memory_space<hbm>> -> memref<1x128xi32, #tpu.memory_space<hbm>>
    %dma_wait3A_720 = tpu.memref_squeeze %dma_wait3A_719 : memref<1x128xi32, #tpu.memory_space<hbm>> -> memref<128xi32, #tpu.memory_space<hbm>>
    tpu.wait_dma2 semaphore(%arg8 : memref<!tpu.dma_semaphore, #tpu.memory_space<semaphore_mem>>) src(%dma_wait3A_720 : memref<128xi32, #tpu.memory_space<hbm>>) dst(%dma_wait3A_718 : memref<128xi32, #tpu.memory_space<vmem>>)
    %dma_wait3A_721 = arith.constant 28 : i32
    %dma_wait3A_722 = arith.constant 28 : i32
    %dma_wait3A_723 = arith.constant 0 : i32
    %dma_wait3A_724 = tpu.memref_slice %arg5[%dma_wait3A_722, %dma_wait3A_723] : memref<32x128xi32, #tpu.memory_space<vmem>> -> memref<1x128xi32, #tpu.memory_space<vmem>>
    %dma_wait3A_725 = tpu.memref_squeeze %dma_wait3A_724 : memref<1x128xi32, #tpu.memory_space<vmem>> -> memref<128xi32, #tpu.memory_space<vmem>>
    %dma_wait3A_726 = tpu.memref_slice %arg2[%dma_wait3A_721, %mul3A_2] : memref<32x4608xi32, #tpu.memory_space<hbm>> -> memref<1x128xi32, #tpu.memory_space<hbm>>
    %dma_wait3A_727 = tpu.memref_squeeze %dma_wait3A_726 : memref<1x128xi32, #tpu.memory_space<hbm>> -> memref<128xi32, #tpu.memory_space<hbm>>
    %dma_wait3A_728 = arith.constant 0 : i32
    %dma_wait3A_729 = tpu.memref_slice %arg5[%dma_wait3A_722, %dma_wait3A_728] : memref<32x128xi32, #tpu.memory_space<vmem>> -> memref<1x128xi32, #tpu.memory_space<vmem>>
    %dma_wait3A_730 = tpu.memref_squeeze %dma_wait3A_729 : memref<1x128xi32, #tpu.memory_space<vmem>> -> memref<128xi32, #tpu.memory_space<vmem>>
    %dma_wait3A_731 = tpu.memref_slice %arg2[%dma_wait3A_721, %mul3A_2] : memref<32x4608xi32, #tpu.memory_space<hbm>> -> memref<1x128xi32, #tpu.memory_space<hbm>>
    %dma_wait3A_732 = tpu.memref_squeeze %dma_wait3A_731 : memref<1x128xi32, #tpu.memory_space<hbm>> -> memref<128xi32, #tpu.memory_space<hbm>>
    tpu.wait_dma2 semaphore(%arg8 : memref<!tpu.dma_semaphore, #tpu.memory_space<semaphore_mem>>) src(%dma_wait3A_732 : memref<128xi32, #tpu.memory_space<hbm>>) dst(%dma_wait3A_730 : memref<128xi32, #tpu.memory_space<vmem>>)
    %dma_wait3A_733 = arith.constant 29 : i32
    %dma_wait3A_734 = arith.constant 29 : i32
    %dma_wait3A_735 = arith.constant 0 : i32
    %dma_wait3A_736 = tpu.memref_slice %arg5[%dma_wait3A_734, %dma_wait3A_735] : memref<32x128xi32, #tpu.memory_space<vmem>> -> memref<1x128xi32, #tpu.memory_space<vmem>>
    %dma_wait3A_737 = tpu.memref_squeeze %dma_wait3A_736 : memref<1x128xi32, #tpu.memory_space<vmem>> -> memref<128xi32, #tpu.memory_space<vmem>>
    %dma_wait3A_738 = tpu.memref_slice %arg2[%dma_wait3A_733, %mul3A_2] : memref<32x4608xi32, #tpu.memory_space<hbm>> -> memref<1x128xi32, #tpu.memory_space<hbm>>
    %dma_wait3A_739 = tpu.memref_squeeze %dma_wait3A_738 : memref<1x128xi32, #tpu.memory_space<hbm>> -> memref<128xi32, #tpu.memory_space<hbm>>
    %dma_wait3A_740 = arith.constant 0 : i32
    %dma_wait3A_741 = tpu.memref_slice %arg5[%dma_wait3A_734, %dma_wait3A_740] : memref<32x128xi32, #tpu.memory_space<vmem>> -> memref<1x128xi32, #tpu.memory_space<vmem>>
    %dma_wait3A_742 = tpu.memref_squeeze %dma_wait3A_741 : memref<1x128xi32, #tpu.memory_space<vmem>> -> memref<128xi32, #tpu.memory_space<vmem>>
    %dma_wait3A_743 = tpu.memref_slice %arg2[%dma_wait3A_733, %mul3A_2] : memref<32x4608xi32, #tpu.memory_space<hbm>> -> memref<1x128xi32, #tpu.memory_space<hbm>>
    %dma_wait3A_744 = tpu.memref_squeeze %dma_wait3A_743 : memref<1x128xi32, #tpu.memory_space<hbm>> -> memref<128xi32, #tpu.memory_space<hbm>>
    tpu.wait_dma2 semaphore(%arg8 : memref<!tpu.dma_semaphore, #tpu.memory_space<semaphore_mem>>) src(%dma_wait3A_744 : memref<128xi32, #tpu.memory_space<hbm>>) dst(%dma_wait3A_742 : memref<128xi32, #tpu.memory_space<vmem>>)
    %dma_wait3A_745 = arith.constant 30 : i32
    %dma_wait3A_746 = arith.constant 30 : i32
    %dma_wait3A_747 = arith.constant 0 : i32
    %dma_wait3A_748 = tpu.memref_slice %arg5[%dma_wait3A_746, %dma_wait3A_747] : memref<32x128xi32, #tpu.memory_space<vmem>> -> memref<1x128xi32, #tpu.memory_space<vmem>>
    %dma_wait3A_749 = tpu.memref_squeeze %dma_wait3A_748 : memref<1x128xi32, #tpu.memory_space<vmem>> -> memref<128xi32, #tpu.memory_space<vmem>>
    %dma_wait3A_750 = tpu.memref_slice %arg2[%dma_wait3A_745, %mul3A_2] : memref<32x4608xi32, #tpu.memory_space<hbm>> -> memref<1x128xi32, #tpu.memory_space<hbm>>
    %dma_wait3A_751 = tpu.memref_squeeze %dma_wait3A_750 : memref<1x128xi32, #tpu.memory_space<hbm>> -> memref<128xi32, #tpu.memory_space<hbm>>
    %dma_wait3A_752 = arith.constant 0 : i32
    %dma_wait3A_753 = tpu.memref_slice %arg5[%dma_wait3A_746, %dma_wait3A_752] : memref<32x128xi32, #tpu.memory_space<vmem>> -> memref<1x128xi32, #tpu.memory_space<vmem>>
    %dma_wait3A_754 = tpu.memref_squeeze %dma_wait3A_753 : memref<1x128xi32, #tpu.memory_space<vmem>> -> memref<128xi32, #tpu.memory_space<vmem>>
    %dma_wait3A_755 = tpu.memref_slice %arg2[%dma_wait3A_745, %mul3A_2] : memref<32x4608xi32, #tpu.memory_space<hbm>> -> memref<1x128xi32, #tpu.memory_space<hbm>>
    %dma_wait3A_756 = tpu.memref_squeeze %dma_wait3A_755 : memref<1x128xi32, #tpu.memory_space<hbm>> -> memref<128xi32, #tpu.memory_space<hbm>>
    tpu.wait_dma2 semaphore(%arg8 : memref<!tpu.dma_semaphore, #tpu.memory_space<semaphore_mem>>) src(%dma_wait3A_756 : memref<128xi32, #tpu.memory_space<hbm>>) dst(%dma_wait3A_754 : memref<128xi32, #tpu.memory_space<vmem>>)
    %dma_wait3A_757 = arith.constant 31 : i32
    %dma_wait3A_758 = arith.constant 31 : i32
    %dma_wait3A_759 = arith.constant 0 : i32
    %dma_wait3A_760 = tpu.memref_slice %arg5[%dma_wait3A_758, %dma_wait3A_759] : memref<32x128xi32, #tpu.memory_space<vmem>> -> memref<1x128xi32, #tpu.memory_space<vmem>>
    %dma_wait3A_761 = tpu.memref_squeeze %dma_wait3A_760 : memref<1x128xi32, #tpu.memory_space<vmem>> -> memref<128xi32, #tpu.memory_space<vmem>>
    %dma_wait3A_762 = tpu.memref_slice %arg2[%dma_wait3A_757, %mul3A_2] : memref<32x4608xi32, #tpu.memory_space<hbm>> -> memref<1x128xi32, #tpu.memory_space<hbm>>
    %dma_wait3A_763 = tpu.memref_squeeze %dma_wait3A_762 : memref<1x128xi32, #tpu.memory_space<hbm>> -> memref<128xi32, #tpu.memory_space<hbm>>
    %dma_wait3A_764 = arith.constant 0 : i32
    %dma_wait3A_765 = tpu.memref_slice %arg5[%dma_wait3A_758, %dma_wait3A_764] : memref<32x128xi32, #tpu.memory_space<vmem>> -> memref<1x128xi32, #tpu.memory_space<vmem>>
    %dma_wait3A_766 = tpu.memref_squeeze %dma_wait3A_765 : memref<1x128xi32, #tpu.memory_space<vmem>> -> memref<128xi32, #tpu.memory_space<vmem>>
    %dma_wait3A_767 = tpu.memref_slice %arg2[%dma_wait3A_757, %mul3A_2] : memref<32x4608xi32, #tpu.memory_space<hbm>> -> memref<1x128xi32, #tpu.memory_space<hbm>>
    %dma_wait3A_768 = tpu.memref_squeeze %dma_wait3A_767 : memref<1x128xi32, #tpu.memory_space<hbm>> -> memref<128xi32, #tpu.memory_space<hbm>>
    tpu.wait_dma2 semaphore(%arg8 : memref<!tpu.dma_semaphore, #tpu.memory_space<semaphore_mem>>) src(%dma_wait3A_768 : memref<128xi32, #tpu.memory_space<hbm>>) dst(%dma_wait3A_766 : memref<128xi32, #tpu.memory_space<vmem>>)
    %broadcast_in_dim3A = arith.constant 0 : i32
    %broadcast_in_dim3A_769 = vector.broadcast %broadcast_in_dim3A : i32 to vector<16xi32>
    %get3A = arith.constant 0 : i32
    %get3A_770 = arith.index_cast %get3A : i32 to index
    %get3A_771 = arith.constant 0 : index
    %get3A_772 = tpu.vector_load %arg5[%get3A_770, %get3A_771] {strides = array<i32>} : memref<32x128xi32, #tpu.memory_space<vmem>>, vector<1x16xi32>,
    %get3A_773 = vector.shape_cast %get3A_772 : vector<1x16xi32> to vector<16xi32>
    %add3A_774 = arith.addi %broadcast_in_dim3A_769, %get3A_773 : vector<16xi32>
    %get3A_775 = arith.constant 1 : i32
    %get3A_776 = arith.index_cast %get3A_775 : i32 to index
    %get3A_777 = arith.constant 0 : index
    %get3A_778 = tpu.vector_load %arg5[%get3A_776, %get3A_777] {strides = array<i32>} : memref<32x128xi32, #tpu.memory_space<vmem>>, vector<1x16xi32>,
    %get3A_779 = vector.shape_cast %get3A_778 : vector<1x16xi32> to vector<16xi32>
    %add3A_780 = arith.addi %add3A_774, %get3A_779 : vector<16xi32>
    %get3A_781 = arith.constant 2 : i32
    %get3A_782 = arith.index_cast %get3A_781 : i32 to index
    %get3A_783 = arith.constant 0 : index
    %get3A_784 = tpu.vector_load %arg5[%get3A_782, %get3A_783] {strides = array<i32>} : memref<32x128xi32, #tpu.memory_space<vmem>>, vector<1x16xi32>,
    %get3A_785 = vector.shape_cast %get3A_784 : vector<1x16xi32> to vector<16xi32>
    %add3A_786 = arith.addi %add3A_780, %get3A_785 : vector<16xi32>
    %get3A_787 = arith.constant 3 : i32
    %get3A_788 = arith.index_cast %get3A_787 : i32 to index
    %get3A_789 = arith.constant 0 : index
    %get3A_790 = tpu.vector_load %arg5[%get3A_788, %get3A_789] {strides = array<i32>} : memref<32x128xi32, #tpu.memory_space<vmem>>, vector<1x16xi32>,
    %get3A_791 = vector.shape_cast %get3A_790 : vector<1x16xi32> to vector<16xi32>
    %add3A_792 = arith.addi %add3A_786, %get3A_791 : vector<16xi32>
    %get3A_793 = arith.constant 4 : i32
    %get3A_794 = arith.index_cast %get3A_793 : i32 to index
    %get3A_795 = arith.constant 0 : index
    %get3A_796 = tpu.vector_load %arg5[%get3A_794, %get3A_795] {strides = array<i32>} : memref<32x128xi32, #tpu.memory_space<vmem>>, vector<1x16xi32>,
    %get3A_797 = vector.shape_cast %get3A_796 : vector<1x16xi32> to vector<16xi32>
    %add3A_798 = arith.addi %add3A_792, %get3A_797 : vector<16xi32>
    %get3A_799 = arith.constant 5 : i32
    %get3A_800 = arith.index_cast %get3A_799 : i32 to index
    %get3A_801 = arith.constant 0 : index
    %get3A_802 = tpu.vector_load %arg5[%get3A_800, %get3A_801] {strides = array<i32>} : memref<32x128xi32, #tpu.memory_space<vmem>>, vector<1x16xi32>,
    %get3A_803 = vector.shape_cast %get3A_802 : vector<1x16xi32> to vector<16xi32>
    %add3A_804 = arith.addi %add3A_798, %get3A_803 : vector<16xi32>
    %get3A_805 = arith.constant 6 : i32
    %get3A_806 = arith.index_cast %get3A_805 : i32 to index
    %get3A_807 = arith.constant 0 : index
    %get3A_808 = tpu.vector_load %arg5[%get3A_806, %get3A_807] {strides = array<i32>} : memref<32x128xi32, #tpu.memory_space<vmem>>, vector<1x16xi32>,
    %get3A_809 = vector.shape_cast %get3A_808 : vector<1x16xi32> to vector<16xi32>
    %add3A_810 = arith.addi %add3A_804, %get3A_809 : vector<16xi32>
    %get3A_811 = arith.constant 7 : i32
    %get3A_812 = arith.index_cast %get3A_811 : i32 to index
    %get3A_813 = arith.constant 0 : index
    %get3A_814 = tpu.vector_load %arg5[%get3A_812, %get3A_813] {strides = array<i32>} : memref<32x128xi32, #tpu.memory_space<vmem>>, vector<1x16xi32>,
    %get3A_815 = vector.shape_cast %get3A_814 : vector<1x16xi32> to vector<16xi32>
    %add3A_816 = arith.addi %add3A_810, %get3A_815 : vector<16xi32>
    %get3A_817 = arith.constant 8 : i32
    %get3A_818 = arith.index_cast %get3A_817 : i32 to index
    %get3A_819 = arith.constant 0 : index
    %get3A_820 = tpu.vector_load %arg5[%get3A_818, %get3A_819] {strides = array<i32>} : memref<32x128xi32, #tpu.memory_space<vmem>>, vector<1x16xi32>,
    %get3A_821 = vector.shape_cast %get3A_820 : vector<1x16xi32> to vector<16xi32>
    %add3A_822 = arith.addi %add3A_816, %get3A_821 : vector<16xi32>
    %get3A_823 = arith.constant 9 : i32
    %get3A_824 = arith.index_cast %get3A_823 : i32 to index
    %get3A_825 = arith.constant 0 : index
    %get3A_826 = tpu.vector_load %arg5[%get3A_824, %get3A_825] {strides = array<i32>} : memref<32x128xi32, #tpu.memory_space<vmem>>, vector<1x16xi32>,
    %get3A_827 = vector.shape_cast %get3A_826 : vector<1x16xi32> to vector<16xi32>
    %add3A_828 = arith.addi %add3A_822, %get3A_827 : vector<16xi32>
    %get3A_829 = arith.constant 10 : i32
    %get3A_830 = arith.index_cast %get3A_829 : i32 to index
    %get3A_831 = arith.constant 0 : index
    %get3A_832 = tpu.vector_load %arg5[%get3A_830, %get3A_831] {strides = array<i32>} : memref<32x128xi32, #tpu.memory_space<vmem>>, vector<1x16xi32>,
    %get3A_833 = vector.shape_cast %get3A_832 : vector<1x16xi32> to vector<16xi32>
    %add3A_834 = arith.addi %add3A_828, %get3A_833 : vector<16xi32>
    %get3A_835 = arith.constant 11 : i32
    %get3A_836 = arith.index_cast %get3A_835 : i32 to index
    %get3A_837 = arith.constant 0 : index
    %get3A_838 = tpu.vector_load %arg5[%get3A_836, %get3A_837] {strides = array<i32>} : memref<32x128xi32, #tpu.memory_space<vmem>>, vector<1x16xi32>,
    %get3A_839 = vector.shape_cast %get3A_838 : vector<1x16xi32> to vector<16xi32>
    %add3A_840 = arith.addi %add3A_834, %get3A_839 : vector<16xi32>
    %get3A_841 = arith.constant 12 : i32
    %get3A_842 = arith.index_cast %get3A_841 : i32 to index
    %get3A_843 = arith.constant 0 : index
    %get3A_844 = tpu.vector_load %arg5[%get3A_842, %get3A_843] {strides = array<i32>} : memref<32x128xi32, #tpu.memory_space<vmem>>, vector<1x16xi32>,
    %get3A_845 = vector.shape_cast %get3A_844 : vector<1x16xi32> to vector<16xi32>
    %add3A_846 = arith.addi %add3A_840, %get3A_845 : vector<16xi32>
    %get3A_847 = arith.constant 13 : i32
    %get3A_848 = arith.index_cast %get3A_847 : i32 to index
    %get3A_849 = arith.constant 0 : index
    %get3A_850 = tpu.vector_load %arg5[%get3A_848, %get3A_849] {strides = array<i32>} : memref<32x128xi32, #tpu.memory_space<vmem>>, vector<1x16xi32>,
    %get3A_851 = vector.shape_cast %get3A_850 : vector<1x16xi32> to vector<16xi32>
    %add3A_852 = arith.addi %add3A_846, %get3A_851 : vector<16xi32>
    %get3A_853 = arith.constant 14 : i32
    %get3A_854 = arith.index_cast %get3A_853 : i32 to index
    %get3A_855 = arith.constant 0 : index
    %get3A_856 = tpu.vector_load %arg5[%get3A_854, %get3A_855] {strides = array<i32>} : memref<32x128xi32, #tpu.memory_space<vmem>>, vector<1x16xi32>,
    %get3A_857 = vector.shape_cast %get3A_856 : vector<1x16xi32> to vector<16xi32>
    %add3A_858 = arith.addi %add3A_852, %get3A_857 : vector<16xi32>
    %get3A_859 = arith.constant 15 : i32
    %get3A_860 = arith.index_cast %get3A_859 : i32 to index
    %get3A_861 = arith.constant 0 : index
    %get3A_862 = tpu.vector_load %arg5[%get3A_860, %get3A_861] {strides = array<i32>} : memref<32x128xi32, #tpu.memory_space<vmem>>, vector<1x16xi32>,
    %get3A_863 = vector.shape_cast %get3A_862 : vector<1x16xi32> to vector<16xi32>
    %add3A_864 = arith.addi %add3A_858, %get3A_863 : vector<16xi32>
    %get3A_865 = arith.constant 16 : i32
    %get3A_866 = arith.index_cast %get3A_865 : i32 to index
    %get3A_867 = arith.constant 0 : index
    %get3A_868 = tpu.vector_load %arg5[%get3A_866, %get3A_867] {strides = array<i32>} : memref<32x128xi32, #tpu.memory_space<vmem>>, vector<1x16xi32>,
    %get3A_869 = vector.shape_cast %get3A_868 : vector<1x16xi32> to vector<16xi32>
    %add3A_870 = arith.addi %add3A_864, %get3A_869 : vector<16xi32>
    %get3A_871 = arith.constant 17 : i32
    %get3A_872 = arith.index_cast %get3A_871 : i32 to index
    %get3A_873 = arith.constant 0 : index
    %get3A_874 = tpu.vector_load %arg5[%get3A_872, %get3A_873] {strides = array<i32>} : memref<32x128xi32, #tpu.memory_space<vmem>>, vector<1x16xi32>,
    %get3A_875 = vector.shape_cast %get3A_874 : vector<1x16xi32> to vector<16xi32>
    %add3A_876 = arith.addi %add3A_870, %get3A_875 : vector<16xi32>
    %get3A_877 = arith.constant 18 : i32
    %get3A_878 = arith.index_cast %get3A_877 : i32 to index
    %get3A_879 = arith.constant 0 : index
    %get3A_880 = tpu.vector_load %arg5[%get3A_878, %get3A_879] {strides = array<i32>} : memref<32x128xi32, #tpu.memory_space<vmem>>, vector<1x16xi32>,
    %get3A_881 = vector.shape_cast %get3A_880 : vector<1x16xi32> to vector<16xi32>
    %add3A_882 = arith.addi %add3A_876, %get3A_881 : vector<16xi32>
    %get3A_883 = arith.constant 19 : i32
    %get3A_884 = arith.index_cast %get3A_883 : i32 to index
    %get3A_885 = arith.constant 0 : index
    %get3A_886 = tpu.vector_load %arg5[%get3A_884, %get3A_885] {strides = array<i32>} : memref<32x128xi32, #tpu.memory_space<vmem>>, vector<1x16xi32>,
    %get3A_887 = vector.shape_cast %get3A_886 : vector<1x16xi32> to vector<16xi32>
    %add3A_888 = arith.addi %add3A_882, %get3A_887 : vector<16xi32>
    %get3A_889 = arith.constant 20 : i32
    %get3A_890 = arith.index_cast %get3A_889 : i32 to index
    %get3A_891 = arith.constant 0 : index
    %get3A_892 = tpu.vector_load %arg5[%get3A_890, %get3A_891] {strides = array<i32>} : memref<32x128xi32, #tpu.memory_space<vmem>>, vector<1x16xi32>,
    %get3A_893 = vector.shape_cast %get3A_892 : vector<1x16xi32> to vector<16xi32>
    %add3A_894 = arith.addi %add3A_888, %get3A_893 : vector<16xi32>
    %get3A_895 = arith.constant 21 : i32
    %get3A_896 = arith.index_cast %get3A_895 : i32 to index
    %get3A_897 = arith.constant 0 : index
    %get3A_898 = tpu.vector_load %arg5[%get3A_896, %get3A_897] {strides = array<i32>} : memref<32x128xi32, #tpu.memory_space<vmem>>, vector<1x16xi32>,
    %get3A_899 = vector.shape_cast %get3A_898 : vector<1x16xi32> to vector<16xi32>
    %add3A_900 = arith.addi %add3A_894, %get3A_899 : vector<16xi32>
    %get3A_901 = arith.constant 22 : i32
    %get3A_902 = arith.index_cast %get3A_901 : i32 to index
    %get3A_903 = arith.constant 0 : index
    %get3A_904 = tpu.vector_load %arg5[%get3A_902, %get3A_903] {strides = array<i32>} : memref<32x128xi32, #tpu.memory_space<vmem>>, vector<1x16xi32>,
    %get3A_905 = vector.shape_cast %get3A_904 : vector<1x16xi32> to vector<16xi32>
    %add3A_906 = arith.addi %add3A_900, %get3A_905 : vector<16xi32>
    %get3A_907 = arith.constant 23 : i32
    %get3A_908 = arith.index_cast %get3A_907 : i32 to index
    %get3A_909 = arith.constant 0 : index
    %get3A_910 = tpu.vector_load %arg5[%get3A_908, %get3A_909] {strides = array<i32>} : memref<32x128xi32, #tpu.memory_space<vmem>>, vector<1x16xi32>,
    %get3A_911 = vector.shape_cast %get3A_910 : vector<1x16xi32> to vector<16xi32>
    %add3A_912 = arith.addi %add3A_906, %get3A_911 : vector<16xi32>
    %get3A_913 = arith.constant 24 : i32
    %get3A_914 = arith.index_cast %get3A_913 : i32 to index
    %get3A_915 = arith.constant 0 : index
    %get3A_916 = tpu.vector_load %arg5[%get3A_914, %get3A_915] {strides = array<i32>} : memref<32x128xi32, #tpu.memory_space<vmem>>, vector<1x16xi32>,
    %get3A_917 = vector.shape_cast %get3A_916 : vector<1x16xi32> to vector<16xi32>
    %add3A_918 = arith.addi %add3A_912, %get3A_917 : vector<16xi32>
    %get3A_919 = arith.constant 25 : i32
    %get3A_920 = arith.index_cast %get3A_919 : i32 to index
    %get3A_921 = arith.constant 0 : index
    %get3A_922 = tpu.vector_load %arg5[%get3A_920, %get3A_921] {strides = array<i32>} : memref<32x128xi32, #tpu.memory_space<vmem>>, vector<1x16xi32>,
    %get3A_923 = vector.shape_cast %get3A_922 : vector<1x16xi32> to vector<16xi32>
    %add3A_924 = arith.addi %add3A_918, %get3A_923 : vector<16xi32>
    %get3A_925 = arith.constant 26 : i32
    %get3A_926 = arith.index_cast %get3A_925 : i32 to index
    %get3A_927 = arith.constant 0 : index
    %get3A_928 = tpu.vector_load %arg5[%get3A_926, %get3A_927] {strides = array<i32>} : memref<32x128xi32, #tpu.memory_space<vmem>>, vector<1x16xi32>,
    %get3A_929 = vector.shape_cast %get3A_928 : vector<1x16xi32> to vector<16xi32>
    %add3A_930 = arith.addi %add3A_924, %get3A_929 : vector<16xi32>
    %get3A_931 = arith.constant 27 : i32
    %get3A_932 = arith.index_cast %get3A_931 : i32 to index
    %get3A_933 = arith.constant 0 : index
    %get3A_934 = tpu.vector_load %arg5[%get3A_932, %get3A_933] {strides = array<i32>} : memref<32x128xi32, #tpu.memory_space<vmem>>, vector<1x16xi32>,
    %get3A_935 = vector.shape_cast %get3A_934 : vector<1x16xi32> to vector<16xi32>
    %add3A_936 = arith.addi %add3A_930, %get3A_935 : vector<16xi32>
    %get3A_937 = arith.constant 28 : i32
    %get3A_938 = arith.index_cast %get3A_937 : i32 to index
    %get3A_939 = arith.constant 0 : index
    %get3A_940 = tpu.vector_load %arg5[%get3A_938, %get3A_939] {strides = array<i32>} : memref<32x128xi32, #tpu.memory_space<vmem>>, vector<1x16xi32>,
    %get3A_941 = vector.shape_cast %get3A_940 : vector<1x16xi32> to vector<16xi32>
    %add3A_942 = arith.addi %add3A_936, %get3A_941 : vector<16xi32>
    %get3A_943 = arith.constant 29 : i32
    %get3A_944 = arith.index_cast %get3A_943 : i32 to index
    %get3A_945 = arith.constant 0 : index
    %get3A_946 = tpu.vector_load %arg5[%get3A_944, %get3A_945] {strides = array<i32>} : memref<32x128xi32, #tpu.memory_space<vmem>>, vector<1x16xi32>,
    %get3A_947 = vector.shape_cast %get3A_946 : vector<1x16xi32> to vector<16xi32>
    %add3A_948 = arith.addi %add3A_942, %get3A_947 : vector<16xi32>
    %get3A_949 = arith.constant 30 : i32
    %get3A_950 = arith.index_cast %get3A_949 : i32 to index
    %get3A_951 = arith.constant 0 : index
    %get3A_952 = tpu.vector_load %arg5[%get3A_950, %get3A_951] {strides = array<i32>} : memref<32x128xi32, #tpu.memory_space<vmem>>, vector<1x16xi32>,
    %get3A_953 = vector.shape_cast %get3A_952 : vector<1x16xi32> to vector<16xi32>
    %add3A_954 = arith.addi %add3A_948, %get3A_953 : vector<16xi32>
    %get3A_955 = arith.constant 31 : i32
    %get3A_956 = arith.index_cast %get3A_955 : i32 to index
    %get3A_957 = arith.constant 0 : index
    %get3A_958 = tpu.vector_load %arg5[%get3A_956, %get3A_957] {strides = array<i32>} : memref<32x128xi32, #tpu.memory_space<vmem>>, vector<1x16xi32>,
    %get3A_959 = vector.shape_cast %get3A_958 : vector<1x16xi32> to vector<16xi32>
    %add3A_960 = arith.addi %add3A_954, %get3A_959 : vector<16xi32>
    %convert_element_type3A = arith.sitofp %add3A_960 : vector<16xi32> to vector<16xf32>
    %mul3A_961 = arith.constant 6.10351563E-5 : f32
    %mul3A_962 = vector.broadcast %mul3A_961 : f32 to vector<16xf32>
    %mul3A_963 = arith.mulf %convert_element_type3A, %mul3A_962 : vector<16xf32>
    %get3A_964 = arith.constant 0 : index
    %get3A_965 = tpu.vector_load %arg6[%get3A_964] {strides = array<i32>} : memref<128xf32, #tpu.memory_space<vmem>>, vector<16xf32>,
    %get3A_966 = vector.shape_cast %get3A_965 : vector<16xf32> to vector<16xf32>
    %mul3A_967 = arith.constant 9.990000e-01 : f32
    %mul3A_968 = vector.broadcast %mul3A_967 : f32 to vector<16xf32>
    %mul3A_969 = arith.mulf %mul3A_968, %get3A_966 : vector<16xf32>
    %mul3A_970 = arith.constant 1.000000e-03 : f32
    %mul3A_971 = vector.broadcast %mul3A_970 : f32 to vector<16xf32>
    %mul3A_972 = arith.mulf %mul3A_971, %mul3A_963 : vector<16xf32>
    %add3A_973 = arith.addf %mul3A_969, %mul3A_972 : vector<16xf32>
    %swap3A = arith.constant 0 : index
    %swap3A_974 = tpu.vector_load %arg7[%swap3A] {strides = array<i32>} : memref<128xf32, #tpu.memory_space<vmem>>, vector<16xf32>,
    %swap3A_975 = vector.shape_cast %swap3A_974 : vector<16xf32> to vector<16xf32>
    %swap3A_976 = vector.shape_cast %add3A_973 : vector<16xf32> to vector<16xf32>
    tpu.vector_store %arg7[%swap3A], %swap3A_976 {strides = array<i32>} : memref<128xf32, #tpu.memory_space<vmem>>, vector<16xf32>,
    %broadcast_in_dim3A_977 = arith.constant 0 : i32
    %broadcast_in_dim3A_978 = vector.broadcast %broadcast_in_dim3A_977 : i32 to vector<16xi32>
    %get3A_979 = arith.constant 0 : i32
    %get3A_980 = arith.index_cast %get3A_979 : i32 to index
    %get3A_981 = arith.constant 16 : index
    %get3A_982 = tpu.vector_load %arg5[%get3A_980, %get3A_981] {strides = array<i32>} : memref<32x128xi32, #tpu.memory_space<vmem>>, vector<1x16xi32>,
    %get3A_983 = vector.shape_cast %get3A_982 : vector<1x16xi32> to vector<16xi32>
    %add3A_984 = arith.addi %broadcast_in_dim3A_978, %get3A_983 : vector<16xi32>
    %get3A_985 = arith.constant 1 : i32
    %get3A_986 = arith.index_cast %get3A_985 : i32 to index
    %get3A_987 = arith.constant 16 : index
    %get3A_988 = tpu.vector_load %arg5[%get3A_986, %get3A_987] {strides = array<i32>} : memref<32x128xi32, #tpu.memory_space<vmem>>, vector<1x16xi32>,
    %get3A_989 = vector.shape_cast %get3A_988 : vector<1x16xi32> to vector<16xi32>
    %add3A_990 = arith.addi %add3A_984, %get3A_989 : vector<16xi32>
    %get3A_991 = arith.constant 2 : i32
    %get3A_992 = arith.index_cast %get3A_991 : i32 to index
    %get3A_993 = arith.constant 16 : index
    %get3A_994 = tpu.vector_load %arg5[%get3A_992, %get3A_993] {strides = array<i32>} : memref<32x128xi32, #tpu.memory_space<vmem>>, vector<1x16xi32>,
    %get3A_995 = vector.shape_cast %get3A_994 : vector<1x16xi32> to vector<16xi32>
    %add3A_996 = arith.addi %add3A_990, %get3A_995 : vector<16xi32>
    %get3A_997 = arith.constant 3 : i32
    %get3A_998 = arith.index_cast %get3A_997 : i32 to index
    %get3A_999 = arith.constant 16 : index
    %get3A_1000 = tpu.vector_load %arg5[%get3A_998, %get3A_999] {strides = array<i32>} : memref<32x128xi32, #tpu.memory_space<vmem>>, vector<1x16xi32>,
    %get3A_1001 = vector.shape_cast %get3A_1000 : vector<1x16xi32> to vector<16xi32>
    %add3A_1002 = arith.addi %add3A_996, %get3A_1001 : vector<16xi32>
    %get3A_1003 = arith.constant 4 : i32
    %get3A_1004 = arith.index_cast %get3A_1003 : i32 to index
    %get3A_1005 = arith.constant 16 : index
    %get3A_1006 = tpu.vector_load %arg5[%get3A_1004, %get3A_1005] {strides = array<i32>} : memref<32x128xi32, #tpu.memory_space<vmem>>, vector<1x16xi32>,
    %get3A_1007 = vector.shape_cast %get3A_1006 : vector<1x16xi32> to vector<16xi32>
    %add3A_1008 = arith.addi %add3A_1002, %get3A_1007 : vector<16xi32>
    %get3A_1009 = arith.constant 5 : i32
    %get3A_1010 = arith.index_cast %get3A_1009 : i32 to index
    %get3A_1011 = arith.constant 16 : index
    %get3A_1012 = tpu.vector_load %arg5[%get3A_1010, %get3A_1011] {strides = array<i32>} : memref<32x128xi32, #tpu.memory_space<vmem>>, vector<1x16xi32>,
    %get3A_1013 = vector.shape_cast %get3A_1012 : vector<1x16xi32> to vector<16xi32>
    %add3A_1014 = arith.addi %add3A_1008, %get3A_1013 : vector<16xi32>
    %get3A_1015 = arith.constant 6 : i32
    %get3A_1016 = arith.index_cast %get3A_1015 : i32 to index
    %get3A_1017 = arith.constant 16 : index
    %get3A_1018 = tpu.vector_load %arg5[%get3A_1016, %get3A_1017] {strides = array<i32>} : memref<32x128xi32, #tpu.memory_space<vmem>>, vector<1x16xi32>,
    %get3A_1019 = vector.shape_cast %get3A_1018 : vector<1x16xi32> to vector<16xi32>
    %add3A_1020 = arith.addi %add3A_1014, %get3A_1019 : vector<16xi32>
    %get3A_1021 = arith.constant 7 : i32
    %get3A_1022 = arith.index_cast %get3A_1021 : i32 to index
    %get3A_1023 = arith.constant 16 : index
    %get3A_1024 = tpu.vector_load %arg5[%get3A_1022, %get3A_1023] {strides = array<i32>} : memref<32x128xi32, #tpu.memory_space<vmem>>, vector<1x16xi32>,
    %get3A_1025 = vector.shape_cast %get3A_1024 : vector<1x16xi32> to vector<16xi32>
    %add3A_1026 = arith.addi %add3A_1020, %get3A_1025 : vector<16xi32>
    %get3A_1027 = arith.constant 8 : i32
    %get3A_1028 = arith.index_cast %get3A_1027 : i32 to index
    %get3A_1029 = arith.constant 16 : index
    %get3A_1030 = tpu.vector_load %arg5[%get3A_1028, %get3A_1029] {strides = array<i32>} : memref<32x128xi32, #tpu.memory_space<vmem>>, vector<1x16xi32>,
    %get3A_1031 = vector.shape_cast %get3A_1030 : vector<1x16xi32> to vector<16xi32>
    %add3A_1032 = arith.addi %add3A_1026, %get3A_1031 : vector<16xi32>
    %get3A_1033 = arith.constant 9 : i32
    %get3A_1034 = arith.index_cast %get3A_1033 : i32 to index
    %get3A_1035 = arith.constant 16 : index
    %get3A_1036 = tpu.vector_load %arg5[%get3A_1034, %get3A_1035] {strides = array<i32>} : memref<32x128xi32, #tpu.memory_space<vmem>>, vector<1x16xi32>,
    %get3A_1037 = vector.shape_cast %get3A_1036 : vector<1x16xi32> to vector<16xi32>
    %add3A_1038 = arith.addi %add3A_1032, %get3A_1037 : vector<16xi32>
    %get3A_1039 = arith.constant 10 : i32
    %get3A_1040 = arith.index_cast %get3A_1039 : i32 to index
    %get3A_1041 = arith.constant 16 : index
    %get3A_1042 = tpu.vector_load %arg5[%get3A_1040, %get3A_1041] {strides = array<i32>} : memref<32x128xi32, #tpu.memory_space<vmem>>, vector<1x16xi32>,
    %get3A_1043 = vector.shape_cast %get3A_1042 : vector<1x16xi32> to vector<16xi32>
    %add3A_1044 = arith.addi %add3A_1038, %get3A_1043 : vector<16xi32>
    %get3A_1045 = arith.constant 11 : i32
    %get3A_1046 = arith.index_cast %get3A_1045 : i32 to index
    %get3A_1047 = arith.constant 16 : index
    %get3A_1048 = tpu.vector_load %arg5[%get3A_1046, %get3A_1047] {strides = array<i32>} : memref<32x128xi32, #tpu.memory_space<vmem>>, vector<1x16xi32>,
    %get3A_1049 = vector.shape_cast %get3A_1048 : vector<1x16xi32> to vector<16xi32>
    %add3A_1050 = arith.addi %add3A_1044, %get3A_1049 : vector<16xi32>
    %get3A_1051 = arith.constant 12 : i32
    %get3A_1052 = arith.index_cast %get3A_1051 : i32 to index
    %get3A_1053 = arith.constant 16 : index
    %get3A_1054 = tpu.vector_load %arg5[%get3A_1052, %get3A_1053] {strides = array<i32>} : memref<32x128xi32, #tpu.memory_space<vmem>>, vector<1x16xi32>,
    %get3A_1055 = vector.shape_cast %get3A_1054 : vector<1x16xi32> to vector<16xi32>
    %add3A_1056 = arith.addi %add3A_1050, %get3A_1055 : vector<16xi32>
    %get3A_1057 = arith.constant 13 : i32
    %get3A_1058 = arith.index_cast %get3A_1057 : i32 to index
    %get3A_1059 = arith.constant 16 : index
    %get3A_1060 = tpu.vector_load %arg5[%get3A_1058, %get3A_1059] {strides = array<i32>} : memref<32x128xi32, #tpu.memory_space<vmem>>, vector<1x16xi32>,
    %get3A_1061 = vector.shape_cast %get3A_1060 : vector<1x16xi32> to vector<16xi32>
    %add3A_1062 = arith.addi %add3A_1056, %get3A_1061 : vector<16xi32>
    %get3A_1063 = arith.constant 14 : i32
    %get3A_1064 = arith.index_cast %get3A_1063 : i32 to index
    %get3A_1065 = arith.constant 16 : index
    %get3A_1066 = tpu.vector_load %arg5[%get3A_1064, %get3A_1065] {strides = array<i32>} : memref<32x128xi32, #tpu.memory_space<vmem>>, vector<1x16xi32>,
    %get3A_1067 = vector.shape_cast %get3A_1066 : vector<1x16xi32> to vector<16xi32>
    %add3A_1068 = arith.addi %add3A_1062, %get3A_1067 : vector<16xi32>
    %get3A_1069 = arith.constant 15 : i32
    %get3A_1070 = arith.index_cast %get3A_1069 : i32 to index
    %get3A_1071 = arith.constant 16 : index
    %get3A_1072 = tpu.vector_load %arg5[%get3A_1070, %get3A_1071] {strides = array<i32>} : memref<32x128xi32, #tpu.memory_space<vmem>>, vector<1x16xi32>,
    %get3A_1073 = vector.shape_cast %get3A_1072 : vector<1x16xi32> to vector<16xi32>
    %add3A_1074 = arith.addi %add3A_1068, %get3A_1073 : vector<16xi32>
    %get3A_1075 = arith.constant 16 : i32
    %get3A_1076 = arith.index_cast %get3A_1075 : i32 to index
    %get3A_1077 = arith.constant 16 : index
    %get3A_1078 = tpu.vector_load %arg5[%get3A_1076, %get3A_1077] {strides = array<i32>} : memref<32x128xi32, #tpu.memory_space<vmem>>, vector<1x16xi32>,
    %get3A_1079 = vector.shape_cast %get3A_1078 : vector<1x16xi32> to vector<16xi32>
    %add3A_1080 = arith.addi %add3A_1074, %get3A_1079 : vector<16xi32>
    %get3A_1081 = arith.constant 17 : i32
    %get3A_1082 = arith.index_cast %get3A_1081 : i32 to index
    %get3A_1083 = arith.constant 16 : index
    %get3A_1084 = tpu.vector_load %arg5[%get3A_1082, %get3A_1083] {strides = array<i32>} : memref<32x128xi32, #tpu.memory_space<vmem>>, vector<1x16xi32>,
    %get3A_1085 = vector.shape_cast %get3A_1084 : vector<1x16xi32> to vector<16xi32>
    %add3A_1086 = arith.addi %add3A_1080, %get3A_1085 : vector<16xi32>
    %get3A_1087 = arith.constant 18 : i32
    %get3A_1088 = arith.index_cast %get3A_1087 : i32 to index
    %get3A_1089 = arith.constant 16 : index
    %get3A_1090 = tpu.vector_load %arg5[%get3A_1088, %get3A_1089] {strides = array<i32>} : memref<32x128xi32, #tpu.memory_space<vmem>>, vector<1x16xi32>,
    %get3A_1091 = vector.shape_cast %get3A_1090 : vector<1x16xi32> to vector<16xi32>
    %add3A_1092 = arith.addi %add3A_1086, %get3A_1091 : vector<16xi32>
    %get3A_1093 = arith.constant 19 : i32
    %get3A_1094 = arith.index_cast %get3A_1093 : i32 to index
    %get3A_1095 = arith.constant 16 : index
    %get3A_1096 = tpu.vector_load %arg5[%get3A_1094, %get3A_1095] {strides = array<i32>} : memref<32x128xi32, #tpu.memory_space<vmem>>, vector<1x16xi32>,
    %get3A_1097 = vector.shape_cast %get3A_1096 : vector<1x16xi32> to vector<16xi32>
    %add3A_1098 = arith.addi %add3A_1092, %get3A_1097 : vector<16xi32>
    %get3A_1099 = arith.constant 20 : i32
    %get3A_1100 = arith.index_cast %get3A_1099 : i32 to index
    %get3A_1101 = arith.constant 16 : index
    %get3A_1102 = tpu.vector_load %arg5[%get3A_1100, %get3A_1101] {strides = array<i32>} : memref<32x128xi32, #tpu.memory_space<vmem>>, vector<1x16xi32>,
    %get3A_1103 = vector.shape_cast %get3A_1102 : vector<1x16xi32> to vector<16xi32>
    %add3A_1104 = arith.addi %add3A_1098, %get3A_1103 : vector<16xi32>
    %get3A_1105 = arith.constant 21 : i32
    %get3A_1106 = arith.index_cast %get3A_1105 : i32 to index
    %get3A_1107 = arith.constant 16 : index
    %get3A_1108 = tpu.vector_load %arg5[%get3A_1106, %get3A_1107] {strides = array<i32>} : memref<32x128xi32, #tpu.memory_space<vmem>>, vector<1x16xi32>,
    %get3A_1109 = vector.shape_cast %get3A_1108 : vector<1x16xi32> to vector<16xi32>
    %add3A_1110 = arith.addi %add3A_1104, %get3A_1109 : vector<16xi32>
    %get3A_1111 = arith.constant 22 : i32
    %get3A_1112 = arith.index_cast %get3A_1111 : i32 to index
    %get3A_1113 = arith.constant 16 : index
    %get3A_1114 = tpu.vector_load %arg5[%get3A_1112, %get3A_1113] {strides = array<i32>} : memref<32x128xi32, #tpu.memory_space<vmem>>, vector<1x16xi32>,
    %get3A_1115 = vector.shape_cast %get3A_1114 : vector<1x16xi32> to vector<16xi32>
    %add3A_1116 = arith.addi %add3A_1110, %get3A_1115 : vector<16xi32>
    %get3A_1117 = arith.constant 23 : i32
    %get3A_1118 = arith.index_cast %get3A_1117 : i32 to index
    %get3A_1119 = arith.constant 16 : index
    %get3A_1120 = tpu.vector_load %arg5[%get3A_1118, %get3A_1119] {strides = array<i32>} : memref<32x128xi32, #tpu.memory_space<vmem>>, vector<1x16xi32>,
    %get3A_1121 = vector.shape_cast %get3A_1120 : vector<1x16xi32> to vector<16xi32>
    %add3A_1122 = arith.addi %add3A_1116, %get3A_1121 : vector<16xi32>
    %get3A_1123 = arith.constant 24 : i32
    %get3A_1124 = arith.index_cast %get3A_1123 : i32 to index
    %get3A_1125 = arith.constant 16 : index
    %get3A_1126 = tpu.vector_load %arg5[%get3A_1124, %get3A_1125] {strides = array<i32>} : memref<32x128xi32, #tpu.memory_space<vmem>>, vector<1x16xi32>,
    %get3A_1127 = vector.shape_cast %get3A_1126 : vector<1x16xi32> to vector<16xi32>
    %add3A_1128 = arith.addi %add3A_1122, %get3A_1127 : vector<16xi32>
    %get3A_1129 = arith.constant 25 : i32
    %get3A_1130 = arith.index_cast %get3A_1129 : i32 to index
    %get3A_1131 = arith.constant 16 : index
    %get3A_1132 = tpu.vector_load %arg5[%get3A_1130, %get3A_1131] {strides = array<i32>} : memref<32x128xi32, #tpu.memory_space<vmem>>, vector<1x16xi32>,
    %get3A_1133 = vector.shape_cast %get3A_1132 : vector<1x16xi32> to vector<16xi32>
    %add3A_1134 = arith.addi %add3A_1128, %get3A_1133 : vector<16xi32>
    %get3A_1135 = arith.constant 26 : i32
    %get3A_1136 = arith.index_cast %get3A_1135 : i32 to index
    %get3A_1137 = arith.constant 16 : index
    %get3A_1138 = tpu.vector_load %arg5[%get3A_1136, %get3A_1137] {strides = array<i32>} : memref<32x128xi32, #tpu.memory_space<vmem>>, vector<1x16xi32>,
    %get3A_1139 = vector.shape_cast %get3A_1138 : vector<1x16xi32> to vector<16xi32>
    %add3A_1140 = arith.addi %add3A_1134, %get3A_1139 : vector<16xi32>
    %get3A_1141 = arith.constant 27 : i32
    %get3A_1142 = arith.index_cast %get3A_1141 : i32 to index
    %get3A_1143 = arith.constant 16 : index
    %get3A_1144 = tpu.vector_load %arg5[%get3A_1142, %get3A_1143] {strides = array<i32>} : memref<32x128xi32, #tpu.memory_space<vmem>>, vector<1x16xi32>,
    %get3A_1145 = vector.shape_cast %get3A_1144 : vector<1x16xi32> to vector<16xi32>
    %add3A_1146 = arith.addi %add3A_1140, %get3A_1145 : vector<16xi32>
    %get3A_1147 = arith.constant 28 : i32
    %get3A_1148 = arith.index_cast %get3A_1147 : i32 to index
    %get3A_1149 = arith.constant 16 : index
    %get3A_1150 = tpu.vector_load %arg5[%get3A_1148, %get3A_1149] {strides = array<i32>} : memref<32x128xi32, #tpu.memory_space<vmem>>, vector<1x16xi32>,
    %get3A_1151 = vector.shape_cast %get3A_1150 : vector<1x16xi32> to vector<16xi32>
    %add3A_1152 = arith.addi %add3A_1146, %get3A_1151 : vector<16xi32>
    %get3A_1153 = arith.constant 29 : i32
    %get3A_1154 = arith.index_cast %get3A_1153 : i32 to index
    %get3A_1155 = arith.constant 16 : index
    %get3A_1156 = tpu.vector_load %arg5[%get3A_1154, %get3A_1155] {strides = array<i32>} : memref<32x128xi32, #tpu.memory_space<vmem>>, vector<1x16xi32>,
    %get3A_1157 = vector.shape_cast %get3A_1156 : vector<1x16xi32> to vector<16xi32>
    %add3A_1158 = arith.addi %add3A_1152, %get3A_1157 : vector<16xi32>
    %get3A_1159 = arith.constant 30 : i32
    %get3A_1160 = arith.index_cast %get3A_1159 : i32 to index
    %get3A_1161 = arith.constant 16 : index
    %get3A_1162 = tpu.vector_load %arg5[%get3A_1160, %get3A_1161] {strides = array<i32>} : memref<32x128xi32, #tpu.memory_space<vmem>>, vector<1x16xi32>,
    %get3A_1163 = vector.shape_cast %get3A_1162 : vector<1x16xi32> to vector<16xi32>
    %add3A_1164 = arith.addi %add3A_1158, %get3A_1163 : vector<16xi32>
    %get3A_1165 = arith.constant 31 : i32
    %get3A_1166 = arith.index_cast %get3A_1165 : i32 to index
    %get3A_1167 = arith.constant 16 : index
    %get3A_1168 = tpu.vector_load %arg5[%get3A_1166, %get3A_1167] {strides = array<i32>} : memref<32x128xi32, #tpu.memory_space<vmem>>, vector<1x16xi32>,
    %get3A_1169 = vector.shape_cast %get3A_1168 : vector<1x16xi32> to vector<16xi32>
    %add3A_1170 = arith.addi %add3A_1164, %get3A_1169 : vector<16xi32>
    %convert_element_type3A_1171 = arith.sitofp %add3A_1170 : vector<16xi32> to vector<16xf32>
    %mul3A_1172 = arith.constant 6.10351563E-5 : f32
    %mul3A_1173 = vector.broadcast %mul3A_1172 : f32 to vector<16xf32>
    %mul3A_1174 = arith.mulf %convert_element_type3A_1171, %mul3A_1173 : vector<16xf32>
    %get3A_1175 = arith.constant 16 : index
    %get3A_1176 = tpu.vector_load %arg6[%get3A_1175] {strides = array<i32>} : memref<128xf32, #tpu.memory_space<vmem>>, vector<16xf32>,
    %get3A_1177 = vector.shape_cast %get3A_1176 : vector<16xf32> to vector<16xf32>
    %mul3A_1178 = arith.constant 9.990000e-01 : f32
    %mul3A_1179 = vector.broadcast %mul3A_1178 : f32 to vector<16xf32>
    %mul3A_1180 = arith.mulf %mul3A_1179, %get3A_1177 : vector<16xf32>
    %mul3A_1181 = arith.constant 1.000000e-03 : f32
    %mul3A_1182 = vector.broadcast %mul3A_1181 : f32 to vector<16xf32>
    %mul3A_1183 = arith.mulf %mul3A_1182, %mul3A_1174 : vector<16xf32>
    %add3A_1184 = arith.addf %mul3A_1180, %mul3A_1183 : vector<16xf32>
    %swap3A_1185 = arith.constant 16 : index
    %swap3A_1186 = tpu.vector_load %arg7[%swap3A_1185] {strides = array<i32>} : memref<128xf32, #tpu.memory_space<vmem>>, vector<16xf32>,
    %swap3A_1187 = vector.shape_cast %swap3A_1186 : vector<16xf32> to vector<16xf32>
    %swap3A_1188 = vector.shape_cast %add3A_1184 : vector<16xf32> to vector<16xf32>
    tpu.vector_store %arg7[%swap3A_1185], %swap3A_1188 {strides = array<i32>} : memref<128xf32, #tpu.memory_space<vmem>>, vector<16xf32>,
    %broadcast_in_dim3A_1189 = arith.constant 0 : i32
    %broadcast_in_dim3A_1190 = vector.broadcast %broadcast_in_dim3A_1189 : i32 to vector<16xi32>
    %get3A_1191 = arith.constant 0 : i32
    %get3A_1192 = arith.index_cast %get3A_1191 : i32 to index
    %get3A_1193 = arith.constant 32 : index
    %get3A_1194 = tpu.vector_load %arg5[%get3A_1192, %get3A_1193] {strides = array<i32>} : memref<32x128xi32, #tpu.memory_space<vmem>>, vector<1x16xi32>,
    %get3A_1195 = vector.shape_cast %get3A_1194 : vector<1x16xi32> to vector<16xi32>
    %add3A_1196 = arith.addi %broadcast_in_dim3A_1190, %get3A_1195 : vector<16xi32>
    %get3A_1197 = arith.constant 1 : i32
    %get3A_1198 = arith.index_cast %get3A_1197 : i32 to index
    %get3A_1199 = arith.constant 32 : index
    %get3A_1200 = tpu.vector_load %arg5[%get3A_1198, %get3A_1199] {strides = array<i32>} : memref<32x128xi32, #tpu.memory_space<vmem>>, vector<1x16xi32>,
    %get3A_1201 = vector.shape_cast %get3A_1200 : vector<1x16xi32> to vector<16xi32>
    %add3A_1202 = arith.addi %add3A_1196, %get3A_1201 : vector<16xi32>
    %get3A_1203 = arith.constant 2 : i32
    %get3A_1204 = arith.index_cast %get3A_1203 : i32 to index
    %get3A_1205 = arith.constant 32 : index
    %get3A_1206 = tpu.vector_load %arg5[%get3A_1204, %get3A_1205] {strides = array<i32>} : memref<32x128xi32, #tpu.memory_space<vmem>>, vector<1x16xi32>,
    %get3A_1207 = vector.shape_cast %get3A_1206 : vector<1x16xi32> to vector<16xi32>
    %add3A_1208 = arith.addi %add3A_1202, %get3A_1207 : vector<16xi32>
    %get3A_1209 = arith.constant 3 : i32
    %get3A_1210 = arith.index_cast %get3A_1209 : i32 to index
    %get3A_1211 = arith.constant 32 : index
    %get3A_1212 = tpu.vector_load %arg5[%get3A_1210, %get3A_1211] {strides = array<i32>} : memref<32x128xi32, #tpu.memory_space<vmem>>, vector<1x16xi32>,
    %get3A_1213 = vector.shape_cast %get3A_1212 : vector<1x16xi32> to vector<16xi32>
    %add3A_1214 = arith.addi %add3A_1208, %get3A_1213 : vector<16xi32>
    %get3A_1215 = arith.constant 4 : i32
    %get3A_1216 = arith.index_cast %get3A_1215 : i32 to index
    %get3A_1217 = arith.constant 32 : index
    %get3A_1218 = tpu.vector_load %arg5[%get3A_1216, %get3A_1217] {strides = array<i32>} : memref<32x128xi32, #tpu.memory_space<vmem>>, vector<1x16xi32>,
    %get3A_1219 = vector.shape_cast %get3A_1218 : vector<1x16xi32> to vector<16xi32>
    %add3A_1220 = arith.addi %add3A_1214, %get3A_1219 : vector<16xi32>
    %get3A_1221 = arith.constant 5 : i32
    %get3A_1222 = arith.index_cast %get3A_1221 : i32 to index
    %get3A_1223 = arith.constant 32 : index
    %get3A_1224 = tpu.vector_load %arg5[%get3A_1222, %get3A_1223] {strides = array<i32>} : memref<32x128xi32, #tpu.memory_space<vmem>>, vector<1x16xi32>,
    %get3A_1225 = vector.shape_cast %get3A_1224 : vector<1x16xi32> to vector<16xi32>
    %add3A_1226 = arith.addi %add3A_1220, %get3A_1225 : vector<16xi32>
    %get3A_1227 = arith.constant 6 : i32
    %get3A_1228 = arith.index_cast %get3A_1227 : i32 to index
    %get3A_1229 = arith.constant 32 : index
    %get3A_1230 = tpu.vector_load %arg5[%get3A_1228, %get3A_1229] {strides = array<i32>} : memref<32x128xi32, #tpu.memory_space<vmem>>, vector<1x16xi32>,
    %get3A_1231 = vector.shape_cast %get3A_1230 : vector<1x16xi32> to vector<16xi32>
    %add3A_1232 = arith.addi %add3A_1226, %get3A_1231 : vector<16xi32>
    %get3A_1233 = arith.constant 7 : i32
    %get3A_1234 = arith.index_cast %get3A_1233 : i32 to index
    %get3A_1235 = arith.constant 32 : index
    %get3A_1236 = tpu.vector_load %arg5[%get3A_1234, %get3A_1235] {strides = array<i32>} : memref<32x128xi32, #tpu.memory_space<vmem>>, vector<1x16xi32>,
    %get3A_1237 = vector.shape_cast %get3A_1236 : vector<1x16xi32> to vector<16xi32>
    %add3A_1238 = arith.addi %add3A_1232, %get3A_1237 : vector<16xi32>
    %get3A_1239 = arith.constant 8 : i32
    %get3A_1240 = arith.index_cast %get3A_1239 : i32 to index
    %get3A_1241 = arith.constant 32 : index
    %get3A_1242 = tpu.vector_load %arg5[%get3A_1240, %get3A_1241] {strides = array<i32>} : memref<32x128xi32, #tpu.memory_space<vmem>>, vector<1x16xi32>,
    %get3A_1243 = vector.shape_cast %get3A_1242 : vector<1x16xi32> to vector<16xi32>
    %add3A_1244 = arith.addi %add3A_1238, %get3A_1243 : vector<16xi32>
    %get3A_1245 = arith.constant 9 : i32
    %get3A_1246 = arith.index_cast %get3A_1245 : i32 to index
    %get3A_1247 = arith.constant 32 : index
    %get3A_1248 = tpu.vector_load %arg5[%get3A_1246, %get3A_1247] {strides = array<i32>} : memref<32x128xi32, #tpu.memory_space<vmem>>, vector<1x16xi32>,
    %get3A_1249 = vector.shape_cast %get3A_1248 : vector<1x16xi32> to vector<16xi32>
    %add3A_1250 = arith.addi %add3A_1244, %get3A_1249 : vector<16xi32>
    %get3A_1251 = arith.constant 10 : i32
    %get3A_1252 = arith.index_cast %get3A_1251 : i32 to index
    %get3A_1253 = arith.constant 32 : index
    %get3A_1254 = tpu.vector_load %arg5[%get3A_1252, %get3A_1253] {strides = array<i32>} : memref<32x128xi32, #tpu.memory_space<vmem>>, vector<1x16xi32>,
    %get3A_1255 = vector.shape_cast %get3A_1254 : vector<1x16xi32> to vector<16xi32>
    %add3A_1256 = arith.addi %add3A_1250, %get3A_1255 : vector<16xi32>
    %get3A_1257 = arith.constant 11 : i32
    %get3A_1258 = arith.index_cast %get3A_1257 : i32 to index
    %get3A_1259 = arith.constant 32 : index
    %get3A_1260 = tpu.vector_load %arg5[%get3A_1258, %get3A_1259] {strides = array<i32>} : memref<32x128xi32, #tpu.memory_space<vmem>>, vector<1x16xi32>,
    %get3A_1261 = vector.shape_cast %get3A_1260 : vector<1x16xi32> to vector<16xi32>
    %add3A_1262 = arith.addi %add3A_1256, %get3A_1261 : vector<16xi32>
    %get3A_1263 = arith.constant 12 : i32
    %get3A_1264 = arith.index_cast %get3A_1263 : i32 to index
    %get3A_1265 = arith.constant 32 : index
    %get3A_1266 = tpu.vector_load %arg5[%get3A_1264, %get3A_1265] {strides = array<i32>} : memref<32x128xi32, #tpu.memory_space<vmem>>, vector<1x16xi32>,
    %get3A_1267 = vector.shape_cast %get3A_1266 : vector<1x16xi32> to vector<16xi32>
    %add3A_1268 = arith.addi %add3A_1262, %get3A_1267 : vector<16xi32>
    %get3A_1269 = arith.constant 13 : i32
    %get3A_1270 = arith.index_cast %get3A_1269 : i32 to index
    %get3A_1271 = arith.constant 32 : index
    %get3A_1272 = tpu.vector_load %arg5[%get3A_1270, %get3A_1271] {strides = array<i32>} : memref<32x128xi32, #tpu.memory_space<vmem>>, vector<1x16xi32>,
    %get3A_1273 = vector.shape_cast %get3A_1272 : vector<1x16xi32> to vector<16xi32>
    %add3A_1274 = arith.addi %add3A_1268, %get3A_1273 : vector<16xi32>
    %get3A_1275 = arith.constant 14 : i32
    %get3A_1276 = arith.index_cast %get3A_1275 : i32 to index
    %get3A_1277 = arith.constant 32 : index
    %get3A_1278 = tpu.vector_load %arg5[%get3A_1276, %get3A_1277] {strides = array<i32>} : memref<32x128xi32, #tpu.memory_space<vmem>>, vector<1x16xi32>,
    %get3A_1279 = vector.shape_cast %get3A_1278 : vector<1x16xi32> to vector<16xi32>
    %add3A_1280 = arith.addi %add3A_1274, %get3A_1279 : vector<16xi32>
    %get3A_1281 = arith.constant 15 : i32
    %get3A_1282 = arith.index_cast %get3A_1281 : i32 to index
    %get3A_1283 = arith.constant 32 : index
    %get3A_1284 = tpu.vector_load %arg5[%get3A_1282, %get3A_1283] {strides = array<i32>} : memref<32x128xi32, #tpu.memory_space<vmem>>, vector<1x16xi32>,
    %get3A_1285 = vector.shape_cast %get3A_1284 : vector<1x16xi32> to vector<16xi32>
    %add3A_1286 = arith.addi %add3A_1280, %get3A_1285 : vector<16xi32>
    %get3A_1287 = arith.constant 16 : i32
    %get3A_1288 = arith.index_cast %get3A_1287 : i32 to index
    %get3A_1289 = arith.constant 32 : index
    %get3A_1290 = tpu.vector_load %arg5[%get3A_1288, %get3A_1289] {strides = array<i32>} : memref<32x128xi32, #tpu.memory_space<vmem>>, vector<1x16xi32>,
    %get3A_1291 = vector.shape_cast %get3A_1290 : vector<1x16xi32> to vector<16xi32>
    %add3A_1292 = arith.addi %add3A_1286, %get3A_1291 : vector<16xi32>
    %get3A_1293 = arith.constant 17 : i32
    %get3A_1294 = arith.index_cast %get3A_1293 : i32 to index
    %get3A_1295 = arith.constant 32 : index
    %get3A_1296 = tpu.vector_load %arg5[%get3A_1294, %get3A_1295] {strides = array<i32>} : memref<32x128xi32, #tpu.memory_space<vmem>>, vector<1x16xi32>,
    %get3A_1297 = vector.shape_cast %get3A_1296 : vector<1x16xi32> to vector<16xi32>
    %add3A_1298 = arith.addi %add3A_1292, %get3A_1297 : vector<16xi32>
    %get3A_1299 = arith.constant 18 : i32
    %get3A_1300 = arith.index_cast %get3A_1299 : i32 to index
    %get3A_1301 = arith.constant 32 : index
    %get3A_1302 = tpu.vector_load %arg5[%get3A_1300, %get3A_1301] {strides = array<i32>} : memref<32x128xi32, #tpu.memory_space<vmem>>, vector<1x16xi32>,
    %get3A_1303 = vector.shape_cast %get3A_1302 : vector<1x16xi32> to vector<16xi32>
    %add3A_1304 = arith.addi %add3A_1298, %get3A_1303 : vector<16xi32>
    %get3A_1305 = arith.constant 19 : i32
    %get3A_1306 = arith.index_cast %get3A_1305 : i32 to index
    %get3A_1307 = arith.constant 32 : index
    %get3A_1308 = tpu.vector_load %arg5[%get3A_1306, %get3A_1307] {strides = array<i32>} : memref<32x128xi32, #tpu.memory_space<vmem>>, vector<1x16xi32>,
    %get3A_1309 = vector.shape_cast %get3A_1308 : vector<1x16xi32> to vector<16xi32>
    %add3A_1310 = arith.addi %add3A_1304, %get3A_1309 : vector<16xi32>
    %get3A_1311 = arith.constant 20 : i32
    %get3A_1312 = arith.index_cast %get3A_1311 : i32 to index
    %get3A_1313 = arith.constant 32 : index
    %get3A_1314 = tpu.vector_load %arg5[%get3A_1312, %get3A_1313] {strides = array<i32>} : memref<32x128xi32, #tpu.memory_space<vmem>>, vector<1x16xi32>,
    %get3A_1315 = vector.shape_cast %get3A_1314 : vector<1x16xi32> to vector<16xi32>
    %add3A_1316 = arith.addi %add3A_1310, %get3A_1315 : vector<16xi32>
    %get3A_1317 = arith.constant 21 : i32
    %get3A_1318 = arith.index_cast %get3A_1317 : i32 to index
    %get3A_1319 = arith.constant 32 : index
    %get3A_1320 = tpu.vector_load %arg5[%get3A_1318, %get3A_1319] {strides = array<i32>} : memref<32x128xi32, #tpu.memory_space<vmem>>, vector<1x16xi32>,
    %get3A_1321 = vector.shape_cast %get3A_1320 : vector<1x16xi32> to vector<16xi32>
    %add3A_1322 = arith.addi %add3A_1316, %get3A_1321 : vector<16xi32>
    %get3A_1323 = arith.constant 22 : i32
    %get3A_1324 = arith.index_cast %get3A_1323 : i32 to index
    %get3A_1325 = arith.constant 32 : index
    %get3A_1326 = tpu.vector_load %arg5[%get3A_1324, %get3A_1325] {strides = array<i32>} : memref<32x128xi32, #tpu.memory_space<vmem>>, vector<1x16xi32>,
    %get3A_1327 = vector.shape_cast %get3A_1326 : vector<1x16xi32> to vector<16xi32>
    %add3A_1328 = arith.addi %add3A_1322, %get3A_1327 : vector<16xi32>
    %get3A_1329 = arith.constant 23 : i32
    %get3A_1330 = arith.index_cast %get3A_1329 : i32 to index
    %get3A_1331 = arith.constant 32 : index
    %get3A_1332 = tpu.vector_load %arg5[%get3A_1330, %get3A_1331] {strides = array<i32>} : memref<32x128xi32, #tpu.memory_space<vmem>>, vector<1x16xi32>,
    %get3A_1333 = vector.shape_cast %get3A_1332 : vector<1x16xi32> to vector<16xi32>
    %add3A_1334 = arith.addi %add3A_1328, %get3A_1333 : vector<16xi32>
    %get3A_1335 = arith.constant 24 : i32
    %get3A_1336 = arith.index_cast %get3A_1335 : i32 to index
    %get3A_1337 = arith.constant 32 : index
    %get3A_1338 = tpu.vector_load %arg5[%get3A_1336, %get3A_1337] {strides = array<i32>} : memref<32x128xi32, #tpu.memory_space<vmem>>, vector<1x16xi32>,
    %get3A_1339 = vector.shape_cast %get3A_1338 : vector<1x16xi32> to vector<16xi32>
    %add3A_1340 = arith.addi %add3A_1334, %get3A_1339 : vector<16xi32>
    %get3A_1341 = arith.constant 25 : i32
    %get3A_1342 = arith.index_cast %get3A_1341 : i32 to index
    %get3A_1343 = arith.constant 32 : index
    %get3A_1344 = tpu.vector_load %arg5[%get3A_1342, %get3A_1343] {strides = array<i32>} : memref<32x128xi32, #tpu.memory_space<vmem>>, vector<1x16xi32>,
    %get3A_1345 = vector.shape_cast %get3A_1344 : vector<1x16xi32> to vector<16xi32>
    %add3A_1346 = arith.addi %add3A_1340, %get3A_1345 : vector<16xi32>
    %get3A_1347 = arith.constant 26 : i32
    %get3A_1348 = arith.index_cast %get3A_1347 : i32 to index
    %get3A_1349 = arith.constant 32 : index
    %get3A_1350 = tpu.vector_load %arg5[%get3A_1348, %get3A_1349] {strides = array<i32>} : memref<32x128xi32, #tpu.memory_space<vmem>>, vector<1x16xi32>,
    %get3A_1351 = vector.shape_cast %get3A_1350 : vector<1x16xi32> to vector<16xi32>
    %add3A_1352 = arith.addi %add3A_1346, %get3A_1351 : vector<16xi32>
    %get3A_1353 = arith.constant 27 : i32
    %get3A_1354 = arith.index_cast %get3A_1353 : i32 to index
    %get3A_1355 = arith.constant 32 : index
    %get3A_1356 = tpu.vector_load %arg5[%get3A_1354, %get3A_1355] {strides = array<i32>} : memref<32x128xi32, #tpu.memory_space<vmem>>, vector<1x16xi32>,
    %get3A_1357 = vector.shape_cast %get3A_1356 : vector<1x16xi32> to vector<16xi32>
    %add3A_1358 = arith.addi %add3A_1352, %get3A_1357 : vector<16xi32>
    %get3A_1359 = arith.constant 28 : i32
    %get3A_1360 = arith.index_cast %get3A_1359 : i32 to index
    %get3A_1361 = arith.constant 32 : index
    %get3A_1362 = tpu.vector_load %arg5[%get3A_1360, %get3A_1361] {strides = array<i32>} : memref<32x128xi32, #tpu.memory_space<vmem>>, vector<1x16xi32>,
    %get3A_1363 = vector.shape_cast %get3A_1362 : vector<1x16xi32> to vector<16xi32>
    %add3A_1364 = arith.addi %add3A_1358, %get3A_1363 : vector<16xi32>
    %get3A_1365 = arith.constant 29 : i32
    %get3A_1366 = arith.index_cast %get3A_1365 : i32 to index
    %get3A_1367 = arith.constant 32 : index
    %get3A_1368 = tpu.vector_load %arg5[%get3A_1366, %get3A_1367] {strides = array<i32>} : memref<32x128xi32, #tpu.memory_space<vmem>>, vector<1x16xi32>,
    %get3A_1369 = vector.shape_cast %get3A_1368 : vector<1x16xi32> to vector<16xi32>
    %add3A_1370 = arith.addi %add3A_1364, %get3A_1369 : vector<16xi32>
    %get3A_1371 = arith.constant 30 : i32
    %get3A_1372 = arith.index_cast %get3A_1371 : i32 to index
    %get3A_1373 = arith.constant 32 : index
    %get3A_1374 = tpu.vector_load %arg5[%get3A_1372, %get3A_1373] {strides = array<i32>} : memref<32x128xi32, #tpu.memory_space<vmem>>, vector<1x16xi32>,
    %get3A_1375 = vector.shape_cast %get3A_1374 : vector<1x16xi32> to vector<16xi32>
    %add3A_1376 = arith.addi %add3A_1370, %get3A_1375 : vector<16xi32>
    %get3A_1377 = arith.constant 31 : i32
    %get3A_1378 = arith.index_cast %get3A_1377 : i32 to index
    %get3A_1379 = arith.constant 32 : index
    %get3A_1380 = tpu.vector_load %arg5[%get3A_1378, %get3A_1379] {strides = array<i32>} : memref<32x128xi32, #tpu.memory_space<vmem>>, vector<1x16xi32>,
    %get3A_1381 = vector.shape_cast %get3A_1380 : vector<1x16xi32> to vector<16xi32>
    %add3A_1382 = arith.addi %add3A_1376, %get3A_1381 : vector<16xi32>
    %convert_element_type3A_1383 = arith.sitofp %add3A_1382 : vector<16xi32> to vector<16xf32>
    %mul3A_1384 = arith.constant 6.10351563E-5 : f32
    %mul3A_1385 = vector.broadcast %mul3A_1384 : f32 to vector<16xf32>
    %mul3A_1386 = arith.mulf %convert_element_type3A_1383, %mul3A_1385 : vector<16xf32>
    %get3A_1387 = arith.constant 32 : index
    %get3A_1388 = tpu.vector_load %arg6[%get3A_1387] {strides = array<i32>} : memref<128xf32, #tpu.memory_space<vmem>>, vector<16xf32>,
    %get3A_1389 = vector.shape_cast %get3A_1388 : vector<16xf32> to vector<16xf32>
    %mul3A_1390 = arith.constant 9.990000e-01 : f32
    %mul3A_1391 = vector.broadcast %mul3A_1390 : f32 to vector<16xf32>
    %mul3A_1392 = arith.mulf %mul3A_1391, %get3A_1389 : vector<16xf32>
    %mul3A_1393 = arith.constant 1.000000e-03 : f32
    %mul3A_1394 = vector.broadcast %mul3A_1393 : f32 to vector<16xf32>
    %mul3A_1395 = arith.mulf %mul3A_1394, %mul3A_1386 : vector<16xf32>
    %add3A_1396 = arith.addf %mul3A_1392, %mul3A_1395 : vector<16xf32>
    %swap3A_1397 = arith.constant 32 : index
    %swap3A_1398 = tpu.vector_load %arg7[%swap3A_1397] {strides = array<i32>} : memref<128xf32, #tpu.memory_space<vmem>>, vector<16xf32>,
    %swap3A_1399 = vector.shape_cast %swap3A_1398 : vector<16xf32> to vector<16xf32>
    %swap3A_1400 = vector.shape_cast %add3A_1396 : vector<16xf32> to vector<16xf32>
    tpu.vector_store %arg7[%swap3A_1397], %swap3A_1400 {strides = array<i32>} : memref<128xf32, #tpu.memory_space<vmem>>, vector<16xf32>,
    %broadcast_in_dim3A_1401 = arith.constant 0 : i32
    %broadcast_in_dim3A_1402 = vector.broadcast %broadcast_in_dim3A_1401 : i32 to vector<16xi32>
    %get3A_1403 = arith.constant 0 : i32
    %get3A_1404 = arith.index_cast %get3A_1403 : i32 to index
    %get3A_1405 = arith.constant 48 : index
    %get3A_1406 = tpu.vector_load %arg5[%get3A_1404, %get3A_1405] {strides = array<i32>} : memref<32x128xi32, #tpu.memory_space<vmem>>, vector<1x16xi32>,
    %get3A_1407 = vector.shape_cast %get3A_1406 : vector<1x16xi32> to vector<16xi32>
    %add3A_1408 = arith.addi %broadcast_in_dim3A_1402, %get3A_1407 : vector<16xi32>
    %get3A_1409 = arith.constant 1 : i32
    %get3A_1410 = arith.index_cast %get3A_1409 : i32 to index
    %get3A_1411 = arith.constant 48 : index
    %get3A_1412 = tpu.vector_load %arg5[%get3A_1410, %get3A_1411] {strides = array<i32>} : memref<32x128xi32, #tpu.memory_space<vmem>>, vector<1x16xi32>,
    %get3A_1413 = vector.shape_cast %get3A_1412 : vector<1x16xi32> to vector<16xi32>
    %add3A_1414 = arith.addi %add3A_1408, %get3A_1413 : vector<16xi32>
    %get3A_1415 = arith.constant 2 : i32
    %get3A_1416 = arith.index_cast %get3A_1415 : i32 to index
    %get3A_1417 = arith.constant 48 : index
    %get3A_1418 = tpu.vector_load %arg5[%get3A_1416, %get3A_1417] {strides = array<i32>} : memref<32x128xi32, #tpu.memory_space<vmem>>, vector<1x16xi32>,
    %get3A_1419 = vector.shape_cast %get3A_1418 : vector<1x16xi32> to vector<16xi32>
    %add3A_1420 = arith.addi %add3A_1414, %get3A_1419 : vector<16xi32>
    %get3A_1421 = arith.constant 3 : i32
    %get3A_1422 = arith.index_cast %get3A_1421 : i32 to index
    %get3A_1423 = arith.constant 48 : index
    %get3A_1424 = tpu.vector_load %arg5[%get3A_1422, %get3A_1423] {strides = array<i32>} : memref<32x128xi32, #tpu.memory_space<vmem>>, vector<1x16xi32>,
    %get3A_1425 = vector.shape_cast %get3A_1424 : vector<1x16xi32> to vector<16xi32>
    %add3A_1426 = arith.addi %add3A_1420, %get3A_1425 : vector<16xi32>
    %get3A_1427 = arith.constant 4 : i32
    %get3A_1428 = arith.index_cast %get3A_1427 : i32 to index
    %get3A_1429 = arith.constant 48 : index
    %get3A_1430 = tpu.vector_load %arg5[%get3A_1428, %get3A_1429] {strides = array<i32>} : memref<32x128xi32, #tpu.memory_space<vmem>>, vector<1x16xi32>,
    %get3A_1431 = vector.shape_cast %get3A_1430 : vector<1x16xi32> to vector<16xi32>
    %add3A_1432 = arith.addi %add3A_1426, %get3A_1431 : vector<16xi32>
    %get3A_1433 = arith.constant 5 : i32
    %get3A_1434 = arith.index_cast %get3A_1433 : i32 to index
    %get3A_1435 = arith.constant 48 : index
    %get3A_1436 = tpu.vector_load %arg5[%get3A_1434, %get3A_1435] {strides = array<i32>} : memref<32x128xi32, #tpu.memory_space<vmem>>, vector<1x16xi32>,
    %get3A_1437 = vector.shape_cast %get3A_1436 : vector<1x16xi32> to vector<16xi32>
    %add3A_1438 = arith.addi %add3A_1432, %get3A_1437 : vector<16xi32>
    %get3A_1439 = arith.constant 6 : i32
    %get3A_1440 = arith.index_cast %get3A_1439 : i32 to index
    %get3A_1441 = arith.constant 48 : index
    %get3A_1442 = tpu.vector_load %arg5[%get3A_1440, %get3A_1441] {strides = array<i32>} : memref<32x128xi32, #tpu.memory_space<vmem>>, vector<1x16xi32>,
    %get3A_1443 = vector.shape_cast %get3A_1442 : vector<1x16xi32> to vector<16xi32>
    %add3A_1444 = arith.addi %add3A_1438, %get3A_1443 : vector<16xi32>
    %get3A_1445 = arith.constant 7 : i32
    %get3A_1446 = arith.index_cast %get3A_1445 : i32 to index
    %get3A_1447 = arith.constant 48 : index
    %get3A_1448 = tpu.vector_load %arg5[%get3A_1446, %get3A_1447] {strides = array<i32>} : memref<32x128xi32, #tpu.memory_space<vmem>>, vector<1x16xi32>,
    %get3A_1449 = vector.shape_cast %get3A_1448 : vector<1x16xi32> to vector<16xi32>
    %add3A_1450 = arith.addi %add3A_1444, %get3A_1449 : vector<16xi32>
    %get3A_1451 = arith.constant 8 : i32
    %get3A_1452 = arith.index_cast %get3A_1451 : i32 to index
    %get3A_1453 = arith.constant 48 : index
    %get3A_1454 = tpu.vector_load %arg5[%get3A_1452, %get3A_1453] {strides = array<i32>} : memref<32x128xi32, #tpu.memory_space<vmem>>, vector<1x16xi32>,
    %get3A_1455 = vector.shape_cast %get3A_1454 : vector<1x16xi32> to vector<16xi32>
    %add3A_1456 = arith.addi %add3A_1450, %get3A_1455 : vector<16xi32>
    %get3A_1457 = arith.constant 9 : i32
    %get3A_1458 = arith.index_cast %get3A_1457 : i32 to index
    %get3A_1459 = arith.constant 48 : index
    %get3A_1460 = tpu.vector_load %arg5[%get3A_1458, %get3A_1459] {strides = array<i32>} : memref<32x128xi32, #tpu.memory_space<vmem>>, vector<1x16xi32>,
    %get3A_1461 = vector.shape_cast %get3A_1460 : vector<1x16xi32> to vector<16xi32>
    %add3A_1462 = arith.addi %add3A_1456, %get3A_1461 : vector<16xi32>
    %get3A_1463 = arith.constant 10 : i32
    %get3A_1464 = arith.index_cast %get3A_1463 : i32 to index
    %get3A_1465 = arith.constant 48 : index
    %get3A_1466 = tpu.vector_load %arg5[%get3A_1464, %get3A_1465] {strides = array<i32>} : memref<32x128xi32, #tpu.memory_space<vmem>>, vector<1x16xi32>,
    %get3A_1467 = vector.shape_cast %get3A_1466 : vector<1x16xi32> to vector<16xi32>
    %add3A_1468 = arith.addi %add3A_1462, %get3A_1467 : vector<16xi32>
    %get3A_1469 = arith.constant 11 : i32
    %get3A_1470 = arith.index_cast %get3A_1469 : i32 to index
    %get3A_1471 = arith.constant 48 : index
    %get3A_1472 = tpu.vector_load %arg5[%get3A_1470, %get3A_1471] {strides = array<i32>} : memref<32x128xi32, #tpu.memory_space<vmem>>, vector<1x16xi32>,
    %get3A_1473 = vector.shape_cast %get3A_1472 : vector<1x16xi32> to vector<16xi32>
    %add3A_1474 = arith.addi %add3A_1468, %get3A_1473 : vector<16xi32>
    %get3A_1475 = arith.constant 12 : i32
    %get3A_1476 = arith.index_cast %get3A_1475 : i32 to index
    %get3A_1477 = arith.constant 48 : index
    %get3A_1478 = tpu.vector_load %arg5[%get3A_1476, %get3A_1477] {strides = array<i32>} : memref<32x128xi32, #tpu.memory_space<vmem>>, vector<1x16xi32>,
    %get3A_1479 = vector.shape_cast %get3A_1478 : vector<1x16xi32> to vector<16xi32>
    %add3A_1480 = arith.addi %add3A_1474, %get3A_1479 : vector<16xi32>
    %get3A_1481 = arith.constant 13 : i32
    %get3A_1482 = arith.index_cast %get3A_1481 : i32 to index
    %get3A_1483 = arith.constant 48 : index
    %get3A_1484 = tpu.vector_load %arg5[%get3A_1482, %get3A_1483] {strides = array<i32>} : memref<32x128xi32, #tpu.memory_space<vmem>>, vector<1x16xi32>,
    %get3A_1485 = vector.shape_cast %get3A_1484 : vector<1x16xi32> to vector<16xi32>
    %add3A_1486 = arith.addi %add3A_1480, %get3A_1485 : vector<16xi32>
    %get3A_1487 = arith.constant 14 : i32
    %get3A_1488 = arith.index_cast %get3A_1487 : i32 to index
    %get3A_1489 = arith.constant 48 : index
    %get3A_1490 = tpu.vector_load %arg5[%get3A_1488, %get3A_1489] {strides = array<i32>} : memref<32x128xi32, #tpu.memory_space<vmem>>, vector<1x16xi32>,
    %get3A_1491 = vector.shape_cast %get3A_1490 : vector<1x16xi32> to vector<16xi32>
    %add3A_1492 = arith.addi %add3A_1486, %get3A_1491 : vector<16xi32>
    %get3A_1493 = arith.constant 15 : i32
    %get3A_1494 = arith.index_cast %get3A_1493 : i32 to index
    %get3A_1495 = arith.constant 48 : index
    %get3A_1496 = tpu.vector_load %arg5[%get3A_1494, %get3A_1495] {strides = array<i32>} : memref<32x128xi32, #tpu.memory_space<vmem>>, vector<1x16xi32>,
    %get3A_1497 = vector.shape_cast %get3A_1496 : vector<1x16xi32> to vector<16xi32>
    %add3A_1498 = arith.addi %add3A_1492, %get3A_1497 : vector<16xi32>
    %get3A_1499 = arith.constant 16 : i32
    %get3A_1500 = arith.index_cast %get3A_1499 : i32 to index
    %get3A_1501 = arith.constant 48 : index
    %get3A_1502 = tpu.vector_load %arg5[%get3A_1500, %get3A_1501] {strides = array<i32>} : memref<32x128xi32, #tpu.memory_space<vmem>>, vector<1x16xi32>,
    %get3A_1503 = vector.shape_cast %get3A_1502 : vector<1x16xi32> to vector<16xi32>
    %add3A_1504 = arith.addi %add3A_1498, %get3A_1503 : vector<16xi32>
    %get3A_1505 = arith.constant 17 : i32
    %get3A_1506 = arith.index_cast %get3A_1505 : i32 to index
    %get3A_1507 = arith.constant 48 : index
    %get3A_1508 = tpu.vector_load %arg5[%get3A_1506, %get3A_1507] {strides = array<i32>} : memref<32x128xi32, #tpu.memory_space<vmem>>, vector<1x16xi32>,
    %get3A_1509 = vector.shape_cast %get3A_1508 : vector<1x16xi32> to vector<16xi32>
    %add3A_1510 = arith.addi %add3A_1504, %get3A_1509 : vector<16xi32>
    %get3A_1511 = arith.constant 18 : i32
    %get3A_1512 = arith.index_cast %get3A_1511 : i32 to index
    %get3A_1513 = arith.constant 48 : index
    %get3A_1514 = tpu.vector_load %arg5[%get3A_1512, %get3A_1513] {strides = array<i32>} : memref<32x128xi32, #tpu.memory_space<vmem>>, vector<1x16xi32>,
    %get3A_1515 = vector.shape_cast %get3A_1514 : vector<1x16xi32> to vector<16xi32>
    %add3A_1516 = arith.addi %add3A_1510, %get3A_1515 : vector<16xi32>
    %get3A_1517 = arith.constant 19 : i32
    %get3A_1518 = arith.index_cast %get3A_1517 : i32 to index
    %get3A_1519 = arith.constant 48 : index
    %get3A_1520 = tpu.vector_load %arg5[%get3A_1518, %get3A_1519] {strides = array<i32>} : memref<32x128xi32, #tpu.memory_space<vmem>>, vector<1x16xi32>,
    %get3A_1521 = vector.shape_cast %get3A_1520 : vector<1x16xi32> to vector<16xi32>
    %add3A_1522 = arith.addi %add3A_1516, %get3A_1521 : vector<16xi32>
    %get3A_1523 = arith.constant 20 : i32
    %get3A_1524 = arith.index_cast %get3A_1523 : i32 to index
    %get3A_1525 = arith.constant 48 : index
    %get3A_1526 = tpu.vector_load %arg5[%get3A_1524, %get3A_1525] {strides = array<i32>} : memref<32x128xi32, #tpu.memory_space<vmem>>, vector<1x16xi32>,
    %get3A_1527 = vector.shape_cast %get3A_1526 : vector<1x16xi32> to vector<16xi32>
    %add3A_1528 = arith.addi %add3A_1522, %get3A_1527 : vector<16xi32>
    %get3A_1529 = arith.constant 21 : i32
    %get3A_1530 = arith.index_cast %get3A_1529 : i32 to index
    %get3A_1531 = arith.constant 48 : index
    %get3A_1532 = tpu.vector_load %arg5[%get3A_1530, %get3A_1531] {strides = array<i32>} : memref<32x128xi32, #tpu.memory_space<vmem>>, vector<1x16xi32>,
    %get3A_1533 = vector.shape_cast %get3A_1532 : vector<1x16xi32> to vector<16xi32>
    %add3A_1534 = arith.addi %add3A_1528, %get3A_1533 : vector<16xi32>
    %get3A_1535 = arith.constant 22 : i32
    %get3A_1536 = arith.index_cast %get3A_1535 : i32 to index
    %get3A_1537 = arith.constant 48 : index
    %get3A_1538 = tpu.vector_load %arg5[%get3A_1536, %get3A_1537] {strides = array<i32>} : memref<32x128xi32, #tpu.memory_space<vmem>>, vector<1x16xi32>,
    %get3A_1539 = vector.shape_cast %get3A_1538 : vector<1x16xi32> to vector<16xi32>
    %add3A_1540 = arith.addi %add3A_1534, %get3A_1539 : vector<16xi32>
    %get3A_1541 = arith.constant 23 : i32
    %get3A_1542 = arith.index_cast %get3A_1541 : i32 to index
    %get3A_1543 = arith.constant 48 : index
    %get3A_1544 = tpu.vector_load %arg5[%get3A_1542, %get3A_1543] {strides = array<i32>} : memref<32x128xi32, #tpu.memory_space<vmem>>, vector<1x16xi32>,
    %get3A_1545 = vector.shape_cast %get3A_1544 : vector<1x16xi32> to vector<16xi32>
    %add3A_1546 = arith.addi %add3A_1540, %get3A_1545 : vector<16xi32>
    %get3A_1547 = arith.constant 24 : i32
    %get3A_1548 = arith.index_cast %get3A_1547 : i32 to index
    %get3A_1549 = arith.constant 48 : index
    %get3A_1550 = tpu.vector_load %arg5[%get3A_1548, %get3A_1549] {strides = array<i32>} : memref<32x128xi32, #tpu.memory_space<vmem>>, vector<1x16xi32>,
    %get3A_1551 = vector.shape_cast %get3A_1550 : vector<1x16xi32> to vector<16xi32>
    %add3A_1552 = arith.addi %add3A_1546, %get3A_1551 : vector<16xi32>
    %get3A_1553 = arith.constant 25 : i32
    %get3A_1554 = arith.index_cast %get3A_1553 : i32 to index
    %get3A_1555 = arith.constant 48 : index
    %get3A_1556 = tpu.vector_load %arg5[%get3A_1554, %get3A_1555] {strides = array<i32>} : memref<32x128xi32, #tpu.memory_space<vmem>>, vector<1x16xi32>,
    %get3A_1557 = vector.shape_cast %get3A_1556 : vector<1x16xi32> to vector<16xi32>
    %add3A_1558 = arith.addi %add3A_1552, %get3A_1557 : vector<16xi32>
    %get3A_1559 = arith.constant 26 : i32
    %get3A_1560 = arith.index_cast %get3A_1559 : i32 to index
    %get3A_1561 = arith.constant 48 : index
    %get3A_1562 = tpu.vector_load %arg5[%get3A_1560, %get3A_1561] {strides = array<i32>} : memref<32x128xi32, #tpu.memory_space<vmem>>, vector<1x16xi32>,
    %get3A_1563 = vector.shape_cast %get3A_1562 : vector<1x16xi32> to vector<16xi32>
    %add3A_1564 = arith.addi %add3A_1558, %get3A_1563 : vector<16xi32>
    %get3A_1565 = arith.constant 27 : i32
    %get3A_1566 = arith.index_cast %get3A_1565 : i32 to index
    %get3A_1567 = arith.constant 48 : index
    %get3A_1568 = tpu.vector_load %arg5[%get3A_1566, %get3A_1567] {strides = array<i32>} : memref<32x128xi32, #tpu.memory_space<vmem>>, vector<1x16xi32>,
    %get3A_1569 = vector.shape_cast %get3A_1568 : vector<1x16xi32> to vector<16xi32>
    %add3A_1570 = arith.addi %add3A_1564, %get3A_1569 : vector<16xi32>
    %get3A_1571 = arith.constant 28 : i32
    %get3A_1572 = arith.index_cast %get3A_1571 : i32 to index
    %get3A_1573 = arith.constant 48 : index
    %get3A_1574 = tpu.vector_load %arg5[%get3A_1572, %get3A_1573] {strides = array<i32>} : memref<32x128xi32, #tpu.memory_space<vmem>>, vector<1x16xi32>,
    %get3A_1575 = vector.shape_cast %get3A_1574 : vector<1x16xi32> to vector<16xi32>
    %add3A_1576 = arith.addi %add3A_1570, %get3A_1575 : vector<16xi32>
    %get3A_1577 = arith.constant 29 : i32
    %get3A_1578 = arith.index_cast %get3A_1577 : i32 to index
    %get3A_1579 = arith.constant 48 : index
    %get3A_1580 = tpu.vector_load %arg5[%get3A_1578, %get3A_1579] {strides = array<i32>} : memref<32x128xi32, #tpu.memory_space<vmem>>, vector<1x16xi32>,
    %get3A_1581 = vector.shape_cast %get3A_1580 : vector<1x16xi32> to vector<16xi32>
    %add3A_1582 = arith.addi %add3A_1576, %get3A_1581 : vector<16xi32>
    %get3A_1583 = arith.constant 30 : i32
    %get3A_1584 = arith.index_cast %get3A_1583 : i32 to index
    %get3A_1585 = arith.constant 48 : index
    %get3A_1586 = tpu.vector_load %arg5[%get3A_1584, %get3A_1585] {strides = array<i32>} : memref<32x128xi32, #tpu.memory_space<vmem>>, vector<1x16xi32>,
    %get3A_1587 = vector.shape_cast %get3A_1586 : vector<1x16xi32> to vector<16xi32>
    %add3A_1588 = arith.addi %add3A_1582, %get3A_1587 : vector<16xi32>
    %get3A_1589 = arith.constant 31 : i32
    %get3A_1590 = arith.index_cast %get3A_1589 : i32 to index
    %get3A_1591 = arith.constant 48 : index
    %get3A_1592 = tpu.vector_load %arg5[%get3A_1590, %get3A_1591] {strides = array<i32>} : memref<32x128xi32, #tpu.memory_space<vmem>>, vector<1x16xi32>,
    %get3A_1593 = vector.shape_cast %get3A_1592 : vector<1x16xi32> to vector<16xi32>
    %add3A_1594 = arith.addi %add3A_1588, %get3A_1593 : vector<16xi32>
    %convert_element_type3A_1595 = arith.sitofp %add3A_1594 : vector<16xi32> to vector<16xf32>
    %mul3A_1596 = arith.constant 6.10351563E-5 : f32
    %mul3A_1597 = vector.broadcast %mul3A_1596 : f32 to vector<16xf32>
    %mul3A_1598 = arith.mulf %convert_element_type3A_1595, %mul3A_1597 : vector<16xf32>
    %get3A_1599 = arith.constant 48 : index
    %get3A_1600 = tpu.vector_load %arg6[%get3A_1599] {strides = array<i32>} : memref<128xf32, #tpu.memory_space<vmem>>, vector<16xf32>,
    %get3A_1601 = vector.shape_cast %get3A_1600 : vector<16xf32> to vector<16xf32>
    %mul3A_1602 = arith.constant 9.990000e-01 : f32
    %mul3A_1603 = vector.broadcast %mul3A_1602 : f32 to vector<16xf32>
    %mul3A_1604 = arith.mulf %mul3A_1603, %get3A_1601 : vector<16xf32>
    %mul3A_1605 = arith.constant 1.000000e-03 : f32
    %mul3A_1606 = vector.broadcast %mul3A_1605 : f32 to vector<16xf32>
    %mul3A_1607 = arith.mulf %mul3A_1606, %mul3A_1598 : vector<16xf32>
    %add3A_1608 = arith.addf %mul3A_1604, %mul3A_1607 : vector<16xf32>
    %swap3A_1609 = arith.constant 48 : index
    %swap3A_1610 = tpu.vector_load %arg7[%swap3A_1609] {strides = array<i32>} : memref<128xf32, #tpu.memory_space<vmem>>, vector<16xf32>,
    %swap3A_1611 = vector.shape_cast %swap3A_1610 : vector<16xf32> to vector<16xf32>
    %swap3A_1612 = vector.shape_cast %add3A_1608 : vector<16xf32> to vector<16xf32>
    tpu.vector_store %arg7[%swap3A_1609], %swap3A_1612 {strides = array<i32>} : memref<128xf32, #tpu.memory_space<vmem>>, vector<16xf32>,
    %broadcast_in_dim3A_1613 = arith.constant 0 : i32
    %broadcast_in_dim3A_1614 = vector.broadcast %broadcast_in_dim3A_1613 : i32 to vector<16xi32>
    %get3A_1615 = arith.constant 0 : i32
    %get3A_1616 = arith.index_cast %get3A_1615 : i32 to index
    %get3A_1617 = arith.constant 64 : index
    %get3A_1618 = tpu.vector_load %arg5[%get3A_1616, %get3A_1617] {strides = array<i32>} : memref<32x128xi32, #tpu.memory_space<vmem>>, vector<1x16xi32>,
    %get3A_1619 = vector.shape_cast %get3A_1618 : vector<1x16xi32> to vector<16xi32>
    %add3A_1620 = arith.addi %broadcast_in_dim3A_1614, %get3A_1619 : vector<16xi32>
    %get3A_1621 = arith.constant 1 : i32
    %get3A_1622 = arith.index_cast %get3A_1621 : i32 to index
    %get3A_1623 = arith.constant 64 : index
    %get3A_1624 = tpu.vector_load %arg5[%get3A_1622, %get3A_1623] {strides = array<i32>} : memref<32x128xi32, #tpu.memory_space<vmem>>, vector<1x16xi32>,
    %get3A_1625 = vector.shape_cast %get3A_1624 : vector<1x16xi32> to vector<16xi32>
    %add3A_1626 = arith.addi %add3A_1620, %get3A_1625 : vector<16xi32>
    %get3A_1627 = arith.constant 2 : i32
    %get3A_1628 = arith.index_cast %get3A_1627 : i32 to index
    %get3A_1629 = arith.constant 64 : index
    %get3A_1630 = tpu.vector_load %arg5[%get3A_1628, %get3A_1629] {strides = array<i32>} : memref<32x128xi32, #tpu.memory_space<vmem>>, vector<1x16xi32>,
    %get3A_1631 = vector.shape_cast %get3A_1630 : vector<1x16xi32> to vector<16xi32>
    %add3A_1632 = arith.addi %add3A_1626, %get3A_1631 : vector<16xi32>
    %get3A_1633 = arith.constant 3 : i32
    %get3A_1634 = arith.index_cast %get3A_1633 : i32 to index
    %get3A_1635 = arith.constant 64 : index
    %get3A_1636 = tpu.vector_load %arg5[%get3A_1634, %get3A_1635] {strides = array<i32>} : memref<32x128xi32, #tpu.memory_space<vmem>>, vector<1x16xi32>,
    %get3A_1637 = vector.shape_cast %get3A_1636 : vector<1x16xi32> to vector<16xi32>
    %add3A_1638 = arith.addi %add3A_1632, %get3A_1637 : vector<16xi32>
    %get3A_1639 = arith.constant 4 : i32
    %get3A_1640 = arith.index_cast %get3A_1639 : i32 to index
    %get3A_1641 = arith.constant 64 : index
    %get3A_1642 = tpu.vector_load %arg5[%get3A_1640, %get3A_1641] {strides = array<i32>} : memref<32x128xi32, #tpu.memory_space<vmem>>, vector<1x16xi32>,
    %get3A_1643 = vector.shape_cast %get3A_1642 : vector<1x16xi32> to vector<16xi32>
    %add3A_1644 = arith.addi %add3A_1638, %get3A_1643 : vector<16xi32>
    %get3A_1645 = arith.constant 5 : i32
    %get3A_1646 = arith.index_cast %get3A_1645 : i32 to index
    %get3A_1647 = arith.constant 64 : index
    %get3A_1648 = tpu.vector_load %arg5[%get3A_1646, %get3A_1647] {strides = array<i32>} : memref<32x128xi32, #tpu.memory_space<vmem>>, vector<1x16xi32>,
    %get3A_1649 = vector.shape_cast %get3A_1648 : vector<1x16xi32> to vector<16xi32>
    %add3A_1650 = arith.addi %add3A_1644, %get3A_1649 : vector<16xi32>
    %get3A_1651 = arith.constant 6 : i32
    %get3A_1652 = arith.index_cast %get3A_1651 : i32 to index
    %get3A_1653 = arith.constant 64 : index
    %get3A_1654 = tpu.vector_load %arg5[%get3A_1652, %get3A_1653] {strides = array<i32>} : memref<32x128xi32, #tpu.memory_space<vmem>>, vector<1x16xi32>,
    %get3A_1655 = vector.shape_cast %get3A_1654 : vector<1x16xi32> to vector<16xi32>
    %add3A_1656 = arith.addi %add3A_1650, %get3A_1655 : vector<16xi32>
    %get3A_1657 = arith.constant 7 : i32
    %get3A_1658 = arith.index_cast %get3A_1657 : i32 to index
    %get3A_1659 = arith.constant 64 : index
    %get3A_1660 = tpu.vector_load %arg5[%get3A_1658, %get3A_1659] {strides = array<i32>} : memref<32x128xi32, #tpu.memory_space<vmem>>, vector<1x16xi32>,
    %get3A_1661 = vector.shape_cast %get3A_1660 : vector<1x16xi32> to vector<16xi32>
    %add3A_1662 = arith.addi %add3A_1656, %get3A_1661 : vector<16xi32>
    %get3A_1663 = arith.constant 8 : i32
    %get3A_1664 = arith.index_cast %get3A_1663 : i32 to index
    %get3A_1665 = arith.constant 64 : index
    %get3A_1666 = tpu.vector_load %arg5[%get3A_1664, %get3A_1665] {strides = array<i32>} : memref<32x128xi32, #tpu.memory_space<vmem>>, vector<1x16xi32>,
    %get3A_1667 = vector.shape_cast %get3A_1666 : vector<1x16xi32> to vector<16xi32>
    %add3A_1668 = arith.addi %add3A_1662, %get3A_1667 : vector<16xi32>
    %get3A_1669 = arith.constant 9 : i32
    %get3A_1670 = arith.index_cast %get3A_1669 : i32 to index
    %get3A_1671 = arith.constant 64 : index
    %get3A_1672 = tpu.vector_load %arg5[%get3A_1670, %get3A_1671] {strides = array<i32>} : memref<32x128xi32, #tpu.memory_space<vmem>>, vector<1x16xi32>,
    %get3A_1673 = vector.shape_cast %get3A_1672 : vector<1x16xi32> to vector<16xi32>
    %add3A_1674 = arith.addi %add3A_1668, %get3A_1673 : vector<16xi32>
    %get3A_1675 = arith.constant 10 : i32
    %get3A_1676 = arith.index_cast %get3A_1675 : i32 to index
    %get3A_1677 = arith.constant 64 : index
    %get3A_1678 = tpu.vector_load %arg5[%get3A_1676, %get3A_1677] {strides = array<i32>} : memref<32x128xi32, #tpu.memory_space<vmem>>, vector<1x16xi32>,
    %get3A_1679 = vector.shape_cast %get3A_1678 : vector<1x16xi32> to vector<16xi32>
    %add3A_1680 = arith.addi %add3A_1674, %get3A_1679 : vector<16xi32>
    %get3A_1681 = arith.constant 11 : i32
    %get3A_1682 = arith.index_cast %get3A_1681 : i32 to index
    %get3A_1683 = arith.constant 64 : index
    %get3A_1684 = tpu.vector_load %arg5[%get3A_1682, %get3A_1683] {strides = array<i32>} : memref<32x128xi32, #tpu.memory_space<vmem>>, vector<1x16xi32>,
    %get3A_1685 = vector.shape_cast %get3A_1684 : vector<1x16xi32> to vector<16xi32>
    %add3A_1686 = arith.addi %add3A_1680, %get3A_1685 : vector<16xi32>
    %get3A_1687 = arith.constant 12 : i32
    %get3A_1688 = arith.index_cast %get3A_1687 : i32 to index
    %get3A_1689 = arith.constant 64 : index
    %get3A_1690 = tpu.vector_load %arg5[%get3A_1688, %get3A_1689] {strides = array<i32>} : memref<32x128xi32, #tpu.memory_space<vmem>>, vector<1x16xi32>,
    %get3A_1691 = vector.shape_cast %get3A_1690 : vector<1x16xi32> to vector<16xi32>
    %add3A_1692 = arith.addi %add3A_1686, %get3A_1691 : vector<16xi32>
    %get3A_1693 = arith.constant 13 : i32
    %get3A_1694 = arith.index_cast %get3A_1693 : i32 to index
    %get3A_1695 = arith.constant 64 : index
    %get3A_1696 = tpu.vector_load %arg5[%get3A_1694, %get3A_1695] {strides = array<i32>} : memref<32x128xi32, #tpu.memory_space<vmem>>, vector<1x16xi32>,
    %get3A_1697 = vector.shape_cast %get3A_1696 : vector<1x16xi32> to vector<16xi32>
    %add3A_1698 = arith.addi %add3A_1692, %get3A_1697 : vector<16xi32>
    %get3A_1699 = arith.constant 14 : i32
    %get3A_1700 = arith.index_cast %get3A_1699 : i32 to index
    %get3A_1701 = arith.constant 64 : index
    %get3A_1702 = tpu.vector_load %arg5[%get3A_1700, %get3A_1701] {strides = array<i32>} : memref<32x128xi32, #tpu.memory_space<vmem>>, vector<1x16xi32>,
    %get3A_1703 = vector.shape_cast %get3A_1702 : vector<1x16xi32> to vector<16xi32>
    %add3A_1704 = arith.addi %add3A_1698, %get3A_1703 : vector<16xi32>
    %get3A_1705 = arith.constant 15 : i32
    %get3A_1706 = arith.index_cast %get3A_1705 : i32 to index
    %get3A_1707 = arith.constant 64 : index
    %get3A_1708 = tpu.vector_load %arg5[%get3A_1706, %get3A_1707] {strides = array<i32>} : memref<32x128xi32, #tpu.memory_space<vmem>>, vector<1x16xi32>,
    %get3A_1709 = vector.shape_cast %get3A_1708 : vector<1x16xi32> to vector<16xi32>
    %add3A_1710 = arith.addi %add3A_1704, %get3A_1709 : vector<16xi32>
    %get3A_1711 = arith.constant 16 : i32
    %get3A_1712 = arith.index_cast %get3A_1711 : i32 to index
    %get3A_1713 = arith.constant 64 : index
    %get3A_1714 = tpu.vector_load %arg5[%get3A_1712, %get3A_1713] {strides = array<i32>} : memref<32x128xi32, #tpu.memory_space<vmem>>, vector<1x16xi32>,
    %get3A_1715 = vector.shape_cast %get3A_1714 : vector<1x16xi32> to vector<16xi32>
    %add3A_1716 = arith.addi %add3A_1710, %get3A_1715 : vector<16xi32>
    %get3A_1717 = arith.constant 17 : i32
    %get3A_1718 = arith.index_cast %get3A_1717 : i32 to index
    %get3A_1719 = arith.constant 64 : index
    %get3A_1720 = tpu.vector_load %arg5[%get3A_1718, %get3A_1719] {strides = array<i32>} : memref<32x128xi32, #tpu.memory_space<vmem>>, vector<1x16xi32>,
    %get3A_1721 = vector.shape_cast %get3A_1720 : vector<1x16xi32> to vector<16xi32>
    %add3A_1722 = arith.addi %add3A_1716, %get3A_1721 : vector<16xi32>
    %get3A_1723 = arith.constant 18 : i32
    %get3A_1724 = arith.index_cast %get3A_1723 : i32 to index
    %get3A_1725 = arith.constant 64 : index
    %get3A_1726 = tpu.vector_load %arg5[%get3A_1724, %get3A_1725] {strides = array<i32>} : memref<32x128xi32, #tpu.memory_space<vmem>>, vector<1x16xi32>,
    %get3A_1727 = vector.shape_cast %get3A_1726 : vector<1x16xi32> to vector<16xi32>
    %add3A_1728 = arith.addi %add3A_1722, %get3A_1727 : vector<16xi32>
    %get3A_1729 = arith.constant 19 : i32
    %get3A_1730 = arith.index_cast %get3A_1729 : i32 to index
    %get3A_1731 = arith.constant 64 : index
    %get3A_1732 = tpu.vector_load %arg5[%get3A_1730, %get3A_1731] {strides = array<i32>} : memref<32x128xi32, #tpu.memory_space<vmem>>, vector<1x16xi32>,
    %get3A_1733 = vector.shape_cast %get3A_1732 : vector<1x16xi32> to vector<16xi32>
    %add3A_1734 = arith.addi %add3A_1728, %get3A_1733 : vector<16xi32>
    %get3A_1735 = arith.constant 20 : i32
    %get3A_1736 = arith.index_cast %get3A_1735 : i32 to index
    %get3A_1737 = arith.constant 64 : index
    %get3A_1738 = tpu.vector_load %arg5[%get3A_1736, %get3A_1737] {strides = array<i32>} : memref<32x128xi32, #tpu.memory_space<vmem>>, vector<1x16xi32>,
    %get3A_1739 = vector.shape_cast %get3A_1738 : vector<1x16xi32> to vector<16xi32>
    %add3A_1740 = arith.addi %add3A_1734, %get3A_1739 : vector<16xi32>
    %get3A_1741 = arith.constant 21 : i32
    %get3A_1742 = arith.index_cast %get3A_1741 : i32 to index
    %get3A_1743 = arith.constant 64 : index
    %get3A_1744 = tpu.vector_load %arg5[%get3A_1742, %get3A_1743] {strides = array<i32>} : memref<32x128xi32, #tpu.memory_space<vmem>>, vector<1x16xi32>,
    %get3A_1745 = vector.shape_cast %get3A_1744 : vector<1x16xi32> to vector<16xi32>
    %add3A_1746 = arith.addi %add3A_1740, %get3A_1745 : vector<16xi32>
    %get3A_1747 = arith.constant 22 : i32
    %get3A_1748 = arith.index_cast %get3A_1747 : i32 to index
    %get3A_1749 = arith.constant 64 : index
    %get3A_1750 = tpu.vector_load %arg5[%get3A_1748, %get3A_1749] {strides = array<i32>} : memref<32x128xi32, #tpu.memory_space<vmem>>, vector<1x16xi32>,
    %get3A_1751 = vector.shape_cast %get3A_1750 : vector<1x16xi32> to vector<16xi32>
    %add3A_1752 = arith.addi %add3A_1746, %get3A_1751 : vector<16xi32>
    %get3A_1753 = arith.constant 23 : i32
    %get3A_1754 = arith.index_cast %get3A_1753 : i32 to index
    %get3A_1755 = arith.constant 64 : index
    %get3A_1756 = tpu.vector_load %arg5[%get3A_1754, %get3A_1755] {strides = array<i32>} : memref<32x128xi32, #tpu.memory_space<vmem>>, vector<1x16xi32>,
    %get3A_1757 = vector.shape_cast %get3A_1756 : vector<1x16xi32> to vector<16xi32>
    %add3A_1758 = arith.addi %add3A_1752, %get3A_1757 : vector<16xi32>
    %get3A_1759 = arith.constant 24 : i32
    %get3A_1760 = arith.index_cast %get3A_1759 : i32 to index
    %get3A_1761 = arith.constant 64 : index
    %get3A_1762 = tpu.vector_load %arg5[%get3A_1760, %get3A_1761] {strides = array<i32>} : memref<32x128xi32, #tpu.memory_space<vmem>>, vector<1x16xi32>,
    %get3A_1763 = vector.shape_cast %get3A_1762 : vector<1x16xi32> to vector<16xi32>
    %add3A_1764 = arith.addi %add3A_1758, %get3A_1763 : vector<16xi32>
    %get3A_1765 = arith.constant 25 : i32
    %get3A_1766 = arith.index_cast %get3A_1765 : i32 to index
    %get3A_1767 = arith.constant 64 : index
    %get3A_1768 = tpu.vector_load %arg5[%get3A_1766, %get3A_1767] {strides = array<i32>} : memref<32x128xi32, #tpu.memory_space<vmem>>, vector<1x16xi32>,
    %get3A_1769 = vector.shape_cast %get3A_1768 : vector<1x16xi32> to vector<16xi32>
    %add3A_1770 = arith.addi %add3A_1764, %get3A_1769 : vector<16xi32>
    %get3A_1771 = arith.constant 26 : i32
    %get3A_1772 = arith.index_cast %get3A_1771 : i32 to index
    %get3A_1773 = arith.constant 64 : index
    %get3A_1774 = tpu.vector_load %arg5[%get3A_1772, %get3A_1773] {strides = array<i32>} : memref<32x128xi32, #tpu.memory_space<vmem>>, vector<1x16xi32>,
    %get3A_1775 = vector.shape_cast %get3A_1774 : vector<1x16xi32> to vector<16xi32>
    %add3A_1776 = arith.addi %add3A_1770, %get3A_1775 : vector<16xi32>
    %get3A_1777 = arith.constant 27 : i32
    %get3A_1778 = arith.index_cast %get3A_1777 : i32 to index
    %get3A_1779 = arith.constant 64 : index
    %get3A_1780 = tpu.vector_load %arg5[%get3A_1778, %get3A_1779] {strides = array<i32>} : memref<32x128xi32, #tpu.memory_space<vmem>>, vector<1x16xi32>,
    %get3A_1781 = vector.shape_cast %get3A_1780 : vector<1x16xi32> to vector<16xi32>
    %add3A_1782 = arith.addi %add3A_1776, %get3A_1781 : vector<16xi32>
    %get3A_1783 = arith.constant 28 : i32
    %get3A_1784 = arith.index_cast %get3A_1783 : i32 to index
    %get3A_1785 = arith.constant 64 : index
    %get3A_1786 = tpu.vector_load %arg5[%get3A_1784, %get3A_1785] {strides = array<i32>} : memref<32x128xi32, #tpu.memory_space<vmem>>, vector<1x16xi32>,
    %get3A_1787 = vector.shape_cast %get3A_1786 : vector<1x16xi32> to vector<16xi32>
    %add3A_1788 = arith.addi %add3A_1782, %get3A_1787 : vector<16xi32>
    %get3A_1789 = arith.constant 29 : i32
    %get3A_1790 = arith.index_cast %get3A_1789 : i32 to index
    %get3A_1791 = arith.constant 64 : index
    %get3A_1792 = tpu.vector_load %arg5[%get3A_1790, %get3A_1791] {strides = array<i32>} : memref<32x128xi32, #tpu.memory_space<vmem>>, vector<1x16xi32>,
    %get3A_1793 = vector.shape_cast %get3A_1792 : vector<1x16xi32> to vector<16xi32>
    %add3A_1794 = arith.addi %add3A_1788, %get3A_1793 : vector<16xi32>
    %get3A_1795 = arith.constant 30 : i32
    %get3A_1796 = arith.index_cast %get3A_1795 : i32 to index
    %get3A_1797 = arith.constant 64 : index
    %get3A_1798 = tpu.vector_load %arg5[%get3A_1796, %get3A_1797] {strides = array<i32>} : memref<32x128xi32, #tpu.memory_space<vmem>>, vector<1x16xi32>,
    %get3A_1799 = vector.shape_cast %get3A_1798 : vector<1x16xi32> to vector<16xi32>
    %add3A_1800 = arith.addi %add3A_1794, %get3A_1799 : vector<16xi32>
    %get3A_1801 = arith.constant 31 : i32
    %get3A_1802 = arith.index_cast %get3A_1801 : i32 to index
    %get3A_1803 = arith.constant 64 : index
    %get3A_1804 = tpu.vector_load %arg5[%get3A_1802, %get3A_1803] {strides = array<i32>} : memref<32x128xi32, #tpu.memory_space<vmem>>, vector<1x16xi32>,
    %get3A_1805 = vector.shape_cast %get3A_1804 : vector<1x16xi32> to vector<16xi32>
    %add3A_1806 = arith.addi %add3A_1800, %get3A_1805 : vector<16xi32>
    %convert_element_type3A_1807 = arith.sitofp %add3A_1806 : vector<16xi32> to vector<16xf32>
    %mul3A_1808 = arith.constant 6.10351563E-5 : f32
    %mul3A_1809 = vector.broadcast %mul3A_1808 : f32 to vector<16xf32>
    %mul3A_1810 = arith.mulf %convert_element_type3A_1807, %mul3A_1809 : vector<16xf32>
    %get3A_1811 = arith.constant 64 : index
    %get3A_1812 = tpu.vector_load %arg6[%get3A_1811] {strides = array<i32>} : memref<128xf32, #tpu.memory_space<vmem>>, vector<16xf32>,
    %get3A_1813 = vector.shape_cast %get3A_1812 : vector<16xf32> to vector<16xf32>
    %mul3A_1814 = arith.constant 9.990000e-01 : f32
    %mul3A_1815 = vector.broadcast %mul3A_1814 : f32 to vector<16xf32>
    %mul3A_1816 = arith.mulf %mul3A_1815, %get3A_1813 : vector<16xf32>
    %mul3A_1817 = arith.constant 1.000000e-03 : f32
    %mul3A_1818 = vector.broadcast %mul3A_1817 : f32 to vector<16xf32>
    %mul3A_1819 = arith.mulf %mul3A_1818, %mul3A_1810 : vector<16xf32>
    %add3A_1820 = arith.addf %mul3A_1816, %mul3A_1819 : vector<16xf32>
    %swap3A_1821 = arith.constant 64 : index
    %swap3A_1822 = tpu.vector_load %arg7[%swap3A_1821] {strides = array<i32>} : memref<128xf32, #tpu.memory_space<vmem>>, vector<16xf32>,
    %swap3A_1823 = vector.shape_cast %swap3A_1822 : vector<16xf32> to vector<16xf32>
    %swap3A_1824 = vector.shape_cast %add3A_1820 : vector<16xf32> to vector<16xf32>
    tpu.vector_store %arg7[%swap3A_1821], %swap3A_1824 {strides = array<i32>} : memref<128xf32, #tpu.memory_space<vmem>>, vector<16xf32>,
    %broadcast_in_dim3A_1825 = arith.constant 0 : i32
    %broadcast_in_dim3A_1826 = vector.broadcast %broadcast_in_dim3A_1825 : i32 to vector<16xi32>
    %get3A_1827 = arith.constant 0 : i32
    %get3A_1828 = arith.index_cast %get3A_1827 : i32 to index
    %get3A_1829 = arith.constant 80 : index
    %get3A_1830 = tpu.vector_load %arg5[%get3A_1828, %get3A_1829] {strides = array<i32>} : memref<32x128xi32, #tpu.memory_space<vmem>>, vector<1x16xi32>,
    %get3A_1831 = vector.shape_cast %get3A_1830 : vector<1x16xi32> to vector<16xi32>
    %add3A_1832 = arith.addi %broadcast_in_dim3A_1826, %get3A_1831 : vector<16xi32>
    %get3A_1833 = arith.constant 1 : i32
    %get3A_1834 = arith.index_cast %get3A_1833 : i32 to index
    %get3A_1835 = arith.constant 80 : index
    %get3A_1836 = tpu.vector_load %arg5[%get3A_1834, %get3A_1835] {strides = array<i32>} : memref<32x128xi32, #tpu.memory_space<vmem>>, vector<1x16xi32>,
    %get3A_1837 = vector.shape_cast %get3A_1836 : vector<1x16xi32> to vector<16xi32>
    %add3A_1838 = arith.addi %add3A_1832, %get3A_1837 : vector<16xi32>
    %get3A_1839 = arith.constant 2 : i32
    %get3A_1840 = arith.index_cast %get3A_1839 : i32 to index
    %get3A_1841 = arith.constant 80 : index
    %get3A_1842 = tpu.vector_load %arg5[%get3A_1840, %get3A_1841] {strides = array<i32>} : memref<32x128xi32, #tpu.memory_space<vmem>>, vector<1x16xi32>,
    %get3A_1843 = vector.shape_cast %get3A_1842 : vector<1x16xi32> to vector<16xi32>
    %add3A_1844 = arith.addi %add3A_1838, %get3A_1843 : vector<16xi32>
    %get3A_1845 = arith.constant 3 : i32
    %get3A_1846 = arith.index_cast %get3A_1845 : i32 to index
    %get3A_1847 = arith.constant 80 : index
    %get3A_1848 = tpu.vector_load %arg5[%get3A_1846, %get3A_1847] {strides = array<i32>} : memref<32x128xi32, #tpu.memory_space<vmem>>, vector<1x16xi32>,
    %get3A_1849 = vector.shape_cast %get3A_1848 : vector<1x16xi32> to vector<16xi32>
    %add3A_1850 = arith.addi %add3A_1844, %get3A_1849 : vector<16xi32>
    %get3A_1851 = arith.constant 4 : i32
    %get3A_1852 = arith.index_cast %get3A_1851 : i32 to index
    %get3A_1853 = arith.constant 80 : index
    %get3A_1854 = tpu.vector_load %arg5[%get3A_1852, %get3A_1853] {strides = array<i32>} : memref<32x128xi32, #tpu.memory_space<vmem>>, vector<1x16xi32>,
    %get3A_1855 = vector.shape_cast %get3A_1854 : vector<1x16xi32> to vector<16xi32>
    %add3A_1856 = arith.addi %add3A_1850, %get3A_1855 : vector<16xi32>
    %get3A_1857 = arith.constant 5 : i32
    %get3A_1858 = arith.index_cast %get3A_1857 : i32 to index
    %get3A_1859 = arith.constant 80 : index
    %get3A_1860 = tpu.vector_load %arg5[%get3A_1858, %get3A_1859] {strides = array<i32>} : memref<32x128xi32, #tpu.memory_space<vmem>>, vector<1x16xi32>,
    %get3A_1861 = vector.shape_cast %get3A_1860 : vector<1x16xi32> to vector<16xi32>
    %add3A_1862 = arith.addi %add3A_1856, %get3A_1861 : vector<16xi32>
    %get3A_1863 = arith.constant 6 : i32
    %get3A_1864 = arith.index_cast %get3A_1863 : i32 to index
    %get3A_1865 = arith.constant 80 : index
    %get3A_1866 = tpu.vector_load %arg5[%get3A_1864, %get3A_1865] {strides = array<i32>} : memref<32x128xi32, #tpu.memory_space<vmem>>, vector<1x16xi32>,
    %get3A_1867 = vector.shape_cast %get3A_1866 : vector<1x16xi32> to vector<16xi32>
    %add3A_1868 = arith.addi %add3A_1862, %get3A_1867 : vector<16xi32>
    %get3A_1869 = arith.constant 7 : i32
    %get3A_1870 = arith.index_cast %get3A_1869 : i32 to index
    %get3A_1871 = arith.constant 80 : index
    %get3A_1872 = tpu.vector_load %arg5[%get3A_1870, %get3A_1871] {strides = array<i32>} : memref<32x128xi32, #tpu.memory_space<vmem>>, vector<1x16xi32>,
    %get3A_1873 = vector.shape_cast %get3A_1872 : vector<1x16xi32> to vector<16xi32>
    %add3A_1874 = arith.addi %add3A_1868, %get3A_1873 : vector<16xi32>
    %get3A_1875 = arith.constant 8 : i32
    %get3A_1876 = arith.index_cast %get3A_1875 : i32 to index
    %get3A_1877 = arith.constant 80 : index
    %get3A_1878 = tpu.vector_load %arg5[%get3A_1876, %get3A_1877] {strides = array<i32>} : memref<32x128xi32, #tpu.memory_space<vmem>>, vector<1x16xi32>,
    %get3A_1879 = vector.shape_cast %get3A_1878 : vector<1x16xi32> to vector<16xi32>
    %add3A_1880 = arith.addi %add3A_1874, %get3A_1879 : vector<16xi32>
    %get3A_1881 = arith.constant 9 : i32
    %get3A_1882 = arith.index_cast %get3A_1881 : i32 to index
    %get3A_1883 = arith.constant 80 : index
    %get3A_1884 = tpu.vector_load %arg5[%get3A_1882, %get3A_1883] {strides = array<i32>} : memref<32x128xi32, #tpu.memory_space<vmem>>, vector<1x16xi32>,
    %get3A_1885 = vector.shape_cast %get3A_1884 : vector<1x16xi32> to vector<16xi32>
    %add3A_1886 = arith.addi %add3A_1880, %get3A_1885 : vector<16xi32>
    %get3A_1887 = arith.constant 10 : i32
    %get3A_1888 = arith.index_cast %get3A_1887 : i32 to index
    %get3A_1889 = arith.constant 80 : index
    %get3A_1890 = tpu.vector_load %arg5[%get3A_1888, %get3A_1889] {strides = array<i32>} : memref<32x128xi32, #tpu.memory_space<vmem>>, vector<1x16xi32>,
    %get3A_1891 = vector.shape_cast %get3A_1890 : vector<1x16xi32> to vector<16xi32>
    %add3A_1892 = arith.addi %add3A_1886, %get3A_1891 : vector<16xi32>
    %get3A_1893 = arith.constant 11 : i32
    %get3A_1894 = arith.index_cast %get3A_1893 : i32 to index
    %get3A_1895 = arith.constant 80 : index
    %get3A_1896 = tpu.vector_load %arg5[%get3A_1894, %get3A_1895] {strides = array<i32>} : memref<32x128xi32, #tpu.memory_space<vmem>>, vector<1x16xi32>,
    %get3A_1897 = vector.shape_cast %get3A_1896 : vector<1x16xi32> to vector<16xi32>
    %add3A_1898 = arith.addi %add3A_1892, %get3A_1897 : vector<16xi32>
    %get3A_1899 = arith.constant 12 : i32
    %get3A_1900 = arith.index_cast %get3A_1899 : i32 to index
    %get3A_1901 = arith.constant 80 : index
    %get3A_1902 = tpu.vector_load %arg5[%get3A_1900, %get3A_1901] {strides = array<i32>} : memref<32x128xi32, #tpu.memory_space<vmem>>, vector<1x16xi32>,
    %get3A_1903 = vector.shape_cast %get3A_1902 : vector<1x16xi32> to vector<16xi32>
    %add3A_1904 = arith.addi %add3A_1898, %get3A_1903 : vector<16xi32>
    %get3A_1905 = arith.constant 13 : i32
    %get3A_1906 = arith.index_cast %get3A_1905 : i32 to index
    %get3A_1907 = arith.constant 80 : index
    %get3A_1908 = tpu.vector_load %arg5[%get3A_1906, %get3A_1907] {strides = array<i32>} : memref<32x128xi32, #tpu.memory_space<vmem>>, vector<1x16xi32>,
    %get3A_1909 = vector.shape_cast %get3A_1908 : vector<1x16xi32> to vector<16xi32>
    %add3A_1910 = arith.addi %add3A_1904, %get3A_1909 : vector<16xi32>
    %get3A_1911 = arith.constant 14 : i32
    %get3A_1912 = arith.index_cast %get3A_1911 : i32 to index
    %get3A_1913 = arith.constant 80 : index
    %get3A_1914 = tpu.vector_load %arg5[%get3A_1912, %get3A_1913] {strides = array<i32>} : memref<32x128xi32, #tpu.memory_space<vmem>>, vector<1x16xi32>,
    %get3A_1915 = vector.shape_cast %get3A_1914 : vector<1x16xi32> to vector<16xi32>
    %add3A_1916 = arith.addi %add3A_1910, %get3A_1915 : vector<16xi32>
    %get3A_1917 = arith.constant 15 : i32
    %get3A_1918 = arith.index_cast %get3A_1917 : i32 to index
    %get3A_1919 = arith.constant 80 : index
    %get3A_1920 = tpu.vector_load %arg5[%get3A_1918, %get3A_1919] {strides = array<i32>} : memref<32x128xi32, #tpu.memory_space<vmem>>, vector<1x16xi32>,
    %get3A_1921 = vector.shape_cast %get3A_1920 : vector<1x16xi32> to vector<16xi32>
    %add3A_1922 = arith.addi %add3A_1916, %get3A_1921 : vector<16xi32>
    %get3A_1923 = arith.constant 16 : i32
    %get3A_1924 = arith.index_cast %get3A_1923 : i32 to index
    %get3A_1925 = arith.constant 80 : index
    %get3A_1926 = tpu.vector_load %arg5[%get3A_1924, %get3A_1925] {strides = array<i32>} : memref<32x128xi32, #tpu.memory_space<vmem>>, vector<1x16xi32>,
    %get3A_1927 = vector.shape_cast %get3A_1926 : vector<1x16xi32> to vector<16xi32>
    %add3A_1928 = arith.addi %add3A_1922, %get3A_1927 : vector<16xi32>
    %get3A_1929 = arith.constant 17 : i32
    %get3A_1930 = arith.index_cast %get3A_1929 : i32 to index
    %get3A_1931 = arith.constant 80 : index
    %get3A_1932 = tpu.vector_load %arg5[%get3A_1930, %get3A_1931] {strides = array<i32>} : memref<32x128xi32, #tpu.memory_space<vmem>>, vector<1x16xi32>,
    %get3A_1933 = vector.shape_cast %get3A_1932 : vector<1x16xi32> to vector<16xi32>
    %add3A_1934 = arith.addi %add3A_1928, %get3A_1933 : vector<16xi32>
    %get3A_1935 = arith.constant 18 : i32
    %get3A_1936 = arith.index_cast %get3A_1935 : i32 to index
    %get3A_1937 = arith.constant 80 : index
    %get3A_1938 = tpu.vector_load %arg5[%get3A_1936, %get3A_1937] {strides = array<i32>} : memref<32x128xi32, #tpu.memory_space<vmem>>, vector<1x16xi32>,
    %get3A_1939 = vector.shape_cast %get3A_1938 : vector<1x16xi32> to vector<16xi32>
    %add3A_1940 = arith.addi %add3A_1934, %get3A_1939 : vector<16xi32>
    %get3A_1941 = arith.constant 19 : i32
    %get3A_1942 = arith.index_cast %get3A_1941 : i32 to index
    %get3A_1943 = arith.constant 80 : index
    %get3A_1944 = tpu.vector_load %arg5[%get3A_1942, %get3A_1943] {strides = array<i32>} : memref<32x128xi32, #tpu.memory_space<vmem>>, vector<1x16xi32>,
    %get3A_1945 = vector.shape_cast %get3A_1944 : vector<1x16xi32> to vector<16xi32>
    %add3A_1946 = arith.addi %add3A_1940, %get3A_1945 : vector<16xi32>
    %get3A_1947 = arith.constant 20 : i32
    %get3A_1948 = arith.index_cast %get3A_1947 : i32 to index
    %get3A_1949 = arith.constant 80 : index
    %get3A_1950 = tpu.vector_load %arg5[%get3A_1948, %get3A_1949] {strides = array<i32>} : memref<32x128xi32, #tpu.memory_space<vmem>>, vector<1x16xi32>,
    %get3A_1951 = vector.shape_cast %get3A_1950 : vector<1x16xi32> to vector<16xi32>
    %add3A_1952 = arith.addi %add3A_1946, %get3A_1951 : vector<16xi32>
    %get3A_1953 = arith.constant 21 : i32
    %get3A_1954 = arith.index_cast %get3A_1953 : i32 to index
    %get3A_1955 = arith.constant 80 : index
    %get3A_1956 = tpu.vector_load %arg5[%get3A_1954, %get3A_1955] {strides = array<i32>} : memref<32x128xi32, #tpu.memory_space<vmem>>, vector<1x16xi32>,
    %get3A_1957 = vector.shape_cast %get3A_1956 : vector<1x16xi32> to vector<16xi32>
    %add3A_1958 = arith.addi %add3A_1952, %get3A_1957 : vector<16xi32>
    %get3A_1959 = arith.constant 22 : i32
    %get3A_1960 = arith.index_cast %get3A_1959 : i32 to index
    %get3A_1961 = arith.constant 80 : index
    %get3A_1962 = tpu.vector_load %arg5[%get3A_1960, %get3A_1961] {strides = array<i32>} : memref<32x128xi32, #tpu.memory_space<vmem>>, vector<1x16xi32>,
    %get3A_1963 = vector.shape_cast %get3A_1962 : vector<1x16xi32> to vector<16xi32>
    %add3A_1964 = arith.addi %add3A_1958, %get3A_1963 : vector<16xi32>
    %get3A_1965 = arith.constant 23 : i32
    %get3A_1966 = arith.index_cast %get3A_1965 : i32 to index
    %get3A_1967 = arith.constant 80 : index
    %get3A_1968 = tpu.vector_load %arg5[%get3A_1966, %get3A_1967] {strides = array<i32>} : memref<32x128xi32, #tpu.memory_space<vmem>>, vector<1x16xi32>,
    %get3A_1969 = vector.shape_cast %get3A_1968 : vector<1x16xi32> to vector<16xi32>
    %add3A_1970 = arith.addi %add3A_1964, %get3A_1969 : vector<16xi32>
    %get3A_1971 = arith.constant 24 : i32
    %get3A_1972 = arith.index_cast %get3A_1971 : i32 to index
    %get3A_1973 = arith.constant 80 : index
    %get3A_1974 = tpu.vector_load %arg5[%get3A_1972, %get3A_1973] {strides = array<i32>} : memref<32x128xi32, #tpu.memory_space<vmem>>, vector<1x16xi32>,
    %get3A_1975 = vector.shape_cast %get3A_1974 : vector<1x16xi32> to vector<16xi32>
    %add3A_1976 = arith.addi %add3A_1970, %get3A_1975 : vector<16xi32>
    %get3A_1977 = arith.constant 25 : i32
    %get3A_1978 = arith.index_cast %get3A_1977 : i32 to index
    %get3A_1979 = arith.constant 80 : index
    %get3A_1980 = tpu.vector_load %arg5[%get3A_1978, %get3A_1979] {strides = array<i32>} : memref<32x128xi32, #tpu.memory_space<vmem>>, vector<1x16xi32>,
    %get3A_1981 = vector.shape_cast %get3A_1980 : vector<1x16xi32> to vector<16xi32>
    %add3A_1982 = arith.addi %add3A_1976, %get3A_1981 : vector<16xi32>
    %get3A_1983 = arith.constant 26 : i32
    %get3A_1984 = arith.index_cast %get3A_1983 : i32 to index
    %get3A_1985 = arith.constant 80 : index
    %get3A_1986 = tpu.vector_load %arg5[%get3A_1984, %get3A_1985] {strides = array<i32>} : memref<32x128xi32, #tpu.memory_space<vmem>>, vector<1x16xi32>,
    %get3A_1987 = vector.shape_cast %get3A_1986 : vector<1x16xi32> to vector<16xi32>
    %add3A_1988 = arith.addi %add3A_1982, %get3A_1987 : vector<16xi32>
    %get3A_1989 = arith.constant 27 : i32
    %get3A_1990 = arith.index_cast %get3A_1989 : i32 to index
    %get3A_1991 = arith.constant 80 : index
    %get3A_1992 = tpu.vector_load %arg5[%get3A_1990, %get3A_1991] {strides = array<i32>} : memref<32x128xi32, #tpu.memory_space<vmem>>, vector<1x16xi32>,
    %get3A_1993 = vector.shape_cast %get3A_1992 : vector<1x16xi32> to vector<16xi32>
    %add3A_1994 = arith.addi %add3A_1988, %get3A_1993 : vector<16xi32>
    %get3A_1995 = arith.constant 28 : i32
    %get3A_1996 = arith.index_cast %get3A_1995 : i32 to index
    %get3A_1997 = arith.constant 80 : index
    %get3A_1998 = tpu.vector_load %arg5[%get3A_1996, %get3A_1997] {strides = array<i32>} : memref<32x128xi32, #tpu.memory_space<vmem>>, vector<1x16xi32>,
    %get3A_1999 = vector.shape_cast %get3A_1998 : vector<1x16xi32> to vector<16xi32>
    %add3A_2000 = arith.addi %add3A_1994, %get3A_1999 : vector<16xi32>
    %get3A_2001 = arith.constant 29 : i32
    %get3A_2002 = arith.index_cast %get3A_2001 : i32 to index
    %get3A_2003 = arith.constant 80 : index
    %get3A_2004 = tpu.vector_load %arg5[%get3A_2002, %get3A_2003] {strides = array<i32>} : memref<32x128xi32, #tpu.memory_space<vmem>>, vector<1x16xi32>,
    %get3A_2005 = vector.shape_cast %get3A_2004 : vector<1x16xi32> to vector<16xi32>
    %add3A_2006 = arith.addi %add3A_2000, %get3A_2005 : vector<16xi32>
    %get3A_2007 = arith.constant 30 : i32
    %get3A_2008 = arith.index_cast %get3A_2007 : i32 to index
    %get3A_2009 = arith.constant 80 : index
    %get3A_2010 = tpu.vector_load %arg5[%get3A_2008, %get3A_2009] {strides = array<i32>} : memref<32x128xi32, #tpu.memory_space<vmem>>, vector<1x16xi32>,
    %get3A_2011 = vector.shape_cast %get3A_2010 : vector<1x16xi32> to vector<16xi32>
    %add3A_2012 = arith.addi %add3A_2006, %get3A_2011 : vector<16xi32>
    %get3A_2013 = arith.constant 31 : i32
    %get3A_2014 = arith.index_cast %get3A_2013 : i32 to index
    %get3A_2015 = arith.constant 80 : index
    %get3A_2016 = tpu.vector_load %arg5[%get3A_2014, %get3A_2015] {strides = array<i32>} : memref<32x128xi32, #tpu.memory_space<vmem>>, vector<1x16xi32>,
    %get3A_2017 = vector.shape_cast %get3A_2016 : vector<1x16xi32> to vector<16xi32>
    %add3A_2018 = arith.addi %add3A_2012, %get3A_2017 : vector<16xi32>
    %convert_element_type3A_2019 = arith.sitofp %add3A_2018 : vector<16xi32> to vector<16xf32>
    %mul3A_2020 = arith.constant 6.10351563E-5 : f32
    %mul3A_2021 = vector.broadcast %mul3A_2020 : f32 to vector<16xf32>
    %mul3A_2022 = arith.mulf %convert_element_type3A_2019, %mul3A_2021 : vector<16xf32>
    %get3A_2023 = arith.constant 80 : index
    %get3A_2024 = tpu.vector_load %arg6[%get3A_2023] {strides = array<i32>} : memref<128xf32, #tpu.memory_space<vmem>>, vector<16xf32>,
    %get3A_2025 = vector.shape_cast %get3A_2024 : vector<16xf32> to vector<16xf32>
    %mul3A_2026 = arith.constant 9.990000e-01 : f32
    %mul3A_2027 = vector.broadcast %mul3A_2026 : f32 to vector<16xf32>
    %mul3A_2028 = arith.mulf %mul3A_2027, %get3A_2025 : vector<16xf32>
    %mul3A_2029 = arith.constant 1.000000e-03 : f32
    %mul3A_2030 = vector.broadcast %mul3A_2029 : f32 to vector<16xf32>
    %mul3A_2031 = arith.mulf %mul3A_2030, %mul3A_2022 : vector<16xf32>
    %add3A_2032 = arith.addf %mul3A_2028, %mul3A_2031 : vector<16xf32>
    %swap3A_2033 = arith.constant 80 : index
    %swap3A_2034 = tpu.vector_load %arg7[%swap3A_2033] {strides = array<i32>} : memref<128xf32, #tpu.memory_space<vmem>>, vector<16xf32>,
    %swap3A_2035 = vector.shape_cast %swap3A_2034 : vector<16xf32> to vector<16xf32>
    %swap3A_2036 = vector.shape_cast %add3A_2032 : vector<16xf32> to vector<16xf32>
    tpu.vector_store %arg7[%swap3A_2033], %swap3A_2036 {strides = array<i32>} : memref<128xf32, #tpu.memory_space<vmem>>, vector<16xf32>,
    %broadcast_in_dim3A_2037 = arith.constant 0 : i32
    %broadcast_in_dim3A_2038 = vector.broadcast %broadcast_in_dim3A_2037 : i32 to vector<16xi32>
    %get3A_2039 = arith.constant 0 : i32
    %get3A_2040 = arith.index_cast %get3A_2039 : i32 to index
    %get3A_2041 = arith.constant 96 : index
    %get3A_2042 = tpu.vector_load %arg5[%get3A_2040, %get3A_2041] {strides = array<i32>} : memref<32x128xi32, #tpu.memory_space<vmem>>, vector<1x16xi32>,
    %get3A_2043 = vector.shape_cast %get3A_2042 : vector<1x16xi32> to vector<16xi32>
    %add3A_2044 = arith.addi %broadcast_in_dim3A_2038, %get3A_2043 : vector<16xi32>
    %get3A_2045 = arith.constant 1 : i32
    %get3A_2046 = arith.index_cast %get3A_2045 : i32 to index
    %get3A_2047 = arith.constant 96 : index
    %get3A_2048 = tpu.vector_load %arg5[%get3A_2046, %get3A_2047] {strides = array<i32>} : memref<32x128xi32, #tpu.memory_space<vmem>>, vector<1x16xi32>,
    %get3A_2049 = vector.shape_cast %get3A_2048 : vector<1x16xi32> to vector<16xi32>
    %add3A_2050 = arith.addi %add3A_2044, %get3A_2049 : vector<16xi32>
    %get3A_2051 = arith.constant 2 : i32
    %get3A_2052 = arith.index_cast %get3A_2051 : i32 to index
    %get3A_2053 = arith.constant 96 : index
    %get3A_2054 = tpu.vector_load %arg5[%get3A_2052, %get3A_2053] {strides = array<i32>} : memref<32x128xi32, #tpu.memory_space<vmem>>, vector<1x16xi32>,
    %get3A_2055 = vector.shape_cast %get3A_2054 : vector<1x16xi32> to vector<16xi32>
    %add3A_2056 = arith.addi %add3A_2050, %get3A_2055 : vector<16xi32>
    %get3A_2057 = arith.constant 3 : i32
    %get3A_2058 = arith.index_cast %get3A_2057 : i32 to index
    %get3A_2059 = arith.constant 96 : index
    %get3A_2060 = tpu.vector_load %arg5[%get3A_2058, %get3A_2059] {strides = array<i32>} : memref<32x128xi32, #tpu.memory_space<vmem>>, vector<1x16xi32>,
    %get3A_2061 = vector.shape_cast %get3A_2060 : vector<1x16xi32> to vector<16xi32>
    %add3A_2062 = arith.addi %add3A_2056, %get3A_2061 : vector<16xi32>
    %get3A_2063 = arith.constant 4 : i32
    %get3A_2064 = arith.index_cast %get3A_2063 : i32 to index
    %get3A_2065 = arith.constant 96 : index
    %get3A_2066 = tpu.vector_load %arg5[%get3A_2064, %get3A_2065] {strides = array<i32>} : memref<32x128xi32, #tpu.memory_space<vmem>>, vector<1x16xi32>,
    %get3A_2067 = vector.shape_cast %get3A_2066 : vector<1x16xi32> to vector<16xi32>
    %add3A_2068 = arith.addi %add3A_2062, %get3A_2067 : vector<16xi32>
    %get3A_2069 = arith.constant 5 : i32
    %get3A_2070 = arith.index_cast %get3A_2069 : i32 to index
    %get3A_2071 = arith.constant 96 : index
    %get3A_2072 = tpu.vector_load %arg5[%get3A_2070, %get3A_2071] {strides = array<i32>} : memref<32x128xi32, #tpu.memory_space<vmem>>, vector<1x16xi32>,
    %get3A_2073 = vector.shape_cast %get3A_2072 : vector<1x16xi32> to vector<16xi32>
    %add3A_2074 = arith.addi %add3A_2068, %get3A_2073 : vector<16xi32>
    %get3A_2075 = arith.constant 6 : i32
    %get3A_2076 = arith.index_cast %get3A_2075 : i32 to index
    %get3A_2077 = arith.constant 96 : index
    %get3A_2078 = tpu.vector_load %arg5[%get3A_2076, %get3A_2077] {strides = array<i32>} : memref<32x128xi32, #tpu.memory_space<vmem>>, vector<1x16xi32>,
    %get3A_2079 = vector.shape_cast %get3A_2078 : vector<1x16xi32> to vector<16xi32>
    %add3A_2080 = arith.addi %add3A_2074, %get3A_2079 : vector<16xi32>
    %get3A_2081 = arith.constant 7 : i32
    %get3A_2082 = arith.index_cast %get3A_2081 : i32 to index
    %get3A_2083 = arith.constant 96 : index
    %get3A_2084 = tpu.vector_load %arg5[%get3A_2082, %get3A_2083] {strides = array<i32>} : memref<32x128xi32, #tpu.memory_space<vmem>>, vector<1x16xi32>,
    %get3A_2085 = vector.shape_cast %get3A_2084 : vector<1x16xi32> to vector<16xi32>
    %add3A_2086 = arith.addi %add3A_2080, %get3A_2085 : vector<16xi32>
    %get3A_2087 = arith.constant 8 : i32
    %get3A_2088 = arith.index_cast %get3A_2087 : i32 to index
    %get3A_2089 = arith.constant 96 : index
    %get3A_2090 = tpu.vector_load %arg5[%get3A_2088, %get3A_2089] {strides = array<i32>} : memref<32x128xi32, #tpu.memory_space<vmem>>, vector<1x16xi32>,
    %get3A_2091 = vector.shape_cast %get3A_2090 : vector<1x16xi32> to vector<16xi32>
    %add3A_2092 = arith.addi %add3A_2086, %get3A_2091 : vector<16xi32>
    %get3A_2093 = arith.constant 9 : i32
    %get3A_2094 = arith.index_cast %get3A_2093 : i32 to index
    %get3A_2095 = arith.constant 96 : index
    %get3A_2096 = tpu.vector_load %arg5[%get3A_2094, %get3A_2095] {strides = array<i32>} : memref<32x128xi32, #tpu.memory_space<vmem>>, vector<1x16xi32>,
    %get3A_2097 = vector.shape_cast %get3A_2096 : vector<1x16xi32> to vector<16xi32>
    %add3A_2098 = arith.addi %add3A_2092, %get3A_2097 : vector<16xi32>
    %get3A_2099 = arith.constant 10 : i32
    %get3A_2100 = arith.index_cast %get3A_2099 : i32 to index
    %get3A_2101 = arith.constant 96 : index
    %get3A_2102 = tpu.vector_load %arg5[%get3A_2100, %get3A_2101] {strides = array<i32>} : memref<32x128xi32, #tpu.memory_space<vmem>>, vector<1x16xi32>,
    %get3A_2103 = vector.shape_cast %get3A_2102 : vector<1x16xi32> to vector<16xi32>
    %add3A_2104 = arith.addi %add3A_2098, %get3A_2103 : vector<16xi32>
    %get3A_2105 = arith.constant 11 : i32
    %get3A_2106 = arith.index_cast %get3A_2105 : i32 to index
    %get3A_2107 = arith.constant 96 : index
    %get3A_2108 = tpu.vector_load %arg5[%get3A_2106, %get3A_2107] {strides = array<i32>} : memref<32x128xi32, #tpu.memory_space<vmem>>, vector<1x16xi32>,
    %get3A_2109 = vector.shape_cast %get3A_2108 : vector<1x16xi32> to vector<16xi32>
    %add3A_2110 = arith.addi %add3A_2104, %get3A_2109 : vector<16xi32>
    %get3A_2111 = arith.constant 12 : i32
    %get3A_2112 = arith.index_cast %get3A_2111 : i32 to index
    %get3A_2113 = arith.constant 96 : index
    %get3A_2114 = tpu.vector_load %arg5[%get3A_2112, %get3A_2113] {strides = array<i32>} : memref<32x128xi32, #tpu.memory_space<vmem>>, vector<1x16xi32>,
    %get3A_2115 = vector.shape_cast %get3A_2114 : vector<1x16xi32> to vector<16xi32>
    %add3A_2116 = arith.addi %add3A_2110, %get3A_2115 : vector<16xi32>
    %get3A_2117 = arith.constant 13 : i32
    %get3A_2118 = arith.index_cast %get3A_2117 : i32 to index
    %get3A_2119 = arith.constant 96 : index
    %get3A_2120 = tpu.vector_load %arg5[%get3A_2118, %get3A_2119] {strides = array<i32>} : memref<32x128xi32, #tpu.memory_space<vmem>>, vector<1x16xi32>,
    %get3A_2121 = vector.shape_cast %get3A_2120 : vector<1x16xi32> to vector<16xi32>
    %add3A_2122 = arith.addi %add3A_2116, %get3A_2121 : vector<16xi32>
    %get3A_2123 = arith.constant 14 : i32
    %get3A_2124 = arith.index_cast %get3A_2123 : i32 to index
    %get3A_2125 = arith.constant 96 : index
    %get3A_2126 = tpu.vector_load %arg5[%get3A_2124, %get3A_2125] {strides = array<i32>} : memref<32x128xi32, #tpu.memory_space<vmem>>, vector<1x16xi32>,
    %get3A_2127 = vector.shape_cast %get3A_2126 : vector<1x16xi32> to vector<16xi32>
    %add3A_2128 = arith.addi %add3A_2122, %get3A_2127 : vector<16xi32>
    %get3A_2129 = arith.constant 15 : i32
    %get3A_2130 = arith.index_cast %get3A_2129 : i32 to index
    %get3A_2131 = arith.constant 96 : index
    %get3A_2132 = tpu.vector_load %arg5[%get3A_2130, %get3A_2131] {strides = array<i32>} : memref<32x128xi32, #tpu.memory_space<vmem>>, vector<1x16xi32>,
    %get3A_2133 = vector.shape_cast %get3A_2132 : vector<1x16xi32> to vector<16xi32>
    %add3A_2134 = arith.addi %add3A_2128, %get3A_2133 : vector<16xi32>
    %get3A_2135 = arith.constant 16 : i32
    %get3A_2136 = arith.index_cast %get3A_2135 : i32 to index
    %get3A_2137 = arith.constant 96 : index
    %get3A_2138 = tpu.vector_load %arg5[%get3A_2136, %get3A_2137] {strides = array<i32>} : memref<32x128xi32, #tpu.memory_space<vmem>>, vector<1x16xi32>,
    %get3A_2139 = vector.shape_cast %get3A_2138 : vector<1x16xi32> to vector<16xi32>
    %add3A_2140 = arith.addi %add3A_2134, %get3A_2139 : vector<16xi32>
    %get3A_2141 = arith.constant 17 : i32
    %get3A_2142 = arith.index_cast %get3A_2141 : i32 to index
    %get3A_2143 = arith.constant 96 : index
    %get3A_2144 = tpu.vector_load %arg5[%get3A_2142, %get3A_2143] {strides = array<i32>} : memref<32x128xi32, #tpu.memory_space<vmem>>, vector<1x16xi32>,
    %get3A_2145 = vector.shape_cast %get3A_2144 : vector<1x16xi32> to vector<16xi32>
    %add3A_2146 = arith.addi %add3A_2140, %get3A_2145 : vector<16xi32>
    %get3A_2147 = arith.constant 18 : i32
    %get3A_2148 = arith.index_cast %get3A_2147 : i32 to index
    %get3A_2149 = arith.constant 96 : index
    %get3A_2150 = tpu.vector_load %arg5[%get3A_2148, %get3A_2149] {strides = array<i32>} : memref<32x128xi32, #tpu.memory_space<vmem>>, vector<1x16xi32>,
    %get3A_2151 = vector.shape_cast %get3A_2150 : vector<1x16xi32> to vector<16xi32>
    %add3A_2152 = arith.addi %add3A_2146, %get3A_2151 : vector<16xi32>
    %get3A_2153 = arith.constant 19 : i32
    %get3A_2154 = arith.index_cast %get3A_2153 : i32 to index
    %get3A_2155 = arith.constant 96 : index
    %get3A_2156 = tpu.vector_load %arg5[%get3A_2154, %get3A_2155] {strides = array<i32>} : memref<32x128xi32, #tpu.memory_space<vmem>>, vector<1x16xi32>,
    %get3A_2157 = vector.shape_cast %get3A_2156 : vector<1x16xi32> to vector<16xi32>
    %add3A_2158 = arith.addi %add3A_2152, %get3A_2157 : vector<16xi32>
    %get3A_2159 = arith.constant 20 : i32
    %get3A_2160 = arith.index_cast %get3A_2159 : i32 to index
    %get3A_2161 = arith.constant 96 : index
    %get3A_2162 = tpu.vector_load %arg5[%get3A_2160, %get3A_2161] {strides = array<i32>} : memref<32x128xi32, #tpu.memory_space<vmem>>, vector<1x16xi32>,
    %get3A_2163 = vector.shape_cast %get3A_2162 : vector<1x16xi32> to vector<16xi32>
    %add3A_2164 = arith.addi %add3A_2158, %get3A_2163 : vector<16xi32>
    %get3A_2165 = arith.constant 21 : i32
    %get3A_2166 = arith.index_cast %get3A_2165 : i32 to index
    %get3A_2167 = arith.constant 96 : index
    %get3A_2168 = tpu.vector_load %arg5[%get3A_2166, %get3A_2167] {strides = array<i32>} : memref<32x128xi32, #tpu.memory_space<vmem>>, vector<1x16xi32>,
    %get3A_2169 = vector.shape_cast %get3A_2168 : vector<1x16xi32> to vector<16xi32>
    %add3A_2170 = arith.addi %add3A_2164, %get3A_2169 : vector<16xi32>
    %get3A_2171 = arith.constant 22 : i32
    %get3A_2172 = arith.index_cast %get3A_2171 : i32 to index
    %get3A_2173 = arith.constant 96 : index
    %get3A_2174 = tpu.vector_load %arg5[%get3A_2172, %get3A_2173] {strides = array<i32>} : memref<32x128xi32, #tpu.memory_space<vmem>>, vector<1x16xi32>,
    %get3A_2175 = vector.shape_cast %get3A_2174 : vector<1x16xi32> to vector<16xi32>
    %add3A_2176 = arith.addi %add3A_2170, %get3A_2175 : vector<16xi32>
    %get3A_2177 = arith.constant 23 : i32
    %get3A_2178 = arith.index_cast %get3A_2177 : i32 to index
    %get3A_2179 = arith.constant 96 : index
    %get3A_2180 = tpu.vector_load %arg5[%get3A_2178, %get3A_2179] {strides = array<i32>} : memref<32x128xi32, #tpu.memory_space<vmem>>, vector<1x16xi32>,
    %get3A_2181 = vector.shape_cast %get3A_2180 : vector<1x16xi32> to vector<16xi32>
    %add3A_2182 = arith.addi %add3A_2176, %get3A_2181 : vector<16xi32>
    %get3A_2183 = arith.constant 24 : i32
    %get3A_2184 = arith.index_cast %get3A_2183 : i32 to index
    %get3A_2185 = arith.constant 96 : index
    %get3A_2186 = tpu.vector_load %arg5[%get3A_2184, %get3A_2185] {strides = array<i32>} : memref<32x128xi32, #tpu.memory_space<vmem>>, vector<1x16xi32>,
    %get3A_2187 = vector.shape_cast %get3A_2186 : vector<1x16xi32> to vector<16xi32>
    %add3A_2188 = arith.addi %add3A_2182, %get3A_2187 : vector<16xi32>
    %get3A_2189 = arith.constant 25 : i32
    %get3A_2190 = arith.index_cast %get3A_2189 : i32 to index
    %get3A_2191 = arith.constant 96 : index
    %get3A_2192 = tpu.vector_load %arg5[%get3A_2190, %get3A_2191] {strides = array<i32>} : memref<32x128xi32, #tpu.memory_space<vmem>>, vector<1x16xi32>,
    %get3A_2193 = vector.shape_cast %get3A_2192 : vector<1x16xi32> to vector<16xi32>
    %add3A_2194 = arith.addi %add3A_2188, %get3A_2193 : vector<16xi32>
    %get3A_2195 = arith.constant 26 : i32
    %get3A_2196 = arith.index_cast %get3A_2195 : i32 to index
    %get3A_2197 = arith.constant 96 : index
    %get3A_2198 = tpu.vector_load %arg5[%get3A_2196, %get3A_2197] {strides = array<i32>} : memref<32x128xi32, #tpu.memory_space<vmem>>, vector<1x16xi32>,
    %get3A_2199 = vector.shape_cast %get3A_2198 : vector<1x16xi32> to vector<16xi32>
    %add3A_2200 = arith.addi %add3A_2194, %get3A_2199 : vector<16xi32>
    %get3A_2201 = arith.constant 27 : i32
    %get3A_2202 = arith.index_cast %get3A_2201 : i32 to index
    %get3A_2203 = arith.constant 96 : index
    %get3A_2204 = tpu.vector_load %arg5[%get3A_2202, %get3A_2203] {strides = array<i32>} : memref<32x128xi32, #tpu.memory_space<vmem>>, vector<1x16xi32>,
    %get3A_2205 = vector.shape_cast %get3A_2204 : vector<1x16xi32> to vector<16xi32>
    %add3A_2206 = arith.addi %add3A_2200, %get3A_2205 : vector<16xi32>
    %get3A_2207 = arith.constant 28 : i32
    %get3A_2208 = arith.index_cast %get3A_2207 : i32 to index
    %get3A_2209 = arith.constant 96 : index
    %get3A_2210 = tpu.vector_load %arg5[%get3A_2208, %get3A_2209] {strides = array<i32>} : memref<32x128xi32, #tpu.memory_space<vmem>>, vector<1x16xi32>,
    %get3A_2211 = vector.shape_cast %get3A_2210 : vector<1x16xi32> to vector<16xi32>
    %add3A_2212 = arith.addi %add3A_2206, %get3A_2211 : vector<16xi32>
    %get3A_2213 = arith.constant 29 : i32
    %get3A_2214 = arith.index_cast %get3A_2213 : i32 to index
    %get3A_2215 = arith.constant 96 : index
    %get3A_2216 = tpu.vector_load %arg5[%get3A_2214, %get3A_2215] {strides = array<i32>} : memref<32x128xi32, #tpu.memory_space<vmem>>, vector<1x16xi32>,
    %get3A_2217 = vector.shape_cast %get3A_2216 : vector<1x16xi32> to vector<16xi32>
    %add3A_2218 = arith.addi %add3A_2212, %get3A_2217 : vector<16xi32>
    %get3A_2219 = arith.constant 30 : i32
    %get3A_2220 = arith.index_cast %get3A_2219 : i32 to index
    %get3A_2221 = arith.constant 96 : index
    %get3A_2222 = tpu.vector_load %arg5[%get3A_2220, %get3A_2221] {strides = array<i32>} : memref<32x128xi32, #tpu.memory_space<vmem>>, vector<1x16xi32>,
    %get3A_2223 = vector.shape_cast %get3A_2222 : vector<1x16xi32> to vector<16xi32>
    %add3A_2224 = arith.addi %add3A_2218, %get3A_2223 : vector<16xi32>
    %get3A_2225 = arith.constant 31 : i32
    %get3A_2226 = arith.index_cast %get3A_2225 : i32 to index
    %get3A_2227 = arith.constant 96 : index
    %get3A_2228 = tpu.vector_load %arg5[%get3A_2226, %get3A_2227] {strides = array<i32>} : memref<32x128xi32, #tpu.memory_space<vmem>>, vector<1x16xi32>,
    %get3A_2229 = vector.shape_cast %get3A_2228 : vector<1x16xi32> to vector<16xi32>
    %add3A_2230 = arith.addi %add3A_2224, %get3A_2229 : vector<16xi32>
    %convert_element_type3A_2231 = arith.sitofp %add3A_2230 : vector<16xi32> to vector<16xf32>
    %mul3A_2232 = arith.constant 6.10351563E-5 : f32
    %mul3A_2233 = vector.broadcast %mul3A_2232 : f32 to vector<16xf32>
    %mul3A_2234 = arith.mulf %convert_element_type3A_2231, %mul3A_2233 : vector<16xf32>
    %get3A_2235 = arith.constant 96 : index
    %get3A_2236 = tpu.vector_load %arg6[%get3A_2235] {strides = array<i32>} : memref<128xf32, #tpu.memory_space<vmem>>, vector<16xf32>,
    %get3A_2237 = vector.shape_cast %get3A_2236 : vector<16xf32> to vector<16xf32>
    %mul3A_2238 = arith.constant 9.990000e-01 : f32
    %mul3A_2239 = vector.broadcast %mul3A_2238 : f32 to vector<16xf32>
    %mul3A_2240 = arith.mulf %mul3A_2239, %get3A_2237 : vector<16xf32>
    %mul3A_2241 = arith.constant 1.000000e-03 : f32
    %mul3A_2242 = vector.broadcast %mul3A_2241 : f32 to vector<16xf32>
    %mul3A_2243 = arith.mulf %mul3A_2242, %mul3A_2234 : vector<16xf32>
    %add3A_2244 = arith.addf %mul3A_2240, %mul3A_2243 : vector<16xf32>
    %swap3A_2245 = arith.constant 96 : index
    %swap3A_2246 = tpu.vector_load %arg7[%swap3A_2245] {strides = array<i32>} : memref<128xf32, #tpu.memory_space<vmem>>, vector<16xf32>,
    %swap3A_2247 = vector.shape_cast %swap3A_2246 : vector<16xf32> to vector<16xf32>
    %swap3A_2248 = vector.shape_cast %add3A_2244 : vector<16xf32> to vector<16xf32>
    tpu.vector_store %arg7[%swap3A_2245], %swap3A_2248 {strides = array<i32>} : memref<128xf32, #tpu.memory_space<vmem>>, vector<16xf32>,
    %broadcast_in_dim3A_2249 = arith.constant 0 : i32
    %broadcast_in_dim3A_2250 = vector.broadcast %broadcast_in_dim3A_2249 : i32 to vector<16xi32>
    %get3A_2251 = arith.constant 0 : i32
    %get3A_2252 = arith.index_cast %get3A_2251 : i32 to index
    %get3A_2253 = arith.constant 112 : index
    %get3A_2254 = tpu.vector_load %arg5[%get3A_2252, %get3A_2253] {strides = array<i32>} : memref<32x128xi32, #tpu.memory_space<vmem>>, vector<1x16xi32>,
    %get3A_2255 = vector.shape_cast %get3A_2254 : vector<1x16xi32> to vector<16xi32>
    %add3A_2256 = arith.addi %broadcast_in_dim3A_2250, %get3A_2255 : vector<16xi32>
    %get3A_2257 = arith.constant 1 : i32
    %get3A_2258 = arith.index_cast %get3A_2257 : i32 to index
    %get3A_2259 = arith.constant 112 : index
    %get3A_2260 = tpu.vector_load %arg5[%get3A_2258, %get3A_2259] {strides = array<i32>} : memref<32x128xi32, #tpu.memory_space<vmem>>, vector<1x16xi32>,
    %get3A_2261 = vector.shape_cast %get3A_2260 : vector<1x16xi32> to vector<16xi32>
    %add3A_2262 = arith.addi %add3A_2256, %get3A_2261 : vector<16xi32>
    %get3A_2263 = arith.constant 2 : i32
    %get3A_2264 = arith.index_cast %get3A_2263 : i32 to index
    %get3A_2265 = arith.constant 112 : index
    %get3A_2266 = tpu.vector_load %arg5[%get3A_2264, %get3A_2265] {strides = array<i32>} : memref<32x128xi32, #tpu.memory_space<vmem>>, vector<1x16xi32>,
    %get3A_2267 = vector.shape_cast %get3A_2266 : vector<1x16xi32> to vector<16xi32>
    %add3A_2268 = arith.addi %add3A_2262, %get3A_2267 : vector<16xi32>
    %get3A_2269 = arith.constant 3 : i32
    %get3A_2270 = arith.index_cast %get3A_2269 : i32 to index
    %get3A_2271 = arith.constant 112 : index
    %get3A_2272 = tpu.vector_load %arg5[%get3A_2270, %get3A_2271] {strides = array<i32>} : memref<32x128xi32, #tpu.memory_space<vmem>>, vector<1x16xi32>,
    %get3A_2273 = vector.shape_cast %get3A_2272 : vector<1x16xi32> to vector<16xi32>
    %add3A_2274 = arith.addi %add3A_2268, %get3A_2273 : vector<16xi32>
    %get3A_2275 = arith.constant 4 : i32
    %get3A_2276 = arith.index_cast %get3A_2275 : i32 to index
    %get3A_2277 = arith.constant 112 : index
    %get3A_2278 = tpu.vector_load %arg5[%get3A_2276, %get3A_2277] {strides = array<i32>} : memref<32x128xi32, #tpu.memory_space<vmem>>, vector<1x16xi32>,
    %get3A_2279 = vector.shape_cast %get3A_2278 : vector<1x16xi32> to vector<16xi32>
    %add3A_2280 = arith.addi %add3A_2274, %get3A_2279 : vector<16xi32>
    %get3A_2281 = arith.constant 5 : i32
    %get3A_2282 = arith.index_cast %get3A_2281 : i32 to index
    %get3A_2283 = arith.constant 112 : index
    %get3A_2284 = tpu.vector_load %arg5[%get3A_2282, %get3A_2283] {strides = array<i32>} : memref<32x128xi32, #tpu.memory_space<vmem>>, vector<1x16xi32>,
    %get3A_2285 = vector.shape_cast %get3A_2284 : vector<1x16xi32> to vector<16xi32>
    %add3A_2286 = arith.addi %add3A_2280, %get3A_2285 : vector<16xi32>
    %get3A_2287 = arith.constant 6 : i32
    %get3A_2288 = arith.index_cast %get3A_2287 : i32 to index
    %get3A_2289 = arith.constant 112 : index
    %get3A_2290 = tpu.vector_load %arg5[%get3A_2288, %get3A_2289] {strides = array<i32>} : memref<32x128xi32, #tpu.memory_space<vmem>>, vector<1x16xi32>,
    %get3A_2291 = vector.shape_cast %get3A_2290 : vector<1x16xi32> to vector<16xi32>
    %add3A_2292 = arith.addi %add3A_2286, %get3A_2291 : vector<16xi32>
    %get3A_2293 = arith.constant 7 : i32
    %get3A_2294 = arith.index_cast %get3A_2293 : i32 to index
    %get3A_2295 = arith.constant 112 : index
    %get3A_2296 = tpu.vector_load %arg5[%get3A_2294, %get3A_2295] {strides = array<i32>} : memref<32x128xi32, #tpu.memory_space<vmem>>, vector<1x16xi32>,
    %get3A_2297 = vector.shape_cast %get3A_2296 : vector<1x16xi32> to vector<16xi32>
    %add3A_2298 = arith.addi %add3A_2292, %get3A_2297 : vector<16xi32>
    %get3A_2299 = arith.constant 8 : i32
    %get3A_2300 = arith.index_cast %get3A_2299 : i32 to index
    %get3A_2301 = arith.constant 112 : index
    %get3A_2302 = tpu.vector_load %arg5[%get3A_2300, %get3A_2301] {strides = array<i32>} : memref<32x128xi32, #tpu.memory_space<vmem>>, vector<1x16xi32>,
    %get3A_2303 = vector.shape_cast %get3A_2302 : vector<1x16xi32> to vector<16xi32>
    %add3A_2304 = arith.addi %add3A_2298, %get3A_2303 : vector<16xi32>
    %get3A_2305 = arith.constant 9 : i32
    %get3A_2306 = arith.index_cast %get3A_2305 : i32 to index
    %get3A_2307 = arith.constant 112 : index
    %get3A_2308 = tpu.vector_load %arg5[%get3A_2306, %get3A_2307] {strides = array<i32>} : memref<32x128xi32, #tpu.memory_space<vmem>>, vector<1x16xi32>,
    %get3A_2309 = vector.shape_cast %get3A_2308 : vector<1x16xi32> to vector<16xi32>
    %add3A_2310 = arith.addi %add3A_2304, %get3A_2309 : vector<16xi32>
    %get3A_2311 = arith.constant 10 : i32
    %get3A_2312 = arith.index_cast %get3A_2311 : i32 to index
    %get3A_2313 = arith.constant 112 : index
    %get3A_2314 = tpu.vector_load %arg5[%get3A_2312, %get3A_2313] {strides = array<i32>} : memref<32x128xi32, #tpu.memory_space<vmem>>, vector<1x16xi32>,
    %get3A_2315 = vector.shape_cast %get3A_2314 : vector<1x16xi32> to vector<16xi32>
    %add3A_2316 = arith.addi %add3A_2310, %get3A_2315 : vector<16xi32>
    %get3A_2317 = arith.constant 11 : i32
    %get3A_2318 = arith.index_cast %get3A_2317 : i32 to index
    %get3A_2319 = arith.constant 112 : index
    %get3A_2320 = tpu.vector_load %arg5[%get3A_2318, %get3A_2319] {strides = array<i32>} : memref<32x128xi32, #tpu.memory_space<vmem>>, vector<1x16xi32>,
    %get3A_2321 = vector.shape_cast %get3A_2320 : vector<1x16xi32> to vector<16xi32>
    %add3A_2322 = arith.addi %add3A_2316, %get3A_2321 : vector<16xi32>
    %get3A_2323 = arith.constant 12 : i32
    %get3A_2324 = arith.index_cast %get3A_2323 : i32 to index
    %get3A_2325 = arith.constant 112 : index
    %get3A_2326 = tpu.vector_load %arg5[%get3A_2324, %get3A_2325] {strides = array<i32>} : memref<32x128xi32, #tpu.memory_space<vmem>>, vector<1x16xi32>,
    %get3A_2327 = vector.shape_cast %get3A_2326 : vector<1x16xi32> to vector<16xi32>
    %add3A_2328 = arith.addi %add3A_2322, %get3A_2327 : vector<16xi32>
    %get3A_2329 = arith.constant 13 : i32
    %get3A_2330 = arith.index_cast %get3A_2329 : i32 to index
    %get3A_2331 = arith.constant 112 : index
    %get3A_2332 = tpu.vector_load %arg5[%get3A_2330, %get3A_2331] {strides = array<i32>} : memref<32x128xi32, #tpu.memory_space<vmem>>, vector<1x16xi32>,
    %get3A_2333 = vector.shape_cast %get3A_2332 : vector<1x16xi32> to vector<16xi32>
    %add3A_2334 = arith.addi %add3A_2328, %get3A_2333 : vector<16xi32>
    %get3A_2335 = arith.constant 14 : i32
    %get3A_2336 = arith.index_cast %get3A_2335 : i32 to index
    %get3A_2337 = arith.constant 112 : index
    %get3A_2338 = tpu.vector_load %arg5[%get3A_2336, %get3A_2337] {strides = array<i32>} : memref<32x128xi32, #tpu.memory_space<vmem>>, vector<1x16xi32>,
    %get3A_2339 = vector.shape_cast %get3A_2338 : vector<1x16xi32> to vector<16xi32>
    %add3A_2340 = arith.addi %add3A_2334, %get3A_2339 : vector<16xi32>
    %get3A_2341 = arith.constant 15 : i32
    %get3A_2342 = arith.index_cast %get3A_2341 : i32 to index
    %get3A_2343 = arith.constant 112 : index
    %get3A_2344 = tpu.vector_load %arg5[%get3A_2342, %get3A_2343] {strides = array<i32>} : memref<32x128xi32, #tpu.memory_space<vmem>>, vector<1x16xi32>,
    %get3A_2345 = vector.shape_cast %get3A_2344 : vector<1x16xi32> to vector<16xi32>
    %add3A_2346 = arith.addi %add3A_2340, %get3A_2345 : vector<16xi32>
    %get3A_2347 = arith.constant 16 : i32
    %get3A_2348 = arith.index_cast %get3A_2347 : i32 to index
    %get3A_2349 = arith.constant 112 : index
    %get3A_2350 = tpu.vector_load %arg5[%get3A_2348, %get3A_2349] {strides = array<i32>} : memref<32x128xi32, #tpu.memory_space<vmem>>, vector<1x16xi32>,
    %get3A_2351 = vector.shape_cast %get3A_2350 : vector<1x16xi32> to vector<16xi32>
    %add3A_2352 = arith.addi %add3A_2346, %get3A_2351 : vector<16xi32>
    %get3A_2353 = arith.constant 17 : i32
    %get3A_2354 = arith.index_cast %get3A_2353 : i32 to index
    %get3A_2355 = arith.constant 112 : index
    %get3A_2356 = tpu.vector_load %arg5[%get3A_2354, %get3A_2355] {strides = array<i32>} : memref<32x128xi32, #tpu.memory_space<vmem>>, vector<1x16xi32>,
    %get3A_2357 = vector.shape_cast %get3A_2356 : vector<1x16xi32> to vector<16xi32>
    %add3A_2358 = arith.addi %add3A_2352, %get3A_2357 : vector<16xi32>
    %get3A_2359 = arith.constant 18 : i32
    %get3A_2360 = arith.index_cast %get3A_2359 : i32 to index
    %get3A_2361 = arith.constant 112 : index
    %get3A_2362 = tpu.vector_load %arg5[%get3A_2360, %get3A_2361] {strides = array<i32>} : memref<32x128xi32, #tpu.memory_space<vmem>>, vector<1x16xi32>,
    %get3A_2363 = vector.shape_cast %get3A_2362 : vector<1x16xi32> to vector<16xi32>
    %add3A_2364 = arith.addi %add3A_2358, %get3A_2363 : vector<16xi32>
    %get3A_2365 = arith.constant 19 : i32
    %get3A_2366 = arith.index_cast %get3A_2365 : i32 to index
    %get3A_2367 = arith.constant 112 : index
    %get3A_2368 = tpu.vector_load %arg5[%get3A_2366, %get3A_2367] {strides = array<i32>} : memref<32x128xi32, #tpu.memory_space<vmem>>, vector<1x16xi32>,
    %get3A_2369 = vector.shape_cast %get3A_2368 : vector<1x16xi32> to vector<16xi32>
    %add3A_2370 = arith.addi %add3A_2364, %get3A_2369 : vector<16xi32>
    %get3A_2371 = arith.constant 20 : i32
    %get3A_2372 = arith.index_cast %get3A_2371 : i32 to index
    %get3A_2373 = arith.constant 112 : index
    %get3A_2374 = tpu.vector_load %arg5[%get3A_2372, %get3A_2373] {strides = array<i32>} : memref<32x128xi32, #tpu.memory_space<vmem>>, vector<1x16xi32>,
    %get3A_2375 = vector.shape_cast %get3A_2374 : vector<1x16xi32> to vector<16xi32>
    %add3A_2376 = arith.addi %add3A_2370, %get3A_2375 : vector<16xi32>
    %get3A_2377 = arith.constant 21 : i32
    %get3A_2378 = arith.index_cast %get3A_2377 : i32 to index
    %get3A_2379 = arith.constant 112 : index
    %get3A_2380 = tpu.vector_load %arg5[%get3A_2378, %get3A_2379] {strides = array<i32>} : memref<32x128xi32, #tpu.memory_space<vmem>>, vector<1x16xi32>,
    %get3A_2381 = vector.shape_cast %get3A_2380 : vector<1x16xi32> to vector<16xi32>
    %add3A_2382 = arith.addi %add3A_2376, %get3A_2381 : vector<16xi32>
    %get3A_2383 = arith.constant 22 : i32
    %get3A_2384 = arith.index_cast %get3A_2383 : i32 to index
    %get3A_2385 = arith.constant 112 : index
    %get3A_2386 = tpu.vector_load %arg5[%get3A_2384, %get3A_2385] {strides = array<i32>} : memref<32x128xi32, #tpu.memory_space<vmem>>, vector<1x16xi32>,
    %get3A_2387 = vector.shape_cast %get3A_2386 : vector<1x16xi32> to vector<16xi32>
    %add3A_2388 = arith.addi %add3A_2382, %get3A_2387 : vector<16xi32>
    %get3A_2389 = arith.constant 23 : i32
    %get3A_2390 = arith.index_cast %get3A_2389 : i32 to index
    %get3A_2391 = arith.constant 112 : index
    %get3A_2392 = tpu.vector_load %arg5[%get3A_2390, %get3A_2391] {strides = array<i32>} : memref<32x128xi32, #tpu.memory_space<vmem>>, vector<1x16xi32>,
    %get3A_2393 = vector.shape_cast %get3A_2392 : vector<1x16xi32> to vector<16xi32>
    %add3A_2394 = arith.addi %add3A_2388, %get3A_2393 : vector<16xi32>
    %get3A_2395 = arith.constant 24 : i32
    %get3A_2396 = arith.index_cast %get3A_2395 : i32 to index
    %get3A_2397 = arith.constant 112 : index
    %get3A_2398 = tpu.vector_load %arg5[%get3A_2396, %get3A_2397] {strides = array<i32>} : memref<32x128xi32, #tpu.memory_space<vmem>>, vector<1x16xi32>,
    %get3A_2399 = vector.shape_cast %get3A_2398 : vector<1x16xi32> to vector<16xi32>
    %add3A_2400 = arith.addi %add3A_2394, %get3A_2399 : vector<16xi32>
    %get3A_2401 = arith.constant 25 : i32
    %get3A_2402 = arith.index_cast %get3A_2401 : i32 to index
    %get3A_2403 = arith.constant 112 : index
    %get3A_2404 = tpu.vector_load %arg5[%get3A_2402, %get3A_2403] {strides = array<i32>} : memref<32x128xi32, #tpu.memory_space<vmem>>, vector<1x16xi32>,
    %get3A_2405 = vector.shape_cast %get3A_2404 : vector<1x16xi32> to vector<16xi32>
    %add3A_2406 = arith.addi %add3A_2400, %get3A_2405 : vector<16xi32>
    %get3A_2407 = arith.constant 26 : i32
    %get3A_2408 = arith.index_cast %get3A_2407 : i32 to index
    %get3A_2409 = arith.constant 112 : index
    %get3A_2410 = tpu.vector_load %arg5[%get3A_2408, %get3A_2409] {strides = array<i32>} : memref<32x128xi32, #tpu.memory_space<vmem>>, vector<1x16xi32>,
    %get3A_2411 = vector.shape_cast %get3A_2410 : vector<1x16xi32> to vector<16xi32>
    %add3A_2412 = arith.addi %add3A_2406, %get3A_2411 : vector<16xi32>
    %get3A_2413 = arith.constant 27 : i32
    %get3A_2414 = arith.index_cast %get3A_2413 : i32 to index
    %get3A_2415 = arith.constant 112 : index
    %get3A_2416 = tpu.vector_load %arg5[%get3A_2414, %get3A_2415] {strides = array<i32>} : memref<32x128xi32, #tpu.memory_space<vmem>>, vector<1x16xi32>,
    %get3A_2417 = vector.shape_cast %get3A_2416 : vector<1x16xi32> to vector<16xi32>
    %add3A_2418 = arith.addi %add3A_2412, %get3A_2417 : vector<16xi32>
    %get3A_2419 = arith.constant 28 : i32
    %get3A_2420 = arith.index_cast %get3A_2419 : i32 to index
    %get3A_2421 = arith.constant 112 : index
    %get3A_2422 = tpu.vector_load %arg5[%get3A_2420, %get3A_2421] {strides = array<i32>} : memref<32x128xi32, #tpu.memory_space<vmem>>, vector<1x16xi32>,
    %get3A_2423 = vector.shape_cast %get3A_2422 : vector<1x16xi32> to vector<16xi32>
    %add3A_2424 = arith.addi %add3A_2418, %get3A_2423 : vector<16xi32>
    %get3A_2425 = arith.constant 29 : i32
    %get3A_2426 = arith.index_cast %get3A_2425 : i32 to index
    %get3A_2427 = arith.constant 112 : index
    %get3A_2428 = tpu.vector_load %arg5[%get3A_2426, %get3A_2427] {strides = array<i32>} : memref<32x128xi32, #tpu.memory_space<vmem>>, vector<1x16xi32>,
    %get3A_2429 = vector.shape_cast %get3A_2428 : vector<1x16xi32> to vector<16xi32>
    %add3A_2430 = arith.addi %add3A_2424, %get3A_2429 : vector<16xi32>
    %get3A_2431 = arith.constant 30 : i32
    %get3A_2432 = arith.index_cast %get3A_2431 : i32 to index
    %get3A_2433 = arith.constant 112 : index
    %get3A_2434 = tpu.vector_load %arg5[%get3A_2432, %get3A_2433] {strides = array<i32>} : memref<32x128xi32, #tpu.memory_space<vmem>>, vector<1x16xi32>,
    %get3A_2435 = vector.shape_cast %get3A_2434 : vector<1x16xi32> to vector<16xi32>
    %add3A_2436 = arith.addi %add3A_2430, %get3A_2435 : vector<16xi32>
    %get3A_2437 = arith.constant 31 : i32
    %get3A_2438 = arith.index_cast %get3A_2437 : i32 to index
    %get3A_2439 = arith.constant 112 : index
    %get3A_2440 = tpu.vector_load %arg5[%get3A_2438, %get3A_2439] {strides = array<i32>} : memref<32x128xi32, #tpu.memory_space<vmem>>, vector<1x16xi32>,
    %get3A_2441 = vector.shape_cast %get3A_2440 : vector<1x16xi32> to vector<16xi32>
    %add3A_2442 = arith.addi %add3A_2436, %get3A_2441 : vector<16xi32>
    %convert_element_type3A_2443 = arith.sitofp %add3A_2442 : vector<16xi32> to vector<16xf32>
    %mul3A_2444 = arith.constant 6.10351563E-5 : f32
    %mul3A_2445 = vector.broadcast %mul3A_2444 : f32 to vector<16xf32>
    %mul3A_2446 = arith.mulf %convert_element_type3A_2443, %mul3A_2445 : vector<16xf32>
    %get3A_2447 = arith.constant 112 : index
    %get3A_2448 = tpu.vector_load %arg6[%get3A_2447] {strides = array<i32>} : memref<128xf32, #tpu.memory_space<vmem>>, vector<16xf32>,
    %get3A_2449 = vector.shape_cast %get3A_2448 : vector<16xf32> to vector<16xf32>
    %mul3A_2450 = arith.constant 9.990000e-01 : f32
    %mul3A_2451 = vector.broadcast %mul3A_2450 : f32 to vector<16xf32>
    %mul3A_2452 = arith.mulf %mul3A_2451, %get3A_2449 : vector<16xf32>
    %mul3A_2453 = arith.constant 1.000000e-03 : f32
    %mul3A_2454 = vector.broadcast %mul3A_2453 : f32 to vector<16xf32>
    %mul3A_2455 = arith.mulf %mul3A_2454, %mul3A_2446 : vector<16xf32>
    %add3A_2456 = arith.addf %mul3A_2452, %mul3A_2455 : vector<16xf32>
    %swap3A_2457 = arith.constant 112 : index
    %swap3A_2458 = tpu.vector_load %arg7[%swap3A_2457] {strides = array<i32>} : memref<128xf32, #tpu.memory_space<vmem>>, vector<16xf32>,
    %swap3A_2459 = vector.shape_cast %swap3A_2458 : vector<16xf32> to vector<16xf32>
    %swap3A_2460 = vector.shape_cast %add3A_2456 : vector<16xf32> to vector<16xf32>
    tpu.vector_store %arg7[%swap3A_2457], %swap3A_2460 {strides = array<i32>} : memref<128xf32, #tpu.memory_space<vmem>>, vector<16xf32>,
    "tpu.region"() ({
      %run_scoped3A = tpu.sem_alloc : memref<!tpu.dma_semaphore, #tpu.memory_space<semaphore_mem>>
      %dma_start3A_2461 = tpu.memref_slice %arg4[%mul3A_2] : memref<4096xf32, #tpu.memory_space<hbm>> -> memref<128xf32, #tpu.memory_space<hbm>>
      %dma_start3A_2462 = tpu.memref_slice %arg4[%mul3A_2] : memref<4096xf32, #tpu.memory_space<hbm>> -> memref<128xf32, #tpu.memory_space<hbm>>
      tpu.enqueue_dma source(%arg7 : memref<128xf32, #tpu.memory_space<vmem>>) target(%dma_start3A_2462 : memref<128xf32, #tpu.memory_space<hbm>>) target_semaphore(%run_scoped3A : memref<!tpu.dma_semaphore, #tpu.memory_space<semaphore_mem>>)
      %dma_wait3A_2463 = tpu.memref_slice %arg4[%mul3A_2] : memref<4096xf32, #tpu.memory_space<hbm>> -> memref<128xf32, #tpu.memory_space<hbm>>
      %dma_wait3A_2464 = tpu.memref_slice %arg4[%mul3A_2] : memref<4096xf32, #tpu.memory_space<hbm>> -> memref<128xf32, #tpu.memory_space<hbm>>
      tpu.wait_dma2 semaphore(%run_scoped3A : memref<!tpu.dma_semaphore, #tpu.memory_space<semaphore_mem>>) src(%arg7 : memref<128xf32, #tpu.memory_space<vmem>>) dst(%dma_wait3A_2464 : memref<128xf32, #tpu.memory_space<hbm>>)
      tpu.yield
    }) : () -> ()
    return
  }
}

module attributes {stable_mosaic.version = 14 : i64} {
  func.func @_rowsum_body(%arg0: i32, %arg1: memref<512x4096xi16, #tpu.memory_space<vmem>>, %arg2: memref<1x1x512xi32, #tpu.memory_space<vmem>>) attributes {dimension_semantics = [#tpu.dimension_semantics<arbitrary>], iteration_bounds = array<i64: 32>, scalar_prefetch = 0 : i64, scratch_operands = 0 : i64, tpu.core_type = #tpu.core_type<tc>, window_params = [{transform_indices = @transform_0, window_bounds = array<i64: 512, 4096>}, {transform_indices = @transform_1, window_bounds = array<i64: 1, 1, 512>}]} {
    %get3A = arith.constant 0 : index
    %get3A_0 = arith.constant 0 : index
    %get3A_1 = vector.load %arg1[%get3A, %get3A_0] : memref<512x4096xi16, #tpu.memory_space<vmem>>, vector<512x4096xi16>
    %bitcast3A = tpu.bitcast %get3A_1 : vector<512x4096xi16> -> vector<256x4096xi32>
    %reduce_sum3A = arith.constant dense<0> : vector<256xi32>
    %reduce_sum3A_2 = vector.multi_reduction <add>, %bitcast3A, %reduce_sum3A [1] : vector<256x4096xi32> to vector<256xi32>
    %and3A = arith.constant 65535 : i32
    %and3A_3 = vector.broadcast %and3A : i32 to vector<256xi32>
    %and3A_4 = arith.andi %reduce_sum3A_2, %and3A_3 : vector<256xi32>
    %shift_right_arithmetic3A = arith.constant 16 : i32
    %shift_right_arithmetic3A_5 = vector.broadcast %shift_right_arithmetic3A : i32 to vector<256xi32>
    %shift_right_arithmetic3A_6 = arith.shrsi %reduce_sum3A_2, %shift_right_arithmetic3A_5 : vector<256xi32>
    %concatenate3A = tpu.concatenate %and3A_4, %shift_right_arithmetic3A_6 in 0 : vector<256xi32>, vector<256xi32> -> vector<512xi32>
    %reshape3A = vector.shape_cast %concatenate3A : vector<512xi32> to vector<1x1x512xi32>
    %swap3A = arith.constant 0 : index
    %swap3A_7 = arith.constant 0 : index
    %swap3A_8 = arith.constant 0 : index
    %swap3A_9 = vector.load %arg2[%swap3A, %swap3A_7, %swap3A_8] : memref<1x1x512xi32, #tpu.memory_space<vmem>>, vector<1x1x512xi32>
    tpu.vector_store %arg2[%swap3A, %swap3A_7, %swap3A_8], %reshape3A {strides = array<i32>} : memref<1x1x512xi32, #tpu.memory_space<vmem>>, vector<1x1x512xi32>,
    return
  }
  func.func @transform_0(%arg0: i32) -> (i32, i32) {
    %c0_i32 = arith.constant 0 : i32
    %c0_i32_0 = arith.constant 0 : i32
    return %arg0, %c0_i32 : i32, i32
  }
  func.func @transform_1(%arg0: i32) -> (i32, i32, i32) {
    %c0_i32 = arith.constant 0 : i32
    %c0_i32_0 = arith.constant 0 : i32
    %c0_i32_1 = arith.constant 0 : i32
    return %arg0, %c0_i32, %c0_i32_0 : i32, i32, i32
  }
}

</mosaic_0001>

<sc_bundles>
// kernel: kernel.5.cloned.1.call-start
scs
__scs_entry_jumppad:
0x0: {  	(pc) =	sbr.rel $0x88, $3  }
0x1: {  	(tag) =	ssettag $0x0;
	lr =	simm.s32 $0x1  }
0x2: {  	[smem:$0x3F9F] =	sst lr;
	_ =	strace $0xD0000000  }
0x3: {  	_ = 	snop  }
0x4: {  	_ = 	snop  }
0x5: {  	_ = 	snop  }
0x6: {  	_ = 	snop  }
0x7: {  	_ = 	snop  }
__scs_overlays_trampoline_lowered:
0x8: {  	[smem:$0x3FAE] =	sst s0  }
0x9: {  	[smem:$0x3FAF] =	sst s1  }
0xa: {  	[smem:$0x3FB0] =	sst s2  }
0xb: {  	[smem:$0x3FB1] =	sst s3  }
0xc: {  	[smem:$0x3FB2] =	sst s4  }
0xd: {  	[smem:$0x3FB3] =	sst s5  }
0xe: {  	[smem:$0x3FB4] =	sst s6  }
0xf: {  	[smem:$0x3FB5] =	sst s7  }
0x10: {  	[smem:$0x3FB6] =	sst s8  }
0x11: {  	[smem:$0x3FB7] =	sst s9;
	s0 =	simm.s32 @!p0 $0x0  }
0x12: {  	s1 =	sld [smem:$0x3F9D];
	s0 =	simm.s32 @p0 $0x1  }
0x13: {  	[smem:$0x3FB8] =	sst s0;
	s0 =	simm.s32 @!p1 $0x0  }
0x14: {  	s2 =	sld [smem:$0x3F9C];
	s0 =	simm.s32 @p1 $0x1  }
0x15: {  	[smem:$0x3FB9] =	sst s0;
	s0 =	simm.s32 @!p2 $0x0  }
0x16: {  	s3 =	sld [smem:$0x3FDB];
	s0 =	simm.s32 @p2 $0x1  }
0x17: {  	s4 =	simm.s32 $0x1BF5;
	[smem:$0x3FBB] =	sst s0  }
0x18: {  	s0 =	sld [smem:$0x3F9E];
	_ =	swait.ge [sflag:s4], $0x0  }
0x19: {  	s7 =	sld [smem:$0x3F9F]  }
0x1a: {  	s8 =	sadd.s32 $0xFFFFE003, lr  }
0x1b: {  	s9 =	sadd.s32 $0xFFFFFEF7, lr;
	s5 =	simm.s32 $0xFFFFFFFF;
	p2 =	slt.u32 s8, $0xFFFFF086  }
0x1c: {  	p1 =	slt.u32 s9, $0xF7A;
	s5 =	simm.s32 @!p2 $0x0  }
0x1d: {  	s5 =	simm.s32 @p1 $0x1;
	p0 =	seq.s32 s7, s2  }
0x1e: {  	s7 =	smul.u32 @!p0 $0xF7A, s2;
	p2 =	seq.s32 @!p0 s5, $0x0  }
0x1f: {  	s9 =	smul.u32 $0xF7A, s1;
	s8 =	simm.s32 @!p0 $0x1BF5;
	p2 =	por !p2, p0  }
0x20: {  	[sflag:s8] =	ssyncset.s32 @!p0 $0xFFFFF086;
	s6 =	sadd.s32 @!p0 s3, s7;
	s7 =	simm.s32 @!p0 $0x108  }
0x21: {  	s3 =	sadd.s32 s3, s9;
	s6 =	sadd.s32 @!p0 $0x88, s6;
	s7 =	simm.s32 @p2 $0x1082  }
0x22: {  	[simem:s7], [sflag:s8] =	dma.local @!p0 [hbm:s6], $0xF7A  }
0x23: {  	s9 =	sor.u32 $0xD0000000, s2;
	s6 =	simm.s32 $0x108;
	_ =	swait.ge @!p0 [sflag:s8], $0x0  }
0x24: {  	s3 =	sadd.s32 $0x88, s3;
	s6 =	simm.s32 @!p1 $0x1082;
	[sflag:s4] =	ssyncset.s32 $0xFFFFF086  }
0x25: {  	[simem:s6], [sflag:s4] =	dma.local [hbm:s3], $0xF7A  }
0x26: {  	[smem:$0x3F9F] =	sst s1;
	(tag) =	ssettag s2;
	_ =	strace s9  }
0x27: {  	s1 =	sld [smem:$0x3FAF]  }
0x28: {  	s2 =	sld [smem:$0x3FB0]  }
0x29: {  	s4 =	sld [smem:$0x3FB2]  }
0x2a: {  	p0 =	seq.s32 s5, $0x0;
	s5 =	sld [smem:$0x3FB3]  }
0x2b: {  	s6 =	sld [smem:$0x3FB4]  }
0x2c: {  	s7 =	sld [smem:$0x3FB5]  }
0x2d: {  	s3 =	simm.s32 $0x108;
	s8 =	sld [smem:$0x3FB6]  }
0x2e: {  	s3 =	simm.s32 @!p0 $0x1082;
	s9 =	sld [smem:$0x3FB7]  }
0x2f: {  	lr =	sadd.s32 s0, s3;
	s0 =	sld [smem:$0x3FAE]  }
0x30: {  	s3 =	sld [smem:$0x3FB1]  }
0x31: {  	[smem:$0x3FBA] =	sst s10  }
0x32: {  	s10 =	sld [smem:$0x3FB8];
	_ =	sdelay $0x3  }
0x33: {  	p0 =	seq.s32 s10, $0x1;
	s10 =	sld [smem:$0x3FBA];
	_ =	sdelay $0x3  }
0x34: {  	[smem:$0x3FBA] =	sst s10  }
0x35: {  	s10 =	sld [smem:$0x3FB9];
	_ =	sdelay $0x3  }
0x36: {  	p1 =	seq.s32 s10, $0x1;
	s10 =	sld [smem:$0x3FBA];
	_ =	sdelay $0x3  }
0x37: {  	[smem:$0x3FBA] =	sst s10  }
0x38: {  	s10 =	sld [smem:$0x3FBB]  }
0x39: {  	_ = 	snop;
	(pc) =	sbr.ind lr, $3  }
0x3a: {  	_ = 	snop  }
0x3b: {  	_ = 	snop  }
0x3c: {  	p2 =	seq.s32 s10, $0x1;
	s10 =	sld [smem:$0x3FBA]  }
0x3d: {  	_ =	shalt  }
0x3e: {  	_ =	shalt  }
0x3f: {  	_ =	shalt  }
0x40: {  	_ =	shalt  }
0x41: {  	_ =	shalt  }
0x42: {  	_ =	shalt  }
0x43: {  	_ =	shalt  }
0x44: {  	_ =	shalt  }
0x45: {  	_ =	shalt  }
0x46: {  	_ =	shalt  }
0x47: {  	_ =	shalt  }
0x48: {  	_ =	shalt  }
0x49: {  	_ =	shalt  }
0x4a: {  	_ =	shalt  }
0x4b: {  	_ =	shalt  }
0x4c: {  	_ =	shalt  }
0x4d: {  	_ =	shalt  }
0x4e: {  	_ =	shalt  }
0x4f: {  	_ =	shalt  }
0x50: {  	_ =	shalt  }
0x51: {  	_ =	shalt  }
0x52: {  	_ =	shalt  }
0x53: {  	_ =	shalt  }
0x54: {  	_ =	shalt  }
0x55: {  	_ =	shalt  }
0x56: {  	_ =	shalt  }
0x57: {  	_ =	shalt  }
0x58: {  	_ =	shalt  }
0x59: {  	_ =	shalt  }
0x5a: {  	_ =	shalt  }
0x5b: {  	_ =	shalt  }
0x5c: {  	_ =	shalt  }
0x5d: {  	_ =	shalt  }
0x5e: {  	_ =	shalt  }
0x5f: {  	_ =	shalt  }
0x60: {  	_ =	shalt  }
0x61: {  	_ =	shalt  }
0x62: {  	_ =	shalt  }
0x63: {  	_ =	shalt  }
0x64: {  	_ =	shalt  }
0x65: {  	_ =	shalt  }
0x66: {  	_ =	shalt  }
0x67: {  	_ =	shalt  }
0x68: {  	_ =	shalt  }
0x69: {  	_ =	shalt  }
0x6a: {  	_ =	shalt  }
0x6b: {  	_ =	shalt  }
0x6c: {  	_ =	shalt  }
0x6d: {  	_ =	shalt  }
0x6e: {  	_ =	shalt  }
0x6f: {  	_ =	shalt  }
0x70: {  	_ =	shalt  }
0x71: {  	_ =	shalt  }
0x72: {  	_ =	shalt  }
0x73: {  	_ =	shalt  }
0x74: {  	_ =	shalt  }
0x75: {  	_ =	shalt  }
0x76: {  	_ =	shalt  }
0x77: {  	_ =	shalt  }
0x78: {  	_ =	shalt  }
0x79: {  	_ =	shalt  }
0x7a: {  	_ =	shalt  }
0x7b: {  	_ =	shalt  }
0x7c: {  	_ =	shalt  }
0x7d: {  	_ =	shalt  }
0x7e: {  	_ =	shalt  }
0x7f: {  	_ =	shalt  }
0x80: {  	_ =	shalt  }
0x81: {  	_ =	shalt  }
0x82: {  	_ =	shalt  }
0x83: {  	_ =	shalt  }
0x84: {  	_ =	shalt  }
0x85: {  	_ =	shalt  }
0x86: {  	_ =	shalt  }
0x87: {  	_ =	shalt  }
.Lfunc_end0:
.L_simem_size_0:
called_computation_lowered:
.L_overlay_start_0:
0x88: {  	s2 =	sld [smem:$0x3FD9]  }
0x89: {  	s3 =	sld [smem:$0x3FFE];
	_ =	sdelay $0x1  }
0x8a: {  	s1 =	srdreg.scid  }
0x8b: {  	s0 =	sand.u32 $0x1, s1  }
0x8c: {  	s16 =	sshll.u32 s0, $0xA;
	s2 =	sadd.s32 s3, s2  }
0x8d: {  	s2 =	sadd.s32 s2, s16  }
0x8e: {  	[smem:$0x3FC6] =	sst s2  }
0x8f: {  	_ = 	snop  }
0x90: {  	(tm) =	ssettm $0x1  }
0x91: {  	s17 =	sld [smem:$0x3FFB];
	_ =	sdelay $0x3  }
0x92: {  	_ =	strace s17  }
0x93: {  	s2 =	sld [smem:$0x3FFC];
	_ =	sdelay $0x3  }
0x94: {  	_ =	strace s2  }
0x95: {  	s2 =	sld [smem:$0x3FFD];
	_ =	sdelay $0x3  }
0x96: {  	_ =	strace s2  }
0x97: {  	_ =	strace $0x8FFFFFFF  }
0x98: {  	s18 =	sld [smem:$0x3FDB];
	_ =	sdelay $0x1  }
0x99: {  	s19 =	simm.s32 $_scs_section_size  }
0x9a: {  	s4 =	simm.s32 $_size__tile_overlayer_lowered;
	s5 =	simm.s32 $_tile_overlayer_lowered  }
0x9b: {  	s22 =	simm.s32 $0x1BFF;
	s21 =	sshll.u32 s5, $0x1;
	s2 =	sadd.s32 s19, s18  }
0x9c: {  	s6 =	simm.s32 $0x0;
	s20 =	sshll.u32 s4, $0x1;
	s4 =	sadd.s32 s21, s2  }
0x9d: {  	[timem:s6], [sflag:s22] =	dma.local [hbm:s4], s20  }
0x9e: {  	_ =	swait.ge [sflag:s22], s20  }
0x9f: {  	s3 =	ssub.s32 $0x0, s20;
	[sflag:s22] =	ssyncset.done $0x0  }
0xa0: {  	[sflag:s22] =	ssyncadd.s32 s3;
	_ =	sdelay $0x1  }
0xa1: {  	s23 =	simm.s32 $0x1B8B  }
0xa2: {  	_ =	swait.ge [sflag:s23], $0x1  }
0xa3: {  	[sflag:s23] =	ssyncset.done $0x0  }
0xa4: {  	s25 =	simm.s32 $0x1B8E;
	s24 =	sld [smem:$0x3FFE];
	[sflag:s23] =	ssyncadd.s32 $0xFFFFFFFF  }
0xa5: {  	s26 =	simm.s32 $execute0_lowered;
	[smem:$0x3FD2] =	sst s25  }
0xa6: {  	s4 =	sshll.u32 s26, $0x1;
	_ =	strace $0x80000046;
	[dreg:$0x1] =	wrdreg $0xFFFFFFFF  }
0xa7: {  	s28 =	simm.s32 $_size_execute0_lowered;
	s2 =	sadd.s32 s2, s4;
	[dreg:$0x0] =	wrdreg $0x0  }
0xa8: {  	s4 =	sshll.u32 s28, $0x1;
	[dreg:$0x2] =	wrdreg s2  }
0xa9: {  	[dreg:$0x3] =	wrdreg s4  }
0xaa: {  	[dreg:$0x4] =	wrdreg $0xC0  }
0xab: {  	_ =	task [dreg:s6], $0x5FFFF  }
0xac: {  	[dreg:$0x1] =	wrdreg $0xFFFFFFFF  }
0xad: {  	[dreg:$0x0] =	wrdreg $0x60  }
0xae: {  	[dreg:$0x2] =	wrdreg s24  }
0xaf: {  	[dreg:$0x3] =	wrdreg $0x9  }
0xb0: {  	_ =	task.clear_ibuf [dreg:s6], $0x4FFFF;
	_ =	strace $0x90000046  }
0xb1: {  	s29 =	simm.s32 $0x9;
	_ =	strace $0x80000048  }
0xb2: {  	_ =	swait.ge [sflag:s29], $0x1  }
0xb3: {  	[sflag:s29] =	ssyncadd.s32 $0xFFFFFFFF  }
0xb4: {  	_ =	strace $0x90000048  }
0xb5: {  	_ =	sfence  }
0xb6: {  	s30 =	sld [smem:$0x0];
	_ =	sdelay $0x2  }
0xb7: {  	s31 =	sshll.u32 s1, $0xD;
	s1 =	sshrl.u32 s1, $0x2  }
0xb8: {  	s3 =	sand.u32 $0x4000, s31;
	s1 =	sadd.s32 s1, s30  }
0xb9: {  	s0 =	sor.u32 s3, s0;
	s1 =	sshll.u32 s1, $0x11  }
0xba: {  	s0 =	sor.u32 s1, s0  }
0xbb: {  	s0 =	sadd.s32 $0x8F2B, s0  }
0xbc: {  	[sflag:s0] =	ssyncadd.remote.s32 $0x1  }
0xbd: {  	_ =	sfence.sel $0xFFFF  }
0xbe: {  	[dreg:$0x0] =	wrdreg $0xFFFFFFFF;
	(pc) =	sbr.abs _section_cstart, $3  }
0xbf: {  	[dreg:$0x1] =	wrdreg $0xFFFFFFFF  }
0xc0: {  	_ =	task.clear_ibuf [dreg:s6], $0x2FFFF;
	_ =	strace $0x9FFFFFFF  }
0xc1: {  	(tm) =	ssettm $0x7FFFFFFF  }
tec
execute0_lowered:
.L_overlay_start_1:
0x0: {  	(tag) =	ssettag $0x1  }
0x1: {  	s1 =	srdreg.scid  }
0x2: {  	s0 =	stileid.u32;
	s3 =	rddreg [dreg:$0x0];
	s8 =	simm.s32 $0x80  }
0x3: {  	s9 =	simm.s32 $0x400;
	s10 =	simm.s32 $0x2;
	s11 =	simm.s32 $0x0  }
0x4: {  	s4 =	sand.u32 $0x1, s1;
	s2 =	sshll.u32 s0, $0x1;
	s1 =	rddreg [dreg:$0x1]  }
0x5: {  	s6 =	sshrl.u32 s0, $0x2;
	s5 =	sor.u32 s4, s2;
	s2 =	simm.s32 $0x0  }
0x6: {  	s6 =	smul.u32 $0x9000, s6;
	s4 =	ssub.s32 $0x2, s4;
	s7 =	sshll.u32 s5, $0x7  }
0x7: {  	[smem:$0x7FF] =	sst s2;
	s5 =	sshll.u32 s5, $0x6;
	s7 =	sand.u32 $0x380, s7  }
0x8: {  	s31 =	sshrl.u32 s4, $0x1;
	_ =	strace $0x80000047;
	s6 =	sor.u32 s6, s7  }
0x9: {  	s5 =	sadd.s32 s5, s3;
	s7 =	ssub.s32 s4, s31;
	s6 =	sshrl.u32 s6, $0x3  }
0xa: {  	s6 =	sadd.s32 s6, s3;
	s3 =	sadd.s32 $0xA00, s5;
	s5 =	smax.u32 s7, $0x1  }
0xb: {  	v0 =	vimm.s32 $0x0;
	s7 =	simm.s32 $0x200;
	s4 =	sadd.s32 $0x1200, s6;
	s6 =	simm.s32 $0x1  }
.LBB2_1:
0xc: {  	[tilespmem:s2], [sflag:$0x1] =	stream.linear.gather [hbm4b:s3+s2], $0x200, $0x38;
	[tilespmem:$0x1400] =	vst v63  }
0xd: {  	s12 =	simm.s32 $0x40;
	s13 =	simm.s32 $0x0  }
.LBB2_2:
0xe: {  	p0 =	sne.s32 s12, $0x47C0;
	[tilespmem:s13+$0x200] =	vst v0;
	s13 =	smov.u32 s12;
	s12 =	sadd.s32 $0x40, s12  }
.Ltmp0:
0xf: {  	(pc) =	sbr.rel @p0 .LBB2_2-.Ltmp0, $2  }
0x10: {  	_ =	sdelay $0x2  }
0x11: {  	s13 =	sshra.s32 s13, $0x2  }
0x12: {  	[tilespmem:s13+$0x200] =	vst v0  }
0x13: {  	_ =	swait.ge [sflag:s6], $0x200  }
0x14: {  	[sflag:s6] =	ssyncset.done $0x0  }
0x15: {  	s13 =	simm.s32 $0x0;
	s12 =	simm.s32 $0x40;
	[sflag:s6] =	ssyncadd.s32 $0xFFFFFE00  }
.LBB2_4:
0x16: {  	p0 =	sne.s32 s12, $0x7C0;
	v1 =	vld [tilespmem:s13+$0x0];
	_ =	sdelay $0x4  }
0x17: {  	vm0 =	veq.s32 v1, $0x0;
	v1 =	vadd.s32 $0xFFFFFFFF, v1  }
0x18: {  	v1 =	vsel vm0, $0x1000, v1  }
0x19: {  	(xrf1) =	vunique.msk.u32 $0xffff, v1;
	_ =	sdelay $0xd  }
0x1a: {  	_, v2, vm0 =	vpop (xrf1);
	_ =	sdelay $0x1  }
.Ltmp1:
0x1b: {  	(pc) =	sbr.rel @p0 .LBB2_4-.Ltmp1, $2  }
0x1c: {  	_ =	sdelay $0x2  }
0x1d: {  	s13 =	sshra.s32 s12, $0x2;
	s12 =	sadd.s32 $0x40, s12;
	[tilespmem:v1+s7+$0x0] =	vst.idx.add.s32.msk vm0, v2  }
0x1e: {  	v1 =	vld [tilespmem:s13+$0x0];
	_ =	sdelay $0x4  }
0x1f: {  	vm0 =	veq.s32 v1, $0x0;
	v1 =	vadd.s32 $0xFFFFFFFF, v1  }
0x20: {  	v1 =	vsel vm0, $0x1000, v1  }
0x21: {  	(xrf1) =	vunique.msk.u32 $0xffff, v1;
	_ =	sdelay $0xd  }
0x22: {  	_, v2, vm15 =	vpop (xrf1);
	_ =	sdelay $0x3  }
0x23: {  	s11 =	sadd.s32 $0x1, s11  }
0x24: {  	p0 =	sne.s32 s11, s5  }
.Ltmp2:
0x25: {  	[tilespmem:v1+s7+$0x0] =	vst.idx.add.s32.msk vm15, v2;
	(pc) =	sbr.rel @p0 .LBB2_1-.Ltmp2, $4  }
0x26: {  	[hbm4b:s4+s8] =	stream.strided.scatter [tilespmem:s7], [sflag:$0x2], $0x1200, s9, s8, $0x38;
	[tilespmem:$0x1400] =	vst v63  }
0x27: {  	_ =	swait.ge [sflag:s10], $0x1200  }
0x28: {  	[sflag:s10] =	ssyncset.done $0x0  }
0x29: {  	[sflag:s10] =	ssyncadd.s32 $0xFFFFEE00  }
0x2a: {  	_ =	sfence.sel $0x180000  }
0x2b: {  	[bflag:$0x0] =	sbarrier.arrive $0xFFFF  }
0x2c: {  	p0 =	sne.s32 s0, $0x0;
	_ =	strace $0x90000047  }
0x2d: {  	s0 =	sadd.s32 @!p0 $0x100000, s1;
	[bflag:$0x2] =	sbarrier.arrive $0xFFFF  }
0x2e: {  	[sflag:s0] =	ssyncadd.tile.s32 @!p0 $0x1;
	_ =	shalt  }
.Lfunc_end2:
_tile_overlayer_lowered:
.L_overlay_start_2:
0x2f: {  	(tag) =	ssettag $0x2  }
0x30: {  	s0 =	rddreg [dreg:$0x0];
	s2 =	stileid.u32  }
0x31: {  	s1 =	rddreg [dreg:$0x1];
	p0 =	sne.s32 s2, $0x0  }
0x32: {  	s3 =	rddreg [dreg:$0x2];
	[bflag:$0x3] =	sbarrier.arrive $0xFFFF;
	s2 =	simm.s32 @!p0 $0x1C02  }
0x33: {  	[timem:s3], [sflag:s2] =	dma.local @!p0 [hbm:s0], s1  }
0x34: {  	s0 =	simm.s32 @!p0 $0x2  }
0x35: {  	_ =	swait.ge @!p0 [sflag:s0], s1  }
0x36: {  	s1 =	ssub.s32 @!p0 $0x0, s1;
	[sflag:s0] =	ssyncset.done @!p0 $0x0  }
0x37: {  	[sflag:s0] =	ssyncadd.s32 @!p0 s1  }
0x38: {  	[bflag:$0x3] =	sbarrier.arrive $0xFFFF  }
0x39: {  	_ =	shalt  }

// kernel: kernel.8.cloned.1.call-start
scs
__scs_entry_jumppad:
0x0: {  	(pc) =	sbr.rel $0x88, $3  }
0x1: {  	(tag) =	ssettag $0x0;
	lr =	simm.s32 $0x1  }
0x2: {  	[smem:$0x3F9F] =	sst lr;
	_ =	strace $0xD0000000  }
0x3: {  	_ = 	snop  }
0x4: {  	_ = 	snop  }
0x5: {  	_ = 	snop  }
0x6: {  	_ = 	snop  }
0x7: {  	_ = 	snop  }
__scs_overlays_trampoline_lowered:
0x8: {  	[smem:$0x3FAE] =	sst s0  }
0x9: {  	[smem:$0x3FAF] =	sst s1  }
0xa: {  	[smem:$0x3FB0] =	sst s2  }
0xb: {  	[smem:$0x3FB1] =	sst s3  }
0xc: {  	[smem:$0x3FB2] =	sst s4  }
0xd: {  	[smem:$0x3FB3] =	sst s5  }
0xe: {  	[smem:$0x3FB4] =	sst s6  }
0xf: {  	[smem:$0x3FB5] =	sst s7  }
0x10: {  	[smem:$0x3FB6] =	sst s8  }
0x11: {  	[smem:$0x3FB7] =	sst s9;
	s0 =	simm.s32 @!p0 $0x0  }
0x12: {  	s1 =	sld [smem:$0x3F9D];
	s0 =	simm.s32 @p0 $0x1  }
0x13: {  	[smem:$0x3FB8] =	sst s0;
	s0 =	simm.s32 @!p1 $0x0  }
0x14: {  	s2 =	sld [smem:$0x3F9C];
	s0 =	simm.s32 @p1 $0x1  }
0x15: {  	[smem:$0x3FB9] =	sst s0;
	s0 =	simm.s32 @!p2 $0x0  }
0x16: {  	s3 =	sld [smem:$0x3FDB];
	s0 =	simm.s32 @p2 $0x1  }
0x17: {  	s4 =	simm.s32 $0x1BF5;
	[smem:$0x3FBB] =	sst s0  }
0x18: {  	s0 =	sld [smem:$0x3F9E];
	_ =	swait.ge [sflag:s4], $0x0  }
0x19: {  	s7 =	sld [smem:$0x3F9F]  }
0x1a: {  	s8 =	sadd.s32 $0xFFFFE003, lr  }
0x1b: {  	s9 =	sadd.s32 $0xFFFFFEF7, lr;
	s5 =	simm.s32 $0xFFFFFFFF;
	p2 =	slt.u32 s8, $0xFFFFF086  }
0x1c: {  	p1 =	slt.u32 s9, $0xF7A;
	s5 =	simm.s32 @!p2 $0x0  }
0x1d: {  	s5 =	simm.s32 @p1 $0x1;
	p0 =	seq.s32 s7, s2  }
0x1e: {  	s7 =	smul.u32 @!p0 $0xF7A, s2;
	p2 =	seq.s32 @!p0 s5, $0x0  }
0x1f: {  	s9 =	smul.u32 $0xF7A, s1;
	s8 =	simm.s32 @!p0 $0x1BF5;
	p2 =	por !p2, p0  }
0x20: {  	[sflag:s8] =	ssyncset.s32 @!p0 $0xFFFFF086;
	s6 =	sadd.s32 @!p0 s3, s7;
	s7 =	simm.s32 @!p0 $0x108  }
0x21: {  	s3 =	sadd.s32 s3, s9;
	s6 =	sadd.s32 @!p0 $0x88, s6;
	s7 =	simm.s32 @p2 $0x1082  }
0x22: {  	[simem:s7], [sflag:s8] =	dma.local @!p0 [hbm:s6], $0xF7A  }
0x23: {  	s9 =	sor.u32 $0xD0000000, s2;
	s6 =	simm.s32 $0x108;
	_ =	swait.ge @!p0 [sflag:s8], $0x0  }
0x24: {  	s3 =	sadd.s32 $0x88, s3;
	s6 =	simm.s32 @!p1 $0x1082;
	[sflag:s4] =	ssyncset.s32 $0xFFFFF086  }
0x25: {  	[simem:s6], [sflag:s4] =	dma.local [hbm:s3], $0xF7A  }
0x26: {  	[smem:$0x3F9F] =	sst s1;
	(tag) =	ssettag s2;
	_ =	strace s9  }
0x27: {  	s1 =	sld [smem:$0x3FAF]  }
0x28: {  	s2 =	sld [smem:$0x3FB0]  }
0x29: {  	s4 =	sld [smem:$0x3FB2]  }
0x2a: {  	p0 =	seq.s32 s5, $0x0;
	s5 =	sld [smem:$0x3FB3]  }
0x2b: {  	s6 =	sld [smem:$0x3FB4]  }
0x2c: {  	s7 =	sld [smem:$0x3FB5]  }
0x2d: {  	s3 =	simm.s32 $0x108;
	s8 =	sld [smem:$0x3FB6]  }
0x2e: {  	s3 =	simm.s32 @!p0 $0x1082;
	s9 =	sld [smem:$0x3FB7]  }
0x2f: {  	lr =	sadd.s32 s0, s3;
	s0 =	sld [smem:$0x3FAE]  }
0x30: {  	s3 =	sld [smem:$0x3FB1]  }
0x31: {  	[smem:$0x3FBA] =	sst s10  }
0x32: {  	s10 =	sld [smem:$0x3FB8];
	_ =	sdelay $0x3  }
0x33: {  	p0 =	seq.s32 s10, $0x1;
	s10 =	sld [smem:$0x3FBA];
	_ =	sdelay $0x3  }
0x34: {  	[smem:$0x3FBA] =	sst s10  }
0x35: {  	s10 =	sld [smem:$0x3FB9];
	_ =	sdelay $0x3  }
0x36: {  	p1 =	seq.s32 s10, $0x1;
	s10 =	sld [smem:$0x3FBA];
	_ =	sdelay $0x3  }
0x37: {  	[smem:$0x3FBA] =	sst s10  }
0x38: {  	s10 =	sld [smem:$0x3FBB]  }
0x39: {  	_ = 	snop;
	(pc) =	sbr.ind lr, $3  }
0x3a: {  	_ = 	snop  }
0x3b: {  	_ = 	snop  }
0x3c: {  	p2 =	seq.s32 s10, $0x1;
	s10 =	sld [smem:$0x3FBA]  }
0x3d: {  	_ =	shalt  }
0x3e: {  	_ =	shalt  }
0x3f: {  	_ =	shalt  }
0x40: {  	_ =	shalt  }
0x41: {  	_ =	shalt  }
0x42: {  	_ =	shalt  }
0x43: {  	_ =	shalt  }
0x44: {  	_ =	shalt  }
0x45: {  	_ =	shalt  }
0x46: {  	_ =	shalt  }
0x47: {  	_ =	shalt  }
0x48: {  	_ =	shalt  }
0x49: {  	_ =	shalt  }
0x4a: {  	_ =	shalt  }
0x4b: {  	_ =	shalt  }
0x4c: {  	_ =	shalt  }
0x4d: {  	_ =	shalt  }
0x4e: {  	_ =	shalt  }
0x4f: {  	_ =	shalt  }
0x50: {  	_ =	shalt  }
0x51: {  	_ =	shalt  }
0x52: {  	_ =	shalt  }
0x53: {  	_ =	shalt  }
0x54: {  	_ =	shalt  }
0x55: {  	_ =	shalt  }
0x56: {  	_ =	shalt  }
0x57: {  	_ =	shalt  }
0x58: {  	_ =	shalt  }
0x59: {  	_ =	shalt  }
0x5a: {  	_ =	shalt  }
0x5b: {  	_ =	shalt  }
0x5c: {  	_ =	shalt  }
0x5d: {  	_ =	shalt  }
0x5e: {  	_ =	shalt  }
0x5f: {  	_ =	shalt  }
0x60: {  	_ =	shalt  }
0x61: {  	_ =	shalt  }
0x62: {  	_ =	shalt  }
0x63: {  	_ =	shalt  }
0x64: {  	_ =	shalt  }
0x65: {  	_ =	shalt  }
0x66: {  	_ =	shalt  }
0x67: {  	_ =	shalt  }
0x68: {  	_ =	shalt  }
0x69: {  	_ =	shalt  }
0x6a: {  	_ =	shalt  }
0x6b: {  	_ =	shalt  }
0x6c: {  	_ =	shalt  }
0x6d: {  	_ =	shalt  }
0x6e: {  	_ =	shalt  }
0x6f: {  	_ =	shalt  }
0x70: {  	_ =	shalt  }
0x71: {  	_ =	shalt  }
0x72: {  	_ =	shalt  }
0x73: {  	_ =	shalt  }
0x74: {  	_ =	shalt  }
0x75: {  	_ =	shalt  }
0x76: {  	_ =	shalt  }
0x77: {  	_ =	shalt  }
0x78: {  	_ =	shalt  }
0x79: {  	_ =	shalt  }
0x7a: {  	_ =	shalt  }
0x7b: {  	_ =	shalt  }
0x7c: {  	_ =	shalt  }
0x7d: {  	_ =	shalt  }
0x7e: {  	_ =	shalt  }
0x7f: {  	_ =	shalt  }
0x80: {  	_ =	shalt  }
0x81: {  	_ =	shalt  }
0x82: {  	_ =	shalt  }
0x83: {  	_ =	shalt  }
0x84: {  	_ =	shalt  }
0x85: {  	_ =	shalt  }
0x86: {  	_ =	shalt  }
0x87: {  	_ =	shalt  }
.Lfunc_end0:
.L_simem_size_0:
called_computation.1_lowered:
.L_overlay_start_0:
0x88: {  	s2 =	sld [smem:$0x3FD9]  }
0x89: {  	s3 =	sld [smem:$0x3FFE];
	_ =	sdelay $0x1  }
0x8a: {  	s1 =	srdreg.scid  }
0x8b: {  	s0 =	sand.u32 $0x1, s1  }
0x8c: {  	s17 =	sshll.u32 s0, $0xA;
	s2 =	sadd.s32 s3, s2  }
0x8d: {  	s2 =	sadd.s32 s2, s17  }
0x8e: {  	[smem:$0x3FC6] =	sst s2  }
0x8f: {  	_ = 	snop  }
0x90: {  	s2 =	sld [smem:$0x3FC9]  }
0x91: {  	s18 =	sld [smem:$0x3FD0];
	(tm) =	ssettm $0x1  }
0x92: {  	s4 =	sld [smem:$0x3FFB];
	_ =	sdelay $0x3  }
0x93: {  	_ =	strace s4  }
0x94: {  	s4 =	sld [smem:$0x3FFC];
	_ =	sdelay $0x3  }
0x95: {  	_ =	strace s4  }
0x96: {  	s4 =	sld [smem:$0x3FFD];
	_ =	sdelay $0x3  }
0x97: {  	_ =	strace s4  }
0x98: {  	_ =	strace $0x8FFFFFFF  }
0x99: {  	s19 =	sld [smem:$0x3FDB];
	_ =	sdelay $0x1  }
0x9a: {  	s5 =	simm.s32 $_scs_section_size  }
0x9b: {  	s6 =	simm.s32 $_size__tile_overlayer_lowered;
	s7 =	simm.s32 $_tile_overlayer_lowered  }
0x9c: {  	s22 =	simm.s32 $0x1BFF;
	s21 =	sshll.u32 s7, $0x1;
	s4 =	sadd.s32 s5, s19  }
0x9d: {  	s8 =	simm.s32 $0x0;
	s20 =	sshll.u32 s6, $0x1;
	s6 =	sadd.s32 s21, s4  }
0x9e: {  	[timem:s8], [sflag:s22] =	dma.local [hbm:s6], s20  }
0x9f: {  	_ =	swait.ge [sflag:s22], s20  }
0xa0: {  	s5 =	ssub.s32 $0x0, s20;
	[sflag:s22] =	ssyncset.done $0x0  }
0xa1: {  	[sflag:s22] =	ssyncadd.s32 s5;
	_ =	sdelay $0x1  }
0xa2: {  	s23 =	simm.s32 $0x1B8B  }
0xa3: {  	_ =	swait.ge [sflag:s23], $0x1  }
0xa4: {  	[sflag:s23] =	ssyncset.done $0x0  }
0xa5: {  	s25 =	simm.s32 $0x1B8E;
	s24 =	sld [smem:$0x3FFE];
	[sflag:s23] =	ssyncadd.s32 $0xFFFFFFFF  }
0xa6: {  	s26 =	simm.s32 $execute0_lowered;
	[smem:$0x3FD2] =	sst s25  }
0xa7: {  	s6 =	sshll.u32 s26, $0x1;
	_ =	strace $0x80000049;
	[dreg:$0x1] =	wrdreg $0xFFFFFFFF  }
0xa8: {  	s28 =	simm.s32 $_size_execute0_lowered;
	s4 =	sadd.s32 s4, s6;
	[dreg:$0x0] =	wrdreg $0x0  }
0xa9: {  	s6 =	sshll.u32 s28, $0x1;
	[dreg:$0x2] =	wrdreg s4  }
0xaa: {  	[dreg:$0x3] =	wrdreg s6  }
0xab: {  	[dreg:$0x4] =	wrdreg $0xC0  }
0xac: {  	_ =	task [dreg:s8], $0x5FFFF  }
0xad: {  	[dreg:$0x1] =	wrdreg $0xFFFFFFFF  }
0xae: {  	[dreg:$0x0] =	wrdreg $0x60  }
0xaf: {  	[dreg:$0x2] =	wrdreg s24  }
0xb0: {  	[dreg:$0x3] =	wrdreg s2  }
0xb1: {  	[dreg:$0x4] =	wrdreg s18  }
0xb2: {  	[dreg:$0x5] =	wrdreg $0x9  }
0xb3: {  	_ =	task.clear_ibuf [dreg:s8], $0x6FFFF;
	_ =	strace $0x90000049  }
0xb4: {  	s29 =	simm.s32 $0x9;
	_ =	strace $0x8000004B  }
0xb5: {  	_ =	swait.ge [sflag:s29], $0x1  }
0xb6: {  	[sflag:s29] =	ssyncadd.s32 $0xFFFFFFFF  }
0xb7: {  	_ =	strace $0x9000004B  }
0xb8: {  	_ =	sfence  }
0xb9: {  	s30 =	sld [smem:$0x0];
	_ =	sdelay $0x2  }
0xba: {  	s31 =	sshll.u32 s1, $0xD;
	s1 =	sshrl.u32 s1, $0x2  }
0xbb: {  	s3 =	sand.u32 $0x4000, s31;
	s1 =	sadd.s32 s1, s30  }
0xbc: {  	s0 =	sor.u32 s3, s0;
	s1 =	sshll.u32 s1, $0x11  }
0xbd: {  	s0 =	sor.u32 s1, s0  }
0xbe: {  	s0 =	sadd.s32 $0x8F2B, s0  }
0xbf: {  	[sflag:s0] =	ssyncadd.remote.s32 $0x1  }
0xc0: {  	_ =	sfence.sel $0xFFFF  }
0xc1: {  	[dreg:$0x0] =	wrdreg $0xFFFFFFFF;
	(pc) =	sbr.abs _section_cstart, $3  }
0xc2: {  	[dreg:$0x1] =	wrdreg $0xFFFFFFFF  }
0xc3: {  	_ =	task.clear_ibuf [dreg:s8], $0x2FFFF;
	_ =	strace $0x9FFFFFFF  }
0xc4: {  	(tm) =	ssettm $0x7FFFFFFF  }
0xc5: {  	_ =	shalt  }
tec
execute0_lowered:
.L_overlay_start_1:
0x0: {  	(tag) =	ssettag $0x1  }
0x1: {  	s6 =	rddreg [dreg:$0x0]  }
0x2: {  	s1 =	srdreg.scid;
	s0 =	stileid.u32  }
0x3: {  	s3 =	rddreg [dreg:$0x1];
	s1 =	sand.u32 $0x1, s1;
	s2 =	sshll.u32 s0, $0x1  }
0x4: {  	s4 =	rddreg [dreg:$0x2];
	s5 =	sor.u32 s1, s2  }
0x5: {  	s2 =	simm.s32 $0x0;
	s7 =	sshll.u32 s5, $0x7;
	s5 =	sshll.u32 s5, $0x4  }
0x6: {  	[smem:$0x7FF] =	sst s2;
	s6 =	sadd.s32 s7, s6;
	s3 =	sadd.s32 s3, s5  }
0x7: {  	_ =	strace $0x8000004A;
	s7 =	sadd.s32 $0x1200, s6;
	[smem:$0x7F5] =	sst s3  }
0x8: {  	s8 =	sadd.s32 $0x1210, s6;
	[dreg:$0x4] =	wrdreg s7  }
0x9: {  	s9 =	sadd.s32 $0x1220, s6;
	[dreg:$0x5] =	wrdreg s8  }
0xa: {  	s10 =	sadd.s32 $0x1230, s6;
	[dreg:$0x6] =	wrdreg s9  }
0xb: {  	s11 =	sadd.s32 $0x1240, s6;
	[dreg:$0x7] =	wrdreg s10  }
0xc: {  	s12 =	sadd.s32 $0x1250, s6;
	[dreg:$0x8] =	wrdreg s11  }
0xd: {  	s13 =	sadd.s32 $0x1260, s6;
	[dreg:$0x9] =	wrdreg s12  }
0xe: {  	s14 =	sadd.s32 $0x1270, s6;
	[dreg:$0xa] =	wrdreg s13  }
0xf: {  	s15 =	sadd.s32 $0x2400, s6;
	[dreg:$0xb] =	wrdreg s14  }
0x10: {  	s16 =	sadd.s32 $0x2410, s6;
	[dreg:$0xc] =	wrdreg s15  }
0x11: {  	s17 =	sadd.s32 $0x2420, s6;
	[dreg:$0xd] =	wrdreg s16  }
0x12: {  	s18 =	sadd.s32 $0x2430, s6;
	[dreg:$0xe] =	wrdreg s17  }
0x13: {  	s19 =	sadd.s32 $0x2440, s6;
	[dreg:$0xf] =	wrdreg s18  }
0x14: {  	s20 =	sadd.s32 $0x2450, s6;
	[dreg:$0x10] =	wrdreg s19  }
0x15: {  	s21 =	sadd.s32 $0x2460, s6;
	[dreg:$0x11] =	wrdreg s20  }
0x16: {  	s22 =	sadd.s32 $0x2470, s6;
	[dreg:$0x12] =	wrdreg s21  }
0x17: {  	s23 =	sadd.s32 $0x3600, s6;
	[dreg:$0x13] =	wrdreg s22  }
0x18: {  	s24 =	sadd.s32 $0x3610, s6;
	[dreg:$0x14] =	wrdreg s23  }
0x19: {  	s25 =	sadd.s32 $0x3620, s6;
	[dreg:$0x15] =	wrdreg s24  }
0x1a: {  	s26 =	sadd.s32 $0x3630, s6;
	[dreg:$0x16] =	wrdreg s25  }
0x1b: {  	s0 =	sadd.s32 $0x3640, s6;
	[dreg:$0x17] =	wrdreg s26  }
0x1c: {  	[dreg:$0x18] =	wrdreg s0;
	s8 =	sadd.s32 $0x3650, s6  }
0x1d: {  	s9 =	sadd.s32 $0x3660, s6;
	[dreg:$0x19] =	wrdreg s8  }
0x1e: {  	s10 =	sadd.s32 $0x3670, s6;
	[dreg:$0x1a] =	wrdreg s9  }
0x1f: {  	s11 =	sadd.s32 $0x4800, s6;
	[dreg:$0x1b] =	wrdreg s10  }
0x20: {  	s12 =	sadd.s32 $0x4810, s6;
	[dreg:$0x1c] =	wrdreg s11  }
0x21: {  	s13 =	sadd.s32 $0x4820, s6;
	[dreg:$0x1d] =	wrdreg s12  }
0x22: {  	s14 =	sadd.s32 $0x4830, s6;
	[dreg:$0x1e] =	wrdreg s13  }
0x23: {  	s15 =	sadd.s32 $0x4840, s6;
	[dreg:$0x1f] =	wrdreg s14  }
0x24: {  	s16 =	sadd.s32 $0x4850, s6;
	[smem:$0x7F1] =	sst s15  }
0x25: {  	s17 =	sadd.s32 $0x4860, s6;
	[smem:$0x7F2] =	sst s16  }
0x26: {  	s6 =	sadd.s32 $0x4870, s6;
	[smem:$0x7F3] =	sst s17  }
0x27: {  	s18 =	sadd.s32 s4, s5;
	[smem:$0x7F4] =	sst s6  }
0x28: {  	s19 =	simm.s32 $0x80;
	[smem:$0x7F6] =	sst s18  }
0x29: {  	s28 =	simm.s32 $0xF80;
	s20 =	simm.s32 $0x100;
	[smem:$0x7F7] =	sst s19  }
0x2a: {  	s29 =	simm.s32 $0x1000;
	s21 =	simm.s32 $0x180;
	[smem:$0x7F8] =	sst s20  }
0x2b: {  	s30 =	simm.s32 $0x2;
	s22 =	simm.s32 $0x200;
	[smem:$0x7F9] =	sst s21  }
0x2c: {  	s31 =	simm.s32 $0x1;
	s23 =	simm.s32 $0x280;
	[smem:$0x7FA] =	sst s22  }
0x2d: {  	s1 =	ssub.s32 $0x2, s1;
	s25 =	simm.s32 $0x300;
	[smem:$0x7FB] =	sst s23  }
0x2e: {  	s24 =	sshrl.u32 s1, $0x1;
	s26 =	simm.s32 $0x380;
	[smem:$0x7FC] =	sst s25  }
0x2f: {  	s7 =	simm.s32 $0x580;
	s1 =	ssub.s32 s1, s24;
	[smem:$0x7FD] =	sst s26  }
0x30: {  	s8 =	simm.s32 $0x600;
	s9 =	simm.s32 $0x680;
	s10 =	simm.s32 $0x700  }
0x31: {  	s11 =	simm.s32 $0x780;
	s12 =	simm.s32 $0x800;
	s13 =	simm.s32 $0x880  }
0x32: {  	s14 =	simm.s32 $0x900;
	s15 =	simm.s32 $0x980;
	s16 =	simm.s32 $0xA00  }
0x33: {  	s17 =	simm.s32 $0xA80;
	s18 =	simm.s32 $0xB00;
	s19 =	simm.s32 $0xB80  }
0x34: {  	s20 =	simm.s32 $0xC00;
	s21 =	simm.s32 $0xC80;
	s22 =	simm.s32 $0xD00  }
0x35: {  	s23 =	simm.s32 $0xD80;
	s24 =	simm.s32 $0xE00;
	s25 =	simm.s32 $0xE80  }
0x36: {  	s26 =	simm.s32 $0xF00;
	s3 =	smax.u32 s1, $0x1;
	s1 =	simm.s32 $0x1080  }
.LBB2_1:
0x37: {  	s0 =	rddreg [dreg:$0x4]  }
0x38: {  	s4 =	rddreg [dreg:$0x5]  }
0x39: {  	s5 =	sld [smem:$0x7F7]  }
0x3a: {  	[tilespmem:s2], [sflag:$0x1] =	stream.linear.gather [hbm4b:s0+s2], $0x80, $0x38;
	[tilespmem:$0x1100] =	vst v63  }
0x3b: {  	s6 =	sld [smem:$0x7F9]  }
0x3c: {  	[tilespmem:s5], [sflag:$0x1] =	stream.linear.gather [hbm4b:s4+s2], $0x80, $0x38;
	[tilespmem:$0x1100] =	vst v63  }
0x3d: {  	s4 =	sld [smem:$0x7F8]  }
0x3e: {  	s0 =	rddreg [dreg:$0x6]  }
0x3f: {  	s5 =	rddreg [dreg:$0x7]  }
0x40: {  	[tilespmem:s4], [sflag:$0x1] =	stream.linear.gather [hbm4b:s0+s2], $0x80, $0x38;
	[tilespmem:$0x1100] =	vst v63  }
0x41: {  	s0 =	rddreg [dreg:$0x8]  }
0x42: {  	s4 =	sld [smem:$0x7FA]  }
0x43: {  	[tilespmem:s6], [sflag:$0x1] =	stream.linear.gather [hbm4b:s5+s2], $0x80, $0x38;
	[tilespmem:$0x1100] =	vst v63  }
0x44: {  	s5 =	rddreg [dreg:$0x9]  }
0x45: {  	s6 =	sld [smem:$0x7FB]  }
0x46: {  	[tilespmem:s4], [sflag:$0x1] =	stream.linear.gather [hbm4b:s0+s2], $0x80, $0x38;
	[tilespmem:$0x1100] =	vst v63  }
0x47: {  	s0 =	rddreg [dreg:$0xa]  }
0x48: {  	s4 =	sld [smem:$0x7FC]  }
0x49: {  	[tilespmem:s6], [sflag:$0x1] =	stream.linear.gather [hbm4b:s5+s2], $0x80, $0x38;
	[tilespmem:$0x1100] =	vst v63  }
0x4a: {  	s5 =	rddreg [dreg:$0xb]  }
0x4b: {  	s6 =	sld [smem:$0x7FD]  }
0x4c: {  	[tilespmem:s4], [sflag:$0x1] =	stream.linear.gather [hbm4b:s0+s2], $0x80, $0x38;
	[tilespmem:$0x1100] =	vst v63  }
0x4d: {  	s0 =	rddreg [dreg:$0xc]  }
0x4e: {  	[tilespmem:s6], [sflag:$0x1] =	stream.linear.gather [hbm4b:s5+s2], $0x80, $0x38;
	[tilespmem:$0x1100] =	vst v63  }
0x4f: {  	s4 =	rddreg [dreg:$0xd];
	s6 =	simm.s32 $0x400  }
0x50: {  	[tilespmem:s6], [sflag:$0x1] =	stream.linear.gather [hbm4b:s0+s2], $0x80, $0x38;
	[tilespmem:$0x1100] =	vst v63  }
0x51: {  	s5 =	rddreg [dreg:$0x10];
	s6 =	simm.s32 $0x480  }
0x52: {  	[tilespmem:s6], [sflag:$0x1] =	stream.linear.gather [hbm4b:s4+s2], $0x80, $0x38;
	[tilespmem:$0x1100] =	vst v63  }
0x53: {  	s0 =	rddreg [dreg:$0xe];
	s6 =	simm.s32 $0x500  }
0x54: {  	[tilespmem:s6], [sflag:$0x1] =	stream.linear.gather [hbm4b:s0+s2], $0x80, $0x38;
	[tilespmem:$0x1100] =	vst v63  }
0x55: {  	s4 =	rddreg [dreg:$0xf]  }
0x56: {  	[tilespmem:s7], [sflag:$0x1] =	stream.linear.gather [hbm4b:s4+s2], $0x80, $0x38;
	[tilespmem:$0x1100] =	vst v63  }
0x57: {  	s6 =	rddreg [dreg:$0x11]  }
0x58: {  	[tilespmem:s8], [sflag:$0x1] =	stream.linear.gather [hbm4b:s5+s2], $0x80, $0x38;
	[tilespmem:$0x1100] =	vst v63  }
0x59: {  	s5 =	rddreg [dreg:$0x12]  }
0x5a: {  	[tilespmem:s9], [sflag:$0x1] =	stream.linear.gather [hbm4b:s6+s2], $0x80, $0x38;
	[tilespmem:$0x1100] =	vst v63  }
0x5b: {  	s6 =	rddreg [dreg:$0x13]  }
0x5c: {  	[tilespmem:s10], [sflag:$0x1] =	stream.linear.gather [hbm4b:s5+s2], $0x80, $0x38;
	[tilespmem:$0x1100] =	vst v63  }
0x5d: {  	s5 =	rddreg [dreg:$0x14]  }
0x5e: {  	[tilespmem:s11], [sflag:$0x1] =	stream.linear.gather [hbm4b:s6+s2], $0x80, $0x38;
	[tilespmem:$0x1100] =	vst v63  }
0x5f: {  	s6 =	rddreg [dreg:$0x15]  }
0x60: {  	[tilespmem:s12], [sflag:$0x1] =	stream.linear.gather [hbm4b:s5+s2], $0x80, $0x38;
	[tilespmem:$0x1100] =	vst v63  }
0x61: {  	s5 =	rddreg [dreg:$0x16]  }
0x62: {  	[tilespmem:s13], [sflag:$0x1] =	stream.linear.gather [hbm4b:s6+s2], $0x80, $0x38;
	[tilespmem:$0x1100] =	vst v63  }
0x63: {  	s6 =	rddreg [dreg:$0x17]  }
0x64: {  	[tilespmem:s14], [sflag:$0x1] =	stream.linear.gather [hbm4b:s5+s2], $0x80, $0x38;
	[tilespmem:$0x1100] =	vst v63  }
0x65: {  	s5 =	rddreg [dreg:$0x18]  }
0x66: {  	[tilespmem:s15], [sflag:$0x1] =	stream.linear.gather [hbm4b:s6+s2], $0x80, $0x38;
	[tilespmem:$0x1100] =	vst v63  }
0x67: {  	s6 =	rddreg [dreg:$0x19]  }
0x68: {  	[tilespmem:s16], [sflag:$0x1] =	stream.linear.gather [hbm4b:s5+s2], $0x80, $0x38;
	[tilespmem:$0x1100] =	vst v63  }
0x69: {  	s5 =	rddreg [dreg:$0x1a]  }
0x6a: {  	[tilespmem:s17], [sflag:$0x1] =	stream.linear.gather [hbm4b:s6+s2], $0x80, $0x38;
	[tilespmem:$0x1100] =	vst v63  }
0x6b: {  	s6 =	rddreg [dreg:$0x1b]  }
0x6c: {  	[tilespmem:s18], [sflag:$0x1] =	stream.linear.gather [hbm4b:s5+s2], $0x80, $0x38;
	[tilespmem:$0x1100] =	vst v63  }
0x6d: {  	s5 =	rddreg [dreg:$0x1c]  }
0x6e: {  	[tilespmem:s19], [sflag:$0x1] =	stream.linear.gather [hbm4b:s6+s2], $0x80, $0x38;
	[tilespmem:$0x1100] =	vst v63  }
0x6f: {  	s6 =	rddreg [dreg:$0x1d]  }
0x70: {  	[tilespmem:s20], [sflag:$0x1] =	stream.linear.gather [hbm4b:s5+s2], $0x80, $0x38;
	[tilespmem:$0x1100] =	vst v63  }
0x71: {  	s5 =	rddreg [dreg:$0x1e]  }
0x72: {  	[tilespmem:s21], [sflag:$0x1] =	stream.linear.gather [hbm4b:s6+s2], $0x80, $0x38;
	[tilespmem:$0x1100] =	vst v63  }
0x73: {  	s6 =	rddreg [dreg:$0x1f]  }
0x74: {  	[tilespmem:s22], [sflag:$0x1] =	stream.linear.gather [hbm4b:s5+s2], $0x80, $0x38;
	[tilespmem:$0x1100] =	vst v63  }
0x75: {  	s5 =	sld [smem:$0x7F1]  }
0x76: {  	[tilespmem:s23], [sflag:$0x1] =	stream.linear.gather [hbm4b:s6+s2], $0x80, $0x38;
	[tilespmem:$0x1100] =	vst v63  }
0x77: {  	s6 =	sld [smem:$0x7F2]  }
0x78: {  	[tilespmem:s24], [sflag:$0x1] =	stream.linear.gather [hbm4b:s5+s2], $0x80, $0x38;
	[tilespmem:$0x1100] =	vst v63  }
0x79: {  	s5 =	sld [smem:$0x7F3]  }
0x7a: {  	[tilespmem:s25], [sflag:$0x1] =	stream.linear.gather [hbm4b:s6+s2], $0x80, $0x38;
	[tilespmem:$0x1100] =	vst v63  }
0x7b: {  	s6 =	sld [smem:$0x7F4]  }
0x7c: {  	[tilespmem:s26], [sflag:$0x1] =	stream.linear.gather [hbm4b:s5+s2], $0x80, $0x38;
	[tilespmem:$0x1100] =	vst v63  }
0x7d: {  	s5 =	sld [smem:$0x7F5]  }
0x7e: {  	[tilespmem:s28], [sflag:$0x1] =	stream.linear.gather [hbm4b:s6+s2], $0x80, $0x38;
	[tilespmem:$0x1100] =	vst v63  }
0x7f: {  	_ = 	snop  }
0x80: {  	[tilespmem:s29], [sflag:$0x2] =	stream.linear.gather [hbm4b:s5+s2], $0x80, $0x38;
	[tilespmem:$0x1100] =	vst v63  }
0x81: {  	_ =	swait.ge [sflag:s30], $0x80  }
0x82: {  	[sflag:s30] =	ssyncset.done $0x0  }
0x83: {  	[sflag:s30] =	ssyncadd.s32 $0xFFFFFF80  }
0x84: {  	_ =	swait.ge [sflag:s31], $0x80  }
0x85: {  	[sflag:s31] =	ssyncset.done $0x0  }
0x86: {  	[sflag:s31] =	ssyncadd.s32 $0xFFFFFF80  }
0x87: {  	_ =	swait.ge [sflag:s31], $0x80  }
0x88: {  	[sflag:s31] =	ssyncset.done $0x0  }
0x89: {  	[sflag:s31] =	ssyncadd.s32 $0xFFFFFF80  }
0x8a: {  	_ =	swait.ge [sflag:s31], $0x80  }
0x8b: {  	[sflag:s31] =	ssyncset.done $0x0  }
0x8c: {  	[sflag:s31] =	ssyncadd.s32 $0xFFFFFF80  }
0x8d: {  	_ =	swait.ge [sflag:s31], $0x80  }
0x8e: {  	[sflag:s31] =	ssyncset.done $0x0  }
0x8f: {  	[sflag:s31] =	ssyncadd.s32 $0xFFFFFF80  }
0x90: {  	_ =	swait.ge [sflag:s31], $0x80  }
0x91: {  	[sflag:s31] =	ssyncset.done $0x0  }
0x92: {  	[sflag:s31] =	ssyncadd.s32 $0xFFFFFF80  }
0x93: {  	_ =	swait.ge [sflag:s31], $0x80  }
0x94: {  	[sflag:s31] =	ssyncset.done $0x0  }
0x95: {  	[sflag:s31] =	ssyncadd.s32 $0xFFFFFF80  }
0x96: {  	_ =	swait.ge [sflag:s31], $0x80  }
0x97: {  	[sflag:s31] =	ssyncset.done $0x0  }
0x98: {  	[sflag:s31] =	ssyncadd.s32 $0xFFFFFF80  }
0x99: {  	_ =	swait.ge [sflag:s31], $0x80  }
0x9a: {  	[sflag:s31] =	ssyncset.done $0x0  }
0x9b: {  	[sflag:s31] =	ssyncadd.s32 $0xFFFFFF80  }
0x9c: {  	_ =	swait.ge [sflag:s31], $0x80  }
0x9d: {  	[sflag:s31] =	ssyncset.done $0x0  }
0x9e: {  	[sflag:s31] =	ssyncadd.s32 $0xFFFFFF80  }
0x9f: {  	_ =	swait.ge [sflag:s31], $0x80  }
0xa0: {  	[sflag:s31] =	ssyncset.done $0x0  }
0xa1: {  	[sflag:s31] =	ssyncadd.s32 $0xFFFFFF80  }
0xa2: {  	_ =	swait.ge [sflag:s31], $0x80  }
0xa3: {  	[sflag:s31] =	ssyncset.done $0x0  }
0xa4: {  	[sflag:s31] =	ssyncadd.s32 $0xFFFFFF80  }
0xa5: {  	_ =	swait.ge [sflag:s31], $0x80  }
0xa6: {  	[sflag:s31] =	ssyncset.done $0x0  }
0xa7: {  	[sflag:s31] =	ssyncadd.s32 $0xFFFFFF80  }
0xa8: {  	_ =	swait.ge [sflag:s31], $0x80  }
0xa9: {  	[sflag:s31] =	ssyncset.done $0x0  }
0xaa: {  	[sflag:s31] =	ssyncadd.s32 $0xFFFFFF80  }
0xab: {  	_ =	swait.ge [sflag:s31], $0x80  }
0xac: {  	[sflag:s31] =	ssyncset.done $0x0  }
0xad: {  	[sflag:s31] =	ssyncadd.s32 $0xFFFFFF80  }
0xae: {  	_ =	swait.ge [sflag:s31], $0x80  }
0xaf: {  	[sflag:s31] =	ssyncset.done $0x0  }
0xb0: {  	[sflag:s31] =	ssyncadd.s32 $0xFFFFFF80  }
0xb1: {  	_ =	swait.ge [sflag:s31], $0x80  }
0xb2: {  	[sflag:s31] =	ssyncset.done $0x0  }
0xb3: {  	[sflag:s31] =	ssyncadd.s32 $0xFFFFFF80  }
0xb4: {  	_ =	swait.ge [sflag:s31], $0x80  }
0xb5: {  	[sflag:s31] =	ssyncset.done $0x0  }
0xb6: {  	[sflag:s31] =	ssyncadd.s32 $0xFFFFFF80  }
0xb7: {  	_ =	swait.ge [sflag:s31], $0x80  }
0xb8: {  	[sflag:s31] =	ssyncset.done $0x0  }
0xb9: {  	[sflag:s31] =	ssyncadd.s32 $0xFFFFFF80  }
0xba: {  	_ =	swait.ge [sflag:s31], $0x80  }
0xbb: {  	[sflag:s31] =	ssyncset.done $0x0  }
0xbc: {  	[sflag:s31] =	ssyncadd.s32 $0xFFFFFF80  }
0xbd: {  	_ =	swait.ge [sflag:s31], $0x80  }
0xbe: {  	[sflag:s31] =	ssyncset.done $0x0  }
0xbf: {  	[sflag:s31] =	ssyncadd.s32 $0xFFFFFF80  }
0xc0: {  	_ =	swait.ge [sflag:s31], $0x80  }
0xc1: {  	[sflag:s31] =	ssyncset.done $0x0  }
0xc2: {  	[sflag:s31] =	ssyncadd.s32 $0xFFFFFF80  }
0xc3: {  	_ =	swait.ge [sflag:s31], $0x80  }
0xc4: {  	[sflag:s31] =	ssyncset.done $0x0  }
0xc5: {  	[sflag:s31] =	ssyncadd.s32 $0xFFFFFF80  }
0xc6: {  	_ =	swait.ge [sflag:s31], $0x80  }
0xc7: {  	[sflag:s31] =	ssyncset.done $0x0  }
0xc8: {  	[sflag:s31] =	ssyncadd.s32 $0xFFFFFF80  }
0xc9: {  	_ =	swait.ge [sflag:s31], $0x80  }
0xca: {  	[sflag:s31] =	ssyncset.done $0x0  }
0xcb: {  	[sflag:s31] =	ssyncadd.s32 $0xFFFFFF80  }
0xcc: {  	_ =	swait.ge [sflag:s31], $0x80  }
0xcd: {  	[sflag:s31] =	ssyncset.done $0x0  }
0xce: {  	[sflag:s31] =	ssyncadd.s32 $0xFFFFFF80  }
0xcf: {  	_ =	swait.ge [sflag:s31], $0x80  }
0xd0: {  	[sflag:s31] =	ssyncset.done $0x0  }
0xd1: {  	[sflag:s31] =	ssyncadd.s32 $0xFFFFFF80  }
0xd2: {  	_ =	swait.ge [sflag:s31], $0x80  }
0xd3: {  	[sflag:s31] =	ssyncset.done $0x0  }
0xd4: {  	[sflag:s31] =	ssyncadd.s32 $0xFFFFFF80  }
0xd5: {  	_ =	swait.ge [sflag:s31], $0x80  }
0xd6: {  	[sflag:s31] =	ssyncset.done $0x0  }
0xd7: {  	[sflag:s31] =	ssyncadd.s32 $0xFFFFFF80  }
0xd8: {  	_ =	swait.ge [sflag:s31], $0x80  }
0xd9: {  	[sflag:s31] =	ssyncset.done $0x0  }
0xda: {  	[sflag:s31] =	ssyncadd.s32 $0xFFFFFF80  }
0xdb: {  	_ =	swait.ge [sflag:s31], $0x80  }
0xdc: {  	[sflag:s31] =	ssyncset.done $0x0  }
0xdd: {  	[sflag:s31] =	ssyncadd.s32 $0xFFFFFF80  }
0xde: {  	_ =	swait.ge [sflag:s31], $0x80  }
0xdf: {  	[sflag:s31] =	ssyncset.done $0x0  }
0xe0: {  	[sflag:s31] =	ssyncadd.s32 $0xFFFFFF80  }
0xe1: {  	_ =	swait.ge [sflag:s31], $0x80  }
0xe2: {  	[sflag:s31] =	ssyncset.done $0x0  }
0xe3: {  	[sflag:s31] =	ssyncadd.s32 $0xFFFFFF80  }
0xe4: {  	v6 =	vld [tilespmem:$0x0]  }
0xe5: {  	v2 =	vld [tilespmem:$0x80]  }
0xe6: {  	v4 =	vld [tilespmem:$0x100]  }
0xe7: {  	v8 =	vld [tilespmem:$0x180]  }
0xe8: {  	v12 =	vld [tilespmem:$0x200]  }
0xe9: {  	v15 =	vld [tilespmem:$0x280]  }
0xea: {  	v17 =	vld [tilespmem:$0x300]  }
0xeb: {  	v19 =	vld [tilespmem:$0x380]  }
0xec: {  	v20 =	vld [tilespmem:$0x400]  }
0xed: {  	v23 =	vld [tilespmem:$0x480]  }
0xee: {  	v25 =	vld [tilespmem:$0x500]  }
0xef: {  	v27 =	vld [tilespmem:$0x580]  }
0xf0: {  	v30 =	vld [tilespmem:$0x600]  }
0xf1: {  	v32 =	vld [tilespmem:$0x680]  }
0xf2: {  	v34 =	vld [tilespmem:$0x700]  }
0xf3: {  	v36 =	vld [tilespmem:$0x780]  }
0xf4: {  	v38 =	vld [tilespmem:$0x800]  }
0xf5: {  	v42 =	vld [tilespmem:$0x880]  }
0xf6: {  	v44 =	vld [tilespmem:$0x900]  }
0xf7: {  	v48 =	vld [tilespmem:$0x980]  }
0xf8: {  	v52 =	vld [tilespmem:$0xA00]  }
0xf9: {  	v54 =	vld [tilespmem:$0xA80]  }
0xfa: {  	v58 =	vld [tilespmem:$0xB00]  }
0xfb: {  	v0 =	vld [tilespmem:$0xB80]  }
0xfc: {  	v26 =	vld [tilespmem:$0xC00]  }
0xfd: {  	v28 =	vld [tilespmem:$0xC80]  }
0xfe: {  	v29 =	vld [tilespmem:$0xD00]  }
0xff: {  	v31 =	vld [tilespmem:$0xD80]  }
0x100: {  	v33 =	vld [tilespmem:$0xE00]  }
0x101: {  	v35 =	vld [tilespmem:$0xE80]  }
0x102: {  	v37 =	vld [tilespmem:$0xF00]  }
0x103: {  	v39 =	vld [tilespmem:$0xF80]  }
0x104: {  	v40 =	vld [tilespmem:$0x1000]  }
0x105: {  	v1 =	vld [tilespmem:$0x10]  }
0x106: {  	v3 =	vld [tilespmem:$0x110]  }
0x107: {  	v9 =	vld [tilespmem:$0x190]  }
0x108: {  	v13 =	vld [tilespmem:$0x210]  }
0x109: {  	v18 =	vld [tilespmem:$0x290]  }
0x10a: {  	v22 =	vld [tilespmem:$0x310]  }
0x10b: {  	v43 =	vld [tilespmem:$0x590]  }
0x10c: {  	v46 =	vld [tilespmem:$0x610]  }
0x10d: {  	v50 =	vld [tilespmem:$0x690]  }
0x10e: {  	v53 =	vld [tilespmem:$0x710]  }
0x10f: {  	v57 =	vld [tilespmem:$0x790]  }
0x110: {  	v5 =	vld [tilespmem:$0x810]  }
0x111: {  	v41 =	vld [tilespmem:$0x890]  }
0x112: {  	v45 =	vld [tilespmem:$0x910]  }
0x113: {  	v47 =	vld [tilespmem:$0x990]  }
0x114: {  	v49 =	vld [tilespmem:$0xA10]  }
0x115: {  	v51 =	vld [tilespmem:$0xA90]  }
0x116: {  	v55 =	vld [tilespmem:$0xB10]  }
0x117: {  	v56 =	vld [tilespmem:$0xB90]  }
0x118: {  	v59 =	vld [tilespmem:$0xC10]  }
0x119: {  	v60 =	vld [tilespmem:$0xC90]  }
0x11a: {  	v61 =	vld [tilespmem:$0xD10]  }
0x11b: {  	v62 =	vld [tilespmem:$0xD90]  }
0x11c: {  	v63 =	vld [tilespmem:$0xE10]  }
0x11d: {  	v10 =	vld [tilespmem:$0xE90]  }
0x11e: {  	v11 =	vld [tilespmem:$0xF10]  }
0x11f: {  	v14 =	vld [tilespmem:$0xF90]  }
0x120: {  	v16 =	vld [tilespmem:$0x1010]  }
0x121: {  	v21 =	vld [tilespmem:$0x120]  }
0x122: {  	v24 =	vld [tilespmem:$0x1A0]  }
0x123: {  	v7 =	vld [tilespmem:$0x40]  }
0x124: {  	[tilespmem:$0x1F8A0] =	vst v0;
	v0 =	vld [tilespmem:$0x90]  }
0x125: {  	[tilespmem:$0x1F8C0] =	vst v28;
	v28 =	vld [tilespmem:$0x390]  }
0x126: {  	[tilespmem:$0x1F8E0] =	vst v31;
	v31 =	vld [tilespmem:$0x410]  }
0x127: {  	[tilespmem:$0x1F910] =	vst v37;
	v37 =	vld [tilespmem:$0x490]  }
0x128: {  	[tilespmem:$0x1F990] =	vst v40;
	v40 =	vld [tilespmem:$0x510]  }
0x129: {  	[tilespmem:$0x1FA10] =	vst v61;
	v61 =	vld [tilespmem:$0x20]  }
0x12a: {  	[tilespmem:$0x1F9D0] =	vst v59;
	v59 =	vld [tilespmem:$0xA0]  }
0x12b: {  	[tilespmem:$0x1F8B0] =	vst v26;
	v26 =	vld [tilespmem:$0x220]  }
0x12c: {  	[tilespmem:$0x1F8D0] =	vst v29;
	v29 =	vld [tilespmem:$0x2A0]  }
0x12d: {  	[tilespmem:$0x1F8F0] =	vst v33;
	v33 =	vld [tilespmem:$0x320]  }
0x12e: {  	[tilespmem:$0x1F900] =	vst v35;
	v35 =	vld [tilespmem:$0x3A0]  }
0x12f: {  	[tilespmem:$0x1F920] =	vst v39;
	v39 =	vld [tilespmem:$0x420]  }
0x130: {  	[tilespmem:$0x1F940] =	vst v41;
	v41 =	vld [tilespmem:$0x4A0]  }
0x131: {  	[tilespmem:$0x1F950] =	vst v45;
	v45 =	vld [tilespmem:$0x520]  }
0x132: {  	[tilespmem:$0x1F960] =	vst v47;
	v47 =	vld [tilespmem:$0x5A0]  }
0x133: {  	[tilespmem:$0x1F970] =	vst v49;
	v49 =	vld [tilespmem:$0x620]  }
0x134: {  	[tilespmem:$0x1F980] =	vst v51;
	v51 =	vld [tilespmem:$0x6A0]  }
0x135: {  	[tilespmem:$0x1F9A0] =	vst v55;
	v55 =	vld [tilespmem:$0x720]  }
0x136: {  	[tilespmem:$0x1F9B0] =	vst v56;
	v56 =	vld [tilespmem:$0x7A0]  }
0x137: {  	[tilespmem:$0x1F9F0] =	vst v60;
	v60 =	vld [tilespmem:$0x820]  }
0x138: {  	[tilespmem:$0x1FA30] =	vst v62;
	v62 =	vld [tilespmem:$0x8A0]  }
0x139: {  	[tilespmem:$0x1FA50] =	vst v63;
	v63 =	vld [tilespmem:$0x920]  }
0x13a: {  	[tilespmem:$0x1FA70] =	vst v10;
	v10 =	vld [tilespmem:$0x9A0]  }
0x13b: {  	[tilespmem:$0x1FA90] =	vst v11;
	v11 =	vld [tilespmem:$0xA20]  }
0x13c: {  	[tilespmem:$0x1FAB0] =	vst v14;
	v14 =	vld [tilespmem:$0xAA0]  }
0x13d: {  	[tilespmem:$0x1FFC0] =	vst v16;
	v16 =	vld [tilespmem:$0xB20]  }
0x13e: {  	[tilespmem:$0x1F9C0] =	vst v21;
	v21 =	vld [tilespmem:$0xBA0]  }
0x13f: {  	[tilespmem:$0x1F9E0] =	vst v24;
	v24 =	vld [tilespmem:$0xC20]  }
0x140: {  	[tilespmem:$0x1F930] =	vst v5;
	v5 =	vld [tilespmem:$0xC0]  }
0x141: {  	v2 =	vadd.s32 v6, v2;
	v6 =	vld [tilespmem:$0x650]  }
0x142: {  	v2 =	vadd.s32 v4, v2;
	v4 =	vld [tilespmem:$0x5D0]  }
0x143: {  	v2 =	vadd.s32 v8, v2;
	v8 =	vld [tilespmem:$0xEC0]  }
0x144: {  	v2 =	vadd.s32 v12, v2;
	v12 =	vld [tilespmem:$0xF40]  }
0x145: {  	v2 =	vadd.s32 v15, v2;
	v15 =	vld [tilespmem:$0xFC0]  }
0x146: {  	[tilespmem:$0x1FA00] =	vst v26;
	v26 =	vld [tilespmem:$0xCA0]  }
0x147: {  	[tilespmem:$0x1FA20] =	vst v29;
	v29 =	vld [tilespmem:$0xD20]  }
0x148: {  	[tilespmem:$0x1FA40] =	vst v33;
	v33 =	vld [tilespmem:$0xDA0]  }
0x149: {  	[tilespmem:$0x1FA60] =	vst v35;
	v35 =	vld [tilespmem:$0xE20]  }
0x14a: {  	[tilespmem:$0x1FA80] =	vst v39;
	v39 =	vld [tilespmem:$0xEA0]  }
0x14b: {  	[tilespmem:$0x1FAA0] =	vst v41;
	v41 =	vld [tilespmem:$0xF20]  }
0x14c: {  	[tilespmem:$0x1FAC0] =	vst v45;
	v45 =	vld [tilespmem:$0xFA0]  }
0x14d: {  	[tilespmem:$0x1FAD0] =	vst v47;
	v47 =	vld [tilespmem:$0x1020]  }
0x14e: {  	[tilespmem:$0x1FBD0] =	vst v11;
	v11 =	vld [tilespmem:$0x30]  }
0x14f: {  	[tilespmem:$0x1FBB0] =	vst v10;
	v10 =	vld [tilespmem:$0xB0]  }
0x150: {  	[tilespmem:$0x1FC20] =	vst v16;
	v16 =	vld [tilespmem:$0x130]  }
0x151: {  	[tilespmem:$0x1FC80] =	vst v24;
	v24 =	vld [tilespmem:$0x1B0]  }
0x152: {  	[tilespmem:$0x1FAF0] =	vst v51;
	v51 =	vld [tilespmem:$0x430]  }
0x153: {  	[tilespmem:$0x1FB10] =	vst v55;
	v55 =	vld [tilespmem:$0x4B0]  }
0x154: {  	[tilespmem:$0x1FB70] =	vst v62;
	v62 =	vld [tilespmem:$0x530]  }
0x155: {  	[tilespmem:$0x1FAE0] =	vst v49;
	v49 =	vld [tilespmem:$0x5B0]  }
0x156: {  	[tilespmem:$0x1FB30] =	vst v56;
	v56 =	vld [tilespmem:$0x630]  }
0x157: {  	[tilespmem:$0x1FB50] =	vst v60;
	v60 =	vld [tilespmem:$0x6B0]  }
0x158: {  	[tilespmem:$0x1FB90] =	vst v63;
	v63 =	vld [tilespmem:$0x730]  }
0x159: {  	[tilespmem:$0x1FBF0] =	vst v14;
	v14 =	vld [tilespmem:$0x7B0]  }
0x15a: {  	[tilespmem:$0x1FC50] =	vst v21;
	v21 =	vld [tilespmem:$0x830]  }
0x15b: {  	v2 =	vadd.s32 v17, v2;
	v17 =	vld [tilespmem:$0x1040]  }
0x15c: {  	[tilespmem:$0x1FF80] =	vst v6;
	v6 =	vld [tilespmem:$0xAD0]  }
0x15d: {  	v2 =	vadd.s32 v19, v2;
	v19 =	vld [tilespmem:$0x50]  }
0x15e: {  	[tilespmem:$0x1FF70] =	vst v4;
	v4 =	vld [tilespmem:$0xB50]  }
0x15f: {  	v0 =	vadd.s32 v1, v0;
	v2 =	vadd.s32 v20, v2;
	v20 =	vld [tilespmem:$0xD0]  }
0x160: {  	v0 =	vadd.s32 v3, v0;
	[tilespmem:$0x1FF10] =	vst v8;
	v8 =	vld [tilespmem:$0x6D0]  }
0x161: {  	v0 =	vadd.s32 v9, v0;
	v9 =	vld [tilespmem:$0x750]  }
0x162: {  	v2 =	vadd.s32 v23, v2;
	v23 =	vld [tilespmem:$0x150]  }
0x163: {  	[tilespmem:$0x1FF30] =	vst v12;
	v12 =	vld [tilespmem:$0x1F8A0]  }
0x164: {  	v0 =	vadd.s32 v13, v0;
	v13 =	vld [tilespmem:$0x7D0]  }
0x165: {  	v2 =	vadd.s32 v25, v2;
	v25 =	vld [tilespmem:$0x1D0]  }
0x166: {  	[tilespmem:$0x1FF50] =	vst v15;
	v15 =	vld [tilespmem:$0x1F8B0]  }
0x167: {  	v0 =	vadd.s32 v18, v0;
	v18 =	vld [tilespmem:$0x1F8D0]  }
0x168: {  	[tilespmem:$0x1FCE0] =	vst v29;
	v29 =	vld [tilespmem:$0x230]  }
0x169: {  	[tilespmem:$0x1FD40] =	vst v35;
	v35 =	vld [tilespmem:$0x2B0]  }
0x16a: {  	[tilespmem:$0x1FDA0] =	vst v41;
	v41 =	vld [tilespmem:$0x330]  }
0x16b: {  	[tilespmem:$0x1FFD0] =	vst v47;
	v47 =	vld [tilespmem:$0x3B0]  }
0x16c: {  	[tilespmem:$0x1FCB0] =	vst v26;
	v26 =	vld [tilespmem:$0x8B0]  }
0x16d: {  	[tilespmem:$0x1FD10] =	vst v33;
	v33 =	vld [tilespmem:$0x930]  }
0x16e: {  	[tilespmem:$0x1FD70] =	vst v39;
	v39 =	vld [tilespmem:$0x9B0]  }
0x16f: {  	[tilespmem:$0x1FDD0] =	vst v45;
	v45 =	vld [tilespmem:$0xA30]  }
0x170: {  	[tilespmem:$0x1FB00] =	vst v49;
	v49 =	vld [tilespmem:$0xAB0]  }
0x171: {  	[tilespmem:$0x1FB20] =	vst v56;
	v56 =	vld [tilespmem:$0xB30]  }
0x172: {  	[tilespmem:$0x1FB40] =	vst v60;
	v60 =	vld [tilespmem:$0xBB0]  }
0x173: {  	[tilespmem:$0x1FB60] =	vst v63;
	v63 =	vld [tilespmem:$0xC30]  }
0x174: {  	[tilespmem:$0x1FB80] =	vst v14;
	v14 =	vld [tilespmem:$0xCB0]  }
0x175: {  	[tilespmem:$0x1FBA0] =	vst v21;
	v21 =	vld [tilespmem:$0xD30]  }
0x176: {  	v2 =	vadd.s32 v27, v2;
	v27 =	vld [tilespmem:$0x250]  }
0x177: {  	[tilespmem:$0x1FFF0] =	vst v17;
	v17 =	vld [tilespmem:$0x1F8C0]  }
0x178: {  	v0 =	vadd.s32 v22, v0;
	v22 =	vld [tilespmem:$0x1F900]  }
0x179: {  	v10 =	vadd.s32 v11, v10;
	v11 =	vld [tilespmem:$0x60]  }
0x17a: {  	v2 =	vadd.s32 v30, v2;
	v30 =	vld [tilespmem:$0x2D0]  }
0x17b: {  	[tilespmem:$0x1FE20] =	vst v19;
	v19 =	vld [tilespmem:$0x1F8E0]  }
0x17c: {  	v0 =	vadd.s32 v28, v0;
	v28 =	vld [tilespmem:$0x1F940]  }
0x17d: {  	v10 =	vadd.s32 v16, v10;
	v16 =	vld [tilespmem:$0x260]  }
0x17e: {  	v2 =	vadd.s32 v32, v2;
	v32 =	vld [tilespmem:$0x350]  }
0x17f: {  	[tilespmem:$0x1FF90] =	vst v8;
	v8 =	vld [tilespmem:$0x9D0]  }
0x180: {  	[tilespmem:$0x1FE30] =	vst v20;
	v20 =	vld [tilespmem:$0x1F8F0]  }
0x181: {  	v0 =	vadd.s32 v31, v0;
	v31 =	vld [tilespmem:$0x1F960]  }
0x182: {  	v10 =	vadd.s32 v24, v10;
	v24 =	vld [tilespmem:$0x1FA60]  }
0x183: {  	v2 =	vadd.s32 v34, v2;
	v34 =	vld [tilespmem:$0x3D0]  }
0x184: {  	[tilespmem:$0x1FE60] =	vst v23;
	v23 =	vld [tilespmem:$0x1F910]  }
0x185: {  	v0 =	vadd.s32 v37, v0;
	v37 =	vld [tilespmem:$0x1F9A0]  }
0x186: {  	[tilespmem:$0x1FFB0] =	vst v13;
	v13 =	vld [tilespmem:$0x160]  }
0x187: {  	v2 =	vadd.s32 v36, v2;
	v36 =	vld [tilespmem:$0x450]  }
0x188: {  	[tilespmem:$0x1FE80] =	vst v25;
	v25 =	vld [tilespmem:$0x1F920]  }
0x189: {  	v0 =	vadd.s32 v40, v0;
	v40 =	vld [tilespmem:$0x1FB20]  }
0x18a: {  	[tilespmem:$0x1FBC0] =	vst v26;
	v26 =	vld [tilespmem:$0xDB0]  }
0x18b: {  	[tilespmem:$0x1FBE0] =	vst v33;
	v33 =	vld [tilespmem:$0xE30]  }
0x18c: {  	[tilespmem:$0x1FC00] =	vst v39;
	v39 =	vld [tilespmem:$0xEB0]  }
0x18d: {  	[tilespmem:$0x1FC30] =	vst v45;
	v45 =	vld [tilespmem:$0xF30]  }
0x18e: {  	[tilespmem:$0x1FC60] =	vst v49;
	v49 =	vld [tilespmem:$0xFB0]  }
0x18f: {  	[tilespmem:$0x1FC90] =	vst v56;
	v56 =	vld [tilespmem:$0x1030]  }
0x190: {  	[tilespmem:$0x1FD20] =	vst v14;
	v14 =	vld [tilespmem:$0x140]  }
0x191: {  	[tilespmem:$0x1FD50] =	vst v21;
	v21 =	vld [tilespmem:$0x1C0]  }
0x192: {  	[tilespmem:$0x1FCF0] =	vst v63;
	v63 =	vld [tilespmem:$0x540]  }
0x193: {  	[tilespmem:$0x1FCC0] =	vst v60;
	v60 =	vld [tilespmem:$0x5C0]  }
0x194: {  	[tilespmem:$0x1FEA0] =	vst v27;
	v27 =	vld [tilespmem:$0x1F930]  }
0x195: {  	v0 =	vadd.s32 v43, v0;
	v43 =	vld [tilespmem:$0xFD0]  }
0x196: {  	v2 =	vadd.s32 v38, v2;
	v10 =	vadd.s32 v29, v10;
	v29 =	vld [tilespmem:$0x1FAA0]  }
0x197: {  	v38 =	vadd.s32 v42, v2;
	v42 =	vld [tilespmem:$0x4D0]  }
0x198: {  	v2 =	vld [tilespmem:$0x950]  }
0x199: {  	[tilespmem:$0x1FEC0] =	vst v30;
	v30 =	vld [tilespmem:$0x1F950]  }
0x19a: {  	v0 =	vadd.s32 v46, v0;
	v46 =	vld [tilespmem:$0x1F9B0]  }
0x19b: {  	[tilespmem:$0x1FEE0] =	vst v32;
	v32 =	vld [tilespmem:$0x1F970]  }
0x19c: {  	v0 =	vadd.s32 v50, v0;
	v50 =	vld [tilespmem:$0xE50]  }
0x19d: {  	v1 =	vadd.s32 v44, v38;
	v44 =	vld [tilespmem:$0xED0]  }
0x19e: {  	v38 =	vadd.s32 v61, v59;
	v59 =	vld [tilespmem:$0x1F9D0]  }
0x19f: {  	v10 =	vadd.s32 v35, v10;
	v61 =	vld [tilespmem:$0x1F9E0]  }
0x1a0: {  	v10 =	vadd.s32 v41, v10;
	v41 =	vld [tilespmem:$0x1FB30]  }
0x1a1: {  	v0 =	vadd.s32 v53, v0;
	v53 =	vld [tilespmem:$0xCD0]  }
0x1a2: {  	v1 =	vadd.s32 v48, v1;
	v48 =	vld [tilespmem:$0xDD0]  }
0x1a3: {  	[tilespmem:$0x1FF00] =	vst v34;
	v34 =	vld [tilespmem:$0x1F980]  }
0x1a4: {  	v10 =	vadd.s32 v47, v10;
	v47 =	vld [tilespmem:$0x1FB40]  }
0x1a5: {  	v1 =	vadd.s32 v52, v1;
	v52 =	vld [tilespmem:$0xD50]  }
0x1a6: {  	[tilespmem:$0x1FF20] =	vst v36;
	v36 =	vld [tilespmem:$0x1F990]  }
0x1a7: {  	v0 =	vadd.s32 v57, v0;
	v57 =	vld [tilespmem:$0x1F9C0]  }
0x1a8: {  	v10 =	vadd.s32 v51, v10;
	v51 =	vld [tilespmem:$0x1FB50]  }
0x1a9: {  	[tilespmem:$0x1FD80] =	vst v26;
	v26 =	vld [tilespmem:$0x240]  }
0x1aa: {  	[tilespmem:$0x1FDB0] =	vst v33;
	v33 =	vld [tilespmem:$0x2C0]  }
0x1ab: {  	[tilespmem:$0x1FDE0] =	vst v39;
	v39 =	vld [tilespmem:$0x340]  }
0x1ac: {  	[tilespmem:$0x1FE00] =	vst v45;
	v45 =	vld [tilespmem:$0x3C0]  }
0x1ad: {  	[tilespmem:$0x1FE40] =	vst v49;
	v49 =	vld [tilespmem:$0x440]  }
0x1ae: {  	[tilespmem:$0x1FFE0] =	vst v56;
	v56 =	vld [tilespmem:$0x4C0]  }
0x1af: {  	[tilespmem:$0x1FC10] =	vst v60;
	v60 =	vld [tilespmem:$0x640]  }
0x1b0: {  	v1 =	vadd.s32 v54, v1;
	v54 =	vld [tilespmem:$0xC50]  }
0x1b1: {  	v5 =	vadd.s32 v7, v5;
	v0 =	vadd.s32 v27, v0;
	v27 =	vld [tilespmem:$0x1FA80]  }
0x1b2: {  	v5 =	vadd.s32 v14, v5;
	v14 =	vld [tilespmem:$0x4E0]  }
0x1b3: {  	v10 =	vadd.s32 v55, v10;
	v55 =	vld [tilespmem:$0x1FB60]  }
0x1b4: {  	v1 =	vadd.s32 v58, v1;
	v58 =	vld [tilespmem:$0x8D0]  }
0x1b5: {  	v0 =	vadd.s32 v28, v0;
	v28 =	vld [tilespmem:$0x1FA90]  }
0x1b6: {  	v35 =	vadd.s32 v62, v10;
	v10 =	vld [tilespmem:$0x460]  }
0x1b7: {  	v5 =	vadd.s32 v21, v5;
	v21 =	vld [tilespmem:$0x5E0]  }
0x1b8: {  	v62 =	vld [tilespmem:$0x1FBA0]  }
0x1b9: {  	v1 =	vadd.s32 v12, v1;
	v0 =	vadd.s32 v30, v0;
	v30 =	vld [tilespmem:$0x1FAB0]  }
0x1ba: {  	v1 =	vadd.s32 v15, v1;
	v15 =	vld [tilespmem:$0x1F9F0]  }
0x1bb: {  	v0 =	vadd.s32 v31, v0;
	v31 =	vld [tilespmem:$0x1FAC0]  }
0x1bc: {  	v1 =	vadd.s32 v17, v1;
	v17 =	vld [tilespmem:$0x1FA00]  }
0x1bd: {  	v0 =	vadd.s32 v32, v0;
	v32 =	vld [tilespmem:$0x1FAD0]  }
0x1be: {  	v12 =	vmul.f32 $9.990000120e-01, v36;
	v36 =	vld [tilespmem:$0x1FAF0]  }
0x1bf: {  	[tilespmem:$0x1FC40] =	vst v60;
	v60 =	vld [tilespmem:$0x6C0]  }
0x1c0: {  	v1 =	vadd.s32 v18, v1;
	v18 =	vld [tilespmem:$0x1FA10]  }
0x1c1: {  	v0 =	vadd.s32 v34, v0;
	v34 =	vld [tilespmem:$0x1FAE0]  }
0x1c2: {  	v5 =	vadd.s32 v26, v5;
	v26 =	vld [tilespmem:$0x860]  }
0x1c3: {  	v1 =	vadd.s32 v19, v1;
	v19 =	vld [tilespmem:$0x1FA20]  }
0x1c4: {  	v0 =	vadd.s32 v37, v0;
	v37 =	vld [tilespmem:$0x1FB00]  }
0x1c5: {  	v5 =	vadd.s32 v33, v5;
	v33 =	vld [tilespmem:$0x1FC00]  }
0x1c6: {  	v3 =	vadd.s32 v20, v1;
	v1 =	vld [tilespmem:$0xA50]  }
0x1c7: {  	v0 =	vadd.s32 v46, v0;
	v46 =	vld [tilespmem:$0xF50]  }
0x1c8: {  	v20 =	vld [tilespmem:$0x1FA30]  }
0x1c9: {  	v5 =	vadd.s32 v39, v5;
	v39 =	vld [tilespmem:$0x1FC60]  }
0x1ca: {  	v3 =	vadd.s32 v22, v3;
	v22 =	vld [tilespmem:$0x1FA40]  }
0x1cb: {  	v0 =	vadd.s32 v59, v0;
	v59 =	vld [tilespmem:$0x1FB80]  }
0x1cc: {  	v5 =	vadd.s32 v45, v5;
	v45 =	vld [tilespmem:$0x1FC90]  }
0x1cd: {  	v3 =	vadd.s32 v23, v3;
	v23 =	vld [tilespmem:$0x1FA50]  }
0x1ce: {  	v0 =	vadd.s32 v15, v0;
	v15 =	vld [tilespmem:$0x1E0]  }
0x1cf: {  	v5 =	vadd.s32 v49, v5;
	v49 =	vld [tilespmem:$0x1FCB0]  }
0x1d0: {  	[tilespmem:$0x1FC70] =	vst v60;
	v60 =	vld [tilespmem:$0x740]  }
0x1d1: {  	[tilespmem:$0x1FFA0] =	vst v9;
	v9 =	vadd.s32 v25, v3;
	v3 =	vld [tilespmem:$0xBD0]  }
0x1d2: {  	v25 =	vld [tilespmem:$0x1FA70]  }
0x1d3: {  	v0 =	vadd.s32 v18, v0;
	v18 =	vld [tilespmem:$0x360]  }
0x1d4: {  	v5 =	vadd.s32 v56, v5;
	v56 =	vld [tilespmem:$0x1FCE0];
	v9 =	vcvt.s32.f32 v9  }
0x1d5: {  	v0 =	vadd.s32 v20, v0;
	v20 =	vld [tilespmem:$0x560]  }
0x1d6: {  	v9 =	vmul.f32 $6.103515630e-05, v9;
	v0 =	vadd.s32 v23, v0;
	v23 =	vld [tilespmem:$0x6E0]  }
0x1d7: {  	[tilespmem:$0x1FCA0] =	vst v60;
	v60 =	vld [tilespmem:$0x7C0]  }
0x1d8: {  	v9 =	vmul.f32 $1.000000050e-03, v9;
	v0 =	vadd.s32 v25, v0;
	v25 =	vld [tilespmem:$0x7E0]  }
0x1d9: {  	v0 =	vadd.s32 v28, v0;
	v28 =	vld [tilespmem:$0x1FBB0]  }
0x1da: {  	[tilespmem:$0x1FF40] =	vst v42;
	v42 =	vadd.f32 v9, v12;
	v12 =	vld [tilespmem:$0xE0]  }
0x1db: {  	v9 =	vadd.s32 v57, v38;
	v38 =	vld [tilespmem:$0x1FB10]  }
0x1dc: {  	v57 =	vld [tilespmem:$0x1FB70]  }
0x1dd: {  	v0 =	vadd.s32 v30, v0;
	v30 =	vld [tilespmem:$0x1FBD0]  }
0x1de: {  	v9 =	vadd.s32 v61, v9;
	v61 =	vld [tilespmem:$0x1FB90]  }
0x1df: {  	v9 =	vadd.s32 v17, v9;
	v17 =	vld [tilespmem:$0x2E0]  }
0x1e0: {  	[tilespmem:$0x1FCD0] =	vst v60;
	v60 =	vld [tilespmem:$0x840]  }
0x1e1: {  	v9 =	vadd.s32 v19, v9;
	v19 =	vld [tilespmem:$0x3E0]  }
0x1e2: {  	v9 =	vadd.s32 v22, v9;
	v22 =	vld [tilespmem:$0x660]  }
0x1e3: {  	v9 =	vadd.s32 v24, v9;
	v24 =	vld [tilespmem:$0x760]  }
0x1e4: {  	v11 =	vadd.s32 v11, v12;
	v12 =	vld [tilespmem:$0xF60]  }
0x1e5: {  	v9 =	vadd.s32 v27, v9;
	v27 =	vld [tilespmem:$0x8E0]  }
0x1e6: {  	v11 =	vadd.s32 v13, v11;
	v13 =	vld [tilespmem:$0xFE0]  }
0x1e7: {  	v9 =	vadd.s32 v29, v9;
	v29 =	vld [tilespmem:$0x1FBC0]  }
0x1e8: {  	v11 =	vadd.s32 v15, v11;
	v15 =	vld [tilespmem:$0x70]  }
0x1e9: {  	[tilespmem:$0x1FD00] =	vst v60;
	v60 =	vld [tilespmem:$0x8C0]  }
0x1ea: {  	v9 =	vadd.s32 v31, v9;
	v31 =	vld [tilespmem:$0x1FBE0]  }
0x1eb: {  	v11 =	vadd.s32 v16, v11;
	v16 =	vld [tilespmem:$0xF0]  }
0x1ec: {  	v9 =	vadd.s32 v32, v9;
	v32 =	vld [tilespmem:$0x1FBF0]  }
0x1ed: {  	v11 =	vadd.s32 v17, v11;
	v17 =	vld [tilespmem:$0x170]  }
0x1ee: {  	v7 =	vadd.s32 v34, v9;
	v34 =	vld [tilespmem:$0x1FC10]  }
0x1ef: {  	v9 =	vadd.s32 v37, v35;
	v35 =	vld [tilespmem:$0x1FC20]  }
0x1f0: {  	v37 =	vld [tilespmem:$0x1FC40]  }
0x1f1: {  	v11 =	vadd.s32 v18, v11;
	v18 =	vld [tilespmem:$0x1F0]  }
0x1f2: {  	v7 =	vadd.s32 v36, v7;
	v36 =	vld [tilespmem:$0x1FC30]  }
0x1f3: {  	v9 =	vadd.s32 v40, v9;
	v40 =	vld [tilespmem:$0x1FC70]  }
0x1f4: {  	v7 =	vadd.s32 v38, v7;
	v38 =	vld [tilespmem:$0x1FC50]  }
0x1f5: {  	v9 =	vadd.s32 v47, v9;
	v47 =	vld [tilespmem:$0x1FCA0]  }
0x1f6: {  	[tilespmem:$0x1FD30] =	vst v60;
	v60 =	vld [tilespmem:$0x940]  }
0x1f7: {  	v7 =	vadd.s32 v41, v7;
	v41 =	vld [tilespmem:$0x1FC80]  }
0x1f8: {  	v9 =	vadd.s32 v55, v9;
	v55 =	vld [tilespmem:$0x1FCD0]  }
0x1f9: {  	v7 =	vadd.s32 v51, v7;
	v51 =	vld [tilespmem:$0x1FCC0]  }
0x1fa: {  	v9 =	vadd.s32 v59, v9;
	v59 =	vld [tilespmem:$0x1FD00]  }
0x1fb: {  	v5 =	vadd.s32 v63, v5;
	v63 =	vld [tilespmem:$0x1FD30]  }
0x1fc: {  	v7 =	vadd.s32 v57, v7;
	v57 =	vld [tilespmem:$0x1FCF0]  }
0x1fd: {  	v11 =	vadd.s32 v19, v11;
	v9 =	vadd.s32 v62, v9;
	v62 =	vld [tilespmem:$0x1FD20]  }
0x1fe: {  	v10 =	vadd.s32 v10, v11;
	v5 =	vadd.s32 v34, v5;
	v34 =	vld [tilespmem:$0xC60]  }
0x1ff: {  	v10 =	vadd.s32 v14, v10;
	v9 =	vadd.s32 v29, v9;
	v29 =	vld [tilespmem:$0x9E0]  }
0x200: {  	v10 =	vadd.s32 v20, v10;
	v7 =	vadd.s32 v61, v7;
	v61 =	vld [tilespmem:$0x1FD10]  }
0x201: {  	v10 =	vadd.s32 v21, v10;
	v5 =	vadd.s32 v37, v5;
	v37 =	vld [tilespmem:$0x1FD50]  }
0x202: {  	v10 =	vadd.s32 v22, v10;
	v22 =	vld [tilespmem:$0x770]  }
0x203: {  	v7 =	vadd.s32 v28, v7;
	v28 =	vld [tilespmem:$0x960]  }
0x204: {  	v9 =	vadd.s32 v31, v9;
	v31 =	vld [tilespmem:$0xAE0]  }
0x205: {  	v5 =	vadd.s32 v40, v5;
	v40 =	vld [tilespmem:$0x1FD80]  }
0x206: {  	[tilespmem:$0x1FD60] =	vst v60;
	v60 =	vld [tilespmem:$0x9C0]  }
0x207: {  	v7 =	vadd.s32 v30, v7;
	v30 =	vld [tilespmem:$0xA60]  }
0x208: {  	v9 =	vadd.s32 v33, v9;
	v33 =	vld [tilespmem:$0xBE0]  }
0x209: {  	v5 =	vadd.s32 v47, v5;
	v47 =	vld [tilespmem:$0x1FDB0]  }
0x20a: {  	v7 =	vadd.s32 v32, v7;
	v32 =	vld [tilespmem:$0xB60]  }
0x20b: {  	v9 =	vadd.s32 v36, v9;
	v36 =	vld [tilespmem:$0x1FD40]  }
0x20c: {  	v10 =	vadd.s32 v23, v10;
	v5 =	vadd.s32 v55, v5;
	v55 =	vld [tilespmem:$0x1FDE0]  }
0x20d: {  	v10 =	vadd.s32 v24, v10;
	[tilespmem:$0x1FD90] =	vst v60;
	v60 =	vld [tilespmem:$0xA40]  }
0x20e: {  	v10 =	vadd.s32 v25, v10;
	v25 =	vld [tilespmem:$0x7F0]  }
0x20f: {  	v9 =	vadd.s32 v39, v9;
	v39 =	vld [tilespmem:$0x1FD70]  }
0x210: {  	v7 =	vadd.s32 v35, v7;
	v35 =	vld [tilespmem:$0xCE0]  }
0x211: {  	v7 =	vadd.s32 v38, v7;
	v38 =	vld [tilespmem:$0x1FD60]  }
0x212: {  	[tilespmem:$0x1FDC0] =	vst v60;
	v60 =	vld [tilespmem:$0xAC0]  }
0x213: {  	v5 =	vadd.s32 v59, v5;
	v9 =	vadd.s32 v45, v9;
	v45 =	vld [tilespmem:$0x1FDA0]  }
0x214: {  	v10 =	vadd.s32 v26, v10;
	v5 =	vadd.s32 v63, v5;
	v63 =	vld [tilespmem:$0x1FE40]  }
0x215: {  	v20 =	vadd.s32 v27, v10;
	v27 =	vld [tilespmem:$0x870]  }
0x216: {  	v9 =	vadd.s32 v51, v9;
	v51 =	vld [tilespmem:$0x1FDD0]  }
0x217: {  	[tilespmem:$0x1FDF0] =	vst v60;
	v60 =	vld [tilespmem:$0xB40]  }
0x218: {  	v9 =	vadd.s32 v57, v9;
	v57 =	vld [tilespmem:$0x1FE00]  }
0x219: {  	v7 =	vadd.s32 v41, v7;
	v41 =	vld [tilespmem:$0x1FD90]  }
0x21a: {  	v9 =	vadd.s32 v62, v9;
	v62 =	vld [tilespmem:$0x1FE30]  }
0x21b: {  	v7 =	vadd.s32 v49, v7;
	v9 =	vadd.s32 v37, v9;
	v37 =	vld [tilespmem:$0xD60]  }
0x21c: {  	v7 =	vadd.s32 v56, v7;
	[tilespmem:$0x1FE10] =	vst v60;
	v60 =	vld [tilespmem:$0xBC0]  }
0x21d: {  	v7 =	vadd.s32 v61, v7;
	v61 =	vld [tilespmem:$0x1FE20]  }
0x21e: {  	v7 =	vadd.s32 v36, v7;
	v9 =	vadd.s32 v40, v9;
	v40 =	vld [tilespmem:$0xEE0]  }
0x21f: {  	v7 =	vadd.s32 v39, v7;
	v39 =	vld [tilespmem:$0xE60]  }
0x220: {  	v9 =	vadd.s32 v47, v9;
	v47 =	vld [tilespmem:$0x1FE60]  }
0x221: {  	[tilespmem:$0x1FE50] =	vst v60;
	v60 =	vld [tilespmem:$0xC40]  }
0x222: {  	v5 =	vadd.s32 v38, v5;
	v49 =	vld [tilespmem:$0x1FDC0]  }
0x223: {  	v5 =	vadd.s32 v41, v5;
	v41 =	vld [tilespmem:$0x370]  }
0x224: {  	v38 =	vadd.s32 v61, v62;
	v62 =	vld [tilespmem:$0x1FEE0]  }
0x225: {  	v56 =	vld [tilespmem:$0x1FDF0]  }
0x226: {  	[tilespmem:$0x1FE70] =	vst v60;
	v60 =	vld [tilespmem:$0xCC0]  }
0x227: {  	v7 =	vadd.s32 v45, v7;
	v38 =	vadd.s32 v47, v38;
	v47 =	vld [tilespmem:$0x1FF10]  }
0x228: {  	v36 =	vadd.s32 v49, v5;
	v5 =	vadd.s32 v51, v7;
	v51 =	vld [tilespmem:$0x1FE80]  }
0x229: {  	v59 =	vld [tilespmem:$0x1FE10]  }
0x22a: {  	v7 =	vadd.s32 v55, v9;
	v9 =	vadd.s32 v56, v36;
	v36 =	vld [tilespmem:$0xDE0]  }
0x22b: {  	[tilespmem:$0x1FE90] =	vst v60;
	v60 =	vld [tilespmem:$0xD40]  }
0x22c: {  	v56 =	vld [tilespmem:$0x1FEA0]  }
0x22d: {  	v45 =	vld [tilespmem:$0x1FE50]  }
0x22e: {  	v9 =	vadd.s32 v59, v9;
	v59 =	vld [tilespmem:$0x1FEC0]  }
0x22f: {  	v38 =	vadd.s32 v51, v38;
	v51 =	vld [tilespmem:$0x1FF30]  }
0x230: {  	[tilespmem:$0x1FEB0] =	vst v60;
	v60 =	vld [tilespmem:$0xDC0]  }
0x231: {  	v38 =	vadd.s32 v56, v38;
	v56 =	vld [tilespmem:$0x270]  }
0x232: {  	v49 =	vld [tilespmem:$0x1FE70]  }
0x233: {  	v9 =	vadd.s32 v45, v9;
	v38 =	vadd.s32 v59, v38;
	v45 =	vld [tilespmem:$0x1FF00]  }
0x234: {  	v38 =	vadd.s32 v62, v38;
	v62 =	vld [tilespmem:$0x1FF70]  }
0x235: {  	[tilespmem:$0x1FED0] =	vst v60;
	v60 =	vld [tilespmem:$0xE40]  }
0x236: {  	v55 =	vld [tilespmem:$0x1FE90]  }
0x237: {  	v9 =	vadd.s32 v49, v9;
	v49 =	vld [tilespmem:$0x1FF20]  }
0x238: {  	v38 =	vadd.s32 v45, v38;
	v45 =	vld [tilespmem:$0x1FF80]  }
0x239: {  	v7 =	vadd.s32 v57, v7;
	v57 =	vld [tilespmem:$0x1FEB0]  }
0x23a: {  	[tilespmem:$0x1FEF0] =	vst v60;
	v60 =	vld [tilespmem:$0x550]  }
0x23b: {  	v9 =	vadd.s32 v55, v9;
	v55 =	vld [tilespmem:$0x1FF40]  }
0x23c: {  	v61 =	vld [tilespmem:$0x1FED0]  }
0x23d: {  	v7 =	vadd.s32 v63, v7;
	v63 =	vld [tilespmem:$0x1FEF0]  }
0x23e: {  	v38 =	vadd.s32 v49, v38;
	v49 =	vld [tilespmem:$0x1FF90]  }
0x23f: {  	v9 =	vadd.s32 v57, v9;
	v57 =	vld [tilespmem:$0x1FF50];
	[tilespmem:$0x1FF60] =	vst v60  }
0x240: {  	v59 =	vld [tilespmem:$0x1FF60]  }
0x241: {  	v38 =	vadd.s32 v55, v38;
	v55 =	vld [tilespmem:$0x1FFA0];
	v9 =	vadd.s32 v61, v9  }
0x242: {  	v61 =	vld [tilespmem:$0x2F0];
	v9 =	vadd.s32 v63, v9  }
0x243: {  	v60 =	vld [tilespmem:$0x850];
	v9 =	vadd.s32 v47, v9  }
0x244: {  	v47 =	vld [tilespmem:$0x3F0];
	v9 =	vadd.s32 v51, v9  }
0x245: {  	v63 =	vadd.s32 v15, v16;
	v9 =	vadd.s32 v57, v9;
	v57 =	vld [tilespmem:$0x1FFB0];
	v38 =	vadd.s32 v59, v38  }
0x246: {  	v14 =	vadd.s32 v17, v63;
	v63 =	vld [tilespmem:$0x6F0];
	v38 =	vadd.s32 v62, v38  }
0x247: {  	v14 =	vadd.s32 v18, v14;
	v51 =	vld [tilespmem:$0x470];
	v16 =	vadd.s32 v45, v38  }
0x248: {  	v14 =	vadd.s32 v56, v14;
	v56 =	vld [tilespmem:$0x4F0];
	v16 =	vadd.s32 v49, v16  }
0x249: {  	v11 =	vadd.s32 v61, v14;
	v59 =	vld [tilespmem:$0x570];
	v16 =	vadd.s32 v55, v16  }
0x24a: {  	v61 =	vld [tilespmem:$0x5F0];
	v11 =	vadd.s32 v41, v11;
	v16 =	vadd.s32 v57, v16  }
0x24b: {  	v11 =	vadd.s32 v47, v11;
	v62 =	vld [tilespmem:$0x670];
	v16 =	vadd.s32 v60, v16  }
0x24c: {  	v41 =	vld [tilespmem:$0xD70];
	v11 =	vadd.s32 v51, v11;
	v16 =	vadd.s32 v58, v16  }
0x24d: {  	v0 =	vcvt.s32.f32 v0;
	v47 =	vld [tilespmem:$0xEF0];
	v21 =	vadd.s32 v56, v11;
	v2 =	vadd.s32 v2, v16  }
0x24e: {  	v23 =	vadd.s32 v28, v20;
	v38 =	vld [tilespmem:$0xC70];
	v24 =	vadd.s32 v59, v21;
	v2 =	vadd.s32 v8, v2  }
0x24f: {  	v45 =	vld [tilespmem:$0xE70];
	v26 =	vadd.s32 v61, v24;
	v1 =	vadd.s32 v1, v2;
	v2 =	vadd.s32 v29, v23  }
0x250: {  	v28 =	vadd.s32 v62, v26;
	v29 =	vld [tilespmem:$0x8F0];
	v1 =	vadd.s32 v6, v1;
	v2 =	vadd.s32 v30, v2  }
0x251: {  	v30 =	vadd.s32 v63, v28;
	v1 =	vadd.s32 v4, v1;
	v2 =	vadd.s32 v31, v2;
	v31 =	vld [tilespmem:$0x970]  }
0x252: {  	v1 =	vadd.s32 v3, v1;
	v2 =	vadd.s32 v32, v2;
	v3 =	vadd.s32 v22, v30;
	v32 =	vld [tilespmem:$0x9F0]  }
0x253: {  	v0 =	vmul.f32 $6.103515630e-05, v0;
	v2 =	vadd.s32 v33, v2;
	v3 =	vadd.s32 v25, v3;
	v33 =	vld [tilespmem:$0xA70]  }
0x254: {  	v5 =	vcvt.s32.f32 v5;
	v2 =	vadd.s32 v34, v2;
	v3 =	vadd.s32 v27, v3;
	v34 =	vld [tilespmem:$0xAF0]  }
0x255: {  	v1 =	vadd.s32 v54, v1;
	v2 =	vadd.s32 v35, v2;
	v3 =	vadd.s32 v29, v3;
	v35 =	vld [tilespmem:$0xB70]  }
0x256: {  	v1 =	vadd.s32 v53, v1;
	v2 =	vadd.s32 v37, v2;
	v3 =	vadd.s32 v31, v3;
	v37 =	vld [tilespmem:$0xBF0]  }
0x257: {  	v55 =	vld [tilespmem:$0x1FFF0];
	v1 =	vadd.s32 v52, v1;
	v2 =	vadd.s32 v36, v2;
	v3 =	vadd.s32 v32, v3  }
0x258: {  	v1 =	vadd.s32 v48, v1;
	v2 =	vadd.s32 v39, v2;
	v3 =	vadd.s32 v33, v3;
	v39 =	vld [tilespmem:$0xCF0]  }
0x259: {  	v7 =	vcvt.s32.f32 v7;
	v54 =	vld [tilespmem:$0x1050];
	v1 =	vadd.s32 v50, v1;
	v3 =	vadd.s32 v34, v3  }
0x25a: {  	v5 =	vmul.f32 $6.103515630e-05, v5;
	v1 =	vadd.s32 v44, v1;
	v44 =	vld [tilespmem:$0xDF0];
	v3 =	vadd.s32 v35, v3  }
0x25b: {  	v0 =	vmul.f32 $1.000000050e-03, v0;
	v51 =	vmul.f32 $6.103515630e-05, v7;
	v53 =	vld [tilespmem:$0x1FFE0];
	v3 =	vadd.s32 v37, v3  }
0x25c: {  	v5 =	vmul.f32 $1.000000050e-03, v5;
	v49 =	vld [tilespmem:$0x1FFD0];
	v52 =	vcvt.s32.f32 v9;
	v3 =	vadd.s32 v38, v3  }
0x25d: {  	v11 =	vmul.f32 $9.990000120e-01, v55;
	v6 =	vmul.f32 $1.000000050e-03, v51;
	v48 =	vld [tilespmem:$0xF70];
	v3 =	vadd.s32 v39, v3  }
0x25e: {  	v50 =	vld [tilespmem:$0xFF0];
	v7 =	vmul.f32 $6.103515630e-05, v52;
	v4 =	vmul.f32 $9.990000120e-01, v54;
	v3 =	vadd.s32 v41, v3  }
0x25f: {  	v1 =	vadd.s32 v46, v1;
	v2 =	vadd.s32 v40, v2;
	v3 =	vadd.s32 v44, v3  }
0x260: {  	v46 =	vld [tilespmem:$0x1FFC0];
	v9 =	vmul.f32 $9.990000120e-01, v53;
	v7 =	vmul.f32 $1.000000050e-03, v7;
	v3 =	vadd.s32 v45, v3  }
0x261: {  	v1 =	vadd.s32 v43, v1;
	v2 =	vadd.s32 v12, v2;
	v3 =	vadd.s32 v47, v3  }
0x262: {  	v56 =	vld [tilespmem:$0x1060];
	v2 =	vadd.s32 v13, v2;
	v1 =	vcvt.s32.f32 v1;
	v3 =	vadd.s32 v48, v3  }
0x263: {  	v57 =	vld [tilespmem:$0x1070];
	v13 =	vmul.f32 $9.990000120e-01, v49;
	v2 =	vcvt.s32.f32 v2;
	v3 =	vadd.s32 v50, v3  }
0x264: {  	v58 =	vadd.f32 v6, v9;
	v1 =	vmul.f32 $6.103515630e-05, v1;
	v3 =	vcvt.s32.f32 v3  }
0x265: {  	[tilespmem:$0x1080] =	vst v42;
	v59 =	vadd.f32 v7, v11;
	v12 =	vmul.f32 $9.990000120e-01, v46;
	v2 =	vmul.f32 $6.103515630e-05, v2  }
0x266: {  	v5 =	vadd.f32 v5, v13;
	[tilespmem:$0x10B0] =	vst v58;
	v1 =	vmul.f32 $1.000000050e-03, v1;
	v3 =	vmul.f32 $6.103515630e-05, v3  }
0x267: {  	v60 =	vmul.f32 $9.990000120e-01, v56;
	[tilespmem:$0x10C0] =	vst v59;
	v0 =	vadd.f32 v0, v12;
	v2 =	vmul.f32 $1.000000050e-03, v2  }
0x268: {  	v62 =	vmul.f32 $9.990000120e-01, v57;
	[tilespmem:$0x10A0] =	vst v5;
	v61 =	vadd.f32 v1, v4;
	v3 =	vmul.f32 $1.000000050e-03, v3  }
0x269: {  	[tilespmem:$0x1090] =	vst v0;
	v2 =	vadd.f32 v2, v60  }
0x26a: {  	s6 =	sld [smem:$0x7F6];
	[tilespmem:$0x10D0] =	vst v61;
	v63 =	vadd.f32 v3, v62  }
0x26b: {  	p0 =	sne.s32 s3, $0x1;
	[tilespmem:$0x10E0] =	vst v2  }
.Ltmp0:
0x26c: {  	[tilespmem:$0x10F0] =	vst v63;
	(pc) =	sbr.rel @p0 .LBB2_1-.Ltmp0, $4  }
0x26d: {  	[hbm4b:s6+s2] =	stream.linear.scatter [tilespmem:s1], [sflag:$0x2], $0x80, $0x38;
	[tilespmem:$0x1100] =	vst v63  }
0x26e: {  	_ =	swait.ge [sflag:s30], $0x80  }
0x26f: {  	[sflag:s30] =	ssyncset.done $0x0  }
0x270: {  	s3 =	sadd.s32 $0xFFFFFFFF, s3;
	[sflag:s30] =	ssyncadd.s32 $0xFFFFFF80  }
0x271: {  	_ =	sfence.sel $0x180000  }
0x272: {  	[bflag:$0x0] =	sbarrier.arrive $0xFFFF  }
0x273: {  	_ =	strace $0x9000004A  }
0x274: {  	s0 =	stileid.u32;
	[bflag:$0x2] =	sbarrier.arrive $0xFFFF  }
0x275: {  	p0 =	sne.s32 s0, $0x0;
	s0 =	rddreg [dreg:$0x3]  }
0x276: {  	s0 =	sadd.s32 @!p0 $0x100000, s0  }
0x277: {  	[sflag:s0] =	ssyncadd.tile.s32 @!p0 $0x1;
	_ =	shalt  }
.Lfunc_end2:
_tile_overlayer_lowered:
.L_overlay_start_2:
0x278: {  	(tag) =	ssettag $0x2  }
0x279: {  	s0 =	rddreg [dreg:$0x0];
	s2 =	stileid.u32  }
0x27a: {  	s1 =	rddreg [dreg:$0x1];
	p0 =	sne.s32 s2, $0x0  }
0x27b: {  	s3 =	rddreg [dreg:$0x2];
	[bflag:$0x3] =	sbarrier.arrive $0xFFFF;
	s2 =	simm.s32 @!p0 $0x1C02  }
0x27c: {  	[timem:s3], [sflag:s2] =	dma.local @!p0 [hbm:s0], s1  }
0x27d: {  	s0 =	simm.s32 @!p0 $0x2  }
0x27e: {  	_ =	swait.ge @!p0 [sflag:s0], s1  }
0x27f: {  	s1 =	ssub.s32 @!p0 $0x0, s1;
	[sflag:s0] =	ssyncset.done @!p0 $0x0  }
0x280: {  	[sflag:s0] =	ssyncadd.s32 @!p0 s1  }
0x281: {  	[bflag:$0x3] =	sbarrier.arrive $0xFFFF  }
0x282: {  	_ =	shalt  }

</sc_bundles>
